<compile_context>
chip_gen: v7x
topology: tpu7x:2x2x1
jax: 0.10.2.dev20260603
libtpu: 0.0.44.dev20260713+nightly
codegen_flags: <defaults>
</compile_context>

<pallas_src>
import functools

import jax
import jax.numpy as jnp
from jax import lax
from jax.experimental import pallas as pl
from jax.experimental.pallas import tpu as pltpu
from jax.experimental.pallas import tpu_sc as plsc

_NALLELES = 10
_D = 32
_L = 16
_NC = 2
_NS = 16
_NW = _NC * _NS
_NB = 3


def _sc_embed(packed, table, n_rows, chunk):
  per_w = n_rows // _NW
  n_chunks = per_w // chunk
  assert per_w % chunk == 0
  n_triples = (n_chunks - 8) // _NB
  assert n_triples * _NB == n_chunks - 8 and n_triples >= 1

  mesh = plsc.VectorSubcoreMesh(core_axis_name="c", subcore_axis_name="s")

  @functools.partial(
      pl.kernel,
      mesh=mesh,
      out_type=jax.ShapeDtypeStruct((n_rows, _D), jnp.float32),
      compiler_params=pltpu.CompilerParams(use_tc_tiling_on_sc=False),
      scratch_types=(
          [pltpu.VMEM((chunk,), jnp.int32)] * _NB
          + [pltpu.VMEM((chunk,), jnp.int32)] * _NB
          + [pltpu.VMEM((chunk,), jnp.int32)] * _NB
          + [pltpu.VMEM((chunk, _D), jnp.float32)] * _NB
          + [pltpu.SemaphoreType.DMA] * (4 * _NB)),
  )
  def k(w_hbm, table_hbm, out_hbm,
        w0, w1, w2, x0, x1, x2, y0, y1, y2, o0, o1, o2,
        is0, is1, is2, g0s0, g0s1, g0s2, g1s0, g1s1, g1s2,
        ws0, ws1, ws2):
    w_v = (w0, w1, w2)
    ix0_v = (x0, x1, x2)
    ix1_v = (y0, y1, y2)
    o_v = (o0, o1, o2)
    isem = (is0, is1, is2)
    g0sem = (g0s0, g0s1, g0s2)
    g1sem = (g1s0, g1s1, g1s2)
    wsem = (ws0, ws1, ws2)

    wid = lax.axis_index("s") * _NC + lax.axis_index("c")
    w_base = wid * per_w

    def issue_in(t, r):
      base = w_base + t * chunk
      pltpu.async_copy(w_hbm.at[pl.ds(base, chunk)], w_v[r], isem[r])

    def wait_in(r):
      pltpu.make_async_copy(w_hbm.at[pl.ds(0, chunk)], w_v[r],
                            isem[r]).wait()

    def compute_idx(r):
      def body(j, _):
        s = j * _L
        w = w_v[r][pl.ds(s, _L)]
        p = lax.shift_right_logical(w, 8) * _NALLELES
        ix0_v[r][pl.ds(s, _L)] = (
            p + (lax.shift_right_logical(w, 4) & 15))
        ix1_v[r][pl.ds(s, _L)] = p + (w & 15)
        return 0

      lax.fori_loop(0, chunk // _L, body, 0, unroll=4)

    def issue_g0(r):
      pltpu.async_copy(table_hbm.at[ix0_v[r]], o_v[r], g0sem[r])

    def wait_g0(r):
      pltpu.make_async_copy(table_hbm.at[pl.ds(0, chunk)], o_v[r],
                            g0sem[r]).wait()

    def issue_g1(r):
      pltpu.async_copy(table_hbm.at[ix1_v[r]], o_v[r], g1sem[r], add=True)

    def wait_g1(r):
      pltpu.make_async_copy(table_hbm.at[pl.ds(0, chunk)], o_v[r],
                            g1sem[r]).wait()

    def issue_wb(t, r):
      base = w_base + t * chunk
      pltpu.async_copy(o_v[r], out_hbm.at[pl.ds(base, chunk)], wsem[r])

    def wait_wb(r):
      pltpu.make_async_copy(o_v[r], out_hbm.at[pl.ds(0, chunk)],
                            wsem[r]).wait()

    def step(t, r, do_in=True, do_g1=True, do_wb=True, do_wbwait=True):
      r1 = (r + 2) % _NB
      r2 = (r + 1) % _NB
      wait_in(r)
      compute_idx(r)
      if do_in:
        issue_in(t + _NB, r)
      if do_g1:
        wait_g0(r1)
        issue_g1(r1)
      if do_wb:
        wait_g1(r2)
        issue_wb(t - 2, r2)
      if do_wbwait:
        wait_wb(r)
      issue_g0(r)

    issue_in(0, 0)
    issue_in(1, 1)
    issue_in(2, 2)
    step(0, 0, do_g1=False, do_wb=False, do_wbwait=False)
    step(1, 1, do_wb=False, do_wbwait=False)
    step(2, 2, do_wbwait=False)

    def triple(g, _):
      for r in range(_NB):
        step(_NB * g + r, r)
      return 0

    lax.fori_loop(1, n_triples + 1, triple, 0)

    tt = n_chunks - 5
    step(tt, tt % _NB)
    step(tt + 1, (tt + 1) % _NB)
    step(tt + 2, (tt + 2) % _NB, do_in=False)
    step(tt + 3, (tt + 3) % _NB, do_in=False)
    step(tt + 4, (tt + 4) % _NB, do_in=False)

    tl = n_chunks - 1
    rl = tl % _NB
    rp = (tl - 1) % _NB
    wait_g0(rl)
    issue_g1(rl)
    wait_g1(rp)
    issue_wb(tl - 1, rp)
    wait_g1(rl)
    issue_wb(tl, rl)
    wait_wb((tl + 1) % _NB)
    wait_wb(rp)
    wait_wb(rl)

  return k(packed, table)


def kernel(alleles, positions, table):
  b, s, _ = alleles.shape
  n = b * s
  packed = (
      lax.shift_left(positions.astype(jnp.int32), 8)
      | lax.shift_left(alleles[:, :, 0].astype(jnp.int32), 4)
      | alleles[:, :, 1].astype(jnp.int32)
  ).reshape(n)
  out = _sc_embed(packed, table, n, 800)
  return out.reshape(b, s, _D)

# --- scband reference (transcript-rebuilt; emitter-appended) ---
"""Pipeline reference for scband-allele-embedding2-16363825398340 (READ-ONLY COPY).

The authoritative reference and input builder live on the scoring server;
editing this copy changes nothing except your own understanding.
"""

import jax, jax.numpy as jnp
import numpy as np

NALLELES = 10
NPOSITIONS = 100000
OUTPUT_DIM = 32
BATCH = 4096
SEQ = 200
PLOIDY = 2


def setup_inputs(seed: int = 0) -> dict:
    key = jax.random.key(seed)
    k1, k2, k3 = jax.random.split(key, 3)
    alleles = jax.random.randint(k1, (BATCH, SEQ, PLOIDY), 0, NALLELES, dtype=jnp.int32)
    positions = jax.random.randint(k2, (BATCH, SEQ), 0, NPOSITIONS, dtype=jnp.int32)
    # Embedding table, keras 'uniform' initializer default range [-0.05, 0.05]
    table = jax.random.uniform(k3, (NALLELES * NPOSITIONS, OUTPUT_DIM), minval=-0.05, maxval=0.05, dtype=jnp.float32)
    return {"alleles": alleles, "positions": positions, "table": table}


def reference(alleles, positions, table):
    # calculate_position: positions[..., None] * nalleles + alleles  -> [B, S, PLOIDY]
    idx = positions.astype(jnp.int32)[..., None] * NALLELES + alleles.astype(jnp.int32)
    # embedding lookup -> [B, S, PLOIDY, D]
    emb = jnp.take(table, idx, axis=0)
    # sum over allele (ploidy) axis -> [B, S, D]
    return jnp.sum(emb, axis=-2)

if __name__ == "__main__":
    import jax
    _d = setup_inputs()
    print(jax.jit(kernel)(*tuple(_d.values())))

</pallas_src>

<mosaic_0001>
#map = affine_map<(d0, d1) -> (0)>
#map1 = affine_map<(d0, d1) -> (0, 0)>
module attributes {stable_mosaic.version = 14 : i64} {
  func.func @k(%arg0: i32, %arg1: i32, %arg2: memref<819200xi32, #tpu.memory_space<hbm>>, %arg3: memref<1000000x32xf32, #tpu.memory_space<hbm>>, %arg4: memref<819200x32xf32, #tpu.memory_space<hbm>>, %arg5: memref<800xi32, #tpu.memory_space<vmem>>, %arg6: memref<800xi32, #tpu.memory_space<vmem>>, %arg7: memref<800xi32, #tpu.memory_space<vmem>>, %arg8: memref<800xi32, #tpu.memory_space<vmem>>, %arg9: memref<800xi32, #tpu.memory_space<vmem>>, %arg10: memref<800xi32, #tpu.memory_space<vmem>>, %arg11: memref<800xi32, #tpu.memory_space<vmem>>, %arg12: memref<800xi32, #tpu.memory_space<vmem>>, %arg13: memref<800xi32, #tpu.memory_space<vmem>>, %arg14: memref<800x32xf32, #tpu.memory_space<vmem>>, %arg15: memref<800x32xf32, #tpu.memory_space<vmem>>, %arg16: memref<800x32xf32, #tpu.memory_space<vmem>>, %arg17: memref<!tpu.dma_semaphore, #tpu.memory_space<semaphore_mem>>, %arg18: memref<!tpu.dma_semaphore, #tpu.memory_space<semaphore_mem>>, %arg19: memref<!tpu.dma_semaphore, #tpu.memory_space<semaphore_mem>>, %arg20: memref<!tpu.dma_semaphore, #tpu.memory_space<semaphore_mem>>, %arg21: memref<!tpu.dma_semaphore, #tpu.memory_space<semaphore_mem>>, %arg22: memref<!tpu.dma_semaphore, #tpu.memory_space<semaphore_mem>>, %arg23: memref<!tpu.dma_semaphore, #tpu.memory_space<semaphore_mem>>, %arg24: memref<!tpu.dma_semaphore, #tpu.memory_space<semaphore_mem>>, %arg25: memref<!tpu.dma_semaphore, #tpu.memory_space<semaphore_mem>>, %arg26: memref<!tpu.dma_semaphore, #tpu.memory_space<semaphore_mem>>, %arg27: memref<!tpu.dma_semaphore, #tpu.memory_space<semaphore_mem>>, %arg28: memref<!tpu.dma_semaphore, #tpu.memory_space<semaphore_mem>>) attributes {dimension_semantics = [#tpu.dimension_semantics<core_parallel>, #tpu.dimension_semantics<subcore_parallel>], iteration_bounds = array<i64: 2, 16>, scalar_prefetch = 0 : i64, scratch_operands = 24 : i64, tpu.core_type = #tpu.core_type<sc_vector_subcore>, window_params = [{transform_indices = #map}, {transform_indices = #map1}, {transform_indices = #map1}]} {
    %mul3A = arith.constant 2 : i32
    %mul3A_0 = arith.muli %arg1, %mul3A : i32
    %add3A = arith.addi %mul3A_0, %arg0 : i32
    %mul3A_1 = arith.constant 25600 : i32
    %mul3A_2 = arith.muli %add3A, %mul3A_1 : i32
    %add3A_3 = arith.constant 0 : i32
    %add3A_4 = arith.addi %mul3A_2, %add3A_3 : i32
    %dma_start3A = tpu.memref_slice %arg2[%add3A_4] : memref<819200xi32, #tpu.memory_space<hbm>> -> memref<800xi32, #tpu.memory_space<hbm>>
    %dma_start3A_5 = tpu.memref_slice %arg2[%add3A_4] : memref<819200xi32, #tpu.memory_space<hbm>> -> memref<800xi32, #tpu.memory_space<hbm>>
    tpu.enqueue_dma source(%dma_start3A_5 : memref<800xi32, #tpu.memory_space<hbm>>) target(%arg5 : memref<800xi32, #tpu.memory_space<vmem>>) target_semaphore(%arg17 : memref<!tpu.dma_semaphore, #tpu.memory_space<semaphore_mem>>)
    %add3A_6 = arith.constant 800 : i32
    %add3A_7 = arith.addi %mul3A_2, %add3A_6 : i32
    %dma_start3A_8 = tpu.memref_slice %arg2[%add3A_7] : memref<819200xi32, #tpu.memory_space<hbm>> -> memref<800xi32, #tpu.memory_space<hbm>>
    %dma_start3A_9 = tpu.memref_slice %arg2[%add3A_7] : memref<819200xi32, #tpu.memory_space<hbm>> -> memref<800xi32, #tpu.memory_space<hbm>>
    tpu.enqueue_dma source(%dma_start3A_9 : memref<800xi32, #tpu.memory_space<hbm>>) target(%arg6 : memref<800xi32, #tpu.memory_space<vmem>>) target_semaphore(%arg18 : memref<!tpu.dma_semaphore, #tpu.memory_space<semaphore_mem>>)
    %add3A_10 = arith.constant 1600 : i32
    %add3A_11 = arith.addi %mul3A_2, %add3A_10 : i32
    %dma_start3A_12 = tpu.memref_slice %arg2[%add3A_11] : memref<819200xi32, #tpu.memory_space<hbm>> -> memref<800xi32, #tpu.memory_space<hbm>>
    %dma_start3A_13 = tpu.memref_slice %arg2[%add3A_11] : memref<819200xi32, #tpu.memory_space<hbm>> -> memref<800xi32, #tpu.memory_space<hbm>>
    tpu.enqueue_dma source(%dma_start3A_13 : memref<800xi32, #tpu.memory_space<hbm>>) target(%arg7 : memref<800xi32, #tpu.memory_space<vmem>>) target_semaphore(%arg19 : memref<!tpu.dma_semaphore, #tpu.memory_space<semaphore_mem>>)
    %dma_wait3A = arith.constant 0 : i32
    %dma_wait3A_14 = tpu.memref_slice %arg2[%dma_wait3A] : memref<819200xi32, #tpu.memory_space<hbm>> -> memref<800xi32, #tpu.memory_space<hbm>>
    %dma_wait3A_15 = arith.constant 0 : i32
    %dma_wait3A_16 = tpu.memref_slice %arg2[%dma_wait3A_15] : memref<819200xi32, #tpu.memory_space<hbm>> -> memref<800xi32, #tpu.memory_space<hbm>>
    tpu.wait_dma2 semaphore(%arg17 : memref<!tpu.dma_semaphore, #tpu.memory_space<semaphore_mem>>) src(%dma_wait3A_16 : memref<800xi32, #tpu.memory_space<hbm>>) dst(%arg5 : memref<800xi32, #tpu.memory_space<vmem>>)
    %scan3A = arith.constant 0 : i32
    %scan3A_17 = arith.constant 0 : i32
    %scan3A_18 = arith.constant 48 : i32
    %scan3A_19 = arith.addi %scan3A_17, %scan3A_18 : i32
    %scan3A_20 = arith.constant 4 : i32
    %scan3A_21 = scf.for %scan3A_891 = %scan3A_17 to %scan3A_19 step %scan3A_20 iter_args(%scan3A_892 = %scan3A) -> (i32)  : i32 {
      %mul3A_893 = arith.constant 16 : i32
      %mul3A_894 = arith.muli %scan3A_891, %mul3A_893 : i32
      %get3A_895 = arith.index_cast %mul3A_894 : i32 to index
      %get3A_896 = tpu.vector_load %arg5[%get3A_895] {strides = array<i32>} : memref<800xi32, #tpu.memory_space<vmem>>, vector<16xi32>,
      %get3A_897 = vector.shape_cast %get3A_896 : vector<16xi32> to vector<16xi32>
      %shift_right_logical3A_898 = arith.constant 8 : i32
      %shift_right_logical3A_899 = vector.broadcast %shift_right_logical3A_898 : i32 to vector<16xi32>
      %shift_right_logical3A_900 = arith.shrui %get3A_897, %shift_right_logical3A_899 : vector<16xi32>
      %mul3A_901 = arith.constant 10 : i32
      %mul3A_902 = vector.broadcast %mul3A_901 : i32 to vector<16xi32>
      %mul3A_903 = arith.muli %shift_right_logical3A_900, %mul3A_902 : vector<16xi32>
      %shift_right_logical3A_904 = arith.constant 4 : i32
      %shift_right_logical3A_905 = vector.broadcast %shift_right_logical3A_904 : i32 to vector<16xi32>
      %shift_right_logical3A_906 = arith.shrui %get3A_897, %shift_right_logical3A_905 : vector<16xi32>
      %and3A_907 = arith.constant 15 : i32
      %and3A_908 = vector.broadcast %and3A_907 : i32 to vector<16xi32>
      %and3A_909 = arith.andi %shift_right_logical3A_906, %and3A_908 : vector<16xi32>
      %add3A_910 = arith.addi %mul3A_903, %and3A_909 : vector<16xi32>
      %swap3A_911 = arith.index_cast %mul3A_894 : i32 to index
      %swap3A_912 = tpu.vector_load %arg8[%swap3A_911] {strides = array<i32>} : memref<800xi32, #tpu.memory_space<vmem>>, vector<16xi32>,
      %swap3A_913 = vector.shape_cast %swap3A_912 : vector<16xi32> to vector<16xi32>
      %swap3A_914 = vector.shape_cast %add3A_910 : vector<16xi32> to vector<16xi32>
      tpu.vector_store %arg8[%swap3A_911], %swap3A_914 {strides = array<i32>} : memref<800xi32, #tpu.memory_space<vmem>>, vector<16xi32>,
      %and3A_915 = arith.constant 15 : i32
      %and3A_916 = vector.broadcast %and3A_915 : i32 to vector<16xi32>
      %and3A_917 = arith.andi %get3A_897, %and3A_916 : vector<16xi32>
      %add3A_918 = arith.addi %mul3A_903, %and3A_917 : vector<16xi32>
      %swap3A_919 = arith.index_cast %mul3A_894 : i32 to index
      %swap3A_920 = tpu.vector_load %arg11[%swap3A_919] {strides = array<i32>} : memref<800xi32, #tpu.memory_space<vmem>>, vector<16xi32>,
      %swap3A_921 = vector.shape_cast %swap3A_920 : vector<16xi32> to vector<16xi32>
      %swap3A_922 = vector.shape_cast %add3A_918 : vector<16xi32> to vector<16xi32>
      tpu.vector_store %arg11[%swap3A_919], %swap3A_922 {strides = array<i32>} : memref<800xi32, #tpu.memory_space<vmem>>, vector<16xi32>,
      %scan3A_923 = arith.constant 0 : i32
      %scan3A_924 = arith.constant 1 : i32
      %scan3A_925 = arith.addi %scan3A_891, %scan3A_924 : i32
      %mul3A_926 = arith.constant 16 : i32
      %mul3A_927 = arith.muli %scan3A_925, %mul3A_926 : i32
      %get3A_928 = arith.index_cast %mul3A_927 : i32 to index
      %get3A_929 = tpu.vector_load %arg5[%get3A_928] {strides = array<i32>} : memref<800xi32, #tpu.memory_space<vmem>>, vector<16xi32>,
      %get3A_930 = vector.shape_cast %get3A_929 : vector<16xi32> to vector<16xi32>
      %shift_right_logical3A_931 = arith.constant 8 : i32
      %shift_right_logical3A_932 = vector.broadcast %shift_right_logical3A_931 : i32 to vector<16xi32>
      %shift_right_logical3A_933 = arith.shrui %get3A_930, %shift_right_logical3A_932 : vector<16xi32>
      %mul3A_934 = arith.constant 10 : i32
      %mul3A_935 = vector.broadcast %mul3A_934 : i32 to vector<16xi32>
      %mul3A_936 = arith.muli %shift_right_logical3A_933, %mul3A_935 : vector<16xi32>
      %shift_right_logical3A_937 = arith.constant 4 : i32
      %shift_right_logical3A_938 = vector.broadcast %shift_right_logical3A_937 : i32 to vector<16xi32>
      %shift_right_logical3A_939 = arith.shrui %get3A_930, %shift_right_logical3A_938 : vector<16xi32>
      %and3A_940 = arith.constant 15 : i32
      %and3A_941 = vector.broadcast %and3A_940 : i32 to vector<16xi32>
      %and3A_942 = arith.andi %shift_right_logical3A_939, %and3A_941 : vector<16xi32>
      %add3A_943 = arith.addi %mul3A_936, %and3A_942 : vector<16xi32>
      %swap3A_944 = arith.index_cast %mul3A_927 : i32 to index
      %swap3A_945 = tpu.vector_load %arg8[%swap3A_944] {strides = array<i32>} : memref<800xi32, #tpu.memory_space<vmem>>, vector<16xi32>,
      %swap3A_946 = vector.shape_cast %swap3A_945 : vector<16xi32> to vector<16xi32>
      %swap3A_947 = vector.shape_cast %add3A_943 : vector<16xi32> to vector<16xi32>
      tpu.vector_store %arg8[%swap3A_944], %swap3A_947 {strides = array<i32>} : memref<800xi32, #tpu.memory_space<vmem>>, vector<16xi32>,
      %and3A_948 = arith.constant 15 : i32
      %and3A_949 = vector.broadcast %and3A_948 : i32 to vector<16xi32>
      %and3A_950 = arith.andi %get3A_930, %and3A_949 : vector<16xi32>
      %add3A_951 = arith.addi %mul3A_936, %and3A_950 : vector<16xi32>
      %swap3A_952 = arith.index_cast %mul3A_927 : i32 to index
      %swap3A_953 = tpu.vector_load %arg11[%swap3A_952] {strides = array<i32>} : memref<800xi32, #tpu.memory_space<vmem>>, vector<16xi32>,
      %swap3A_954 = vector.shape_cast %swap3A_953 : vector<16xi32> to vector<16xi32>
      %swap3A_955 = vector.shape_cast %add3A_951 : vector<16xi32> to vector<16xi32>
      tpu.vector_store %arg11[%swap3A_952], %swap3A_955 {strides = array<i32>} : memref<800xi32, #tpu.memory_space<vmem>>, vector<16xi32>,
      %scan3A_956 = arith.constant 0 : i32
      %scan3A_957 = arith.constant 2 : i32
      %scan3A_958 = arith.addi %scan3A_891, %scan3A_957 : i32
      %mul3A_959 = arith.constant 16 : i32
      %mul3A_960 = arith.muli %scan3A_958, %mul3A_959 : i32
      %get3A_961 = arith.index_cast %mul3A_960 : i32 to index
      %get3A_962 = tpu.vector_load %arg5[%get3A_961] {strides = array<i32>} : memref<800xi32, #tpu.memory_space<vmem>>, vector<16xi32>,
      %get3A_963 = vector.shape_cast %get3A_962 : vector<16xi32> to vector<16xi32>
      %shift_right_logical3A_964 = arith.constant 8 : i32
      %shift_right_logical3A_965 = vector.broadcast %shift_right_logical3A_964 : i32 to vector<16xi32>
      %shift_right_logical3A_966 = arith.shrui %get3A_963, %shift_right_logical3A_965 : vector<16xi32>
      %mul3A_967 = arith.constant 10 : i32
      %mul3A_968 = vector.broadcast %mul3A_967 : i32 to vector<16xi32>
      %mul3A_969 = arith.muli %shift_right_logical3A_966, %mul3A_968 : vector<16xi32>
      %shift_right_logical3A_970 = arith.constant 4 : i32
      %shift_right_logical3A_971 = vector.broadcast %shift_right_logical3A_970 : i32 to vector<16xi32>
      %shift_right_logical3A_972 = arith.shrui %get3A_963, %shift_right_logical3A_971 : vector<16xi32>
      %and3A_973 = arith.constant 15 : i32
      %and3A_974 = vector.broadcast %and3A_973 : i32 to vector<16xi32>
      %and3A_975 = arith.andi %shift_right_logical3A_972, %and3A_974 : vector<16xi32>
      %add3A_976 = arith.addi %mul3A_969, %and3A_975 : vector<16xi32>
      %swap3A_977 = arith.index_cast %mul3A_960 : i32 to index
      %swap3A_978 = tpu.vector_load %arg8[%swap3A_977] {strides = array<i32>} : memref<800xi32, #tpu.memory_space<vmem>>, vector<16xi32>,
      %swap3A_979 = vector.shape_cast %swap3A_978 : vector<16xi32> to vector<16xi32>
      %swap3A_980 = vector.shape_cast %add3A_976 : vector<16xi32> to vector<16xi32>
      tpu.vector_store %arg8[%swap3A_977], %swap3A_980 {strides = array<i32>} : memref<800xi32, #tpu.memory_space<vmem>>, vector<16xi32>,
      %and3A_981 = arith.constant 15 : i32
      %and3A_982 = vector.broadcast %and3A_981 : i32 to vector<16xi32>
      %and3A_983 = arith.andi %get3A_963, %and3A_982 : vector<16xi32>
      %add3A_984 = arith.addi %mul3A_969, %and3A_983 : vector<16xi32>
      %swap3A_985 = arith.index_cast %mul3A_960 : i32 to index
      %swap3A_986 = tpu.vector_load %arg11[%swap3A_985] {strides = array<i32>} : memref<800xi32, #tpu.memory_space<vmem>>, vector<16xi32>,
      %swap3A_987 = vector.shape_cast %swap3A_986 : vector<16xi32> to vector<16xi32>
      %swap3A_988 = vector.shape_cast %add3A_984 : vector<16xi32> to vector<16xi32>
      tpu.vector_store %arg11[%swap3A_985], %swap3A_988 {strides = array<i32>} : memref<800xi32, #tpu.memory_space<vmem>>, vector<16xi32>,
      %scan3A_989 = arith.constant 0 : i32
      %scan3A_990 = arith.constant 3 : i32
      %scan3A_991 = arith.addi %scan3A_891, %scan3A_990 : i32
      %mul3A_992 = arith.constant 16 : i32
      %mul3A_993 = arith.muli %scan3A_991, %mul3A_992 : i32
      %get3A_994 = arith.index_cast %mul3A_993 : i32 to index
      %get3A_995 = tpu.vector_load %arg5[%get3A_994] {strides = array<i32>} : memref<800xi32, #tpu.memory_space<vmem>>, vector<16xi32>,
      %get3A_996 = vector.shape_cast %get3A_995 : vector<16xi32> to vector<16xi32>
      %shift_right_logical3A_997 = arith.constant 8 : i32
      %shift_right_logical3A_998 = vector.broadcast %shift_right_logical3A_997 : i32 to vector<16xi32>
      %shift_right_logical3A_999 = arith.shrui %get3A_996, %shift_right_logical3A_998 : vector<16xi32>
      %mul3A_1000 = arith.constant 10 : i32
      %mul3A_1001 = vector.broadcast %mul3A_1000 : i32 to vector<16xi32>
      %mul3A_1002 = arith.muli %shift_right_logical3A_999, %mul3A_1001 : vector<16xi32>
      %shift_right_logical3A_1003 = arith.constant 4 : i32
      %shift_right_logical3A_1004 = vector.broadcast %shift_right_logical3A_1003 : i32 to vector<16xi32>
      %shift_right_logical3A_1005 = arith.shrui %get3A_996, %shift_right_logical3A_1004 : vector<16xi32>
      %and3A_1006 = arith.constant 15 : i32
      %and3A_1007 = vector.broadcast %and3A_1006 : i32 to vector<16xi32>
      %and3A_1008 = arith.andi %shift_right_logical3A_1005, %and3A_1007 : vector<16xi32>
      %add3A_1009 = arith.addi %mul3A_1002, %and3A_1008 : vector<16xi32>
      %swap3A_1010 = arith.index_cast %mul3A_993 : i32 to index
      %swap3A_1011 = tpu.vector_load %arg8[%swap3A_1010] {strides = array<i32>} : memref<800xi32, #tpu.memory_space<vmem>>, vector<16xi32>,
      %swap3A_1012 = vector.shape_cast %swap3A_1011 : vector<16xi32> to vector<16xi32>
      %swap3A_1013 = vector.shape_cast %add3A_1009 : vector<16xi32> to vector<16xi32>
      tpu.vector_store %arg8[%swap3A_1010], %swap3A_1013 {strides = array<i32>} : memref<800xi32, #tpu.memory_space<vmem>>, vector<16xi32>,
      %and3A_1014 = arith.constant 15 : i32
      %and3A_1015 = vector.broadcast %and3A_1014 : i32 to vector<16xi32>
      %and3A_1016 = arith.andi %get3A_996, %and3A_1015 : vector<16xi32>
      %add3A_1017 = arith.addi %mul3A_1002, %and3A_1016 : vector<16xi32>
      %swap3A_1018 = arith.index_cast %mul3A_993 : i32 to index
      %swap3A_1019 = tpu.vector_load %arg11[%swap3A_1018] {strides = array<i32>} : memref<800xi32, #tpu.memory_space<vmem>>, vector<16xi32>,
      %swap3A_1020 = vector.shape_cast %swap3A_1019 : vector<16xi32> to vector<16xi32>
      %swap3A_1021 = vector.shape_cast %add3A_1017 : vector<16xi32> to vector<16xi32>
      tpu.vector_store %arg11[%swap3A_1018], %swap3A_1021 {strides = array<i32>} : memref<800xi32, #tpu.memory_space<vmem>>, vector<16xi32>,
      %scan3A_1022 = arith.constant 0 : i32
      scf.yield %scan3A_1022 : i32
    }
    %scan3A_22 = arith.constant 48 : i32
    %scan3A_23 = arith.addi %scan3A_17, %scan3A_22 : i32
    %mul3A_24 = arith.constant 16 : i32
    %mul3A_25 = arith.muli %scan3A_23, %mul3A_24 : i32
    %get3A = arith.index_cast %mul3A_25 : i32 to index
    %get3A_26 = tpu.vector_load %arg5[%get3A] {strides = array<i32>} : memref<800xi32, #tpu.memory_space<vmem>>, vector<16xi32>,
    %get3A_27 = vector.shape_cast %get3A_26 : vector<16xi32> to vector<16xi32>
    %shift_right_logical3A = arith.constant 8 : i32
    %shift_right_logical3A_28 = vector.broadcast %shift_right_logical3A : i32 to vector<16xi32>
    %shift_right_logical3A_29 = arith.shrui %get3A_27, %shift_right_logical3A_28 : vector<16xi32>
    %mul3A_30 = arith.constant 10 : i32
    %mul3A_31 = vector.broadcast %mul3A_30 : i32 to vector<16xi32>
    %mul3A_32 = arith.muli %shift_right_logical3A_29, %mul3A_31 : vector<16xi32>
    %shift_right_logical3A_33 = arith.constant 4 : i32
    %shift_right_logical3A_34 = vector.broadcast %shift_right_logical3A_33 : i32 to vector<16xi32>
    %shift_right_logical3A_35 = arith.shrui %get3A_27, %shift_right_logical3A_34 : vector<16xi32>
    %and3A = arith.constant 15 : i32
    %and3A_36 = vector.broadcast %and3A : i32 to vector<16xi32>
    %and3A_37 = arith.andi %shift_right_logical3A_35, %and3A_36 : vector<16xi32>
    %add3A_38 = arith.addi %mul3A_32, %and3A_37 : vector<16xi32>
    %swap3A = arith.index_cast %mul3A_25 : i32 to index
    %swap3A_39 = tpu.vector_load %arg8[%swap3A] {strides = array<i32>} : memref<800xi32, #tpu.memory_space<vmem>>, vector<16xi32>,
    %swap3A_40 = vector.shape_cast %swap3A_39 : vector<16xi32> to vector<16xi32>
    %swap3A_41 = vector.shape_cast %add3A_38 : vector<16xi32> to vector<16xi32>
    tpu.vector_store %arg8[%swap3A], %swap3A_41 {strides = array<i32>} : memref<800xi32, #tpu.memory_space<vmem>>, vector<16xi32>,
    %and3A_42 = arith.constant 15 : i32
    %and3A_43 = vector.broadcast %and3A_42 : i32 to vector<16xi32>
    %and3A_44 = arith.andi %get3A_27, %and3A_43 : vector<16xi32>
    %add3A_45 = arith.addi %mul3A_32, %and3A_44 : vector<16xi32>
    %swap3A_46 = arith.index_cast %mul3A_25 : i32 to index
    %swap3A_47 = tpu.vector_load %arg11[%swap3A_46] {strides = array<i32>} : memref<800xi32, #tpu.memory_space<vmem>>, vector<16xi32>,
    %swap3A_48 = vector.shape_cast %swap3A_47 : vector<16xi32> to vector<16xi32>
    %swap3A_49 = vector.shape_cast %add3A_45 : vector<16xi32> to vector<16xi32>
    tpu.vector_store %arg11[%swap3A_46], %swap3A_49 {strides = array<i32>} : memref<800xi32, #tpu.memory_space<vmem>>, vector<16xi32>,
    %scan3A_50 = arith.constant 0 : i32
    %scan3A_51 = arith.constant 49 : i32
    %scan3A_52 = arith.addi %scan3A_17, %scan3A_51 : i32
    %mul3A_53 = arith.constant 16 : i32
    %mul3A_54 = arith.muli %scan3A_52, %mul3A_53 : i32
    %get3A_55 = arith.index_cast %mul3A_54 : i32 to index
    %get3A_56 = tpu.vector_load %arg5[%get3A_55] {strides = array<i32>} : memref<800xi32, #tpu.memory_space<vmem>>, vector<16xi32>,
    %get3A_57 = vector.shape_cast %get3A_56 : vector<16xi32> to vector<16xi32>
    %shift_right_logical3A_58 = arith.constant 8 : i32
    %shift_right_logical3A_59 = vector.broadcast %shift_right_logical3A_58 : i32 to vector<16xi32>
    %shift_right_logical3A_60 = arith.shrui %get3A_57, %shift_right_logical3A_59 : vector<16xi32>
    %mul3A_61 = arith.constant 10 : i32
    %mul3A_62 = vector.broadcast %mul3A_61 : i32 to vector<16xi32>
    %mul3A_63 = arith.muli %shift_right_logical3A_60, %mul3A_62 : vector<16xi32>
    %shift_right_logical3A_64 = arith.constant 4 : i32
    %shift_right_logical3A_65 = vector.broadcast %shift_right_logical3A_64 : i32 to vector<16xi32>
    %shift_right_logical3A_66 = arith.shrui %get3A_57, %shift_right_logical3A_65 : vector<16xi32>
    %and3A_67 = arith.constant 15 : i32
    %and3A_68 = vector.broadcast %and3A_67 : i32 to vector<16xi32>
    %and3A_69 = arith.andi %shift_right_logical3A_66, %and3A_68 : vector<16xi32>
    %add3A_70 = arith.addi %mul3A_63, %and3A_69 : vector<16xi32>
    %swap3A_71 = arith.index_cast %mul3A_54 : i32 to index
    %swap3A_72 = tpu.vector_load %arg8[%swap3A_71] {strides = array<i32>} : memref<800xi32, #tpu.memory_space<vmem>>, vector<16xi32>,
    %swap3A_73 = vector.shape_cast %swap3A_72 : vector<16xi32> to vector<16xi32>
    %swap3A_74 = vector.shape_cast %add3A_70 : vector<16xi32> to vector<16xi32>
    tpu.vector_store %arg8[%swap3A_71], %swap3A_74 {strides = array<i32>} : memref<800xi32, #tpu.memory_space<vmem>>, vector<16xi32>,
    %and3A_75 = arith.constant 15 : i32
    %and3A_76 = vector.broadcast %and3A_75 : i32 to vector<16xi32>
    %and3A_77 = arith.andi %get3A_57, %and3A_76 : vector<16xi32>
    %add3A_78 = arith.addi %mul3A_63, %and3A_77 : vector<16xi32>
    %swap3A_79 = arith.index_cast %mul3A_54 : i32 to index
    %swap3A_80 = tpu.vector_load %arg11[%swap3A_79] {strides = array<i32>} : memref<800xi32, #tpu.memory_space<vmem>>, vector<16xi32>,
    %swap3A_81 = vector.shape_cast %swap3A_80 : vector<16xi32> to vector<16xi32>
    %swap3A_82 = vector.shape_cast %add3A_78 : vector<16xi32> to vector<16xi32>
    tpu.vector_store %arg11[%swap3A_79], %swap3A_82 {strides = array<i32>} : memref<800xi32, #tpu.memory_space<vmem>>, vector<16xi32>,
    %scan3A_83 = arith.constant 0 : i32
    %scan3A_84 = arith.constant 50 : i32
    %add3A_85 = arith.constant 2400 : i32
    %add3A_86 = arith.addi %mul3A_2, %add3A_85 : i32
    %dma_start3A_87 = tpu.memref_slice %arg2[%add3A_86] : memref<819200xi32, #tpu.memory_space<hbm>> -> memref<800xi32, #tpu.memory_space<hbm>>
    %dma_start3A_88 = tpu.memref_slice %arg2[%add3A_86] : memref<819200xi32, #tpu.memory_space<hbm>> -> memref<800xi32, #tpu.memory_space<hbm>>
    tpu.enqueue_dma source(%dma_start3A_88 : memref<800xi32, #tpu.memory_space<hbm>>) target(%arg5 : memref<800xi32, #tpu.memory_space<vmem>>) target_semaphore(%arg17 : memref<!tpu.dma_semaphore, #tpu.memory_space<semaphore_mem>>)
    %dma_start3A_89 = arith.constant 0 : i32
    %dma_start3A_90 = arith.constant 0 : i32
    %dma_start3A_91 = tpu.memref_slice %arg3[%dma_start3A_89, %dma_start3A_90] : memref<1000000x32xf32, #tpu.memory_space<hbm>> -> memref<1000000x32xf32, #tpu.memory_space<hbm>>
    tpu.enqueue_indirect_dma source(%dma_start3A_91 : memref<1000000x32xf32, #tpu.memory_space<hbm>>) target(%arg14 : memref<800x32xf32, #tpu.memory_space<vmem>>) offsets(%arg8 : memref<800xi32, #tpu.memory_space<vmem>>) semaphore(%arg20 : memref<!tpu.dma_semaphore, #tpu.memory_space<semaphore_mem>>)
    %dma_wait3A_92 = arith.constant 0 : i32
    %dma_wait3A_93 = tpu.memref_slice %arg2[%dma_wait3A_92] : memref<819200xi32, #tpu.memory_space<hbm>> -> memref<800xi32, #tpu.memory_space<hbm>>
    %dma_wait3A_94 = arith.constant 0 : i32
    %dma_wait3A_95 = tpu.memref_slice %arg2[%dma_wait3A_94] : memref<819200xi32, #tpu.memory_space<hbm>> -> memref<800xi32, #tpu.memory_space<hbm>>
    tpu.wait_dma2 semaphore(%arg18 : memref<!tpu.dma_semaphore, #tpu.memory_space<semaphore_mem>>) src(%dma_wait3A_95 : memref<800xi32, #tpu.memory_space<hbm>>) dst(%arg6 : memref<800xi32, #tpu.memory_space<vmem>>)
    %scan3A_96 = arith.constant 0 : i32
    %scan3A_97 = arith.constant 0 : i32
    %scan3A_98 = arith.constant 48 : i32
    %scan3A_99 = arith.addi %scan3A_97, %scan3A_98 : i32
    %scan3A_100 = arith.constant 4 : i32
    %scan3A_101 = scf.for %scan3A_891 = %scan3A_97 to %scan3A_99 step %scan3A_100 iter_args(%scan3A_892 = %scan3A_96) -> (i32)  : i32 {
      %mul3A_893 = arith.constant 16 : i32
      %mul3A_894 = arith.muli %scan3A_891, %mul3A_893 : i32
      %get3A_895 = arith.index_cast %mul3A_894 : i32 to index
      %get3A_896 = tpu.vector_load %arg6[%get3A_895] {strides = array<i32>} : memref<800xi32, #tpu.memory_space<vmem>>, vector<16xi32>,
      %get3A_897 = vector.shape_cast %get3A_896 : vector<16xi32> to vector<16xi32>
      %shift_right_logical3A_898 = arith.constant 8 : i32
      %shift_right_logical3A_899 = vector.broadcast %shift_right_logical3A_898 : i32 to vector<16xi32>
      %shift_right_logical3A_900 = arith.shrui %get3A_897, %shift_right_logical3A_899 : vector<16xi32>
      %mul3A_901 = arith.constant 10 : i32
      %mul3A_902 = vector.broadcast %mul3A_901 : i32 to vector<16xi32>
      %mul3A_903 = arith.muli %shift_right_logical3A_900, %mul3A_902 : vector<16xi32>
      %shift_right_logical3A_904 = arith.constant 4 : i32
      %shift_right_logical3A_905 = vector.broadcast %shift_right_logical3A_904 : i32 to vector<16xi32>
      %shift_right_logical3A_906 = arith.shrui %get3A_897, %shift_right_logical3A_905 : vector<16xi32>
      %and3A_907 = arith.constant 15 : i32
      %and3A_908 = vector.broadcast %and3A_907 : i32 to vector<16xi32>
      %and3A_909 = arith.andi %shift_right_logical3A_906, %and3A_908 : vector<16xi32>
      %add3A_910 = arith.addi %mul3A_903, %and3A_909 : vector<16xi32>
      %swap3A_911 = arith.index_cast %mul3A_894 : i32 to index
      %swap3A_912 = tpu.vector_load %arg9[%swap3A_911] {strides = array<i32>} : memref<800xi32, #tpu.memory_space<vmem>>, vector<16xi32>,
      %swap3A_913 = vector.shape_cast %swap3A_912 : vector<16xi32> to vector<16xi32>
      %swap3A_914 = vector.shape_cast %add3A_910 : vector<16xi32> to vector<16xi32>
      tpu.vector_store %arg9[%swap3A_911], %swap3A_914 {strides = array<i32>} : memref<800xi32, #tpu.memory_space<vmem>>, vector<16xi32>,
      %and3A_915 = arith.constant 15 : i32
      %and3A_916 = vector.broadcast %and3A_915 : i32 to vector<16xi32>
      %and3A_917 = arith.andi %get3A_897, %and3A_916 : vector<16xi32>
      %add3A_918 = arith.addi %mul3A_903, %and3A_917 : vector<16xi32>
      %swap3A_919 = arith.index_cast %mul3A_894 : i32 to index
      %swap3A_920 = tpu.vector_load %arg12[%swap3A_919] {strides = array<i32>} : memref<800xi32, #tpu.memory_space<vmem>>, vector<16xi32>,
      %swap3A_921 = vector.shape_cast %swap3A_920 : vector<16xi32> to vector<16xi32>
      %swap3A_922 = vector.shape_cast %add3A_918 : vector<16xi32> to vector<16xi32>
      tpu.vector_store %arg12[%swap3A_919], %swap3A_922 {strides = array<i32>} : memref<800xi32, #tpu.memory_space<vmem>>, vector<16xi32>,
      %scan3A_923 = arith.constant 0 : i32
      %scan3A_924 = arith.constant 1 : i32
      %scan3A_925 = arith.addi %scan3A_891, %scan3A_924 : i32
      %mul3A_926 = arith.constant 16 : i32
      %mul3A_927 = arith.muli %scan3A_925, %mul3A_926 : i32
      %get3A_928 = arith.index_cast %mul3A_927 : i32 to index
      %get3A_929 = tpu.vector_load %arg6[%get3A_928] {strides = array<i32>} : memref<800xi32, #tpu.memory_space<vmem>>, vector<16xi32>,
      %get3A_930 = vector.shape_cast %get3A_929 : vector<16xi32> to vector<16xi32>
      %shift_right_logical3A_931 = arith.constant 8 : i32
      %shift_right_logical3A_932 = vector.broadcast %shift_right_logical3A_931 : i32 to vector<16xi32>
      %shift_right_logical3A_933 = arith.shrui %get3A_930, %shift_right_logical3A_932 : vector<16xi32>
      %mul3A_934 = arith.constant 10 : i32
      %mul3A_935 = vector.broadcast %mul3A_934 : i32 to vector<16xi32>
      %mul3A_936 = arith.muli %shift_right_logical3A_933, %mul3A_935 : vector<16xi32>
      %shift_right_logical3A_937 = arith.constant 4 : i32
      %shift_right_logical3A_938 = vector.broadcast %shift_right_logical3A_937 : i32 to vector<16xi32>
      %shift_right_logical3A_939 = arith.shrui %get3A_930, %shift_right_logical3A_938 : vector<16xi32>
      %and3A_940 = arith.constant 15 : i32
      %and3A_941 = vector.broadcast %and3A_940 : i32 to vector<16xi32>
      %and3A_942 = arith.andi %shift_right_logical3A_939, %and3A_941 : vector<16xi32>
      %add3A_943 = arith.addi %mul3A_936, %and3A_942 : vector<16xi32>
      %swap3A_944 = arith.index_cast %mul3A_927 : i32 to index
      %swap3A_945 = tpu.vector_load %arg9[%swap3A_944] {strides = array<i32>} : memref<800xi32, #tpu.memory_space<vmem>>, vector<16xi32>,
      %swap3A_946 = vector.shape_cast %swap3A_945 : vector<16xi32> to vector<16xi32>
      %swap3A_947 = vector.shape_cast %add3A_943 : vector<16xi32> to vector<16xi32>
      tpu.vector_store %arg9[%swap3A_944], %swap3A_947 {strides = array<i32>} : memref<800xi32, #tpu.memory_space<vmem>>, vector<16xi32>,
      %and3A_948 = arith.constant 15 : i32
      %and3A_949 = vector.broadcast %and3A_948 : i32 to vector<16xi32>
      %and3A_950 = arith.andi %get3A_930, %and3A_949 : vector<16xi32>
      %add3A_951 = arith.addi %mul3A_936, %and3A_950 : vector<16xi32>
      %swap3A_952 = arith.index_cast %mul3A_927 : i32 to index
      %swap3A_953 = tpu.vector_load %arg12[%swap3A_952] {strides = array<i32>} : memref<800xi32, #tpu.memory_space<vmem>>, vector<16xi32>,
      %swap3A_954 = vector.shape_cast %swap3A_953 : vector<16xi32> to vector<16xi32>
      %swap3A_955 = vector.shape_cast %add3A_951 : vector<16xi32> to vector<16xi32>
      tpu.vector_store %arg12[%swap3A_952], %swap3A_955 {strides = array<i32>} : memref<800xi32, #tpu.memory_space<vmem>>, vector<16xi32>,
      %scan3A_956 = arith.constant 0 : i32
      %scan3A_957 = arith.constant 2 : i32
      %scan3A_958 = arith.addi %scan3A_891, %scan3A_957 : i32
      %mul3A_959 = arith.constant 16 : i32
      %mul3A_960 = arith.muli %scan3A_958, %mul3A_959 : i32
      %get3A_961 = arith.index_cast %mul3A_960 : i32 to index
      %get3A_962 = tpu.vector_load %arg6[%get3A_961] {strides = array<i32>} : memref<800xi32, #tpu.memory_space<vmem>>, vector<16xi32>,
      %get3A_963 = vector.shape_cast %get3A_962 : vector<16xi32> to vector<16xi32>
      %shift_right_logical3A_964 = arith.constant 8 : i32
      %shift_right_logical3A_965 = vector.broadcast %shift_right_logical3A_964 : i32 to vector<16xi32>
      %shift_right_logical3A_966 = arith.shrui %get3A_963, %shift_right_logical3A_965 : vector<16xi32>
      %mul3A_967 = arith.constant 10 : i32
      %mul3A_968 = vector.broadcast %mul3A_967 : i32 to vector<16xi32>
      %mul3A_969 = arith.muli %shift_right_logical3A_966, %mul3A_968 : vector<16xi32>
      %shift_right_logical3A_970 = arith.constant 4 : i32
      %shift_right_logical3A_971 = vector.broadcast %shift_right_logical3A_970 : i32 to vector<16xi32>
      %shift_right_logical3A_972 = arith.shrui %get3A_963, %shift_right_logical3A_971 : vector<16xi32>
      %and3A_973 = arith.constant 15 : i32
      %and3A_974 = vector.broadcast %and3A_973 : i32 to vector<16xi32>
      %and3A_975 = arith.andi %shift_right_logical3A_972, %and3A_974 : vector<16xi32>
      %add3A_976 = arith.addi %mul3A_969, %and3A_975 : vector<16xi32>
      %swap3A_977 = arith.index_cast %mul3A_960 : i32 to index
      %swap3A_978 = tpu.vector_load %arg9[%swap3A_977] {strides = array<i32>} : memref<800xi32, #tpu.memory_space<vmem>>, vector<16xi32>,
      %swap3A_979 = vector.shape_cast %swap3A_978 : vector<16xi32> to vector<16xi32>
      %swap3A_980 = vector.shape_cast %add3A_976 : vector<16xi32> to vector<16xi32>
      tpu.vector_store %arg9[%swap3A_977], %swap3A_980 {strides = array<i32>} : memref<800xi32, #tpu.memory_space<vmem>>, vector<16xi32>,
      %and3A_981 = arith.constant 15 : i32
      %and3A_982 = vector.broadcast %and3A_981 : i32 to vector<16xi32>
      %and3A_983 = arith.andi %get3A_963, %and3A_982 : vector<16xi32>
      %add3A_984 = arith.addi %mul3A_969, %and3A_983 : vector<16xi32>
      %swap3A_985 = arith.index_cast %mul3A_960 : i32 to index
      %swap3A_986 = tpu.vector_load %arg12[%swap3A_985] {strides = array<i32>} : memref<800xi32, #tpu.memory_space<vmem>>, vector<16xi32>,
      %swap3A_987 = vector.shape_cast %swap3A_986 : vector<16xi32> to vector<16xi32>
      %swap3A_988 = vector.shape_cast %add3A_984 : vector<16xi32> to vector<16xi32>
      tpu.vector_store %arg12[%swap3A_985], %swap3A_988 {strides = array<i32>} : memref<800xi32, #tpu.memory_space<vmem>>, vector<16xi32>,
      %scan3A_989 = arith.constant 0 : i32
      %scan3A_990 = arith.constant 3 : i32
      %scan3A_991 = arith.addi %scan3A_891, %scan3A_990 : i32
      %mul3A_992 = arith.constant 16 : i32
      %mul3A_993 = arith.muli %scan3A_991, %mul3A_992 : i32
      %get3A_994 = arith.index_cast %mul3A_993 : i32 to index
      %get3A_995 = tpu.vector_load %arg6[%get3A_994] {strides = array<i32>} : memref<800xi32, #tpu.memory_space<vmem>>, vector<16xi32>,
      %get3A_996 = vector.shape_cast %get3A_995 : vector<16xi32> to vector<16xi32>
      %shift_right_logical3A_997 = arith.constant 8 : i32
      %shift_right_logical3A_998 = vector.broadcast %shift_right_logical3A_997 : i32 to vector<16xi32>
      %shift_right_logical3A_999 = arith.shrui %get3A_996, %shift_right_logical3A_998 : vector<16xi32>
      %mul3A_1000 = arith.constant 10 : i32
      %mul3A_1001 = vector.broadcast %mul3A_1000 : i32 to vector<16xi32>
      %mul3A_1002 = arith.muli %shift_right_logical3A_999, %mul3A_1001 : vector<16xi32>
      %shift_right_logical3A_1003 = arith.constant 4 : i32
      %shift_right_logical3A_1004 = vector.broadcast %shift_right_logical3A_1003 : i32 to vector<16xi32>
      %shift_right_logical3A_1005 = arith.shrui %get3A_996, %shift_right_logical3A_1004 : vector<16xi32>
      %and3A_1006 = arith.constant 15 : i32
      %and3A_1007 = vector.broadcast %and3A_1006 : i32 to vector<16xi32>
      %and3A_1008 = arith.andi %shift_right_logical3A_1005, %and3A_1007 : vector<16xi32>
      %add3A_1009 = arith.addi %mul3A_1002, %and3A_1008 : vector<16xi32>
      %swap3A_1010 = arith.index_cast %mul3A_993 : i32 to index
      %swap3A_1011 = tpu.vector_load %arg9[%swap3A_1010] {strides = array<i32>} : memref<800xi32, #tpu.memory_space<vmem>>, vector<16xi32>,
      %swap3A_1012 = vector.shape_cast %swap3A_1011 : vector<16xi32> to vector<16xi32>
      %swap3A_1013 = vector.shape_cast %add3A_1009 : vector<16xi32> to vector<16xi32>
      tpu.vector_store %arg9[%swap3A_1010], %swap3A_1013 {strides = array<i32>} : memref<800xi32, #tpu.memory_space<vmem>>, vector<16xi32>,
      %and3A_1014 = arith.constant 15 : i32
      %and3A_1015 = vector.broadcast %and3A_1014 : i32 to vector<16xi32>
      %and3A_1016 = arith.andi %get3A_996, %and3A_1015 : vector<16xi32>
      %add3A_1017 = arith.addi %mul3A_1002, %and3A_1016 : vector<16xi32>
      %swap3A_1018 = arith.index_cast %mul3A_993 : i32 to index
      %swap3A_1019 = tpu.vector_load %arg12[%swap3A_1018] {strides = array<i32>} : memref<800xi32, #tpu.memory_space<vmem>>, vector<16xi32>,
      %swap3A_1020 = vector.shape_cast %swap3A_1019 : vector<16xi32> to vector<16xi32>
      %swap3A_1021 = vector.shape_cast %add3A_1017 : vector<16xi32> to vector<16xi32>
      tpu.vector_store %arg12[%swap3A_1018], %swap3A_1021 {strides = array<i32>} : memref<800xi32, #tpu.memory_space<vmem>>, vector<16xi32>,
      %scan3A_1022 = arith.constant 0 : i32
      scf.yield %scan3A_1022 : i32
    }
    %scan3A_102 = arith.constant 48 : i32
    %scan3A_103 = arith.addi %scan3A_97, %scan3A_102 : i32
    %mul3A_104 = arith.constant 16 : i32
    %mul3A_105 = arith.muli %scan3A_103, %mul3A_104 : i32
    %get3A_106 = arith.index_cast %mul3A_105 : i32 to index
    %get3A_107 = tpu.vector_load %arg6[%get3A_106] {strides = array<i32>} : memref<800xi32, #tpu.memory_space<vmem>>, vector<16xi32>,
    %get3A_108 = vector.shape_cast %get3A_107 : vector<16xi32> to vector<16xi32>
    %shift_right_logical3A_109 = arith.constant 8 : i32
    %shift_right_logical3A_110 = vector.broadcast %shift_right_logical3A_109 : i32 to vector<16xi32>
    %shift_right_logical3A_111 = arith.shrui %get3A_108, %shift_right_logical3A_110 : vector<16xi32>
    %mul3A_112 = arith.constant 10 : i32
    %mul3A_113 = vector.broadcast %mul3A_112 : i32 to vector<16xi32>
    %mul3A_114 = arith.muli %shift_right_logical3A_111, %mul3A_113 : vector<16xi32>
    %shift_right_logical3A_115 = arith.constant 4 : i32
    %shift_right_logical3A_116 = vector.broadcast %shift_right_logical3A_115 : i32 to vector<16xi32>
    %shift_right_logical3A_117 = arith.shrui %get3A_108, %shift_right_logical3A_116 : vector<16xi32>
    %and3A_118 = arith.constant 15 : i32
    %and3A_119 = vector.broadcast %and3A_118 : i32 to vector<16xi32>
    %and3A_120 = arith.andi %shift_right_logical3A_117, %and3A_119 : vector<16xi32>
    %add3A_121 = arith.addi %mul3A_114, %and3A_120 : vector<16xi32>
    %swap3A_122 = arith.index_cast %mul3A_105 : i32 to index
    %swap3A_123 = tpu.vector_load %arg9[%swap3A_122] {strides = array<i32>} : memref<800xi32, #tpu.memory_space<vmem>>, vector<16xi32>,
    %swap3A_124 = vector.shape_cast %swap3A_123 : vector<16xi32> to vector<16xi32>
    %swap3A_125 = vector.shape_cast %add3A_121 : vector<16xi32> to vector<16xi32>
    tpu.vector_store %arg9[%swap3A_122], %swap3A_125 {strides = array<i32>} : memref<800xi32, #tpu.memory_space<vmem>>, vector<16xi32>,
    %and3A_126 = arith.constant 15 : i32
    %and3A_127 = vector.broadcast %and3A_126 : i32 to vector<16xi32>
    %and3A_128 = arith.andi %get3A_108, %and3A_127 : vector<16xi32>
    %add3A_129 = arith.addi %mul3A_114, %and3A_128 : vector<16xi32>
    %swap3A_130 = arith.index_cast %mul3A_105 : i32 to index
    %swap3A_131 = tpu.vector_load %arg12[%swap3A_130] {strides = array<i32>} : memref<800xi32, #tpu.memory_space<vmem>>, vector<16xi32>,
    %swap3A_132 = vector.shape_cast %swap3A_131 : vector<16xi32> to vector<16xi32>
    %swap3A_133 = vector.shape_cast %add3A_129 : vector<16xi32> to vector<16xi32>
    tpu.vector_store %arg12[%swap3A_130], %swap3A_133 {strides = array<i32>} : memref<800xi32, #tpu.memory_space<vmem>>, vector<16xi32>,
    %scan3A_134 = arith.constant 0 : i32
    %scan3A_135 = arith.constant 49 : i32
    %scan3A_136 = arith.addi %scan3A_97, %scan3A_135 : i32
    %mul3A_137 = arith.constant 16 : i32
    %mul3A_138 = arith.muli %scan3A_136, %mul3A_137 : i32
    %get3A_139 = arith.index_cast %mul3A_138 : i32 to index
    %get3A_140 = tpu.vector_load %arg6[%get3A_139] {strides = array<i32>} : memref<800xi32, #tpu.memory_space<vmem>>, vector<16xi32>,
    %get3A_141 = vector.shape_cast %get3A_140 : vector<16xi32> to vector<16xi32>
    %shift_right_logical3A_142 = arith.constant 8 : i32
    %shift_right_logical3A_143 = vector.broadcast %shift_right_logical3A_142 : i32 to vector<16xi32>
    %shift_right_logical3A_144 = arith.shrui %get3A_141, %shift_right_logical3A_143 : vector<16xi32>
    %mul3A_145 = arith.constant 10 : i32
    %mul3A_146 = vector.broadcast %mul3A_145 : i32 to vector<16xi32>
    %mul3A_147 = arith.muli %shift_right_logical3A_144, %mul3A_146 : vector<16xi32>
    %shift_right_logical3A_148 = arith.constant 4 : i32
    %shift_right_logical3A_149 = vector.broadcast %shift_right_logical3A_148 : i32 to vector<16xi32>
    %shift_right_logical3A_150 = arith.shrui %get3A_141, %shift_right_logical3A_149 : vector<16xi32>
    %and3A_151 = arith.constant 15 : i32
    %and3A_152 = vector.broadcast %and3A_151 : i32 to vector<16xi32>
    %and3A_153 = arith.andi %shift_right_logical3A_150, %and3A_152 : vector<16xi32>
    %add3A_154 = arith.addi %mul3A_147, %and3A_153 : vector<16xi32>
    %swap3A_155 = arith.index_cast %mul3A_138 : i32 to index
    %swap3A_156 = tpu.vector_load %arg9[%swap3A_155] {strides = array<i32>} : memref<800xi32, #tpu.memory_space<vmem>>, vector<16xi32>,
    %swap3A_157 = vector.shape_cast %swap3A_156 : vector<16xi32> to vector<16xi32>
    %swap3A_158 = vector.shape_cast %add3A_154 : vector<16xi32> to vector<16xi32>
    tpu.vector_store %arg9[%swap3A_155], %swap3A_158 {strides = array<i32>} : memref<800xi32, #tpu.memory_space<vmem>>, vector<16xi32>,
    %and3A_159 = arith.constant 15 : i32
    %and3A_160 = vector.broadcast %and3A_159 : i32 to vector<16xi32>
    %and3A_161 = arith.andi %get3A_141, %and3A_160 : vector<16xi32>
    %add3A_162 = arith.addi %mul3A_147, %and3A_161 : vector<16xi32>
    %swap3A_163 = arith.index_cast %mul3A_138 : i32 to index
    %swap3A_164 = tpu.vector_load %arg12[%swap3A_163] {strides = array<i32>} : memref<800xi32, #tpu.memory_space<vmem>>, vector<16xi32>,
    %swap3A_165 = vector.shape_cast %swap3A_164 : vector<16xi32> to vector<16xi32>
    %swap3A_166 = vector.shape_cast %add3A_162 : vector<16xi32> to vector<16xi32>
    tpu.vector_store %arg12[%swap3A_163], %swap3A_166 {strides = array<i32>} : memref<800xi32, #tpu.memory_space<vmem>>, vector<16xi32>,
    %scan3A_167 = arith.constant 0 : i32
    %scan3A_168 = arith.constant 50 : i32
    %add3A_169 = arith.constant 3200 : i32
    %add3A_170 = arith.addi %mul3A_2, %add3A_169 : i32
    %dma_start3A_171 = tpu.memref_slice %arg2[%add3A_170] : memref<819200xi32, #tpu.memory_space<hbm>> -> memref<800xi32, #tpu.memory_space<hbm>>
    %dma_start3A_172 = tpu.memref_slice %arg2[%add3A_170] : memref<819200xi32, #tpu.memory_space<hbm>> -> memref<800xi32, #tpu.memory_space<hbm>>
    tpu.enqueue_dma source(%dma_start3A_172 : memref<800xi32, #tpu.memory_space<hbm>>) target(%arg6 : memref<800xi32, #tpu.memory_space<vmem>>) target_semaphore(%arg18 : memref<!tpu.dma_semaphore, #tpu.memory_space<semaphore_mem>>)
    %dma_wait3A_173 = arith.constant 0 : i32
    %dma_wait3A_174 = arith.constant 0 : i32
    %dma_wait3A_175 = tpu.memref_slice %arg3[%dma_wait3A_173, %dma_wait3A_174] : memref<1000000x32xf32, #tpu.memory_space<hbm>> -> memref<800x32xf32, #tpu.memory_space<hbm>>
    %dma_wait3A_176 = arith.constant 0 : i32
    %dma_wait3A_177 = arith.constant 0 : i32
    %dma_wait3A_178 = tpu.memref_slice %arg3[%dma_wait3A_176, %dma_wait3A_177] : memref<1000000x32xf32, #tpu.memory_space<hbm>> -> memref<800x32xf32, #tpu.memory_space<hbm>>
    tpu.wait_dma2 semaphore(%arg20 : memref<!tpu.dma_semaphore, #tpu.memory_space<semaphore_mem>>) src(%dma_wait3A_178 : memref<800x32xf32, #tpu.memory_space<hbm>>) dst(%arg14 : memref<800x32xf32, #tpu.memory_space<vmem>>)
    %dma_start3A_179 = arith.constant 0 : i32
    %dma_start3A_180 = arith.constant 0 : i32
    %dma_start3A_181 = tpu.memref_slice %arg3[%dma_start3A_179, %dma_start3A_180] : memref<1000000x32xf32, #tpu.memory_space<hbm>> -> memref<1000000x32xf32, #tpu.memory_space<hbm>>
    tpu.enqueue_indirect_dma source(%dma_start3A_181 : memref<1000000x32xf32, #tpu.memory_space<hbm>>) target(%arg14 : memref<800x32xf32, #tpu.memory_space<vmem>>) offsets(%arg11 : memref<800xi32, #tpu.memory_space<vmem>>) semaphore(%arg23 : memref<!tpu.dma_semaphore, #tpu.memory_space<semaphore_mem>>) {add = true}
    %dma_start3A_182 = arith.constant 0 : i32
    %dma_start3A_183 = arith.constant 0 : i32
    %dma_start3A_184 = tpu.memref_slice %arg3[%dma_start3A_182, %dma_start3A_183] : memref<1000000x32xf32, #tpu.memory_space<hbm>> -> memref<1000000x32xf32, #tpu.memory_space<hbm>>
    tpu.enqueue_indirect_dma source(%dma_start3A_184 : memref<1000000x32xf32, #tpu.memory_space<hbm>>) target(%arg15 : memref<800x32xf32, #tpu.memory_space<vmem>>) offsets(%arg9 : memref<800xi32, #tpu.memory_space<vmem>>) semaphore(%arg21 : memref<!tpu.dma_semaphore, #tpu.memory_space<semaphore_mem>>)
    %dma_wait3A_185 = arith.constant 0 : i32
    %dma_wait3A_186 = tpu.memref_slice %arg2[%dma_wait3A_185] : memref<819200xi32, #tpu.memory_space<hbm>> -> memref<800xi32, #tpu.memory_space<hbm>>
    %dma_wait3A_187 = arith.constant 0 : i32
    %dma_wait3A_188 = tpu.memref_slice %arg2[%dma_wait3A_187] : memref<819200xi32, #tpu.memory_space<hbm>> -> memref<800xi32, #tpu.memory_space<hbm>>
    tpu.wait_dma2 semaphore(%arg19 : memref<!tpu.dma_semaphore, #tpu.memory_space<semaphore_mem>>) src(%dma_wait3A_188 : memref<800xi32, #tpu.memory_space<hbm>>) dst(%arg7 : memref<800xi32, #tpu.memory_space<vmem>>)
    %scan3A_189 = arith.constant 0 : i32
    %scan3A_190 = arith.constant 0 : i32
    %scan3A_191 = arith.constant 48 : i32
    %scan3A_192 = arith.addi %scan3A_190, %scan3A_191 : i32
    %scan3A_193 = arith.constant 4 : i32
    %scan3A_194 = scf.for %scan3A_891 = %scan3A_190 to %scan3A_192 step %scan3A_193 iter_args(%scan3A_892 = %scan3A_189) -> (i32)  : i32 {
      %mul3A_893 = arith.constant 16 : i32
      %mul3A_894 = arith.muli %scan3A_891, %mul3A_893 : i32
      %get3A_895 = arith.index_cast %mul3A_894 : i32 to index
      %get3A_896 = tpu.vector_load %arg7[%get3A_895] {strides = array<i32>} : memref<800xi32, #tpu.memory_space<vmem>>, vector<16xi32>,
      %get3A_897 = vector.shape_cast %get3A_896 : vector<16xi32> to vector<16xi32>
      %shift_right_logical3A_898 = arith.constant 8 : i32
      %shift_right_logical3A_899 = vector.broadcast %shift_right_logical3A_898 : i32 to vector<16xi32>
      %shift_right_logical3A_900 = arith.shrui %get3A_897, %shift_right_logical3A_899 : vector<16xi32>
      %mul3A_901 = arith.constant 10 : i32
      %mul3A_902 = vector.broadcast %mul3A_901 : i32 to vector<16xi32>
      %mul3A_903 = arith.muli %shift_right_logical3A_900, %mul3A_902 : vector<16xi32>
      %shift_right_logical3A_904 = arith.constant 4 : i32
      %shift_right_logical3A_905 = vector.broadcast %shift_right_logical3A_904 : i32 to vector<16xi32>
      %shift_right_logical3A_906 = arith.shrui %get3A_897, %shift_right_logical3A_905 : vector<16xi32>
      %and3A_907 = arith.constant 15 : i32
      %and3A_908 = vector.broadcast %and3A_907 : i32 to vector<16xi32>
      %and3A_909 = arith.andi %shift_right_logical3A_906, %and3A_908 : vector<16xi32>
      %add3A_910 = arith.addi %mul3A_903, %and3A_909 : vector<16xi32>
      %swap3A_911 = arith.index_cast %mul3A_894 : i32 to index
      %swap3A_912 = tpu.vector_load %arg10[%swap3A_911] {strides = array<i32>} : memref<800xi32, #tpu.memory_space<vmem>>, vector<16xi32>,
      %swap3A_913 = vector.shape_cast %swap3A_912 : vector<16xi32> to vector<16xi32>
      %swap3A_914 = vector.shape_cast %add3A_910 : vector<16xi32> to vector<16xi32>
      tpu.vector_store %arg10[%swap3A_911], %swap3A_914 {strides = array<i32>} : memref<800xi32, #tpu.memory_space<vmem>>, vector<16xi32>,
      %and3A_915 = arith.constant 15 : i32
      %and3A_916 = vector.broadcast %and3A_915 : i32 to vector<16xi32>
      %and3A_917 = arith.andi %get3A_897, %and3A_916 : vector<16xi32>
      %add3A_918 = arith.addi %mul3A_903, %and3A_917 : vector<16xi32>
      %swap3A_919 = arith.index_cast %mul3A_894 : i32 to index
      %swap3A_920 = tpu.vector_load %arg13[%swap3A_919] {strides = array<i32>} : memref<800xi32, #tpu.memory_space<vmem>>, vector<16xi32>,
      %swap3A_921 = vector.shape_cast %swap3A_920 : vector<16xi32> to vector<16xi32>
      %swap3A_922 = vector.shape_cast %add3A_918 : vector<16xi32> to vector<16xi32>
      tpu.vector_store %arg13[%swap3A_919], %swap3A_922 {strides = array<i32>} : memref<800xi32, #tpu.memory_space<vmem>>, vector<16xi32>,
      %scan3A_923 = arith.constant 0 : i32
      %scan3A_924 = arith.constant 1 : i32
      %scan3A_925 = arith.addi %scan3A_891, %scan3A_924 : i32
      %mul3A_926 = arith.constant 16 : i32
      %mul3A_927 = arith.muli %scan3A_925, %mul3A_926 : i32
      %get3A_928 = arith.index_cast %mul3A_927 : i32 to index
      %get3A_929 = tpu.vector_load %arg7[%get3A_928] {strides = array<i32>} : memref<800xi32, #tpu.memory_space<vmem>>, vector<16xi32>,
      %get3A_930 = vector.shape_cast %get3A_929 : vector<16xi32> to vector<16xi32>
      %shift_right_logical3A_931 = arith.constant 8 : i32
      %shift_right_logical3A_932 = vector.broadcast %shift_right_logical3A_931 : i32 to vector<16xi32>
      %shift_right_logical3A_933 = arith.shrui %get3A_930, %shift_right_logical3A_932 : vector<16xi32>
      %mul3A_934 = arith.constant 10 : i32
      %mul3A_935 = vector.broadcast %mul3A_934 : i32 to vector<16xi32>
      %mul3A_936 = arith.muli %shift_right_logical3A_933, %mul3A_935 : vector<16xi32>
      %shift_right_logical3A_937 = arith.constant 4 : i32
      %shift_right_logical3A_938 = vector.broadcast %shift_right_logical3A_937 : i32 to vector<16xi32>
      %shift_right_logical3A_939 = arith.shrui %get3A_930, %shift_right_logical3A_938 : vector<16xi32>
      %and3A_940 = arith.constant 15 : i32
      %and3A_941 = vector.broadcast %and3A_940 : i32 to vector<16xi32>
      %and3A_942 = arith.andi %shift_right_logical3A_939, %and3A_941 : vector<16xi32>
      %add3A_943 = arith.addi %mul3A_936, %and3A_942 : vector<16xi32>
      %swap3A_944 = arith.index_cast %mul3A_927 : i32 to index
      %swap3A_945 = tpu.vector_load %arg10[%swap3A_944] {strides = array<i32>} : memref<800xi32, #tpu.memory_space<vmem>>, vector<16xi32>,
      %swap3A_946 = vector.shape_cast %swap3A_945 : vector<16xi32> to vector<16xi32>
      %swap3A_947 = vector.shape_cast %add3A_943 : vector<16xi32> to vector<16xi32>
      tpu.vector_store %arg10[%swap3A_944], %swap3A_947 {strides = array<i32>} : memref<800xi32, #tpu.memory_space<vmem>>, vector<16xi32>,
      %and3A_948 = arith.constant 15 : i32
      %and3A_949 = vector.broadcast %and3A_948 : i32 to vector<16xi32>
      %and3A_950 = arith.andi %get3A_930, %and3A_949 : vector<16xi32>
      %add3A_951 = arith.addi %mul3A_936, %and3A_950 : vector<16xi32>
      %swap3A_952 = arith.index_cast %mul3A_927 : i32 to index
      %swap3A_953 = tpu.vector_load %arg13[%swap3A_952] {strides = array<i32>} : memref<800xi32, #tpu.memory_space<vmem>>, vector<16xi32>,
      %swap3A_954 = vector.shape_cast %swap3A_953 : vector<16xi32> to vector<16xi32>
      %swap3A_955 = vector.shape_cast %add3A_951 : vector<16xi32> to vector<16xi32>
      tpu.vector_store %arg13[%swap3A_952], %swap3A_955 {strides = array<i32>} : memref<800xi32, #tpu.memory_space<vmem>>, vector<16xi32>,
      %scan3A_956 = arith.constant 0 : i32
      %scan3A_957 = arith.constant 2 : i32
      %scan3A_958 = arith.addi %scan3A_891, %scan3A_957 : i32
      %mul3A_959 = arith.constant 16 : i32
      %mul3A_960 = arith.muli %scan3A_958, %mul3A_959 : i32
      %get3A_961 = arith.index_cast %mul3A_960 : i32 to index
      %get3A_962 = tpu.vector_load %arg7[%get3A_961] {strides = array<i32>} : memref<800xi32, #tpu.memory_space<vmem>>, vector<16xi32>,
      %get3A_963 = vector.shape_cast %get3A_962 : vector<16xi32> to vector<16xi32>
      %shift_right_logical3A_964 = arith.constant 8 : i32
      %shift_right_logical3A_965 = vector.broadcast %shift_right_logical3A_964 : i32 to vector<16xi32>
      %shift_right_logical3A_966 = arith.shrui %get3A_963, %shift_right_logical3A_965 : vector<16xi32>
      %mul3A_967 = arith.constant 10 : i32
      %mul3A_968 = vector.broadcast %mul3A_967 : i32 to vector<16xi32>
      %mul3A_969 = arith.muli %shift_right_logical3A_966, %mul3A_968 : vector<16xi32>
      %shift_right_logical3A_970 = arith.constant 4 : i32
      %shift_right_logical3A_971 = vector.broadcast %shift_right_logical3A_970 : i32 to vector<16xi32>
      %shift_right_logical3A_972 = arith.shrui %get3A_963, %shift_right_logical3A_971 : vector<16xi32>
      %and3A_973 = arith.constant 15 : i32
      %and3A_974 = vector.broadcast %and3A_973 : i32 to vector<16xi32>
      %and3A_975 = arith.andi %shift_right_logical3A_972, %and3A_974 : vector<16xi32>
      %add3A_976 = arith.addi %mul3A_969, %and3A_975 : vector<16xi32>
      %swap3A_977 = arith.index_cast %mul3A_960 : i32 to index
      %swap3A_978 = tpu.vector_load %arg10[%swap3A_977] {strides = array<i32>} : memref<800xi32, #tpu.memory_space<vmem>>, vector<16xi32>,
      %swap3A_979 = vector.shape_cast %swap3A_978 : vector<16xi32> to vector<16xi32>
      %swap3A_980 = vector.shape_cast %add3A_976 : vector<16xi32> to vector<16xi32>
      tpu.vector_store %arg10[%swap3A_977], %swap3A_980 {strides = array<i32>} : memref<800xi32, #tpu.memory_space<vmem>>, vector<16xi32>,
      %and3A_981 = arith.constant 15 : i32
      %and3A_982 = vector.broadcast %and3A_981 : i32 to vector<16xi32>
      %and3A_983 = arith.andi %get3A_963, %and3A_982 : vector<16xi32>
      %add3A_984 = arith.addi %mul3A_969, %and3A_983 : vector<16xi32>
      %swap3A_985 = arith.index_cast %mul3A_960 : i32 to index
      %swap3A_986 = tpu.vector_load %arg13[%swap3A_985] {strides = array<i32>} : memref<800xi32, #tpu.memory_space<vmem>>, vector<16xi32>,
      %swap3A_987 = vector.shape_cast %swap3A_986 : vector<16xi32> to vector<16xi32>
      %swap3A_988 = vector.shape_cast %add3A_984 : vector<16xi32> to vector<16xi32>
      tpu.vector_store %arg13[%swap3A_985], %swap3A_988 {strides = array<i32>} : memref<800xi32, #tpu.memory_space<vmem>>, vector<16xi32>,
      %scan3A_989 = arith.constant 0 : i32
      %scan3A_990 = arith.constant 3 : i32
      %scan3A_991 = arith.addi %scan3A_891, %scan3A_990 : i32
      %mul3A_992 = arith.constant 16 : i32
      %mul3A_993 = arith.muli %scan3A_991, %mul3A_992 : i32
      %get3A_994 = arith.index_cast %mul3A_993 : i32 to index
      %get3A_995 = tpu.vector_load %arg7[%get3A_994] {strides = array<i32>} : memref<800xi32, #tpu.memory_space<vmem>>, vector<16xi32>,
      %get3A_996 = vector.shape_cast %get3A_995 : vector<16xi32> to vector<16xi32>
      %shift_right_logical3A_997 = arith.constant 8 : i32
      %shift_right_logical3A_998 = vector.broadcast %shift_right_logical3A_997 : i32 to vector<16xi32>
      %shift_right_logical3A_999 = arith.shrui %get3A_996, %shift_right_logical3A_998 : vector<16xi32>
      %mul3A_1000 = arith.constant 10 : i32
      %mul3A_1001 = vector.broadcast %mul3A_1000 : i32 to vector<16xi32>
      %mul3A_1002 = arith.muli %shift_right_logical3A_999, %mul3A_1001 : vector<16xi32>
      %shift_right_logical3A_1003 = arith.constant 4 : i32
      %shift_right_logical3A_1004 = vector.broadcast %shift_right_logical3A_1003 : i32 to vector<16xi32>
      %shift_right_logical3A_1005 = arith.shrui %get3A_996, %shift_right_logical3A_1004 : vector<16xi32>
      %and3A_1006 = arith.constant 15 : i32
      %and3A_1007 = vector.broadcast %and3A_1006 : i32 to vector<16xi32>
      %and3A_1008 = arith.andi %shift_right_logical3A_1005, %and3A_1007 : vector<16xi32>
      %add3A_1009 = arith.addi %mul3A_1002, %and3A_1008 : vector<16xi32>
      %swap3A_1010 = arith.index_cast %mul3A_993 : i32 to index
      %swap3A_1011 = tpu.vector_load %arg10[%swap3A_1010] {strides = array<i32>} : memref<800xi32, #tpu.memory_space<vmem>>, vector<16xi32>,
      %swap3A_1012 = vector.shape_cast %swap3A_1011 : vector<16xi32> to vector<16xi32>
      %swap3A_1013 = vector.shape_cast %add3A_1009 : vector<16xi32> to vector<16xi32>
      tpu.vector_store %arg10[%swap3A_1010], %swap3A_1013 {strides = array<i32>} : memref<800xi32, #tpu.memory_space<vmem>>, vector<16xi32>,
      %and3A_1014 = arith.constant 15 : i32
      %and3A_1015 = vector.broadcast %and3A_1014 : i32 to vector<16xi32>
      %and3A_1016 = arith.andi %get3A_996, %and3A_1015 : vector<16xi32>
      %add3A_1017 = arith.addi %mul3A_1002, %and3A_1016 : vector<16xi32>
      %swap3A_1018 = arith.index_cast %mul3A_993 : i32 to index
      %swap3A_1019 = tpu.vector_load %arg13[%swap3A_1018] {strides = array<i32>} : memref<800xi32, #tpu.memory_space<vmem>>, vector<16xi32>,
      %swap3A_1020 = vector.shape_cast %swap3A_1019 : vector<16xi32> to vector<16xi32>
      %swap3A_1021 = vector.shape_cast %add3A_1017 : vector<16xi32> to vector<16xi32>
      tpu.vector_store %arg13[%swap3A_1018], %swap3A_1021 {strides = array<i32>} : memref<800xi32, #tpu.memory_space<vmem>>, vector<16xi32>,
      %scan3A_1022 = arith.constant 0 : i32
      scf.yield %scan3A_1022 : i32
    }
    %scan3A_195 = arith.constant 48 : i32
    %scan3A_196 = arith.addi %scan3A_190, %scan3A_195 : i32
    %mul3A_197 = arith.constant 16 : i32
    %mul3A_198 = arith.muli %scan3A_196, %mul3A_197 : i32
    %get3A_199 = arith.index_cast %mul3A_198 : i32 to index
    %get3A_200 = tpu.vector_load %arg7[%get3A_199] {strides = array<i32>} : memref<800xi32, #tpu.memory_space<vmem>>, vector<16xi32>,
    %get3A_201 = vector.shape_cast %get3A_200 : vector<16xi32> to vector<16xi32>
    %shift_right_logical3A_202 = arith.constant 8 : i32
    %shift_right_logical3A_203 = vector.broadcast %shift_right_logical3A_202 : i32 to vector<16xi32>
    %shift_right_logical3A_204 = arith.shrui %get3A_201, %shift_right_logical3A_203 : vector<16xi32>
    %mul3A_205 = arith.constant 10 : i32
    %mul3A_206 = vector.broadcast %mul3A_205 : i32 to vector<16xi32>
    %mul3A_207 = arith.muli %shift_right_logical3A_204, %mul3A_206 : vector<16xi32>
    %shift_right_logical3A_208 = arith.constant 4 : i32
    %shift_right_logical3A_209 = vector.broadcast %shift_right_logical3A_208 : i32 to vector<16xi32>
    %shift_right_logical3A_210 = arith.shrui %get3A_201, %shift_right_logical3A_209 : vector<16xi32>
    %and3A_211 = arith.constant 15 : i32
    %and3A_212 = vector.broadcast %and3A_211 : i32 to vector<16xi32>
    %and3A_213 = arith.andi %shift_right_logical3A_210, %and3A_212 : vector<16xi32>
    %add3A_214 = arith.addi %mul3A_207, %and3A_213 : vector<16xi32>
    %swap3A_215 = arith.index_cast %mul3A_198 : i32 to index
    %swap3A_216 = tpu.vector_load %arg10[%swap3A_215] {strides = array<i32>} : memref<800xi32, #tpu.memory_space<vmem>>, vector<16xi32>,
    %swap3A_217 = vector.shape_cast %swap3A_216 : vector<16xi32> to vector<16xi32>
    %swap3A_218 = vector.shape_cast %add3A_214 : vector<16xi32> to vector<16xi32>
    tpu.vector_store %arg10[%swap3A_215], %swap3A_218 {strides = array<i32>} : memref<800xi32, #tpu.memory_space<vmem>>, vector<16xi32>,
    %and3A_219 = arith.constant 15 : i32
    %and3A_220 = vector.broadcast %and3A_219 : i32 to vector<16xi32>
    %and3A_221 = arith.andi %get3A_201, %and3A_220 : vector<16xi32>
    %add3A_222 = arith.addi %mul3A_207, %and3A_221 : vector<16xi32>
    %swap3A_223 = arith.index_cast %mul3A_198 : i32 to index
    %swap3A_224 = tpu.vector_load %arg13[%swap3A_223] {strides = array<i32>} : memref<800xi32, #tpu.memory_space<vmem>>, vector<16xi32>,
    %swap3A_225 = vector.shape_cast %swap3A_224 : vector<16xi32> to vector<16xi32>
    %swap3A_226 = vector.shape_cast %add3A_222 : vector<16xi32> to vector<16xi32>
    tpu.vector_store %arg13[%swap3A_223], %swap3A_226 {strides = array<i32>} : memref<800xi32, #tpu.memory_space<vmem>>, vector<16xi32>,
    %scan3A_227 = arith.constant 0 : i32
    %scan3A_228 = arith.constant 49 : i32
    %scan3A_229 = arith.addi %scan3A_190, %scan3A_228 : i32
    %mul3A_230 = arith.constant 16 : i32
    %mul3A_231 = arith.muli %scan3A_229, %mul3A_230 : i32
    %get3A_232 = arith.index_cast %mul3A_231 : i32 to index
    %get3A_233 = tpu.vector_load %arg7[%get3A_232] {strides = array<i32>} : memref<800xi32, #tpu.memory_space<vmem>>, vector<16xi32>,
    %get3A_234 = vector.shape_cast %get3A_233 : vector<16xi32> to vector<16xi32>
    %shift_right_logical3A_235 = arith.constant 8 : i32
    %shift_right_logical3A_236 = vector.broadcast %shift_right_logical3A_235 : i32 to vector<16xi32>
    %shift_right_logical3A_237 = arith.shrui %get3A_234, %shift_right_logical3A_236 : vector<16xi32>
    %mul3A_238 = arith.constant 10 : i32
    %mul3A_239 = vector.broadcast %mul3A_238 : i32 to vector<16xi32>
    %mul3A_240 = arith.muli %shift_right_logical3A_237, %mul3A_239 : vector<16xi32>
    %shift_right_logical3A_241 = arith.constant 4 : i32
    %shift_right_logical3A_242 = vector.broadcast %shift_right_logical3A_241 : i32 to vector<16xi32>
    %shift_right_logical3A_243 = arith.shrui %get3A_234, %shift_right_logical3A_242 : vector<16xi32>
    %and3A_244 = arith.constant 15 : i32
    %and3A_245 = vector.broadcast %and3A_244 : i32 to vector<16xi32>
    %and3A_246 = arith.andi %shift_right_logical3A_243, %and3A_245 : vector<16xi32>
    %add3A_247 = arith.addi %mul3A_240, %and3A_246 : vector<16xi32>
    %swap3A_248 = arith.index_cast %mul3A_231 : i32 to index
    %swap3A_249 = tpu.vector_load %arg10[%swap3A_248] {strides = array<i32>} : memref<800xi32, #tpu.memory_space<vmem>>, vector<16xi32>,
    %swap3A_250 = vector.shape_cast %swap3A_249 : vector<16xi32> to vector<16xi32>
    %swap3A_251 = vector.shape_cast %add3A_247 : vector<16xi32> to vector<16xi32>
    tpu.vector_store %arg10[%swap3A_248], %swap3A_251 {strides = array<i32>} : memref<800xi32, #tpu.memory_space<vmem>>, vector<16xi32>,
    %and3A_252 = arith.constant 15 : i32
    %and3A_253 = vector.broadcast %and3A_252 : i32 to vector<16xi32>
    %and3A_254 = arith.andi %get3A_234, %and3A_253 : vector<16xi32>
    %add3A_255 = arith.addi %mul3A_240, %and3A_254 : vector<16xi32>
    %swap3A_256 = arith.index_cast %mul3A_231 : i32 to index
    %swap3A_257 = tpu.vector_load %arg13[%swap3A_256] {strides = array<i32>} : memref<800xi32, #tpu.memory_space<vmem>>, vector<16xi32>,
    %swap3A_258 = vector.shape_cast %swap3A_257 : vector<16xi32> to vector<16xi32>
    %swap3A_259 = vector.shape_cast %add3A_255 : vector<16xi32> to vector<16xi32>
    tpu.vector_store %arg13[%swap3A_256], %swap3A_259 {strides = array<i32>} : memref<800xi32, #tpu.memory_space<vmem>>, vector<16xi32>,
    %scan3A_260 = arith.constant 0 : i32
    %scan3A_261 = arith.constant 50 : i32
    %add3A_262 = arith.constant 4000 : i32
    %add3A_263 = arith.addi %mul3A_2, %add3A_262 : i32
    %dma_start3A_264 = tpu.memref_slice %arg2[%add3A_263] : memref<819200xi32, #tpu.memory_space<hbm>> -> memref<800xi32, #tpu.memory_space<hbm>>
    %dma_start3A_265 = tpu.memref_slice %arg2[%add3A_263] : memref<819200xi32, #tpu.memory_space<hbm>> -> memref<800xi32, #tpu.memory_space<hbm>>
    tpu.enqueue_dma source(%dma_start3A_265 : memref<800xi32, #tpu.memory_space<hbm>>) target(%arg7 : memref<800xi32, #tpu.memory_space<vmem>>) target_semaphore(%arg19 : memref<!tpu.dma_semaphore, #tpu.memory_space<semaphore_mem>>)
    %dma_wait3A_266 = arith.constant 0 : i32
    %dma_wait3A_267 = arith.constant 0 : i32
    %dma_wait3A_268 = tpu.memref_slice %arg3[%dma_wait3A_266, %dma_wait3A_267] : memref<1000000x32xf32, #tpu.memory_space<hbm>> -> memref<800x32xf32, #tpu.memory_space<hbm>>
    %dma_wait3A_269 = arith.constant 0 : i32
    %dma_wait3A_270 = arith.constant 0 : i32
    %dma_wait3A_271 = tpu.memref_slice %arg3[%dma_wait3A_269, %dma_wait3A_270] : memref<1000000x32xf32, #tpu.memory_space<hbm>> -> memref<800x32xf32, #tpu.memory_space<hbm>>
    tpu.wait_dma2 semaphore(%arg21 : memref<!tpu.dma_semaphore, #tpu.memory_space<semaphore_mem>>) src(%dma_wait3A_271 : memref<800x32xf32, #tpu.memory_space<hbm>>) dst(%arg15 : memref<800x32xf32, #tpu.memory_space<vmem>>)
    %dma_start3A_272 = arith.constant 0 : i32
    %dma_start3A_273 = arith.constant 0 : i32
    %dma_start3A_274 = tpu.memref_slice %arg3[%dma_start3A_272, %dma_start3A_273] : memref<1000000x32xf32, #tpu.memory_space<hbm>> -> memref<1000000x32xf32, #tpu.memory_space<hbm>>
    tpu.enqueue_indirect_dma source(%dma_start3A_274 : memref<1000000x32xf32, #tpu.memory_space<hbm>>) target(%arg15 : memref<800x32xf32, #tpu.memory_space<vmem>>) offsets(%arg12 : memref<800xi32, #tpu.memory_space<vmem>>) semaphore(%arg24 : memref<!tpu.dma_semaphore, #tpu.memory_space<semaphore_mem>>) {add = true}
    %dma_wait3A_275 = arith.constant 0 : i32
    %dma_wait3A_276 = arith.constant 0 : i32
    %dma_wait3A_277 = tpu.memref_slice %arg3[%dma_wait3A_275, %dma_wait3A_276] : memref<1000000x32xf32, #tpu.memory_space<hbm>> -> memref<800x32xf32, #tpu.memory_space<hbm>>
    %dma_wait3A_278 = arith.constant 0 : i32
    %dma_wait3A_279 = arith.constant 0 : i32
    %dma_wait3A_280 = tpu.memref_slice %arg3[%dma_wait3A_278, %dma_wait3A_279] : memref<1000000x32xf32, #tpu.memory_space<hbm>> -> memref<800x32xf32, #tpu.memory_space<hbm>>
    tpu.wait_dma2 semaphore(%arg23 : memref<!tpu.dma_semaphore, #tpu.memory_space<semaphore_mem>>) src(%dma_wait3A_280 : memref<800x32xf32, #tpu.memory_space<hbm>>) dst(%arg14 : memref<800x32xf32, #tpu.memory_space<vmem>>)
    %add3A_281 = arith.constant 0 : i32
    %add3A_282 = arith.addi %mul3A_2, %add3A_281 : i32
    %dma_start3A_283 = arith.constant 0 : i32
    %dma_start3A_284 = tpu.memref_slice %arg4[%add3A_282, %dma_start3A_283] : memref<819200x32xf32, #tpu.memory_space<hbm>> -> memref<800x32xf32, #tpu.memory_space<hbm>>
    %dma_start3A_285 = arith.constant 0 : i32
    %dma_start3A_286 = tpu.memref_slice %arg4[%add3A_282, %dma_start3A_285] : memref<819200x32xf32, #tpu.memory_space<hbm>> -> memref<800x32xf32, #tpu.memory_space<hbm>>
    tpu.enqueue_dma source(%arg14 : memref<800x32xf32, #tpu.memory_space<vmem>>) target(%dma_start3A_286 : memref<800x32xf32, #tpu.memory_space<hbm>>) target_semaphore(%arg26 : memref<!tpu.dma_semaphore, #tpu.memory_space<semaphore_mem>>)
    %dma_start3A_287 = arith.constant 0 : i32
    %dma_start3A_288 = arith.constant 0 : i32
    %dma_start3A_289 = tpu.memref_slice %arg3[%dma_start3A_287, %dma_start3A_288] : memref<1000000x32xf32, #tpu.memory_space<hbm>> -> memref<1000000x32xf32, #tpu.memory_space<hbm>>
    tpu.enqueue_indirect_dma source(%dma_start3A_289 : memref<1000000x32xf32, #tpu.memory_space<hbm>>) target(%arg16 : memref<800x32xf32, #tpu.memory_space<vmem>>) offsets(%arg10 : memref<800xi32, #tpu.memory_space<vmem>>) semaphore(%arg22 : memref<!tpu.dma_semaphore, #tpu.memory_space<semaphore_mem>>)
    %scan3A_290 = arith.constant 0 : i32
    %scan3A_291 = arith.constant 1 : i32
    %scan3A_292 = arith.constant 8 : i32
    %scan3A_293 = arith.addi %scan3A_291, %scan3A_292 : i32
    %scan3A_294 = arith.constant 1 : i32
    %scan3A_295 = scf.for %scan3A_891 = %scan3A_291 to %scan3A_293 step %scan3A_294 iter_args(%scan3A_892 = %scan3A_290) -> (i32)  : i32 {
      %mul3A_893 = arith.constant 3 : i32
      %mul3A_894 = arith.muli %mul3A_893, %scan3A_891 : i32
      %add3A_895 = arith.constant 0 : i32
      %add3A_896 = arith.addi %mul3A_894, %add3A_895 : i32
      %dma_wait3A_897 = arith.constant 0 : i32
      %dma_wait3A_898 = tpu.memref_slice %arg2[%dma_wait3A_897] : memref<819200xi32, #tpu.memory_space<hbm>> -> memref<800xi32, #tpu.memory_space<hbm>>
      %dma_wait3A_899 = arith.constant 0 : i32
      %dma_wait3A_900 = tpu.memref_slice %arg2[%dma_wait3A_899] : memref<819200xi32, #tpu.memory_space<hbm>> -> memref<800xi32, #tpu.memory_space<hbm>>
      tpu.wait_dma2 semaphore(%arg17 : memref<!tpu.dma_semaphore, #tpu.memory_space<semaphore_mem>>) src(%dma_wait3A_900 : memref<800xi32, #tpu.memory_space<hbm>>) dst(%arg5 : memref<800xi32, #tpu.memory_space<vmem>>)
      %scan3A_901 = arith.constant 0 : i32
      %scan3A_902 = arith.constant 0 : i32
      %scan3A_903 = arith.constant 48 : i32
      %scan3A_904 = arith.addi %scan3A_902, %scan3A_903 : i32
      %scan3A_905 = arith.constant 4 : i32
      %scan3A_906 = scf.for %scan3A_1256 = %scan3A_902 to %scan3A_904 step %scan3A_905 iter_args(%scan3A_1257 = %scan3A_901) -> (i32)  : i32 {
        %mul3A_1258 = arith.constant 16 : i32
        %mul3A_1259 = arith.muli %scan3A_1256, %mul3A_1258 : i32
        %get3A_1260 = arith.index_cast %mul3A_1259 : i32 to index
        %get3A_1261 = tpu.vector_load %arg5[%get3A_1260] {strides = array<i32>} : memref<800xi32, #tpu.memory_space<vmem>>, vector<16xi32>,
        %get3A_1262 = vector.shape_cast %get3A_1261 : vector<16xi32> to vector<16xi32>
        %shift_right_logical3A_1263 = arith.constant 8 : i32
        %shift_right_logical3A_1264 = vector.broadcast %shift_right_logical3A_1263 : i32 to vector<16xi32>
        %shift_right_logical3A_1265 = arith.shrui %get3A_1262, %shift_right_logical3A_1264 : vector<16xi32>
        %mul3A_1266 = arith.constant 10 : i32
        %mul3A_1267 = vector.broadcast %mul3A_1266 : i32 to vector<16xi32>
        %mul3A_1268 = arith.muli %shift_right_logical3A_1265, %mul3A_1267 : vector<16xi32>
        %shift_right_logical3A_1269 = arith.constant 4 : i32
        %shift_right_logical3A_1270 = vector.broadcast %shift_right_logical3A_1269 : i32 to vector<16xi32>
        %shift_right_logical3A_1271 = arith.shrui %get3A_1262, %shift_right_logical3A_1270 : vector<16xi32>
        %and3A_1272 = arith.constant 15 : i32
        %and3A_1273 = vector.broadcast %and3A_1272 : i32 to vector<16xi32>
        %and3A_1274 = arith.andi %shift_right_logical3A_1271, %and3A_1273 : vector<16xi32>
        %add3A_1275 = arith.addi %mul3A_1268, %and3A_1274 : vector<16xi32>
        %swap3A_1276 = arith.index_cast %mul3A_1259 : i32 to index
        %swap3A_1277 = tpu.vector_load %arg8[%swap3A_1276] {strides = array<i32>} : memref<800xi32, #tpu.memory_space<vmem>>, vector<16xi32>,
        %swap3A_1278 = vector.shape_cast %swap3A_1277 : vector<16xi32> to vector<16xi32>
        %swap3A_1279 = vector.shape_cast %add3A_1275 : vector<16xi32> to vector<16xi32>
        tpu.vector_store %arg8[%swap3A_1276], %swap3A_1279 {strides = array<i32>} : memref<800xi32, #tpu.memory_space<vmem>>, vector<16xi32>,
        %and3A_1280 = arith.constant 15 : i32
        %and3A_1281 = vector.broadcast %and3A_1280 : i32 to vector<16xi32>
        %and3A_1282 = arith.andi %get3A_1262, %and3A_1281 : vector<16xi32>
        %add3A_1283 = arith.addi %mul3A_1268, %and3A_1282 : vector<16xi32>
        %swap3A_1284 = arith.index_cast %mul3A_1259 : i32 to index
        %swap3A_1285 = tpu.vector_load %arg11[%swap3A_1284] {strides = array<i32>} : memref<800xi32, #tpu.memory_space<vmem>>, vector<16xi32>,
        %swap3A_1286 = vector.shape_cast %swap3A_1285 : vector<16xi32> to vector<16xi32>
        %swap3A_1287 = vector.shape_cast %add3A_1283 : vector<16xi32> to vector<16xi32>
        tpu.vector_store %arg11[%swap3A_1284], %swap3A_1287 {strides = array<i32>} : memref<800xi32, #tpu.memory_space<vmem>>, vector<16xi32>,
        %scan3A_1288 = arith.constant 0 : i32
        %scan3A_1289 = arith.constant 1 : i32
        %scan3A_1290 = arith.addi %scan3A_1256, %scan3A_1289 : i32
        %mul3A_1291 = arith.constant 16 : i32
        %mul3A_1292 = arith.muli %scan3A_1290, %mul3A_1291 : i32
        %get3A_1293 = arith.index_cast %mul3A_1292 : i32 to index
        %get3A_1294 = tpu.vector_load %arg5[%get3A_1293] {strides = array<i32>} : memref<800xi32, #tpu.memory_space<vmem>>, vector<16xi32>,
        %get3A_1295 = vector.shape_cast %get3A_1294 : vector<16xi32> to vector<16xi32>
        %shift_right_logical3A_1296 = arith.constant 8 : i32
        %shift_right_logical3A_1297 = vector.broadcast %shift_right_logical3A_1296 : i32 to vector<16xi32>
        %shift_right_logical3A_1298 = arith.shrui %get3A_1295, %shift_right_logical3A_1297 : vector<16xi32>
        %mul3A_1299 = arith.constant 10 : i32
        %mul3A_1300 = vector.broadcast %mul3A_1299 : i32 to vector<16xi32>
        %mul3A_1301 = arith.muli %shift_right_logical3A_1298, %mul3A_1300 : vector<16xi32>
        %shift_right_logical3A_1302 = arith.constant 4 : i32
        %shift_right_logical3A_1303 = vector.broadcast %shift_right_logical3A_1302 : i32 to vector<16xi32>
        %shift_right_logical3A_1304 = arith.shrui %get3A_1295, %shift_right_logical3A_1303 : vector<16xi32>
        %and3A_1305 = arith.constant 15 : i32
        %and3A_1306 = vector.broadcast %and3A_1305 : i32 to vector<16xi32>
        %and3A_1307 = arith.andi %shift_right_logical3A_1304, %and3A_1306 : vector<16xi32>
        %add3A_1308 = arith.addi %mul3A_1301, %and3A_1307 : vector<16xi32>
        %swap3A_1309 = arith.index_cast %mul3A_1292 : i32 to index
        %swap3A_1310 = tpu.vector_load %arg8[%swap3A_1309] {strides = array<i32>} : memref<800xi32, #tpu.memory_space<vmem>>, vector<16xi32>,
        %swap3A_1311 = vector.shape_cast %swap3A_1310 : vector<16xi32> to vector<16xi32>
        %swap3A_1312 = vector.shape_cast %add3A_1308 : vector<16xi32> to vector<16xi32>
        tpu.vector_store %arg8[%swap3A_1309], %swap3A_1312 {strides = array<i32>} : memref<800xi32, #tpu.memory_space<vmem>>, vector<16xi32>,
        %and3A_1313 = arith.constant 15 : i32
        %and3A_1314 = vector.broadcast %and3A_1313 : i32 to vector<16xi32>
        %and3A_1315 = arith.andi %get3A_1295, %and3A_1314 : vector<16xi32>
        %add3A_1316 = arith.addi %mul3A_1301, %and3A_1315 : vector<16xi32>
        %swap3A_1317 = arith.index_cast %mul3A_1292 : i32 to index
        %swap3A_1318 = tpu.vector_load %arg11[%swap3A_1317] {strides = array<i32>} : memref<800xi32, #tpu.memory_space<vmem>>, vector<16xi32>,
        %swap3A_1319 = vector.shape_cast %swap3A_1318 : vector<16xi32> to vector<16xi32>
        %swap3A_1320 = vector.shape_cast %add3A_1316 : vector<16xi32> to vector<16xi32>
        tpu.vector_store %arg11[%swap3A_1317], %swap3A_1320 {strides = array<i32>} : memref<800xi32, #tpu.memory_space<vmem>>, vector<16xi32>,
        %scan3A_1321 = arith.constant 0 : i32
        %scan3A_1322 = arith.constant 2 : i32
        %scan3A_1323 = arith.addi %scan3A_1256, %scan3A_1322 : i32
        %mul3A_1324 = arith.constant 16 : i32
        %mul3A_1325 = arith.muli %scan3A_1323, %mul3A_1324 : i32
        %get3A_1326 = arith.index_cast %mul3A_1325 : i32 to index
        %get3A_1327 = tpu.vector_load %arg5[%get3A_1326] {strides = array<i32>} : memref<800xi32, #tpu.memory_space<vmem>>, vector<16xi32>,
        %get3A_1328 = vector.shape_cast %get3A_1327 : vector<16xi32> to vector<16xi32>
        %shift_right_logical3A_1329 = arith.constant 8 : i32
        %shift_right_logical3A_1330 = vector.broadcast %shift_right_logical3A_1329 : i32 to vector<16xi32>
        %shift_right_logical3A_1331 = arith.shrui %get3A_1328, %shift_right_logical3A_1330 : vector<16xi32>
        %mul3A_1332 = arith.constant 10 : i32
        %mul3A_1333 = vector.broadcast %mul3A_1332 : i32 to vector<16xi32>
        %mul3A_1334 = arith.muli %shift_right_logical3A_1331, %mul3A_1333 : vector<16xi32>
        %shift_right_logical3A_1335 = arith.constant 4 : i32
        %shift_right_logical3A_1336 = vector.broadcast %shift_right_logical3A_1335 : i32 to vector<16xi32>
        %shift_right_logical3A_1337 = arith.shrui %get3A_1328, %shift_right_logical3A_1336 : vector<16xi32>
        %and3A_1338 = arith.constant 15 : i32
        %and3A_1339 = vector.broadcast %and3A_1338 : i32 to vector<16xi32>
        %and3A_1340 = arith.andi %shift_right_logical3A_1337, %and3A_1339 : vector<16xi32>
        %add3A_1341 = arith.addi %mul3A_1334, %and3A_1340 : vector<16xi32>
        %swap3A_1342 = arith.index_cast %mul3A_1325 : i32 to index
        %swap3A_1343 = tpu.vector_load %arg8[%swap3A_1342] {strides = array<i32>} : memref<800xi32, #tpu.memory_space<vmem>>, vector<16xi32>,
        %swap3A_1344 = vector.shape_cast %swap3A_1343 : vector<16xi32> to vector<16xi32>
        %swap3A_1345 = vector.shape_cast %add3A_1341 : vector<16xi32> to vector<16xi32>
        tpu.vector_store %arg8[%swap3A_1342], %swap3A_1345 {strides = array<i32>} : memref<800xi32, #tpu.memory_space<vmem>>, vector<16xi32>,
        %and3A_1346 = arith.constant 15 : i32
        %and3A_1347 = vector.broadcast %and3A_1346 : i32 to vector<16xi32>
        %and3A_1348 = arith.andi %get3A_1328, %and3A_1347 : vector<16xi32>
        %add3A_1349 = arith.addi %mul3A_1334, %and3A_1348 : vector<16xi32>
        %swap3A_1350 = arith.index_cast %mul3A_1325 : i32 to index
        %swap3A_1351 = tpu.vector_load %arg11[%swap3A_1350] {strides = array<i32>} : memref<800xi32, #tpu.memory_space<vmem>>, vector<16xi32>,
        %swap3A_1352 = vector.shape_cast %swap3A_1351 : vector<16xi32> to vector<16xi32>
        %swap3A_1353 = vector.shape_cast %add3A_1349 : vector<16xi32> to vector<16xi32>
        tpu.vector_store %arg11[%swap3A_1350], %swap3A_1353 {strides = array<i32>} : memref<800xi32, #tpu.memory_space<vmem>>, vector<16xi32>,
        %scan3A_1354 = arith.constant 0 : i32
        %scan3A_1355 = arith.constant 3 : i32
        %scan3A_1356 = arith.addi %scan3A_1256, %scan3A_1355 : i32
        %mul3A_1357 = arith.constant 16 : i32
        %mul3A_1358 = arith.muli %scan3A_1356, %mul3A_1357 : i32
        %get3A_1359 = arith.index_cast %mul3A_1358 : i32 to index
        %get3A_1360 = tpu.vector_load %arg5[%get3A_1359] {strides = array<i32>} : memref<800xi32, #tpu.memory_space<vmem>>, vector<16xi32>,
        %get3A_1361 = vector.shape_cast %get3A_1360 : vector<16xi32> to vector<16xi32>
        %shift_right_logical3A_1362 = arith.constant 8 : i32
        %shift_right_logical3A_1363 = vector.broadcast %shift_right_logical3A_1362 : i32 to vector<16xi32>
        %shift_right_logical3A_1364 = arith.shrui %get3A_1361, %shift_right_logical3A_1363 : vector<16xi32>
        %mul3A_1365 = arith.constant 10 : i32
        %mul3A_1366 = vector.broadcast %mul3A_1365 : i32 to vector<16xi32>
        %mul3A_1367 = arith.muli %shift_right_logical3A_1364, %mul3A_1366 : vector<16xi32>
        %shift_right_logical3A_1368 = arith.constant 4 : i32
        %shift_right_logical3A_1369 = vector.broadcast %shift_right_logical3A_1368 : i32 to vector<16xi32>
        %shift_right_logical3A_1370 = arith.shrui %get3A_1361, %shift_right_logical3A_1369 : vector<16xi32>
        %and3A_1371 = arith.constant 15 : i32
        %and3A_1372 = vector.broadcast %and3A_1371 : i32 to vector<16xi32>
        %and3A_1373 = arith.andi %shift_right_logical3A_1370, %and3A_1372 : vector<16xi32>
        %add3A_1374 = arith.addi %mul3A_1367, %and3A_1373 : vector<16xi32>
        %swap3A_1375 = arith.index_cast %mul3A_1358 : i32 to index
        %swap3A_1376 = tpu.vector_load %arg8[%swap3A_1375] {strides = array<i32>} : memref<800xi32, #tpu.memory_space<vmem>>, vector<16xi32>,
        %swap3A_1377 = vector.shape_cast %swap3A_1376 : vector<16xi32> to vector<16xi32>
        %swap3A_1378 = vector.shape_cast %add3A_1374 : vector<16xi32> to vector<16xi32>
        tpu.vector_store %arg8[%swap3A_1375], %swap3A_1378 {strides = array<i32>} : memref<800xi32, #tpu.memory_space<vmem>>, vector<16xi32>,
        %and3A_1379 = arith.constant 15 : i32
        %and3A_1380 = vector.broadcast %and3A_1379 : i32 to vector<16xi32>
        %and3A_1381 = arith.andi %get3A_1361, %and3A_1380 : vector<16xi32>
        %add3A_1382 = arith.addi %mul3A_1367, %and3A_1381 : vector<16xi32>
        %swap3A_1383 = arith.index_cast %mul3A_1358 : i32 to index
        %swap3A_1384 = tpu.vector_load %arg11[%swap3A_1383] {strides = array<i32>} : memref<800xi32, #tpu.memory_space<vmem>>, vector<16xi32>,
        %swap3A_1385 = vector.shape_cast %swap3A_1384 : vector<16xi32> to vector<16xi32>
        %swap3A_1386 = vector.shape_cast %add3A_1382 : vector<16xi32> to vector<16xi32>
        tpu.vector_store %arg11[%swap3A_1383], %swap3A_1386 {strides = array<i32>} : memref<800xi32, #tpu.memory_space<vmem>>, vector<16xi32>,
        %scan3A_1387 = arith.constant 0 : i32
        scf.yield %scan3A_1387 : i32
      }
      %scan3A_907 = arith.constant 48 : i32
      %scan3A_908 = arith.addi %scan3A_902, %scan3A_907 : i32
      %mul3A_909 = arith.constant 16 : i32
      %mul3A_910 = arith.muli %scan3A_908, %mul3A_909 : i32
      %get3A_911 = arith.index_cast %mul3A_910 : i32 to index
      %get3A_912 = tpu.vector_load %arg5[%get3A_911] {strides = array<i32>} : memref<800xi32, #tpu.memory_space<vmem>>, vector<16xi32>,
      %get3A_913 = vector.shape_cast %get3A_912 : vector<16xi32> to vector<16xi32>
      %shift_right_logical3A_914 = arith.constant 8 : i32
      %shift_right_logical3A_915 = vector.broadcast %shift_right_logical3A_914 : i32 to vector<16xi32>
      %shift_right_logical3A_916 = arith.shrui %get3A_913, %shift_right_logical3A_915 : vector<16xi32>
      %mul3A_917 = arith.constant 10 : i32
      %mul3A_918 = vector.broadcast %mul3A_917 : i32 to vector<16xi32>
      %mul3A_919 = arith.muli %shift_right_logical3A_916, %mul3A_918 : vector<16xi32>
      %shift_right_logical3A_920 = arith.constant 4 : i32
      %shift_right_logical3A_921 = vector.broadcast %shift_right_logical3A_920 : i32 to vector<16xi32>
      %shift_right_logical3A_922 = arith.shrui %get3A_913, %shift_right_logical3A_921 : vector<16xi32>
      %and3A_923 = arith.constant 15 : i32
      %and3A_924 = vector.broadcast %and3A_923 : i32 to vector<16xi32>
      %and3A_925 = arith.andi %shift_right_logical3A_922, %and3A_924 : vector<16xi32>
      %add3A_926 = arith.addi %mul3A_919, %and3A_925 : vector<16xi32>
      %swap3A_927 = arith.index_cast %mul3A_910 : i32 to index
      %swap3A_928 = tpu.vector_load %arg8[%swap3A_927] {strides = array<i32>} : memref<800xi32, #tpu.memory_space<vmem>>, vector<16xi32>,
      %swap3A_929 = vector.shape_cast %swap3A_928 : vector<16xi32> to vector<16xi32>
      %swap3A_930 = vector.shape_cast %add3A_926 : vector<16xi32> to vector<16xi32>
      tpu.vector_store %arg8[%swap3A_927], %swap3A_930 {strides = array<i32>} : memref<800xi32, #tpu.memory_space<vmem>>, vector<16xi32>,
      %and3A_931 = arith.constant 15 : i32
      %and3A_932 = vector.broadcast %and3A_931 : i32 to vector<16xi32>
      %and3A_933 = arith.andi %get3A_913, %and3A_932 : vector<16xi32>
      %add3A_934 = arith.addi %mul3A_919, %and3A_933 : vector<16xi32>
      %swap3A_935 = arith.index_cast %mul3A_910 : i32 to index
      %swap3A_936 = tpu.vector_load %arg11[%swap3A_935] {strides = array<i32>} : memref<800xi32, #tpu.memory_space<vmem>>, vector<16xi32>,
      %swap3A_937 = vector.shape_cast %swap3A_936 : vector<16xi32> to vector<16xi32>
      %swap3A_938 = vector.shape_cast %add3A_934 : vector<16xi32> to vector<16xi32>
      tpu.vector_store %arg11[%swap3A_935], %swap3A_938 {strides = array<i32>} : memref<800xi32, #tpu.memory_space<vmem>>, vector<16xi32>,
      %scan3A_939 = arith.constant 0 : i32
      %scan3A_940 = arith.constant 49 : i32
      %scan3A_941 = arith.addi %scan3A_902, %scan3A_940 : i32
      %mul3A_942 = arith.constant 16 : i32
      %mul3A_943 = arith.muli %scan3A_941, %mul3A_942 : i32
      %get3A_944 = arith.index_cast %mul3A_943 : i32 to index
      %get3A_945 = tpu.vector_load %arg5[%get3A_944] {strides = array<i32>} : memref<800xi32, #tpu.memory_space<vmem>>, vector<16xi32>,
      %get3A_946 = vector.shape_cast %get3A_945 : vector<16xi32> to vector<16xi32>
      %shift_right_logical3A_947 = arith.constant 8 : i32
      %shift_right_logical3A_948 = vector.broadcast %shift_right_logical3A_947 : i32 to vector<16xi32>
      %shift_right_logical3A_949 = arith.shrui %get3A_946, %shift_right_logical3A_948 : vector<16xi32>
      %mul3A_950 = arith.constant 10 : i32
      %mul3A_951 = vector.broadcast %mul3A_950 : i32 to vector<16xi32>
      %mul3A_952 = arith.muli %shift_right_logical3A_949, %mul3A_951 : vector<16xi32>
      %shift_right_logical3A_953 = arith.constant 4 : i32
      %shift_right_logical3A_954 = vector.broadcast %shift_right_logical3A_953 : i32 to vector<16xi32>
      %shift_right_logical3A_955 = arith.shrui %get3A_946, %shift_right_logical3A_954 : vector<16xi32>
      %and3A_956 = arith.constant 15 : i32
      %and3A_957 = vector.broadcast %and3A_956 : i32 to vector<16xi32>
      %and3A_958 = arith.andi %shift_right_logical3A_955, %and3A_957 : vector<16xi32>
      %add3A_959 = arith.addi %mul3A_952, %and3A_958 : vector<16xi32>
      %swap3A_960 = arith.index_cast %mul3A_943 : i32 to index
      %swap3A_961 = tpu.vector_load %arg8[%swap3A_960] {strides = array<i32>} : memref<800xi32, #tpu.memory_space<vmem>>, vector<16xi32>,
      %swap3A_962 = vector.shape_cast %swap3A_961 : vector<16xi32> to vector<16xi32>
      %swap3A_963 = vector.shape_cast %add3A_959 : vector<16xi32> to vector<16xi32>
      tpu.vector_store %arg8[%swap3A_960], %swap3A_963 {strides = array<i32>} : memref<800xi32, #tpu.memory_space<vmem>>, vector<16xi32>,
      %and3A_964 = arith.constant 15 : i32
      %and3A_965 = vector.broadcast %and3A_964 : i32 to vector<16xi32>
      %and3A_966 = arith.andi %get3A_946, %and3A_965 : vector<16xi32>
      %add3A_967 = arith.addi %mul3A_952, %and3A_966 : vector<16xi32>
      %swap3A_968 = arith.index_cast %mul3A_943 : i32 to index
      %swap3A_969 = tpu.vector_load %arg11[%swap3A_968] {strides = array<i32>} : memref<800xi32, #tpu.memory_space<vmem>>, vector<16xi32>,
      %swap3A_970 = vector.shape_cast %swap3A_969 : vector<16xi32> to vector<16xi32>
      %swap3A_971 = vector.shape_cast %add3A_967 : vector<16xi32> to vector<16xi32>
      tpu.vector_store %arg11[%swap3A_968], %swap3A_971 {strides = array<i32>} : memref<800xi32, #tpu.memory_space<vmem>>, vector<16xi32>,
      %scan3A_972 = arith.constant 0 : i32
      %scan3A_973 = arith.constant 50 : i32
      %add3A_974 = arith.constant 3 : i32
      %add3A_975 = arith.addi %add3A_896, %add3A_974 : i32
      %mul3A_976 = arith.constant 800 : i32
      %mul3A_977 = arith.muli %add3A_975, %mul3A_976 : i32
      %add3A_978 = arith.addi %mul3A_2, %mul3A_977 : i32
      %dma_start3A_979 = tpu.memref_slice %arg2[%add3A_978] : memref<819200xi32, #tpu.memory_space<hbm>> -> memref<800xi32, #tpu.memory_space<hbm>>
      %dma_start3A_980 = tpu.memref_slice %arg2[%add3A_978] : memref<819200xi32, #tpu.memory_space<hbm>> -> memref<800xi32, #tpu.memory_space<hbm>>
      tpu.enqueue_dma source(%dma_start3A_980 : memref<800xi32, #tpu.memory_space<hbm>>) target(%arg5 : memref<800xi32, #tpu.memory_space<vmem>>) target_semaphore(%arg17 : memref<!tpu.dma_semaphore, #tpu.memory_space<semaphore_mem>>)
      %dma_wait3A_981 = arith.constant 0 : i32
      %dma_wait3A_982 = arith.constant 0 : i32
      %dma_wait3A_983 = tpu.memref_slice %arg3[%dma_wait3A_981, %dma_wait3A_982] : memref<1000000x32xf32, #tpu.memory_space<hbm>> -> memref<800x32xf32, #tpu.memory_space<hbm>>
      %dma_wait3A_984 = arith.constant 0 : i32
      %dma_wait3A_985 = arith.constant 0 : i32
      %dma_wait3A_986 = tpu.memref_slice %arg3[%dma_wait3A_984, %dma_wait3A_985] : memref<1000000x32xf32, #tpu.memory_space<hbm>> -> memref<800x32xf32, #tpu.memory_space<hbm>>
      tpu.wait_dma2 semaphore(%arg22 : memref<!tpu.dma_semaphore, #tpu.memory_space<semaphore_mem>>) src(%dma_wait3A_986 : memref<800x32xf32, #tpu.memory_space<hbm>>) dst(%arg16 : memref<800x32xf32, #tpu.memory_space<vmem>>)
      %dma_start3A_987 = arith.constant 0 : i32
      %dma_start3A_988 = arith.constant 0 : i32
      %dma_start3A_989 = tpu.memref_slice %arg3[%dma_start3A_987, %dma_start3A_988] : memref<1000000x32xf32, #tpu.memory_space<hbm>> -> memref<1000000x32xf32, #tpu.memory_space<hbm>>
      tpu.enqueue_indirect_dma source(%dma_start3A_989 : memref<1000000x32xf32, #tpu.memory_space<hbm>>) target(%arg16 : memref<800x32xf32, #tpu.memory_space<vmem>>) offsets(%arg13 : memref<800xi32, #tpu.memory_space<vmem>>) semaphore(%arg25 : memref<!tpu.dma_semaphore, #tpu.memory_space<semaphore_mem>>) {add = true}
      %dma_wait3A_990 = arith.constant 0 : i32
      %dma_wait3A_991 = arith.constant 0 : i32
      %dma_wait3A_992 = tpu.memref_slice %arg3[%dma_wait3A_990, %dma_wait3A_991] : memref<1000000x32xf32, #tpu.memory_space<hbm>> -> memref<800x32xf32, #tpu.memory_space<hbm>>
      %dma_wait3A_993 = arith.constant 0 : i32
      %dma_wait3A_994 = arith.constant 0 : i32
      %dma_wait3A_995 = tpu.memref_slice %arg3[%dma_wait3A_993, %dma_wait3A_994] : memref<1000000x32xf32, #tpu.memory_space<hbm>> -> memref<800x32xf32, #tpu.memory_space<hbm>>
      tpu.wait_dma2 semaphore(%arg24 : memref<!tpu.dma_semaphore, #tpu.memory_space<semaphore_mem>>) src(%dma_wait3A_995 : memref<800x32xf32, #tpu.memory_space<hbm>>) dst(%arg15 : memref<800x32xf32, #tpu.memory_space<vmem>>)
      %sub3A = arith.constant 2 : i32
      %sub3A_996 = arith.subi %add3A_896, %sub3A : i32
      %mul3A_997 = arith.constant 800 : i32
      %mul3A_998 = arith.muli %sub3A_996, %mul3A_997 : i32
      %add3A_999 = arith.addi %mul3A_2, %mul3A_998 : i32
      %dma_start3A_1000 = arith.constant 0 : i32
      %dma_start3A_1001 = tpu.memref_slice %arg4[%add3A_999, %dma_start3A_1000] : memref<819200x32xf32, #tpu.memory_space<hbm>> -> memref<800x32xf32, #tpu.memory_space<hbm>>
      %dma_start3A_1002 = arith.constant 0 : i32
      %dma_start3A_1003 = tpu.memref_slice %arg4[%add3A_999, %dma_start3A_1002] : memref<819200x32xf32, #tpu.memory_space<hbm>> -> memref<800x32xf32, #tpu.memory_space<hbm>>
      tpu.enqueue_dma source(%arg15 : memref<800x32xf32, #tpu.memory_space<vmem>>) target(%dma_start3A_1003 : memref<800x32xf32, #tpu.memory_space<hbm>>) target_semaphore(%arg27 : memref<!tpu.dma_semaphore, #tpu.memory_space<semaphore_mem>>)
      %dma_wait3A_1004 = arith.constant 0 : i32
      %dma_wait3A_1005 = arith.constant 0 : i32
      %dma_wait3A_1006 = tpu.memref_slice %arg4[%dma_wait3A_1004, %dma_wait3A_1005] : memref<819200x32xf32, #tpu.memory_space<hbm>> -> memref<800x32xf32, #tpu.memory_space<hbm>>
      %dma_wait3A_1007 = arith.constant 0 : i32
      %dma_wait3A_1008 = arith.constant 0 : i32
      %dma_wait3A_1009 = tpu.memref_slice %arg4[%dma_wait3A_1007, %dma_wait3A_1008] : memref<819200x32xf32, #tpu.memory_space<hbm>> -> memref<800x32xf32, #tpu.memory_space<hbm>>
      tpu.wait_dma2 semaphore(%arg26 : memref<!tpu.dma_semaphore, #tpu.memory_space<semaphore_mem>>) src(%arg14 : memref<800x32xf32, #tpu.memory_space<vmem>>) dst(%dma_wait3A_1009 : memref<800x32xf32, #tpu.memory_space<hbm>>)
      %dma_start3A_1010 = arith.constant 0 : i32
      %dma_start3A_1011 = arith.constant 0 : i32
      %dma_start3A_1012 = tpu.memref_slice %arg3[%dma_start3A_1010, %dma_start3A_1011] : memref<1000000x32xf32, #tpu.memory_space<hbm>> -> memref<1000000x32xf32, #tpu.memory_space<hbm>>
      tpu.enqueue_indirect_dma source(%dma_start3A_1012 : memref<1000000x32xf32, #tpu.memory_space<hbm>>) target(%arg14 : memref<800x32xf32, #tpu.memory_space<vmem>>) offsets(%arg8 : memref<800xi32, #tpu.memory_space<vmem>>) semaphore(%arg20 : memref<!tpu.dma_semaphore, #tpu.memory_space<semaphore_mem>>)
      %mul3A_1013 = arith.constant 3 : i32
      %mul3A_1014 = arith.muli %mul3A_1013, %scan3A_891 : i32
      %add3A_1015 = arith.constant 1 : i32
      %add3A_1016 = arith.addi %mul3A_1014, %add3A_1015 : i32
      %dma_wait3A_1017 = arith.constant 0 : i32
      %dma_wait3A_1018 = tpu.memref_slice %arg2[%dma_wait3A_1017] : memref<819200xi32, #tpu.memory_space<hbm>> -> memref<800xi32, #tpu.memory_space<hbm>>
      %dma_wait3A_1019 = arith.constant 0 : i32
      %dma_wait3A_1020 = tpu.memref_slice %arg2[%dma_wait3A_1019] : memref<819200xi32, #tpu.memory_space<hbm>> -> memref<800xi32, #tpu.memory_space<hbm>>
      tpu.wait_dma2 semaphore(%arg18 : memref<!tpu.dma_semaphore, #tpu.memory_space<semaphore_mem>>) src(%dma_wait3A_1020 : memref<800xi32, #tpu.memory_space<hbm>>) dst(%arg6 : memref<800xi32, #tpu.memory_space<vmem>>)
      %scan3A_1021 = arith.constant 0 : i32
      %scan3A_1022 = arith.constant 0 : i32
      %scan3A_1023 = arith.constant 48 : i32
      %scan3A_1024 = arith.addi %scan3A_1022, %scan3A_1023 : i32
      %scan3A_1025 = arith.constant 4 : i32
      %scan3A_1026 = scf.for %scan3A_1256 = %scan3A_1022 to %scan3A_1024 step %scan3A_1025 iter_args(%scan3A_1257 = %scan3A_1021) -> (i32)  : i32 {
        %mul3A_1258 = arith.constant 16 : i32
        %mul3A_1259 = arith.muli %scan3A_1256, %mul3A_1258 : i32
        %get3A_1260 = arith.index_cast %mul3A_1259 : i32 to index
        %get3A_1261 = tpu.vector_load %arg6[%get3A_1260] {strides = array<i32>} : memref<800xi32, #tpu.memory_space<vmem>>, vector<16xi32>,
        %get3A_1262 = vector.shape_cast %get3A_1261 : vector<16xi32> to vector<16xi32>
        %shift_right_logical3A_1263 = arith.constant 8 : i32
        %shift_right_logical3A_1264 = vector.broadcast %shift_right_logical3A_1263 : i32 to vector<16xi32>
        %shift_right_logical3A_1265 = arith.shrui %get3A_1262, %shift_right_logical3A_1264 : vector<16xi32>
        %mul3A_1266 = arith.constant 10 : i32
        %mul3A_1267 = vector.broadcast %mul3A_1266 : i32 to vector<16xi32>
        %mul3A_1268 = arith.muli %shift_right_logical3A_1265, %mul3A_1267 : vector<16xi32>
        %shift_right_logical3A_1269 = arith.constant 4 : i32
        %shift_right_logical3A_1270 = vector.broadcast %shift_right_logical3A_1269 : i32 to vector<16xi32>
        %shift_right_logical3A_1271 = arith.shrui %get3A_1262, %shift_right_logical3A_1270 : vector<16xi32>
        %and3A_1272 = arith.constant 15 : i32
        %and3A_1273 = vector.broadcast %and3A_1272 : i32 to vector<16xi32>
        %and3A_1274 = arith.andi %shift_right_logical3A_1271, %and3A_1273 : vector<16xi32>
        %add3A_1275 = arith.addi %mul3A_1268, %and3A_1274 : vector<16xi32>
        %swap3A_1276 = arith.index_cast %mul3A_1259 : i32 to index
        %swap3A_1277 = tpu.vector_load %arg9[%swap3A_1276] {strides = array<i32>} : memref<800xi32, #tpu.memory_space<vmem>>, vector<16xi32>,
        %swap3A_1278 = vector.shape_cast %swap3A_1277 : vector<16xi32> to vector<16xi32>
        %swap3A_1279 = vector.shape_cast %add3A_1275 : vector<16xi32> to vector<16xi32>
        tpu.vector_store %arg9[%swap3A_1276], %swap3A_1279 {strides = array<i32>} : memref<800xi32, #tpu.memory_space<vmem>>, vector<16xi32>,
        %and3A_1280 = arith.constant 15 : i32
        %and3A_1281 = vector.broadcast %and3A_1280 : i32 to vector<16xi32>
        %and3A_1282 = arith.andi %get3A_1262, %and3A_1281 : vector<16xi32>
        %add3A_1283 = arith.addi %mul3A_1268, %and3A_1282 : vector<16xi32>
        %swap3A_1284 = arith.index_cast %mul3A_1259 : i32 to index
        %swap3A_1285 = tpu.vector_load %arg12[%swap3A_1284] {strides = array<i32>} : memref<800xi32, #tpu.memory_space<vmem>>, vector<16xi32>,
        %swap3A_1286 = vector.shape_cast %swap3A_1285 : vector<16xi32> to vector<16xi32>
        %swap3A_1287 = vector.shape_cast %add3A_1283 : vector<16xi32> to vector<16xi32>
        tpu.vector_store %arg12[%swap3A_1284], %swap3A_1287 {strides = array<i32>} : memref<800xi32, #tpu.memory_space<vmem>>, vector<16xi32>,
        %scan3A_1288 = arith.constant 0 : i32
        %scan3A_1289 = arith.constant 1 : i32
        %scan3A_1290 = arith.addi %scan3A_1256, %scan3A_1289 : i32
        %mul3A_1291 = arith.constant 16 : i32
        %mul3A_1292 = arith.muli %scan3A_1290, %mul3A_1291 : i32
        %get3A_1293 = arith.index_cast %mul3A_1292 : i32 to index
        %get3A_1294 = tpu.vector_load %arg6[%get3A_1293] {strides = array<i32>} : memref<800xi32, #tpu.memory_space<vmem>>, vector<16xi32>,
        %get3A_1295 = vector.shape_cast %get3A_1294 : vector<16xi32> to vector<16xi32>
        %shift_right_logical3A_1296 = arith.constant 8 : i32
        %shift_right_logical3A_1297 = vector.broadcast %shift_right_logical3A_1296 : i32 to vector<16xi32>
        %shift_right_logical3A_1298 = arith.shrui %get3A_1295, %shift_right_logical3A_1297 : vector<16xi32>
        %mul3A_1299 = arith.constant 10 : i32
        %mul3A_1300 = vector.broadcast %mul3A_1299 : i32 to vector<16xi32>
        %mul3A_1301 = arith.muli %shift_right_logical3A_1298, %mul3A_1300 : vector<16xi32>
        %shift_right_logical3A_1302 = arith.constant 4 : i32
        %shift_right_logical3A_1303 = vector.broadcast %shift_right_logical3A_1302 : i32 to vector<16xi32>
        %shift_right_logical3A_1304 = arith.shrui %get3A_1295, %shift_right_logical3A_1303 : vector<16xi32>
        %and3A_1305 = arith.constant 15 : i32
        %and3A_1306 = vector.broadcast %and3A_1305 : i32 to vector<16xi32>
        %and3A_1307 = arith.andi %shift_right_logical3A_1304, %and3A_1306 : vector<16xi32>
        %add3A_1308 = arith.addi %mul3A_1301, %and3A_1307 : vector<16xi32>
        %swap3A_1309 = arith.index_cast %mul3A_1292 : i32 to index
        %swap3A_1310 = tpu.vector_load %arg9[%swap3A_1309] {strides = array<i32>} : memref<800xi32, #tpu.memory_space<vmem>>, vector<16xi32>,
        %swap3A_1311 = vector.shape_cast %swap3A_1310 : vector<16xi32> to vector<16xi32>
        %swap3A_1312 = vector.shape_cast %add3A_1308 : vector<16xi32> to vector<16xi32>
        tpu.vector_store %arg9[%swap3A_1309], %swap3A_1312 {strides = array<i32>} : memref<800xi32, #tpu.memory_space<vmem>>, vector<16xi32>,
        %and3A_1313 = arith.constant 15 : i32
        %and3A_1314 = vector.broadcast %and3A_1313 : i32 to vector<16xi32>
        %and3A_1315 = arith.andi %get3A_1295, %and3A_1314 : vector<16xi32>
        %add3A_1316 = arith.addi %mul3A_1301, %and3A_1315 : vector<16xi32>
        %swap3A_1317 = arith.index_cast %mul3A_1292 : i32 to index
        %swap3A_1318 = tpu.vector_load %arg12[%swap3A_1317] {strides = array<i32>} : memref<800xi32, #tpu.memory_space<vmem>>, vector<16xi32>,
        %swap3A_1319 = vector.shape_cast %swap3A_1318 : vector<16xi32> to vector<16xi32>
        %swap3A_1320 = vector.shape_cast %add3A_1316 : vector<16xi32> to vector<16xi32>
        tpu.vector_store %arg12[%swap3A_1317], %swap3A_1320 {strides = array<i32>} : memref<800xi32, #tpu.memory_space<vmem>>, vector<16xi32>,
        %scan3A_1321 = arith.constant 0 : i32
        %scan3A_1322 = arith.constant 2 : i32
        %scan3A_1323 = arith.addi %scan3A_1256, %scan3A_1322 : i32
        %mul3A_1324 = arith.constant 16 : i32
        %mul3A_1325 = arith.muli %scan3A_1323, %mul3A_1324 : i32
        %get3A_1326 = arith.index_cast %mul3A_1325 : i32 to index
        %get3A_1327 = tpu.vector_load %arg6[%get3A_1326] {strides = array<i32>} : memref<800xi32, #tpu.memory_space<vmem>>, vector<16xi32>,
        %get3A_1328 = vector.shape_cast %get3A_1327 : vector<16xi32> to vector<16xi32>
        %shift_right_logical3A_1329 = arith.constant 8 : i32
        %shift_right_logical3A_1330 = vector.broadcast %shift_right_logical3A_1329 : i32 to vector<16xi32>
        %shift_right_logical3A_1331 = arith.shrui %get3A_1328, %shift_right_logical3A_1330 : vector<16xi32>
        %mul3A_1332 = arith.constant 10 : i32
        %mul3A_1333 = vector.broadcast %mul3A_1332 : i32 to vector<16xi32>
        %mul3A_1334 = arith.muli %shift_right_logical3A_1331, %mul3A_1333 : vector<16xi32>
        %shift_right_logical3A_1335 = arith.constant 4 : i32
        %shift_right_logical3A_1336 = vector.broadcast %shift_right_logical3A_1335 : i32 to vector<16xi32>
        %shift_right_logical3A_1337 = arith.shrui %get3A_1328, %shift_right_logical3A_1336 : vector<16xi32>
        %and3A_1338 = arith.constant 15 : i32
        %and3A_1339 = vector.broadcast %and3A_1338 : i32 to vector<16xi32>
        %and3A_1340 = arith.andi %shift_right_logical3A_1337, %and3A_1339 : vector<16xi32>
        %add3A_1341 = arith.addi %mul3A_1334, %and3A_1340 : vector<16xi32>
        %swap3A_1342 = arith.index_cast %mul3A_1325 : i32 to index
        %swap3A_1343 = tpu.vector_load %arg9[%swap3A_1342] {strides = array<i32>} : memref<800xi32, #tpu.memory_space<vmem>>, vector<16xi32>,
        %swap3A_1344 = vector.shape_cast %swap3A_1343 : vector<16xi32> to vector<16xi32>
        %swap3A_1345 = vector.shape_cast %add3A_1341 : vector<16xi32> to vector<16xi32>
        tpu.vector_store %arg9[%swap3A_1342], %swap3A_1345 {strides = array<i32>} : memref<800xi32, #tpu.memory_space<vmem>>, vector<16xi32>,
        %and3A_1346 = arith.constant 15 : i32
        %and3A_1347 = vector.broadcast %and3A_1346 : i32 to vector<16xi32>
        %and3A_1348 = arith.andi %get3A_1328, %and3A_1347 : vector<16xi32>
        %add3A_1349 = arith.addi %mul3A_1334, %and3A_1348 : vector<16xi32>
        %swap3A_1350 = arith.index_cast %mul3A_1325 : i32 to index
        %swap3A_1351 = tpu.vector_load %arg12[%swap3A_1350] {strides = array<i32>} : memref<800xi32, #tpu.memory_space<vmem>>, vector<16xi32>,
        %swap3A_1352 = vector.shape_cast %swap3A_1351 : vector<16xi32> to vector<16xi32>
        %swap3A_1353 = vector.shape_cast %add3A_1349 : vector<16xi32> to vector<16xi32>
        tpu.vector_store %arg12[%swap3A_1350], %swap3A_1353 {strides = array<i32>} : memref<800xi32, #tpu.memory_space<vmem>>, vector<16xi32>,
        %scan3A_1354 = arith.constant 0 : i32
        %scan3A_1355 = arith.constant 3 : i32
        %scan3A_1356 = arith.addi %scan3A_1256, %scan3A_1355 : i32
        %mul3A_1357 = arith.constant 16 : i32
        %mul3A_1358 = arith.muli %scan3A_1356, %mul3A_1357 : i32
        %get3A_1359 = arith.index_cast %mul3A_1358 : i32 to index
        %get3A_1360 = tpu.vector_load %arg6[%get3A_1359] {strides = array<i32>} : memref<800xi32, #tpu.memory_space<vmem>>, vector<16xi32>,
        %get3A_1361 = vector.shape_cast %get3A_1360 : vector<16xi32> to vector<16xi32>
        %shift_right_logical3A_1362 = arith.constant 8 : i32
        %shift_right_logical3A_1363 = vector.broadcast %shift_right_logical3A_1362 : i32 to vector<16xi32>
        %shift_right_logical3A_1364 = arith.shrui %get3A_1361, %shift_right_logical3A_1363 : vector<16xi32>
        %mul3A_1365 = arith.constant 10 : i32
        %mul3A_1366 = vector.broadcast %mul3A_1365 : i32 to vector<16xi32>
        %mul3A_1367 = arith.muli %shift_right_logical3A_1364, %mul3A_1366 : vector<16xi32>
        %shift_right_logical3A_1368 = arith.constant 4 : i32
        %shift_right_logical3A_1369 = vector.broadcast %shift_right_logical3A_1368 : i32 to vector<16xi32>
        %shift_right_logical3A_1370 = arith.shrui %get3A_1361, %shift_right_logical3A_1369 : vector<16xi32>
        %and3A_1371 = arith.constant 15 : i32
        %and3A_1372 = vector.broadcast %and3A_1371 : i32 to vector<16xi32>
        %and3A_1373 = arith.andi %shift_right_logical3A_1370, %and3A_1372 : vector<16xi32>
        %add3A_1374 = arith.addi %mul3A_1367, %and3A_1373 : vector<16xi32>
        %swap3A_1375 = arith.index_cast %mul3A_1358 : i32 to index
        %swap3A_1376 = tpu.vector_load %arg9[%swap3A_1375] {strides = array<i32>} : memref<800xi32, #tpu.memory_space<vmem>>, vector<16xi32>,
        %swap3A_1377 = vector.shape_cast %swap3A_1376 : vector<16xi32> to vector<16xi32>
        %swap3A_1378 = vector.shape_cast %add3A_1374 : vector<16xi32> to vector<16xi32>
        tpu.vector_store %arg9[%swap3A_1375], %swap3A_1378 {strides = array<i32>} : memref<800xi32, #tpu.memory_space<vmem>>, vector<16xi32>,
        %and3A_1379 = arith.constant 15 : i32
        %and3A_1380 = vector.broadcast %and3A_1379 : i32 to vector<16xi32>
        %and3A_1381 = arith.andi %get3A_1361, %and3A_1380 : vector<16xi32>
        %add3A_1382 = arith.addi %mul3A_1367, %and3A_1381 : vector<16xi32>
        %swap3A_1383 = arith.index_cast %mul3A_1358 : i32 to index
        %swap3A_1384 = tpu.vector_load %arg12[%swap3A_1383] {strides = array<i32>} : memref<800xi32, #tpu.memory_space<vmem>>, vector<16xi32>,
        %swap3A_1385 = vector.shape_cast %swap3A_1384 : vector<16xi32> to vector<16xi32>
        %swap3A_1386 = vector.shape_cast %add3A_1382 : vector<16xi32> to vector<16xi32>
        tpu.vector_store %arg12[%swap3A_1383], %swap3A_1386 {strides = array<i32>} : memref<800xi32, #tpu.memory_space<vmem>>, vector<16xi32>,
        %scan3A_1387 = arith.constant 0 : i32
        scf.yield %scan3A_1387 : i32
      }
      %scan3A_1027 = arith.constant 48 : i32
      %scan3A_1028 = arith.addi %scan3A_1022, %scan3A_1027 : i32
      %mul3A_1029 = arith.constant 16 : i32
      %mul3A_1030 = arith.muli %scan3A_1028, %mul3A_1029 : i32
      %get3A_1031 = arith.index_cast %mul3A_1030 : i32 to index
      %get3A_1032 = tpu.vector_load %arg6[%get3A_1031] {strides = array<i32>} : memref<800xi32, #tpu.memory_space<vmem>>, vector<16xi32>,
      %get3A_1033 = vector.shape_cast %get3A_1032 : vector<16xi32> to vector<16xi32>
      %shift_right_logical3A_1034 = arith.constant 8 : i32
      %shift_right_logical3A_1035 = vector.broadcast %shift_right_logical3A_1034 : i32 to vector<16xi32>
      %shift_right_logical3A_1036 = arith.shrui %get3A_1033, %shift_right_logical3A_1035 : vector<16xi32>
      %mul3A_1037 = arith.constant 10 : i32
      %mul3A_1038 = vector.broadcast %mul3A_1037 : i32 to vector<16xi32>
      %mul3A_1039 = arith.muli %shift_right_logical3A_1036, %mul3A_1038 : vector<16xi32>
      %shift_right_logical3A_1040 = arith.constant 4 : i32
      %shift_right_logical3A_1041 = vector.broadcast %shift_right_logical3A_1040 : i32 to vector<16xi32>
      %shift_right_logical3A_1042 = arith.shrui %get3A_1033, %shift_right_logical3A_1041 : vector<16xi32>
      %and3A_1043 = arith.constant 15 : i32
      %and3A_1044 = vector.broadcast %and3A_1043 : i32 to vector<16xi32>
      %and3A_1045 = arith.andi %shift_right_logical3A_1042, %and3A_1044 : vector<16xi32>
      %add3A_1046 = arith.addi %mul3A_1039, %and3A_1045 : vector<16xi32>
      %swap3A_1047 = arith.index_cast %mul3A_1030 : i32 to index
      %swap3A_1048 = tpu.vector_load %arg9[%swap3A_1047] {strides = array<i32>} : memref<800xi32, #tpu.memory_space<vmem>>, vector<16xi32>,
      %swap3A_1049 = vector.shape_cast %swap3A_1048 : vector<16xi32> to vector<16xi32>
      %swap3A_1050 = vector.shape_cast %add3A_1046 : vector<16xi32> to vector<16xi32>
      tpu.vector_store %arg9[%swap3A_1047], %swap3A_1050 {strides = array<i32>} : memref<800xi32, #tpu.memory_space<vmem>>, vector<16xi32>,
      %and3A_1051 = arith.constant 15 : i32
      %and3A_1052 = vector.broadcast %and3A_1051 : i32 to vector<16xi32>
      %and3A_1053 = arith.andi %get3A_1033, %and3A_1052 : vector<16xi32>
      %add3A_1054 = arith.addi %mul3A_1039, %and3A_1053 : vector<16xi32>
      %swap3A_1055 = arith.index_cast %mul3A_1030 : i32 to index
      %swap3A_1056 = tpu.vector_load %arg12[%swap3A_1055] {strides = array<i32>} : memref<800xi32, #tpu.memory_space<vmem>>, vector<16xi32>,
      %swap3A_1057 = vector.shape_cast %swap3A_1056 : vector<16xi32> to vector<16xi32>
      %swap3A_1058 = vector.shape_cast %add3A_1054 : vector<16xi32> to vector<16xi32>
      tpu.vector_store %arg12[%swap3A_1055], %swap3A_1058 {strides = array<i32>} : memref<800xi32, #tpu.memory_space<vmem>>, vector<16xi32>,
      %scan3A_1059 = arith.constant 0 : i32
      %scan3A_1060 = arith.constant 49 : i32
      %scan3A_1061 = arith.addi %scan3A_1022, %scan3A_1060 : i32
      %mul3A_1062 = arith.constant 16 : i32
      %mul3A_1063 = arith.muli %scan3A_1061, %mul3A_1062 : i32
      %get3A_1064 = arith.index_cast %mul3A_1063 : i32 to index
      %get3A_1065 = tpu.vector_load %arg6[%get3A_1064] {strides = array<i32>} : memref<800xi32, #tpu.memory_space<vmem>>, vector<16xi32>,
      %get3A_1066 = vector.shape_cast %get3A_1065 : vector<16xi32> to vector<16xi32>
      %shift_right_logical3A_1067 = arith.constant 8 : i32
      %shift_right_logical3A_1068 = vector.broadcast %shift_right_logical3A_1067 : i32 to vector<16xi32>
      %shift_right_logical3A_1069 = arith.shrui %get3A_1066, %shift_right_logical3A_1068 : vector<16xi32>
      %mul3A_1070 = arith.constant 10 : i32
      %mul3A_1071 = vector.broadcast %mul3A_1070 : i32 to vector<16xi32>
      %mul3A_1072 = arith.muli %shift_right_logical3A_1069, %mul3A_1071 : vector<16xi32>
      %shift_right_logical3A_1073 = arith.constant 4 : i32
      %shift_right_logical3A_1074 = vector.broadcast %shift_right_logical3A_1073 : i32 to vector<16xi32>
      %shift_right_logical3A_1075 = arith.shrui %get3A_1066, %shift_right_logical3A_1074 : vector<16xi32>
      %and3A_1076 = arith.constant 15 : i32
      %and3A_1077 = vector.broadcast %and3A_1076 : i32 to vector<16xi32>
      %and3A_1078 = arith.andi %shift_right_logical3A_1075, %and3A_1077 : vector<16xi32>
      %add3A_1079 = arith.addi %mul3A_1072, %and3A_1078 : vector<16xi32>
      %swap3A_1080 = arith.index_cast %mul3A_1063 : i32 to index
      %swap3A_1081 = tpu.vector_load %arg9[%swap3A_1080] {strides = array<i32>} : memref<800xi32, #tpu.memory_space<vmem>>, vector<16xi32>,
      %swap3A_1082 = vector.shape_cast %swap3A_1081 : vector<16xi32> to vector<16xi32>
      %swap3A_1083 = vector.shape_cast %add3A_1079 : vector<16xi32> to vector<16xi32>
      tpu.vector_store %arg9[%swap3A_1080], %swap3A_1083 {strides = array<i32>} : memref<800xi32, #tpu.memory_space<vmem>>, vector<16xi32>,
      %and3A_1084 = arith.constant 15 : i32
      %and3A_1085 = vector.broadcast %and3A_1084 : i32 to vector<16xi32>
      %and3A_1086 = arith.andi %get3A_1066, %and3A_1085 : vector<16xi32>
      %add3A_1087 = arith.addi %mul3A_1072, %and3A_1086 : vector<16xi32>
      %swap3A_1088 = arith.index_cast %mul3A_1063 : i32 to index
      %swap3A_1089 = tpu.vector_load %arg12[%swap3A_1088] {strides = array<i32>} : memref<800xi32, #tpu.memory_space<vmem>>, vector<16xi32>,
      %swap3A_1090 = vector.shape_cast %swap3A_1089 : vector<16xi32> to vector<16xi32>
      %swap3A_1091 = vector.shape_cast %add3A_1087 : vector<16xi32> to vector<16xi32>
      tpu.vector_store %arg12[%swap3A_1088], %swap3A_1091 {strides = array<i32>} : memref<800xi32, #tpu.memory_space<vmem>>, vector<16xi32>,
      %scan3A_1092 = arith.constant 0 : i32
      %scan3A_1093 = arith.constant 50 : i32
      %add3A_1094 = arith.constant 3 : i32
      %add3A_1095 = arith.addi %add3A_1016, %add3A_1094 : i32
      %mul3A_1096 = arith.constant 800 : i32
      %mul3A_1097 = arith.muli %add3A_1095, %mul3A_1096 : i32
      %add3A_1098 = arith.addi %mul3A_2, %mul3A_1097 : i32
      %dma_start3A_1099 = tpu.memref_slice %arg2[%add3A_1098] : memref<819200xi32, #tpu.memory_space<hbm>> -> memref<800xi32, #tpu.memory_space<hbm>>
      %dma_start3A_1100 = tpu.memref_slice %arg2[%add3A_1098] : memref<819200xi32, #tpu.memory_space<hbm>> -> memref<800xi32, #tpu.memory_space<hbm>>
      tpu.enqueue_dma source(%dma_start3A_1100 : memref<800xi32, #tpu.memory_space<hbm>>) target(%arg6 : memref<800xi32, #tpu.memory_space<vmem>>) target_semaphore(%arg18 : memref<!tpu.dma_semaphore, #tpu.memory_space<semaphore_mem>>)
      %dma_wait3A_1101 = arith.constant 0 : i32
      %dma_wait3A_1102 = arith.constant 0 : i32
      %dma_wait3A_1103 = tpu.memref_slice %arg3[%dma_wait3A_1101, %dma_wait3A_1102] : memref<1000000x32xf32, #tpu.memory_space<hbm>> -> memref<800x32xf32, #tpu.memory_space<hbm>>
      %dma_wait3A_1104 = arith.constant 0 : i32
      %dma_wait3A_1105 = arith.constant 0 : i32
      %dma_wait3A_1106 = tpu.memref_slice %arg3[%dma_wait3A_1104, %dma_wait3A_1105] : memref<1000000x32xf32, #tpu.memory_space<hbm>> -> memref<800x32xf32, #tpu.memory_space<hbm>>
      tpu.wait_dma2 semaphore(%arg20 : memref<!tpu.dma_semaphore, #tpu.memory_space<semaphore_mem>>) src(%dma_wait3A_1106 : memref<800x32xf32, #tpu.memory_space<hbm>>) dst(%arg14 : memref<800x32xf32, #tpu.memory_space<vmem>>)
      %dma_start3A_1107 = arith.constant 0 : i32
      %dma_start3A_1108 = arith.constant 0 : i32
      %dma_start3A_1109 = tpu.memref_slice %arg3[%dma_start3A_1107, %dma_start3A_1108] : memref<1000000x32xf32, #tpu.memory_space<hbm>> -> memref<1000000x32xf32, #tpu.memory_space<hbm>>
      tpu.enqueue_indirect_dma source(%dma_start3A_1109 : memref<1000000x32xf32, #tpu.memory_space<hbm>>) target(%arg14 : memref<800x32xf32, #tpu.memory_space<vmem>>) offsets(%arg11 : memref<800xi32, #tpu.memory_space<vmem>>) semaphore(%arg23 : memref<!tpu.dma_semaphore, #tpu.memory_space<semaphore_mem>>) {add = true}
      %dma_wait3A_1110 = arith.constant 0 : i32
      %dma_wait3A_1111 = arith.constant 0 : i32
      %dma_wait3A_1112 = tpu.memref_slice %arg3[%dma_wait3A_1110, %dma_wait3A_1111] : memref<1000000x32xf32, #tpu.memory_space<hbm>> -> memref<800x32xf32, #tpu.memory_space<hbm>>
      %dma_wait3A_1113 = arith.constant 0 : i32
      %dma_wait3A_1114 = arith.constant 0 : i32
      %dma_wait3A_1115 = tpu.memref_slice %arg3[%dma_wait3A_1113, %dma_wait3A_1114] : memref<1000000x32xf32, #tpu.memory_space<hbm>> -> memref<800x32xf32, #tpu.memory_space<hbm>>
      tpu.wait_dma2 semaphore(%arg25 : memref<!tpu.dma_semaphore, #tpu.memory_space<semaphore_mem>>) src(%dma_wait3A_1115 : memref<800x32xf32, #tpu.memory_space<hbm>>) dst(%arg16 : memref<800x32xf32, #tpu.memory_space<vmem>>)
      %sub3A_1116 = arith.constant 2 : i32
      %sub3A_1117 = arith.subi %add3A_1016, %sub3A_1116 : i32
      %mul3A_1118 = arith.constant 800 : i32
      %mul3A_1119 = arith.muli %sub3A_1117, %mul3A_1118 : i32
      %add3A_1120 = arith.addi %mul3A_2, %mul3A_1119 : i32
      %dma_start3A_1121 = arith.constant 0 : i32
      %dma_start3A_1122 = tpu.memref_slice %arg4[%add3A_1120, %dma_start3A_1121] : memref<819200x32xf32, #tpu.memory_space<hbm>> -> memref<800x32xf32, #tpu.memory_space<hbm>>
      %dma_start3A_1123 = arith.constant 0 : i32
      %dma_start3A_1124 = tpu.memref_slice %arg4[%add3A_1120, %dma_start3A_1123] : memref<819200x32xf32, #tpu.memory_space<hbm>> -> memref<800x32xf32, #tpu.memory_space<hbm>>
      tpu.enqueue_dma source(%arg16 : memref<800x32xf32, #tpu.memory_space<vmem>>) target(%dma_start3A_1124 : memref<800x32xf32, #tpu.memory_space<hbm>>) target_semaphore(%arg28 : memref<!tpu.dma_semaphore, #tpu.memory_space<semaphore_mem>>)
      %dma_wait3A_1125 = arith.constant 0 : i32
      %dma_wait3A_1126 = arith.constant 0 : i32
      %dma_wait3A_1127 = tpu.memref_slice %arg4[%dma_wait3A_1125, %dma_wait3A_1126] : memref<819200x32xf32, #tpu.memory_space<hbm>> -> memref<800x32xf32, #tpu.memory_space<hbm>>
      %dma_wait3A_1128 = arith.constant 0 : i32
      %dma_wait3A_1129 = arith.constant 0 : i32
      %dma_wait3A_1130 = tpu.memref_slice %arg4[%dma_wait3A_1128, %dma_wait3A_1129] : memref<819200x32xf32, #tpu.memory_space<hbm>> -> memref<800x32xf32, #tpu.memory_space<hbm>>
      tpu.wait_dma2 semaphore(%arg27 : memref<!tpu.dma_semaphore, #tpu.memory_space<semaphore_mem>>) src(%arg15 : memref<800x32xf32, #tpu.memory_space<vmem>>) dst(%dma_wait3A_1130 : memref<800x32xf32, #tpu.memory_space<hbm>>)
      %dma_start3A_1131 = arith.constant 0 : i32
      %dma_start3A_1132 = arith.constant 0 : i32
      %dma_start3A_1133 = tpu.memref_slice %arg3[%dma_start3A_1131, %dma_start3A_1132] : memref<1000000x32xf32, #tpu.memory_space<hbm>> -> memref<1000000x32xf32, #tpu.memory_space<hbm>>
      tpu.enqueue_indirect_dma source(%dma_start3A_1133 : memref<1000000x32xf32, #tpu.memory_space<hbm>>) target(%arg15 : memref<800x32xf32, #tpu.memory_space<vmem>>) offsets(%arg9 : memref<800xi32, #tpu.memory_space<vmem>>) semaphore(%arg21 : memref<!tpu.dma_semaphore, #tpu.memory_space<semaphore_mem>>)
      %mul3A_1134 = arith.constant 3 : i32
      %mul3A_1135 = arith.muli %mul3A_1134, %scan3A_891 : i32
      %add3A_1136 = arith.constant 2 : i32
      %add3A_1137 = arith.addi %mul3A_1135, %add3A_1136 : i32
      %dma_wait3A_1138 = arith.constant 0 : i32
      %dma_wait3A_1139 = tpu.memref_slice %arg2[%dma_wait3A_1138] : memref<819200xi32, #tpu.memory_space<hbm>> -> memref<800xi32, #tpu.memory_space<hbm>>
      %dma_wait3A_1140 = arith.constant 0 : i32
      %dma_wait3A_1141 = tpu.memref_slice %arg2[%dma_wait3A_1140] : memref<819200xi32, #tpu.memory_space<hbm>> -> memref<800xi32, #tpu.memory_space<hbm>>
      tpu.wait_dma2 semaphore(%arg19 : memref<!tpu.dma_semaphore, #tpu.memory_space<semaphore_mem>>) src(%dma_wait3A_1141 : memref<800xi32, #tpu.memory_space<hbm>>) dst(%arg7 : memref<800xi32, #tpu.memory_space<vmem>>)
      %scan3A_1142 = arith.constant 0 : i32
      %scan3A_1143 = arith.constant 0 : i32
      %scan3A_1144 = arith.constant 48 : i32
      %scan3A_1145 = arith.addi %scan3A_1143, %scan3A_1144 : i32
      %scan3A_1146 = arith.constant 4 : i32
      %scan3A_1147 = scf.for %scan3A_1256 = %scan3A_1143 to %scan3A_1145 step %scan3A_1146 iter_args(%scan3A_1257 = %scan3A_1142) -> (i32)  : i32 {
        %mul3A_1258 = arith.constant 16 : i32
        %mul3A_1259 = arith.muli %scan3A_1256, %mul3A_1258 : i32
        %get3A_1260 = arith.index_cast %mul3A_1259 : i32 to index
        %get3A_1261 = tpu.vector_load %arg7[%get3A_1260] {strides = array<i32>} : memref<800xi32, #tpu.memory_space<vmem>>, vector<16xi32>,
        %get3A_1262 = vector.shape_cast %get3A_1261 : vector<16xi32> to vector<16xi32>
        %shift_right_logical3A_1263 = arith.constant 8 : i32
        %shift_right_logical3A_1264 = vector.broadcast %shift_right_logical3A_1263 : i32 to vector<16xi32>
        %shift_right_logical3A_1265 = arith.shrui %get3A_1262, %shift_right_logical3A_1264 : vector<16xi32>
        %mul3A_1266 = arith.constant 10 : i32
        %mul3A_1267 = vector.broadcast %mul3A_1266 : i32 to vector<16xi32>
        %mul3A_1268 = arith.muli %shift_right_logical3A_1265, %mul3A_1267 : vector<16xi32>
        %shift_right_logical3A_1269 = arith.constant 4 : i32
        %shift_right_logical3A_1270 = vector.broadcast %shift_right_logical3A_1269 : i32 to vector<16xi32>
        %shift_right_logical3A_1271 = arith.shrui %get3A_1262, %shift_right_logical3A_1270 : vector<16xi32>
        %and3A_1272 = arith.constant 15 : i32
        %and3A_1273 = vector.broadcast %and3A_1272 : i32 to vector<16xi32>
        %and3A_1274 = arith.andi %shift_right_logical3A_1271, %and3A_1273 : vector<16xi32>
        %add3A_1275 = arith.addi %mul3A_1268, %and3A_1274 : vector<16xi32>
        %swap3A_1276 = arith.index_cast %mul3A_1259 : i32 to index
        %swap3A_1277 = tpu.vector_load %arg10[%swap3A_1276] {strides = array<i32>} : memref<800xi32, #tpu.memory_space<vmem>>, vector<16xi32>,
        %swap3A_1278 = vector.shape_cast %swap3A_1277 : vector<16xi32> to vector<16xi32>
        %swap3A_1279 = vector.shape_cast %add3A_1275 : vector<16xi32> to vector<16xi32>
        tpu.vector_store %arg10[%swap3A_1276], %swap3A_1279 {strides = array<i32>} : memref<800xi32, #tpu.memory_space<vmem>>, vector<16xi32>,
        %and3A_1280 = arith.constant 15 : i32
        %and3A_1281 = vector.broadcast %and3A_1280 : i32 to vector<16xi32>
        %and3A_1282 = arith.andi %get3A_1262, %and3A_1281 : vector<16xi32>
        %add3A_1283 = arith.addi %mul3A_1268, %and3A_1282 : vector<16xi32>
        %swap3A_1284 = arith.index_cast %mul3A_1259 : i32 to index
        %swap3A_1285 = tpu.vector_load %arg13[%swap3A_1284] {strides = array<i32>} : memref<800xi32, #tpu.memory_space<vmem>>, vector<16xi32>,
        %swap3A_1286 = vector.shape_cast %swap3A_1285 : vector<16xi32> to vector<16xi32>
        %swap3A_1287 = vector.shape_cast %add3A_1283 : vector<16xi32> to vector<16xi32>
        tpu.vector_store %arg13[%swap3A_1284], %swap3A_1287 {strides = array<i32>} : memref<800xi32, #tpu.memory_space<vmem>>, vector<16xi32>,
        %scan3A_1288 = arith.constant 0 : i32
        %scan3A_1289 = arith.constant 1 : i32
        %scan3A_1290 = arith.addi %scan3A_1256, %scan3A_1289 : i32
        %mul3A_1291 = arith.constant 16 : i32
        %mul3A_1292 = arith.muli %scan3A_1290, %mul3A_1291 : i32
        %get3A_1293 = arith.index_cast %mul3A_1292 : i32 to index
        %get3A_1294 = tpu.vector_load %arg7[%get3A_1293] {strides = array<i32>} : memref<800xi32, #tpu.memory_space<vmem>>, vector<16xi32>,
        %get3A_1295 = vector.shape_cast %get3A_1294 : vector<16xi32> to vector<16xi32>
        %shift_right_logical3A_1296 = arith.constant 8 : i32
        %shift_right_logical3A_1297 = vector.broadcast %shift_right_logical3A_1296 : i32 to vector<16xi32>
        %shift_right_logical3A_1298 = arith.shrui %get3A_1295, %shift_right_logical3A_1297 : vector<16xi32>
        %mul3A_1299 = arith.constant 10 : i32
        %mul3A_1300 = vector.broadcast %mul3A_1299 : i32 to vector<16xi32>
        %mul3A_1301 = arith.muli %shift_right_logical3A_1298, %mul3A_1300 : vector<16xi32>
        %shift_right_logical3A_1302 = arith.constant 4 : i32
        %shift_right_logical3A_1303 = vector.broadcast %shift_right_logical3A_1302 : i32 to vector<16xi32>
        %shift_right_logical3A_1304 = arith.shrui %get3A_1295, %shift_right_logical3A_1303 : vector<16xi32>
        %and3A_1305 = arith.constant 15 : i32
        %and3A_1306 = vector.broadcast %and3A_1305 : i32 to vector<16xi32>
        %and3A_1307 = arith.andi %shift_right_logical3A_1304, %and3A_1306 : vector<16xi32>
        %add3A_1308 = arith.addi %mul3A_1301, %and3A_1307 : vector<16xi32>
        %swap3A_1309 = arith.index_cast %mul3A_1292 : i32 to index
        %swap3A_1310 = tpu.vector_load %arg10[%swap3A_1309] {strides = array<i32>} : memref<800xi32, #tpu.memory_space<vmem>>, vector<16xi32>,
        %swap3A_1311 = vector.shape_cast %swap3A_1310 : vector<16xi32> to vector<16xi32>
        %swap3A_1312 = vector.shape_cast %add3A_1308 : vector<16xi32> to vector<16xi32>
        tpu.vector_store %arg10[%swap3A_1309], %swap3A_1312 {strides = array<i32>} : memref<800xi32, #tpu.memory_space<vmem>>, vector<16xi32>,
        %and3A_1313 = arith.constant 15 : i32
        %and3A_1314 = vector.broadcast %and3A_1313 : i32 to vector<16xi32>
        %and3A_1315 = arith.andi %get3A_1295, %and3A_1314 : vector<16xi32>
        %add3A_1316 = arith.addi %mul3A_1301, %and3A_1315 : vector<16xi32>
        %swap3A_1317 = arith.index_cast %mul3A_1292 : i32 to index
        %swap3A_1318 = tpu.vector_load %arg13[%swap3A_1317] {strides = array<i32>} : memref<800xi32, #tpu.memory_space<vmem>>, vector<16xi32>,
        %swap3A_1319 = vector.shape_cast %swap3A_1318 : vector<16xi32> to vector<16xi32>
        %swap3A_1320 = vector.shape_cast %add3A_1316 : vector<16xi32> to vector<16xi32>
        tpu.vector_store %arg13[%swap3A_1317], %swap3A_1320 {strides = array<i32>} : memref<800xi32, #tpu.memory_space<vmem>>, vector<16xi32>,
        %scan3A_1321 = arith.constant 0 : i32
        %scan3A_1322 = arith.constant 2 : i32
        %scan3A_1323 = arith.addi %scan3A_1256, %scan3A_1322 : i32
        %mul3A_1324 = arith.constant 16 : i32
        %mul3A_1325 = arith.muli %scan3A_1323, %mul3A_1324 : i32
        %get3A_1326 = arith.index_cast %mul3A_1325 : i32 to index
        %get3A_1327 = tpu.vector_load %arg7[%get3A_1326] {strides = array<i32>} : memref<800xi32, #tpu.memory_space<vmem>>, vector<16xi32>,
        %get3A_1328 = vector.shape_cast %get3A_1327 : vector<16xi32> to vector<16xi32>
        %shift_right_logical3A_1329 = arith.constant 8 : i32
        %shift_right_logical3A_1330 = vector.broadcast %shift_right_logical3A_1329 : i32 to vector<16xi32>
        %shift_right_logical3A_1331 = arith.shrui %get3A_1328, %shift_right_logical3A_1330 : vector<16xi32>
        %mul3A_1332 = arith.constant 10 : i32
        %mul3A_1333 = vector.broadcast %mul3A_1332 : i32 to vector<16xi32>
        %mul3A_1334 = arith.muli %shift_right_logical3A_1331, %mul3A_1333 : vector<16xi32>
        %shift_right_logical3A_1335 = arith.constant 4 : i32
        %shift_right_logical3A_1336 = vector.broadcast %shift_right_logical3A_1335 : i32 to vector<16xi32>
        %shift_right_logical3A_1337 = arith.shrui %get3A_1328, %shift_right_logical3A_1336 : vector<16xi32>
        %and3A_1338 = arith.constant 15 : i32
        %and3A_1339 = vector.broadcast %and3A_1338 : i32 to vector<16xi32>
        %and3A_1340 = arith.andi %shift_right_logical3A_1337, %and3A_1339 : vector<16xi32>
        %add3A_1341 = arith.addi %mul3A_1334, %and3A_1340 : vector<16xi32>
        %swap3A_1342 = arith.index_cast %mul3A_1325 : i32 to index
        %swap3A_1343 = tpu.vector_load %arg10[%swap3A_1342] {strides = array<i32>} : memref<800xi32, #tpu.memory_space<vmem>>, vector<16xi32>,
        %swap3A_1344 = vector.shape_cast %swap3A_1343 : vector<16xi32> to vector<16xi32>
        %swap3A_1345 = vector.shape_cast %add3A_1341 : vector<16xi32> to vector<16xi32>
        tpu.vector_store %arg10[%swap3A_1342], %swap3A_1345 {strides = array<i32>} : memref<800xi32, #tpu.memory_space<vmem>>, vector<16xi32>,
        %and3A_1346 = arith.constant 15 : i32
        %and3A_1347 = vector.broadcast %and3A_1346 : i32 to vector<16xi32>
        %and3A_1348 = arith.andi %get3A_1328, %and3A_1347 : vector<16xi32>
        %add3A_1349 = arith.addi %mul3A_1334, %and3A_1348 : vector<16xi32>
        %swap3A_1350 = arith.index_cast %mul3A_1325 : i32 to index
        %swap3A_1351 = tpu.vector_load %arg13[%swap3A_1350] {strides = array<i32>} : memref<800xi32, #tpu.memory_space<vmem>>, vector<16xi32>,
        %swap3A_1352 = vector.shape_cast %swap3A_1351 : vector<16xi32> to vector<16xi32>
        %swap3A_1353 = vector.shape_cast %add3A_1349 : vector<16xi32> to vector<16xi32>
        tpu.vector_store %arg13[%swap3A_1350], %swap3A_1353 {strides = array<i32>} : memref<800xi32, #tpu.memory_space<vmem>>, vector<16xi32>,
        %scan3A_1354 = arith.constant 0 : i32
        %scan3A_1355 = arith.constant 3 : i32
        %scan3A_1356 = arith.addi %scan3A_1256, %scan3A_1355 : i32
        %mul3A_1357 = arith.constant 16 : i32
        %mul3A_1358 = arith.muli %scan3A_1356, %mul3A_1357 : i32
        %get3A_1359 = arith.index_cast %mul3A_1358 : i32 to index
        %get3A_1360 = tpu.vector_load %arg7[%get3A_1359] {strides = array<i32>} : memref<800xi32, #tpu.memory_space<vmem>>, vector<16xi32>,
        %get3A_1361 = vector.shape_cast %get3A_1360 : vector<16xi32> to vector<16xi32>
        %shift_right_logical3A_1362 = arith.constant 8 : i32
        %shift_right_logical3A_1363 = vector.broadcast %shift_right_logical3A_1362 : i32 to vector<16xi32>
        %shift_right_logical3A_1364 = arith.shrui %get3A_1361, %shift_right_logical3A_1363 : vector<16xi32>
        %mul3A_1365 = arith.constant 10 : i32
        %mul3A_1366 = vector.broadcast %mul3A_1365 : i32 to vector<16xi32>
        %mul3A_1367 = arith.muli %shift_right_logical3A_1364, %mul3A_1366 : vector<16xi32>
        %shift_right_logical3A_1368 = arith.constant 4 : i32
        %shift_right_logical3A_1369 = vector.broadcast %shift_right_logical3A_1368 : i32 to vector<16xi32>
        %shift_right_logical3A_1370 = arith.shrui %get3A_1361, %shift_right_logical3A_1369 : vector<16xi32>
        %and3A_1371 = arith.constant 15 : i32
        %and3A_1372 = vector.broadcast %and3A_1371 : i32 to vector<16xi32>
        %and3A_1373 = arith.andi %shift_right_logical3A_1370, %and3A_1372 : vector<16xi32>
        %add3A_1374 = arith.addi %mul3A_1367, %and3A_1373 : vector<16xi32>
        %swap3A_1375 = arith.index_cast %mul3A_1358 : i32 to index
        %swap3A_1376 = tpu.vector_load %arg10[%swap3A_1375] {strides = array<i32>} : memref<800xi32, #tpu.memory_space<vmem>>, vector<16xi32>,
        %swap3A_1377 = vector.shape_cast %swap3A_1376 : vector<16xi32> to vector<16xi32>
        %swap3A_1378 = vector.shape_cast %add3A_1374 : vector<16xi32> to vector<16xi32>
        tpu.vector_store %arg10[%swap3A_1375], %swap3A_1378 {strides = array<i32>} : memref<800xi32, #tpu.memory_space<vmem>>, vector<16xi32>,
        %and3A_1379 = arith.constant 15 : i32
        %and3A_1380 = vector.broadcast %and3A_1379 : i32 to vector<16xi32>
        %and3A_1381 = arith.andi %get3A_1361, %and3A_1380 : vector<16xi32>
        %add3A_1382 = arith.addi %mul3A_1367, %and3A_1381 : vector<16xi32>
        %swap3A_1383 = arith.index_cast %mul3A_1358 : i32 to index
        %swap3A_1384 = tpu.vector_load %arg13[%swap3A_1383] {strides = array<i32>} : memref<800xi32, #tpu.memory_space<vmem>>, vector<16xi32>,
        %swap3A_1385 = vector.shape_cast %swap3A_1384 : vector<16xi32> to vector<16xi32>
        %swap3A_1386 = vector.shape_cast %add3A_1382 : vector<16xi32> to vector<16xi32>
        tpu.vector_store %arg13[%swap3A_1383], %swap3A_1386 {strides = array<i32>} : memref<800xi32, #tpu.memory_space<vmem>>, vector<16xi32>,
        %scan3A_1387 = arith.constant 0 : i32
        scf.yield %scan3A_1387 : i32
      }
      %scan3A_1148 = arith.constant 48 : i32
      %scan3A_1149 = arith.addi %scan3A_1143, %scan3A_1148 : i32
      %mul3A_1150 = arith.constant 16 : i32
      %mul3A_1151 = arith.muli %scan3A_1149, %mul3A_1150 : i32
      %get3A_1152 = arith.index_cast %mul3A_1151 : i32 to index
      %get3A_1153 = tpu.vector_load %arg7[%get3A_1152] {strides = array<i32>} : memref<800xi32, #tpu.memory_space<vmem>>, vector<16xi32>,
      %get3A_1154 = vector.shape_cast %get3A_1153 : vector<16xi32> to vector<16xi32>
      %shift_right_logical3A_1155 = arith.constant 8 : i32
      %shift_right_logical3A_1156 = vector.broadcast %shift_right_logical3A_1155 : i32 to vector<16xi32>
      %shift_right_logical3A_1157 = arith.shrui %get3A_1154, %shift_right_logical3A_1156 : vector<16xi32>
      %mul3A_1158 = arith.constant 10 : i32
      %mul3A_1159 = vector.broadcast %mul3A_1158 : i32 to vector<16xi32>
      %mul3A_1160 = arith.muli %shift_right_logical3A_1157, %mul3A_1159 : vector<16xi32>
      %shift_right_logical3A_1161 = arith.constant 4 : i32
      %shift_right_logical3A_1162 = vector.broadcast %shift_right_logical3A_1161 : i32 to vector<16xi32>
      %shift_right_logical3A_1163 = arith.shrui %get3A_1154, %shift_right_logical3A_1162 : vector<16xi32>
      %and3A_1164 = arith.constant 15 : i32
      %and3A_1165 = vector.broadcast %and3A_1164 : i32 to vector<16xi32>
      %and3A_1166 = arith.andi %shift_right_logical3A_1163, %and3A_1165 : vector<16xi32>
      %add3A_1167 = arith.addi %mul3A_1160, %and3A_1166 : vector<16xi32>
      %swap3A_1168 = arith.index_cast %mul3A_1151 : i32 to index
      %swap3A_1169 = tpu.vector_load %arg10[%swap3A_1168] {strides = array<i32>} : memref<800xi32, #tpu.memory_space<vmem>>, vector<16xi32>,
      %swap3A_1170 = vector.shape_cast %swap3A_1169 : vector<16xi32> to vector<16xi32>
      %swap3A_1171 = vector.shape_cast %add3A_1167 : vector<16xi32> to vector<16xi32>
      tpu.vector_store %arg10[%swap3A_1168], %swap3A_1171 {strides = array<i32>} : memref<800xi32, #tpu.memory_space<vmem>>, vector<16xi32>,
      %and3A_1172 = arith.constant 15 : i32
      %and3A_1173 = vector.broadcast %and3A_1172 : i32 to vector<16xi32>
      %and3A_1174 = arith.andi %get3A_1154, %and3A_1173 : vector<16xi32>
      %add3A_1175 = arith.addi %mul3A_1160, %and3A_1174 : vector<16xi32>
      %swap3A_1176 = arith.index_cast %mul3A_1151 : i32 to index
      %swap3A_1177 = tpu.vector_load %arg13[%swap3A_1176] {strides = array<i32>} : memref<800xi32, #tpu.memory_space<vmem>>, vector<16xi32>,
      %swap3A_1178 = vector.shape_cast %swap3A_1177 : vector<16xi32> to vector<16xi32>
      %swap3A_1179 = vector.shape_cast %add3A_1175 : vector<16xi32> to vector<16xi32>
      tpu.vector_store %arg13[%swap3A_1176], %swap3A_1179 {strides = array<i32>} : memref<800xi32, #tpu.memory_space<vmem>>, vector<16xi32>,
      %scan3A_1180 = arith.constant 0 : i32
      %scan3A_1181 = arith.constant 49 : i32
      %scan3A_1182 = arith.addi %scan3A_1143, %scan3A_1181 : i32
      %mul3A_1183 = arith.constant 16 : i32
      %mul3A_1184 = arith.muli %scan3A_1182, %mul3A_1183 : i32
      %get3A_1185 = arith.index_cast %mul3A_1184 : i32 to index
      %get3A_1186 = tpu.vector_load %arg7[%get3A_1185] {strides = array<i32>} : memref<800xi32, #tpu.memory_space<vmem>>, vector<16xi32>,
      %get3A_1187 = vector.shape_cast %get3A_1186 : vector<16xi32> to vector<16xi32>
      %shift_right_logical3A_1188 = arith.constant 8 : i32
      %shift_right_logical3A_1189 = vector.broadcast %shift_right_logical3A_1188 : i32 to vector<16xi32>
      %shift_right_logical3A_1190 = arith.shrui %get3A_1187, %shift_right_logical3A_1189 : vector<16xi32>
      %mul3A_1191 = arith.constant 10 : i32
      %mul3A_1192 = vector.broadcast %mul3A_1191 : i32 to vector<16xi32>
      %mul3A_1193 = arith.muli %shift_right_logical3A_1190, %mul3A_1192 : vector<16xi32>
      %shift_right_logical3A_1194 = arith.constant 4 : i32
      %shift_right_logical3A_1195 = vector.broadcast %shift_right_logical3A_1194 : i32 to vector<16xi32>
      %shift_right_logical3A_1196 = arith.shrui %get3A_1187, %shift_right_logical3A_1195 : vector<16xi32>
      %and3A_1197 = arith.constant 15 : i32
      %and3A_1198 = vector.broadcast %and3A_1197 : i32 to vector<16xi32>
      %and3A_1199 = arith.andi %shift_right_logical3A_1196, %and3A_1198 : vector<16xi32>
      %add3A_1200 = arith.addi %mul3A_1193, %and3A_1199 : vector<16xi32>
      %swap3A_1201 = arith.index_cast %mul3A_1184 : i32 to index
      %swap3A_1202 = tpu.vector_load %arg10[%swap3A_1201] {strides = array<i32>} : memref<800xi32, #tpu.memory_space<vmem>>, vector<16xi32>,
      %swap3A_1203 = vector.shape_cast %swap3A_1202 : vector<16xi32> to vector<16xi32>
      %swap3A_1204 = vector.shape_cast %add3A_1200 : vector<16xi32> to vector<16xi32>
      tpu.vector_store %arg10[%swap3A_1201], %swap3A_1204 {strides = array<i32>} : memref<800xi32, #tpu.memory_space<vmem>>, vector<16xi32>,
      %and3A_1205 = arith.constant 15 : i32
      %and3A_1206 = vector.broadcast %and3A_1205 : i32 to vector<16xi32>
      %and3A_1207 = arith.andi %get3A_1187, %and3A_1206 : vector<16xi32>
      %add3A_1208 = arith.addi %mul3A_1193, %and3A_1207 : vector<16xi32>
      %swap3A_1209 = arith.index_cast %mul3A_1184 : i32 to index
      %swap3A_1210 = tpu.vector_load %arg13[%swap3A_1209] {strides = array<i32>} : memref<800xi32, #tpu.memory_space<vmem>>, vector<16xi32>,
      %swap3A_1211 = vector.shape_cast %swap3A_1210 : vector<16xi32> to vector<16xi32>
      %swap3A_1212 = vector.shape_cast %add3A_1208 : vector<16xi32> to vector<16xi32>
      tpu.vector_store %arg13[%swap3A_1209], %swap3A_1212 {strides = array<i32>} : memref<800xi32, #tpu.memory_space<vmem>>, vector<16xi32>,
      %scan3A_1213 = arith.constant 0 : i32
      %scan3A_1214 = arith.constant 50 : i32
      %add3A_1215 = arith.constant 3 : i32
      %add3A_1216 = arith.addi %add3A_1137, %add3A_1215 : i32
      %mul3A_1217 = arith.constant 800 : i32
      %mul3A_1218 = arith.muli %add3A_1216, %mul3A_1217 : i32
      %add3A_1219 = arith.addi %mul3A_2, %mul3A_1218 : i32
      %dma_start3A_1220 = tpu.memref_slice %arg2[%add3A_1219] : memref<819200xi32, #tpu.memory_space<hbm>> -> memref<800xi32, #tpu.memory_space<hbm>>
      %dma_start3A_1221 = tpu.memref_slice %arg2[%add3A_1219] : memref<819200xi32, #tpu.memory_space<hbm>> -> memref<800xi32, #tpu.memory_space<hbm>>
      tpu.enqueue_dma source(%dma_start3A_1221 : memref<800xi32, #tpu.memory_space<hbm>>) target(%arg7 : memref<800xi32, #tpu.memory_space<vmem>>) target_semaphore(%arg19 : memref<!tpu.dma_semaphore, #tpu.memory_space<semaphore_mem>>)
      %dma_wait3A_1222 = arith.constant 0 : i32
      %dma_wait3A_1223 = arith.constant 0 : i32
      %dma_wait3A_1224 = tpu.memref_slice %arg3[%dma_wait3A_1222, %dma_wait3A_1223] : memref<1000000x32xf32, #tpu.memory_space<hbm>> -> memref<800x32xf32, #tpu.memory_space<hbm>>
      %dma_wait3A_1225 = arith.constant 0 : i32
      %dma_wait3A_1226 = arith.constant 0 : i32
      %dma_wait3A_1227 = tpu.memref_slice %arg3[%dma_wait3A_1225, %dma_wait3A_1226] : memref<1000000x32xf32, #tpu.memory_space<hbm>> -> memref<800x32xf32, #tpu.memory_space<hbm>>
      tpu.wait_dma2 semaphore(%arg21 : memref<!tpu.dma_semaphore, #tpu.memory_space<semaphore_mem>>) src(%dma_wait3A_1227 : memref<800x32xf32, #tpu.memory_space<hbm>>) dst(%arg15 : memref<800x32xf32, #tpu.memory_space<vmem>>)
      %dma_start3A_1228 = arith.constant 0 : i32
      %dma_start3A_1229 = arith.constant 0 : i32
      %dma_start3A_1230 = tpu.memref_slice %arg3[%dma_start3A_1228, %dma_start3A_1229] : memref<1000000x32xf32, #tpu.memory_space<hbm>> -> memref<1000000x32xf32, #tpu.memory_space<hbm>>
      tpu.enqueue_indirect_dma source(%dma_start3A_1230 : memref<1000000x32xf32, #tpu.memory_space<hbm>>) target(%arg15 : memref<800x32xf32, #tpu.memory_space<vmem>>) offsets(%arg12 : memref<800xi32, #tpu.memory_space<vmem>>) semaphore(%arg24 : memref<!tpu.dma_semaphore, #tpu.memory_space<semaphore_mem>>) {add = true}
      %dma_wait3A_1231 = arith.constant 0 : i32
      %dma_wait3A_1232 = arith.constant 0 : i32
      %dma_wait3A_1233 = tpu.memref_slice %arg3[%dma_wait3A_1231, %dma_wait3A_1232] : memref<1000000x32xf32, #tpu.memory_space<hbm>> -> memref<800x32xf32, #tpu.memory_space<hbm>>
      %dma_wait3A_1234 = arith.constant 0 : i32
      %dma_wait3A_1235 = arith.constant 0 : i32
      %dma_wait3A_1236 = tpu.memref_slice %arg3[%dma_wait3A_1234, %dma_wait3A_1235] : memref<1000000x32xf32, #tpu.memory_space<hbm>> -> memref<800x32xf32, #tpu.memory_space<hbm>>
      tpu.wait_dma2 semaphore(%arg23 : memref<!tpu.dma_semaphore, #tpu.memory_space<semaphore_mem>>) src(%dma_wait3A_1236 : memref<800x32xf32, #tpu.memory_space<hbm>>) dst(%arg14 : memref<800x32xf32, #tpu.memory_space<vmem>>)
      %sub3A_1237 = arith.constant 2 : i32
      %sub3A_1238 = arith.subi %add3A_1137, %sub3A_1237 : i32
      %mul3A_1239 = arith.constant 800 : i32
      %mul3A_1240 = arith.muli %sub3A_1238, %mul3A_1239 : i32
      %add3A_1241 = arith.addi %mul3A_2, %mul3A_1240 : i32
      %dma_start3A_1242 = arith.constant 0 : i32
      %dma_start3A_1243 = tpu.memref_slice %arg4[%add3A_1241, %dma_start3A_1242] : memref<819200x32xf32, #tpu.memory_space<hbm>> -> memref<800x32xf32, #tpu.memory_space<hbm>>
      %dma_start3A_1244 = arith.constant 0 : i32
      %dma_start3A_1245 = tpu.memref_slice %arg4[%add3A_1241, %dma_start3A_1244] : memref<819200x32xf32, #tpu.memory_space<hbm>> -> memref<800x32xf32, #tpu.memory_space<hbm>>
      tpu.enqueue_dma source(%arg14 : memref<800x32xf32, #tpu.memory_space<vmem>>) target(%dma_start3A_1245 : memref<800x32xf32, #tpu.memory_space<hbm>>) target_semaphore(%arg26 : memref<!tpu.dma_semaphore, #tpu.memory_space<semaphore_mem>>)
      %dma_wait3A_1246 = arith.constant 0 : i32
      %dma_wait3A_1247 = arith.constant 0 : i32
      %dma_wait3A_1248 = tpu.memref_slice %arg4[%dma_wait3A_1246, %dma_wait3A_1247] : memref<819200x32xf32, #tpu.memory_space<hbm>> -> memref<800x32xf32, #tpu.memory_space<hbm>>
      %dma_wait3A_1249 = arith.constant 0 : i32
      %dma_wait3A_1250 = arith.constant 0 : i32
      %dma_wait3A_1251 = tpu.memref_slice %arg4[%dma_wait3A_1249, %dma_wait3A_1250] : memref<819200x32xf32, #tpu.memory_space<hbm>> -> memref<800x32xf32, #tpu.memory_space<hbm>>
      tpu.wait_dma2 semaphore(%arg28 : memref<!tpu.dma_semaphore, #tpu.memory_space<semaphore_mem>>) src(%arg16 : memref<800x32xf32, #tpu.memory_space<vmem>>) dst(%dma_wait3A_1251 : memref<800x32xf32, #tpu.memory_space<hbm>>)
      %dma_start3A_1252 = arith.constant 0 : i32
      %dma_start3A_1253 = arith.constant 0 : i32
      %dma_start3A_1254 = tpu.memref_slice %arg3[%dma_start3A_1252, %dma_start3A_1253] : memref<1000000x32xf32, #tpu.memory_space<hbm>> -> memref<1000000x32xf32, #tpu.memory_space<hbm>>
      tpu.enqueue_indirect_dma source(%dma_start3A_1254 : memref<1000000x32xf32, #tpu.memory_space<hbm>>) target(%arg16 : memref<800x32xf32, #tpu.memory_space<vmem>>) offsets(%arg10 : memref<800xi32, #tpu.memory_space<vmem>>) semaphore(%arg22 : memref<!tpu.dma_semaphore, #tpu.memory_space<semaphore_mem>>)
      %scan3A_1255 = arith.constant 0 : i32
      scf.yield %scan3A_1255 : i32
    }
    %scan3A_296 = arith.constant 8 : i32
    %dma_wait3A_297 = arith.constant 0 : i32
    %dma_wait3A_298 = tpu.memref_slice %arg2[%dma_wait3A_297] : memref<819200xi32, #tpu.memory_space<hbm>> -> memref<800xi32, #tpu.memory_space<hbm>>
    %dma_wait3A_299 = arith.constant 0 : i32
    %dma_wait3A_300 = tpu.memref_slice %arg2[%dma_wait3A_299] : memref<819200xi32, #tpu.memory_space<hbm>> -> memref<800xi32, #tpu.memory_space<hbm>>
    tpu.wait_dma2 semaphore(%arg17 : memref<!tpu.dma_semaphore, #tpu.memory_space<semaphore_mem>>) src(%dma_wait3A_300 : memref<800xi32, #tpu.memory_space<hbm>>) dst(%arg5 : memref<800xi32, #tpu.memory_space<vmem>>)
    %scan3A_301 = arith.constant 0 : i32
    %scan3A_302 = arith.constant 0 : i32
    %scan3A_303 = arith.constant 48 : i32
    %scan3A_304 = arith.addi %scan3A_302, %scan3A_303 : i32
    %scan3A_305 = arith.constant 4 : i32
    %scan3A_306 = scf.for %scan3A_891 = %scan3A_302 to %scan3A_304 step %scan3A_305 iter_args(%scan3A_892 = %scan3A_301) -> (i32)  : i32 {
      %mul3A_893 = arith.constant 16 : i32
      %mul3A_894 = arith.muli %scan3A_891, %mul3A_893 : i32
      %get3A_895 = arith.index_cast %mul3A_894 : i32 to index
      %get3A_896 = tpu.vector_load %arg5[%get3A_895] {strides = array<i32>} : memref<800xi32, #tpu.memory_space<vmem>>, vector<16xi32>,
      %get3A_897 = vector.shape_cast %get3A_896 : vector<16xi32> to vector<16xi32>
      %shift_right_logical3A_898 = arith.constant 8 : i32
      %shift_right_logical3A_899 = vector.broadcast %shift_right_logical3A_898 : i32 to vector<16xi32>
      %shift_right_logical3A_900 = arith.shrui %get3A_897, %shift_right_logical3A_899 : vector<16xi32>
      %mul3A_901 = arith.constant 10 : i32
      %mul3A_902 = vector.broadcast %mul3A_901 : i32 to vector<16xi32>
      %mul3A_903 = arith.muli %shift_right_logical3A_900, %mul3A_902 : vector<16xi32>
      %shift_right_logical3A_904 = arith.constant 4 : i32
      %shift_right_logical3A_905 = vector.broadcast %shift_right_logical3A_904 : i32 to vector<16xi32>
      %shift_right_logical3A_906 = arith.shrui %get3A_897, %shift_right_logical3A_905 : vector<16xi32>
      %and3A_907 = arith.constant 15 : i32
      %and3A_908 = vector.broadcast %and3A_907 : i32 to vector<16xi32>
      %and3A_909 = arith.andi %shift_right_logical3A_906, %and3A_908 : vector<16xi32>
      %add3A_910 = arith.addi %mul3A_903, %and3A_909 : vector<16xi32>
      %swap3A_911 = arith.index_cast %mul3A_894 : i32 to index
      %swap3A_912 = tpu.vector_load %arg8[%swap3A_911] {strides = array<i32>} : memref<800xi32, #tpu.memory_space<vmem>>, vector<16xi32>,
      %swap3A_913 = vector.shape_cast %swap3A_912 : vector<16xi32> to vector<16xi32>
      %swap3A_914 = vector.shape_cast %add3A_910 : vector<16xi32> to vector<16xi32>
      tpu.vector_store %arg8[%swap3A_911], %swap3A_914 {strides = array<i32>} : memref<800xi32, #tpu.memory_space<vmem>>, vector<16xi32>,
      %and3A_915 = arith.constant 15 : i32
      %and3A_916 = vector.broadcast %and3A_915 : i32 to vector<16xi32>
      %and3A_917 = arith.andi %get3A_897, %and3A_916 : vector<16xi32>
      %add3A_918 = arith.addi %mul3A_903, %and3A_917 : vector<16xi32>
      %swap3A_919 = arith.index_cast %mul3A_894 : i32 to index
      %swap3A_920 = tpu.vector_load %arg11[%swap3A_919] {strides = array<i32>} : memref<800xi32, #tpu.memory_space<vmem>>, vector<16xi32>,
      %swap3A_921 = vector.shape_cast %swap3A_920 : vector<16xi32> to vector<16xi32>
      %swap3A_922 = vector.shape_cast %add3A_918 : vector<16xi32> to vector<16xi32>
      tpu.vector_store %arg11[%swap3A_919], %swap3A_922 {strides = array<i32>} : memref<800xi32, #tpu.memory_space<vmem>>, vector<16xi32>,
      %scan3A_923 = arith.constant 0 : i32
      %scan3A_924 = arith.constant 1 : i32
      %scan3A_925 = arith.addi %scan3A_891, %scan3A_924 : i32
      %mul3A_926 = arith.constant 16 : i32
      %mul3A_927 = arith.muli %scan3A_925, %mul3A_926 : i32
      %get3A_928 = arith.index_cast %mul3A_927 : i32 to index
      %get3A_929 = tpu.vector_load %arg5[%get3A_928] {strides = array<i32>} : memref<800xi32, #tpu.memory_space<vmem>>, vector<16xi32>,
      %get3A_930 = vector.shape_cast %get3A_929 : vector<16xi32> to vector<16xi32>
      %shift_right_logical3A_931 = arith.constant 8 : i32
      %shift_right_logical3A_932 = vector.broadcast %shift_right_logical3A_931 : i32 to vector<16xi32>
      %shift_right_logical3A_933 = arith.shrui %get3A_930, %shift_right_logical3A_932 : vector<16xi32>
      %mul3A_934 = arith.constant 10 : i32
      %mul3A_935 = vector.broadcast %mul3A_934 : i32 to vector<16xi32>
      %mul3A_936 = arith.muli %shift_right_logical3A_933, %mul3A_935 : vector<16xi32>
      %shift_right_logical3A_937 = arith.constant 4 : i32
      %shift_right_logical3A_938 = vector.broadcast %shift_right_logical3A_937 : i32 to vector<16xi32>
      %shift_right_logical3A_939 = arith.shrui %get3A_930, %shift_right_logical3A_938 : vector<16xi32>
      %and3A_940 = arith.constant 15 : i32
      %and3A_941 = vector.broadcast %and3A_940 : i32 to vector<16xi32>
      %and3A_942 = arith.andi %shift_right_logical3A_939, %and3A_941 : vector<16xi32>
      %add3A_943 = arith.addi %mul3A_936, %and3A_942 : vector<16xi32>
      %swap3A_944 = arith.index_cast %mul3A_927 : i32 to index
      %swap3A_945 = tpu.vector_load %arg8[%swap3A_944] {strides = array<i32>} : memref<800xi32, #tpu.memory_space<vmem>>, vector<16xi32>,
      %swap3A_946 = vector.shape_cast %swap3A_945 : vector<16xi32> to vector<16xi32>
      %swap3A_947 = vector.shape_cast %add3A_943 : vector<16xi32> to vector<16xi32>
      tpu.vector_store %arg8[%swap3A_944], %swap3A_947 {strides = array<i32>} : memref<800xi32, #tpu.memory_space<vmem>>, vector<16xi32>,
      %and3A_948 = arith.constant 15 : i32
      %and3A_949 = vector.broadcast %and3A_948 : i32 to vector<16xi32>
      %and3A_950 = arith.andi %get3A_930, %and3A_949 : vector<16xi32>
      %add3A_951 = arith.addi %mul3A_936, %and3A_950 : vector<16xi32>
      %swap3A_952 = arith.index_cast %mul3A_927 : i32 to index
      %swap3A_953 = tpu.vector_load %arg11[%swap3A_952] {strides = array<i32>} : memref<800xi32, #tpu.memory_space<vmem>>, vector<16xi32>,
      %swap3A_954 = vector.shape_cast %swap3A_953 : vector<16xi32> to vector<16xi32>
      %swap3A_955 = vector.shape_cast %add3A_951 : vector<16xi32> to vector<16xi32>
      tpu.vector_store %arg11[%swap3A_952], %swap3A_955 {strides = array<i32>} : memref<800xi32, #tpu.memory_space<vmem>>, vector<16xi32>,
      %scan3A_956 = arith.constant 0 : i32
      %scan3A_957 = arith.constant 2 : i32
      %scan3A_958 = arith.addi %scan3A_891, %scan3A_957 : i32
      %mul3A_959 = arith.constant 16 : i32
      %mul3A_960 = arith.muli %scan3A_958, %mul3A_959 : i32
      %get3A_961 = arith.index_cast %mul3A_960 : i32 to index
      %get3A_962 = tpu.vector_load %arg5[%get3A_961] {strides = array<i32>} : memref<800xi32, #tpu.memory_space<vmem>>, vector<16xi32>,
      %get3A_963 = vector.shape_cast %get3A_962 : vector<16xi32> to vector<16xi32>
      %shift_right_logical3A_964 = arith.constant 8 : i32
      %shift_right_logical3A_965 = vector.broadcast %shift_right_logical3A_964 : i32 to vector<16xi32>
      %shift_right_logical3A_966 = arith.shrui %get3A_963, %shift_right_logical3A_965 : vector<16xi32>
      %mul3A_967 = arith.constant 10 : i32
      %mul3A_968 = vector.broadcast %mul3A_967 : i32 to vector<16xi32>
      %mul3A_969 = arith.muli %shift_right_logical3A_966, %mul3A_968 : vector<16xi32>
      %shift_right_logical3A_970 = arith.constant 4 : i32
      %shift_right_logical3A_971 = vector.broadcast %shift_right_logical3A_970 : i32 to vector<16xi32>
      %shift_right_logical3A_972 = arith.shrui %get3A_963, %shift_right_logical3A_971 : vector<16xi32>
      %and3A_973 = arith.constant 15 : i32
      %and3A_974 = vector.broadcast %and3A_973 : i32 to vector<16xi32>
      %and3A_975 = arith.andi %shift_right_logical3A_972, %and3A_974 : vector<16xi32>
      %add3A_976 = arith.addi %mul3A_969, %and3A_975 : vector<16xi32>
      %swap3A_977 = arith.index_cast %mul3A_960 : i32 to index
      %swap3A_978 = tpu.vector_load %arg8[%swap3A_977] {strides = array<i32>} : memref<800xi32, #tpu.memory_space<vmem>>, vector<16xi32>,
      %swap3A_979 = vector.shape_cast %swap3A_978 : vector<16xi32> to vector<16xi32>
      %swap3A_980 = vector.shape_cast %add3A_976 : vector<16xi32> to vector<16xi32>
      tpu.vector_store %arg8[%swap3A_977], %swap3A_980 {strides = array<i32>} : memref<800xi32, #tpu.memory_space<vmem>>, vector<16xi32>,
      %and3A_981 = arith.constant 15 : i32
      %and3A_982 = vector.broadcast %and3A_981 : i32 to vector<16xi32>
      %and3A_983 = arith.andi %get3A_963, %and3A_982 : vector<16xi32>
      %add3A_984 = arith.addi %mul3A_969, %and3A_983 : vector<16xi32>
      %swap3A_985 = arith.index_cast %mul3A_960 : i32 to index
      %swap3A_986 = tpu.vector_load %arg11[%swap3A_985] {strides = array<i32>} : memref<800xi32, #tpu.memory_space<vmem>>, vector<16xi32>,
      %swap3A_987 = vector.shape_cast %swap3A_986 : vector<16xi32> to vector<16xi32>
      %swap3A_988 = vector.shape_cast %add3A_984 : vector<16xi32> to vector<16xi32>
      tpu.vector_store %arg11[%swap3A_985], %swap3A_988 {strides = array<i32>} : memref<800xi32, #tpu.memory_space<vmem>>, vector<16xi32>,
      %scan3A_989 = arith.constant 0 : i32
      %scan3A_990 = arith.constant 3 : i32
      %scan3A_991 = arith.addi %scan3A_891, %scan3A_990 : i32
      %mul3A_992 = arith.constant 16 : i32
      %mul3A_993 = arith.muli %scan3A_991, %mul3A_992 : i32
      %get3A_994 = arith.index_cast %mul3A_993 : i32 to index
      %get3A_995 = tpu.vector_load %arg5[%get3A_994] {strides = array<i32>} : memref<800xi32, #tpu.memory_space<vmem>>, vector<16xi32>,
      %get3A_996 = vector.shape_cast %get3A_995 : vector<16xi32> to vector<16xi32>
      %shift_right_logical3A_997 = arith.constant 8 : i32
      %shift_right_logical3A_998 = vector.broadcast %shift_right_logical3A_997 : i32 to vector<16xi32>
      %shift_right_logical3A_999 = arith.shrui %get3A_996, %shift_right_logical3A_998 : vector<16xi32>
      %mul3A_1000 = arith.constant 10 : i32
      %mul3A_1001 = vector.broadcast %mul3A_1000 : i32 to vector<16xi32>
      %mul3A_1002 = arith.muli %shift_right_logical3A_999, %mul3A_1001 : vector<16xi32>
      %shift_right_logical3A_1003 = arith.constant 4 : i32
      %shift_right_logical3A_1004 = vector.broadcast %shift_right_logical3A_1003 : i32 to vector<16xi32>
      %shift_right_logical3A_1005 = arith.shrui %get3A_996, %shift_right_logical3A_1004 : vector<16xi32>
      %and3A_1006 = arith.constant 15 : i32
      %and3A_1007 = vector.broadcast %and3A_1006 : i32 to vector<16xi32>
      %and3A_1008 = arith.andi %shift_right_logical3A_1005, %and3A_1007 : vector<16xi32>
      %add3A_1009 = arith.addi %mul3A_1002, %and3A_1008 : vector<16xi32>
      %swap3A_1010 = arith.index_cast %mul3A_993 : i32 to index
      %swap3A_1011 = tpu.vector_load %arg8[%swap3A_1010] {strides = array<i32>} : memref<800xi32, #tpu.memory_space<vmem>>, vector<16xi32>,
      %swap3A_1012 = vector.shape_cast %swap3A_1011 : vector<16xi32> to vector<16xi32>
      %swap3A_1013 = vector.shape_cast %add3A_1009 : vector<16xi32> to vector<16xi32>
      tpu.vector_store %arg8[%swap3A_1010], %swap3A_1013 {strides = array<i32>} : memref<800xi32, #tpu.memory_space<vmem>>, vector<16xi32>,
      %and3A_1014 = arith.constant 15 : i32
      %and3A_1015 = vector.broadcast %and3A_1014 : i32 to vector<16xi32>
      %and3A_1016 = arith.andi %get3A_996, %and3A_1015 : vector<16xi32>
      %add3A_1017 = arith.addi %mul3A_1002, %and3A_1016 : vector<16xi32>
      %swap3A_1018 = arith.index_cast %mul3A_993 : i32 to index
      %swap3A_1019 = tpu.vector_load %arg11[%swap3A_1018] {strides = array<i32>} : memref<800xi32, #tpu.memory_space<vmem>>, vector<16xi32>,
      %swap3A_1020 = vector.shape_cast %swap3A_1019 : vector<16xi32> to vector<16xi32>
      %swap3A_1021 = vector.shape_cast %add3A_1017 : vector<16xi32> to vector<16xi32>
      tpu.vector_store %arg11[%swap3A_1018], %swap3A_1021 {strides = array<i32>} : memref<800xi32, #tpu.memory_space<vmem>>, vector<16xi32>,
      %scan3A_1022 = arith.constant 0 : i32
      scf.yield %scan3A_1022 : i32
    }
    %scan3A_307 = arith.constant 48 : i32
    %scan3A_308 = arith.addi %scan3A_302, %scan3A_307 : i32
    %mul3A_309 = arith.constant 16 : i32
    %mul3A_310 = arith.muli %scan3A_308, %mul3A_309 : i32
    %get3A_311 = arith.index_cast %mul3A_310 : i32 to index
    %get3A_312 = tpu.vector_load %arg5[%get3A_311] {strides = array<i32>} : memref<800xi32, #tpu.memory_space<vmem>>, vector<16xi32>,
    %get3A_313 = vector.shape_cast %get3A_312 : vector<16xi32> to vector<16xi32>
    %shift_right_logical3A_314 = arith.constant 8 : i32
    %shift_right_logical3A_315 = vector.broadcast %shift_right_logical3A_314 : i32 to vector<16xi32>
    %shift_right_logical3A_316 = arith.shrui %get3A_313, %shift_right_logical3A_315 : vector<16xi32>
    %mul3A_317 = arith.constant 10 : i32
    %mul3A_318 = vector.broadcast %mul3A_317 : i32 to vector<16xi32>
    %mul3A_319 = arith.muli %shift_right_logical3A_316, %mul3A_318 : vector<16xi32>
    %shift_right_logical3A_320 = arith.constant 4 : i32
    %shift_right_logical3A_321 = vector.broadcast %shift_right_logical3A_320 : i32 to vector<16xi32>
    %shift_right_logical3A_322 = arith.shrui %get3A_313, %shift_right_logical3A_321 : vector<16xi32>
    %and3A_323 = arith.constant 15 : i32
    %and3A_324 = vector.broadcast %and3A_323 : i32 to vector<16xi32>
    %and3A_325 = arith.andi %shift_right_logical3A_322, %and3A_324 : vector<16xi32>
    %add3A_326 = arith.addi %mul3A_319, %and3A_325 : vector<16xi32>
    %swap3A_327 = arith.index_cast %mul3A_310 : i32 to index
    %swap3A_328 = tpu.vector_load %arg8[%swap3A_327] {strides = array<i32>} : memref<800xi32, #tpu.memory_space<vmem>>, vector<16xi32>,
    %swap3A_329 = vector.shape_cast %swap3A_328 : vector<16xi32> to vector<16xi32>
    %swap3A_330 = vector.shape_cast %add3A_326 : vector<16xi32> to vector<16xi32>
    tpu.vector_store %arg8[%swap3A_327], %swap3A_330 {strides = array<i32>} : memref<800xi32, #tpu.memory_space<vmem>>, vector<16xi32>,
    %and3A_331 = arith.constant 15 : i32
    %and3A_332 = vector.broadcast %and3A_331 : i32 to vector<16xi32>
    %and3A_333 = arith.andi %get3A_313, %and3A_332 : vector<16xi32>
    %add3A_334 = arith.addi %mul3A_319, %and3A_333 : vector<16xi32>
    %swap3A_335 = arith.index_cast %mul3A_310 : i32 to index
    %swap3A_336 = tpu.vector_load %arg11[%swap3A_335] {strides = array<i32>} : memref<800xi32, #tpu.memory_space<vmem>>, vector<16xi32>,
    %swap3A_337 = vector.shape_cast %swap3A_336 : vector<16xi32> to vector<16xi32>
    %swap3A_338 = vector.shape_cast %add3A_334 : vector<16xi32> to vector<16xi32>
    tpu.vector_store %arg11[%swap3A_335], %swap3A_338 {strides = array<i32>} : memref<800xi32, #tpu.memory_space<vmem>>, vector<16xi32>,
    %scan3A_339 = arith.constant 0 : i32
    %scan3A_340 = arith.constant 49 : i32
    %scan3A_341 = arith.addi %scan3A_302, %scan3A_340 : i32
    %mul3A_342 = arith.constant 16 : i32
    %mul3A_343 = arith.muli %scan3A_341, %mul3A_342 : i32
    %get3A_344 = arith.index_cast %mul3A_343 : i32 to index
    %get3A_345 = tpu.vector_load %arg5[%get3A_344] {strides = array<i32>} : memref<800xi32, #tpu.memory_space<vmem>>, vector<16xi32>,
    %get3A_346 = vector.shape_cast %get3A_345 : vector<16xi32> to vector<16xi32>
    %shift_right_logical3A_347 = arith.constant 8 : i32
    %shift_right_logical3A_348 = vector.broadcast %shift_right_logical3A_347 : i32 to vector<16xi32>
    %shift_right_logical3A_349 = arith.shrui %get3A_346, %shift_right_logical3A_348 : vector<16xi32>
    %mul3A_350 = arith.constant 10 : i32
    %mul3A_351 = vector.broadcast %mul3A_350 : i32 to vector<16xi32>
    %mul3A_352 = arith.muli %shift_right_logical3A_349, %mul3A_351 : vector<16xi32>
    %shift_right_logical3A_353 = arith.constant 4 : i32
    %shift_right_logical3A_354 = vector.broadcast %shift_right_logical3A_353 : i32 to vector<16xi32>
    %shift_right_logical3A_355 = arith.shrui %get3A_346, %shift_right_logical3A_354 : vector<16xi32>
    %and3A_356 = arith.constant 15 : i32
    %and3A_357 = vector.broadcast %and3A_356 : i32 to vector<16xi32>
    %and3A_358 = arith.andi %shift_right_logical3A_355, %and3A_357 : vector<16xi32>
    %add3A_359 = arith.addi %mul3A_352, %and3A_358 : vector<16xi32>
    %swap3A_360 = arith.index_cast %mul3A_343 : i32 to index
    %swap3A_361 = tpu.vector_load %arg8[%swap3A_360] {strides = array<i32>} : memref<800xi32, #tpu.memory_space<vmem>>, vector<16xi32>,
    %swap3A_362 = vector.shape_cast %swap3A_361 : vector<16xi32> to vector<16xi32>
    %swap3A_363 = vector.shape_cast %add3A_359 : vector<16xi32> to vector<16xi32>
    tpu.vector_store %arg8[%swap3A_360], %swap3A_363 {strides = array<i32>} : memref<800xi32, #tpu.memory_space<vmem>>, vector<16xi32>,
    %and3A_364 = arith.constant 15 : i32
    %and3A_365 = vector.broadcast %and3A_364 : i32 to vector<16xi32>
    %and3A_366 = arith.andi %get3A_346, %and3A_365 : vector<16xi32>
    %add3A_367 = arith.addi %mul3A_352, %and3A_366 : vector<16xi32>
    %swap3A_368 = arith.index_cast %mul3A_343 : i32 to index
    %swap3A_369 = tpu.vector_load %arg11[%swap3A_368] {strides = array<i32>} : memref<800xi32, #tpu.memory_space<vmem>>, vector<16xi32>,
    %swap3A_370 = vector.shape_cast %swap3A_369 : vector<16xi32> to vector<16xi32>
    %swap3A_371 = vector.shape_cast %add3A_367 : vector<16xi32> to vector<16xi32>
    tpu.vector_store %arg11[%swap3A_368], %swap3A_371 {strides = array<i32>} : memref<800xi32, #tpu.memory_space<vmem>>, vector<16xi32>,
    %scan3A_372 = arith.constant 0 : i32
    %scan3A_373 = arith.constant 50 : i32
    %add3A_374 = arith.constant 24000 : i32
    %add3A_375 = arith.addi %mul3A_2, %add3A_374 : i32
    %dma_start3A_376 = tpu.memref_slice %arg2[%add3A_375] : memref<819200xi32, #tpu.memory_space<hbm>> -> memref<800xi32, #tpu.memory_space<hbm>>
    %dma_start3A_377 = tpu.memref_slice %arg2[%add3A_375] : memref<819200xi32, #tpu.memory_space<hbm>> -> memref<800xi32, #tpu.memory_space<hbm>>
    tpu.enqueue_dma source(%dma_start3A_377 : memref<800xi32, #tpu.memory_space<hbm>>) target(%arg5 : memref<800xi32, #tpu.memory_space<vmem>>) target_semaphore(%arg17 : memref<!tpu.dma_semaphore, #tpu.memory_space<semaphore_mem>>)
    %dma_wait3A_378 = arith.constant 0 : i32
    %dma_wait3A_379 = arith.constant 0 : i32
    %dma_wait3A_380 = tpu.memref_slice %arg3[%dma_wait3A_378, %dma_wait3A_379] : memref<1000000x32xf32, #tpu.memory_space<hbm>> -> memref<800x32xf32, #tpu.memory_space<hbm>>
    %dma_wait3A_381 = arith.constant 0 : i32
    %dma_wait3A_382 = arith.constant 0 : i32
    %dma_wait3A_383 = tpu.memref_slice %arg3[%dma_wait3A_381, %dma_wait3A_382] : memref<1000000x32xf32, #tpu.memory_space<hbm>> -> memref<800x32xf32, #tpu.memory_space<hbm>>
    tpu.wait_dma2 semaphore(%arg22 : memref<!tpu.dma_semaphore, #tpu.memory_space<semaphore_mem>>) src(%dma_wait3A_383 : memref<800x32xf32, #tpu.memory_space<hbm>>) dst(%arg16 : memref<800x32xf32, #tpu.memory_space<vmem>>)
    %dma_start3A_384 = arith.constant 0 : i32
    %dma_start3A_385 = arith.constant 0 : i32
    %dma_start3A_386 = tpu.memref_slice %arg3[%dma_start3A_384, %dma_start3A_385] : memref<1000000x32xf32, #tpu.memory_space<hbm>> -> memref<1000000x32xf32, #tpu.memory_space<hbm>>
    tpu.enqueue_indirect_dma source(%dma_start3A_386 : memref<1000000x32xf32, #tpu.memory_space<hbm>>) target(%arg16 : memref<800x32xf32, #tpu.memory_space<vmem>>) offsets(%arg13 : memref<800xi32, #tpu.memory_space<vmem>>) semaphore(%arg25 : memref<!tpu.dma_semaphore, #tpu.memory_space<semaphore_mem>>) {add = true}
    %dma_wait3A_387 = arith.constant 0 : i32
    %dma_wait3A_388 = arith.constant 0 : i32
    %dma_wait3A_389 = tpu.memref_slice %arg3[%dma_wait3A_387, %dma_wait3A_388] : memref<1000000x32xf32, #tpu.memory_space<hbm>> -> memref<800x32xf32, #tpu.memory_space<hbm>>
    %dma_wait3A_390 = arith.constant 0 : i32
    %dma_wait3A_391 = arith.constant 0 : i32
    %dma_wait3A_392 = tpu.memref_slice %arg3[%dma_wait3A_390, %dma_wait3A_391] : memref<1000000x32xf32, #tpu.memory_space<hbm>> -> memref<800x32xf32, #tpu.memory_space<hbm>>
    tpu.wait_dma2 semaphore(%arg24 : memref<!tpu.dma_semaphore, #tpu.memory_space<semaphore_mem>>) src(%dma_wait3A_392 : memref<800x32xf32, #tpu.memory_space<hbm>>) dst(%arg15 : memref<800x32xf32, #tpu.memory_space<vmem>>)
    %add3A_393 = arith.constant 20000 : i32
    %add3A_394 = arith.addi %mul3A_2, %add3A_393 : i32
    %dma_start3A_395 = arith.constant 0 : i32
    %dma_start3A_396 = tpu.memref_slice %arg4[%add3A_394, %dma_start3A_395] : memref<819200x32xf32, #tpu.memory_space<hbm>> -> memref<800x32xf32, #tpu.memory_space<hbm>>
    %dma_start3A_397 = arith.constant 0 : i32
    %dma_start3A_398 = tpu.memref_slice %arg4[%add3A_394, %dma_start3A_397] : memref<819200x32xf32, #tpu.memory_space<hbm>> -> memref<800x32xf32, #tpu.memory_space<hbm>>
    tpu.enqueue_dma source(%arg15 : memref<800x32xf32, #tpu.memory_space<vmem>>) target(%dma_start3A_398 : memref<800x32xf32, #tpu.memory_space<hbm>>) target_semaphore(%arg27 : memref<!tpu.dma_semaphore, #tpu.memory_space<semaphore_mem>>)
    %dma_wait3A_399 = arith.constant 0 : i32
    %dma_wait3A_400 = arith.constant 0 : i32
    %dma_wait3A_401 = tpu.memref_slice %arg4[%dma_wait3A_399, %dma_wait3A_400] : memref<819200x32xf32, #tpu.memory_space<hbm>> -> memref<800x32xf32, #tpu.memory_space<hbm>>
    %dma_wait3A_402 = arith.constant 0 : i32
    %dma_wait3A_403 = arith.constant 0 : i32
    %dma_wait3A_404 = tpu.memref_slice %arg4[%dma_wait3A_402, %dma_wait3A_403] : memref<819200x32xf32, #tpu.memory_space<hbm>> -> memref<800x32xf32, #tpu.memory_space<hbm>>
    tpu.wait_dma2 semaphore(%arg26 : memref<!tpu.dma_semaphore, #tpu.memory_space<semaphore_mem>>) src(%arg14 : memref<800x32xf32, #tpu.memory_space<vmem>>) dst(%dma_wait3A_404 : memref<800x32xf32, #tpu.memory_space<hbm>>)
    %dma_start3A_405 = arith.constant 0 : i32
    %dma_start3A_406 = arith.constant 0 : i32
    %dma_start3A_407 = tpu.memref_slice %arg3[%dma_start3A_405, %dma_start3A_406] : memref<1000000x32xf32, #tpu.memory_space<hbm>> -> memref<1000000x32xf32, #tpu.memory_space<hbm>>
    tpu.enqueue_indirect_dma source(%dma_start3A_407 : memref<1000000x32xf32, #tpu.memory_space<hbm>>) target(%arg14 : memref<800x32xf32, #tpu.memory_space<vmem>>) offsets(%arg8 : memref<800xi32, #tpu.memory_space<vmem>>) semaphore(%arg20 : memref<!tpu.dma_semaphore, #tpu.memory_space<semaphore_mem>>)
    %dma_wait3A_408 = arith.constant 0 : i32
    %dma_wait3A_409 = tpu.memref_slice %arg2[%dma_wait3A_408] : memref<819200xi32, #tpu.memory_space<hbm>> -> memref<800xi32, #tpu.memory_space<hbm>>
    %dma_wait3A_410 = arith.constant 0 : i32
    %dma_wait3A_411 = tpu.memref_slice %arg2[%dma_wait3A_410] : memref<819200xi32, #tpu.memory_space<hbm>> -> memref<800xi32, #tpu.memory_space<hbm>>
    tpu.wait_dma2 semaphore(%arg18 : memref<!tpu.dma_semaphore, #tpu.memory_space<semaphore_mem>>) src(%dma_wait3A_411 : memref<800xi32, #tpu.memory_space<hbm>>) dst(%arg6 : memref<800xi32, #tpu.memory_space<vmem>>)
    %scan3A_412 = arith.constant 0 : i32
    %scan3A_413 = arith.constant 0 : i32
    %scan3A_414 = arith.constant 48 : i32
    %scan3A_415 = arith.addi %scan3A_413, %scan3A_414 : i32
    %scan3A_416 = arith.constant 4 : i32
    %scan3A_417 = scf.for %scan3A_891 = %scan3A_413 to %scan3A_415 step %scan3A_416 iter_args(%scan3A_892 = %scan3A_412) -> (i32)  : i32 {
      %mul3A_893 = arith.constant 16 : i32
      %mul3A_894 = arith.muli %scan3A_891, %mul3A_893 : i32
      %get3A_895 = arith.index_cast %mul3A_894 : i32 to index
      %get3A_896 = tpu.vector_load %arg6[%get3A_895] {strides = array<i32>} : memref<800xi32, #tpu.memory_space<vmem>>, vector<16xi32>,
      %get3A_897 = vector.shape_cast %get3A_896 : vector<16xi32> to vector<16xi32>
      %shift_right_logical3A_898 = arith.constant 8 : i32
      %shift_right_logical3A_899 = vector.broadcast %shift_right_logical3A_898 : i32 to vector<16xi32>
      %shift_right_logical3A_900 = arith.shrui %get3A_897, %shift_right_logical3A_899 : vector<16xi32>
      %mul3A_901 = arith.constant 10 : i32
      %mul3A_902 = vector.broadcast %mul3A_901 : i32 to vector<16xi32>
      %mul3A_903 = arith.muli %shift_right_logical3A_900, %mul3A_902 : vector<16xi32>
      %shift_right_logical3A_904 = arith.constant 4 : i32
      %shift_right_logical3A_905 = vector.broadcast %shift_right_logical3A_904 : i32 to vector<16xi32>
      %shift_right_logical3A_906 = arith.shrui %get3A_897, %shift_right_logical3A_905 : vector<16xi32>
      %and3A_907 = arith.constant 15 : i32
      %and3A_908 = vector.broadcast %and3A_907 : i32 to vector<16xi32>
      %and3A_909 = arith.andi %shift_right_logical3A_906, %and3A_908 : vector<16xi32>
      %add3A_910 = arith.addi %mul3A_903, %and3A_909 : vector<16xi32>
      %swap3A_911 = arith.index_cast %mul3A_894 : i32 to index
      %swap3A_912 = tpu.vector_load %arg9[%swap3A_911] {strides = array<i32>} : memref<800xi32, #tpu.memory_space<vmem>>, vector<16xi32>,
      %swap3A_913 = vector.shape_cast %swap3A_912 : vector<16xi32> to vector<16xi32>
      %swap3A_914 = vector.shape_cast %add3A_910 : vector<16xi32> to vector<16xi32>
      tpu.vector_store %arg9[%swap3A_911], %swap3A_914 {strides = array<i32>} : memref<800xi32, #tpu.memory_space<vmem>>, vector<16xi32>,
      %and3A_915 = arith.constant 15 : i32
      %and3A_916 = vector.broadcast %and3A_915 : i32 to vector<16xi32>
      %and3A_917 = arith.andi %get3A_897, %and3A_916 : vector<16xi32>
      %add3A_918 = arith.addi %mul3A_903, %and3A_917 : vector<16xi32>
      %swap3A_919 = arith.index_cast %mul3A_894 : i32 to index
      %swap3A_920 = tpu.vector_load %arg12[%swap3A_919] {strides = array<i32>} : memref<800xi32, #tpu.memory_space<vmem>>, vector<16xi32>,
      %swap3A_921 = vector.shape_cast %swap3A_920 : vector<16xi32> to vector<16xi32>
      %swap3A_922 = vector.shape_cast %add3A_918 : vector<16xi32> to vector<16xi32>
      tpu.vector_store %arg12[%swap3A_919], %swap3A_922 {strides = array<i32>} : memref<800xi32, #tpu.memory_space<vmem>>, vector<16xi32>,
      %scan3A_923 = arith.constant 0 : i32
      %scan3A_924 = arith.constant 1 : i32
      %scan3A_925 = arith.addi %scan3A_891, %scan3A_924 : i32
      %mul3A_926 = arith.constant 16 : i32
      %mul3A_927 = arith.muli %scan3A_925, %mul3A_926 : i32
      %get3A_928 = arith.index_cast %mul3A_927 : i32 to index
      %get3A_929 = tpu.vector_load %arg6[%get3A_928] {strides = array<i32>} : memref<800xi32, #tpu.memory_space<vmem>>, vector<16xi32>,
      %get3A_930 = vector.shape_cast %get3A_929 : vector<16xi32> to vector<16xi32>
      %shift_right_logical3A_931 = arith.constant 8 : i32
      %shift_right_logical3A_932 = vector.broadcast %shift_right_logical3A_931 : i32 to vector<16xi32>
      %shift_right_logical3A_933 = arith.shrui %get3A_930, %shift_right_logical3A_932 : vector<16xi32>
      %mul3A_934 = arith.constant 10 : i32
      %mul3A_935 = vector.broadcast %mul3A_934 : i32 to vector<16xi32>
      %mul3A_936 = arith.muli %shift_right_logical3A_933, %mul3A_935 : vector<16xi32>
      %shift_right_logical3A_937 = arith.constant 4 : i32
      %shift_right_logical3A_938 = vector.broadcast %shift_right_logical3A_937 : i32 to vector<16xi32>
      %shift_right_logical3A_939 = arith.shrui %get3A_930, %shift_right_logical3A_938 : vector<16xi32>
      %and3A_940 = arith.constant 15 : i32
      %and3A_941 = vector.broadcast %and3A_940 : i32 to vector<16xi32>
      %and3A_942 = arith.andi %shift_right_logical3A_939, %and3A_941 : vector<16xi32>
      %add3A_943 = arith.addi %mul3A_936, %and3A_942 : vector<16xi32>
      %swap3A_944 = arith.index_cast %mul3A_927 : i32 to index
      %swap3A_945 = tpu.vector_load %arg9[%swap3A_944] {strides = array<i32>} : memref<800xi32, #tpu.memory_space<vmem>>, vector<16xi32>,
      %swap3A_946 = vector.shape_cast %swap3A_945 : vector<16xi32> to vector<16xi32>
      %swap3A_947 = vector.shape_cast %add3A_943 : vector<16xi32> to vector<16xi32>
      tpu.vector_store %arg9[%swap3A_944], %swap3A_947 {strides = array<i32>} : memref<800xi32, #tpu.memory_space<vmem>>, vector<16xi32>,
      %and3A_948 = arith.constant 15 : i32
      %and3A_949 = vector.broadcast %and3A_948 : i32 to vector<16xi32>
      %and3A_950 = arith.andi %get3A_930, %and3A_949 : vector<16xi32>
      %add3A_951 = arith.addi %mul3A_936, %and3A_950 : vector<16xi32>
      %swap3A_952 = arith.index_cast %mul3A_927 : i32 to index
      %swap3A_953 = tpu.vector_load %arg12[%swap3A_952] {strides = array<i32>} : memref<800xi32, #tpu.memory_space<vmem>>, vector<16xi32>,
      %swap3A_954 = vector.shape_cast %swap3A_953 : vector<16xi32> to vector<16xi32>
      %swap3A_955 = vector.shape_cast %add3A_951 : vector<16xi32> to vector<16xi32>
      tpu.vector_store %arg12[%swap3A_952], %swap3A_955 {strides = array<i32>} : memref<800xi32, #tpu.memory_space<vmem>>, vector<16xi32>,
      %scan3A_956 = arith.constant 0 : i32
      %scan3A_957 = arith.constant 2 : i32
      %scan3A_958 = arith.addi %scan3A_891, %scan3A_957 : i32
      %mul3A_959 = arith.constant 16 : i32
      %mul3A_960 = arith.muli %scan3A_958, %mul3A_959 : i32
      %get3A_961 = arith.index_cast %mul3A_960 : i32 to index
      %get3A_962 = tpu.vector_load %arg6[%get3A_961] {strides = array<i32>} : memref<800xi32, #tpu.memory_space<vmem>>, vector<16xi32>,
      %get3A_963 = vector.shape_cast %get3A_962 : vector<16xi32> to vector<16xi32>
      %shift_right_logical3A_964 = arith.constant 8 : i32
      %shift_right_logical3A_965 = vector.broadcast %shift_right_logical3A_964 : i32 to vector<16xi32>
      %shift_right_logical3A_966 = arith.shrui %get3A_963, %shift_right_logical3A_965 : vector<16xi32>
      %mul3A_967 = arith.constant 10 : i32
      %mul3A_968 = vector.broadcast %mul3A_967 : i32 to vector<16xi32>
      %mul3A_969 = arith.muli %shift_right_logical3A_966, %mul3A_968 : vector<16xi32>
      %shift_right_logical3A_970 = arith.constant 4 : i32
      %shift_right_logical3A_971 = vector.broadcast %shift_right_logical3A_970 : i32 to vector<16xi32>
      %shift_right_logical3A_972 = arith.shrui %get3A_963, %shift_right_logical3A_971 : vector<16xi32>
      %and3A_973 = arith.constant 15 : i32
      %and3A_974 = vector.broadcast %and3A_973 : i32 to vector<16xi32>
      %and3A_975 = arith.andi %shift_right_logical3A_972, %and3A_974 : vector<16xi32>
      %add3A_976 = arith.addi %mul3A_969, %and3A_975 : vector<16xi32>
      %swap3A_977 = arith.index_cast %mul3A_960 : i32 to index
      %swap3A_978 = tpu.vector_load %arg9[%swap3A_977] {strides = array<i32>} : memref<800xi32, #tpu.memory_space<vmem>>, vector<16xi32>,
      %swap3A_979 = vector.shape_cast %swap3A_978 : vector<16xi32> to vector<16xi32>
      %swap3A_980 = vector.shape_cast %add3A_976 : vector<16xi32> to vector<16xi32>
      tpu.vector_store %arg9[%swap3A_977], %swap3A_980 {strides = array<i32>} : memref<800xi32, #tpu.memory_space<vmem>>, vector<16xi32>,
      %and3A_981 = arith.constant 15 : i32
      %and3A_982 = vector.broadcast %and3A_981 : i32 to vector<16xi32>
      %and3A_983 = arith.andi %get3A_963, %and3A_982 : vector<16xi32>
      %add3A_984 = arith.addi %mul3A_969, %and3A_983 : vector<16xi32>
      %swap3A_985 = arith.index_cast %mul3A_960 : i32 to index
      %swap3A_986 = tpu.vector_load %arg12[%swap3A_985] {strides = array<i32>} : memref<800xi32, #tpu.memory_space<vmem>>, vector<16xi32>,
      %swap3A_987 = vector.shape_cast %swap3A_986 : vector<16xi32> to vector<16xi32>
      %swap3A_988 = vector.shape_cast %add3A_984 : vector<16xi32> to vector<16xi32>
      tpu.vector_store %arg12[%swap3A_985], %swap3A_988 {strides = array<i32>} : memref<800xi32, #tpu.memory_space<vmem>>, vector<16xi32>,
      %scan3A_989 = arith.constant 0 : i32
      %scan3A_990 = arith.constant 3 : i32
      %scan3A_991 = arith.addi %scan3A_891, %scan3A_990 : i32
      %mul3A_992 = arith.constant 16 : i32
      %mul3A_993 = arith.muli %scan3A_991, %mul3A_992 : i32
      %get3A_994 = arith.index_cast %mul3A_993 : i32 to index
      %get3A_995 = tpu.vector_load %arg6[%get3A_994] {strides = array<i32>} : memref<800xi32, #tpu.memory_space<vmem>>, vector<16xi32>,
      %get3A_996 = vector.shape_cast %get3A_995 : vector<16xi32> to vector<16xi32>
      %shift_right_logical3A_997 = arith.constant 8 : i32
      %shift_right_logical3A_998 = vector.broadcast %shift_right_logical3A_997 : i32 to vector<16xi32>
      %shift_right_logical3A_999 = arith.shrui %get3A_996, %shift_right_logical3A_998 : vector<16xi32>
      %mul3A_1000 = arith.constant 10 : i32
      %mul3A_1001 = vector.broadcast %mul3A_1000 : i32 to vector<16xi32>
      %mul3A_1002 = arith.muli %shift_right_logical3A_999, %mul3A_1001 : vector<16xi32>
      %shift_right_logical3A_1003 = arith.constant 4 : i32
      %shift_right_logical3A_1004 = vector.broadcast %shift_right_logical3A_1003 : i32 to vector<16xi32>
      %shift_right_logical3A_1005 = arith.shrui %get3A_996, %shift_right_logical3A_1004 : vector<16xi32>
      %and3A_1006 = arith.constant 15 : i32
      %and3A_1007 = vector.broadcast %and3A_1006 : i32 to vector<16xi32>
      %and3A_1008 = arith.andi %shift_right_logical3A_1005, %and3A_1007 : vector<16xi32>
      %add3A_1009 = arith.addi %mul3A_1002, %and3A_1008 : vector<16xi32>
      %swap3A_1010 = arith.index_cast %mul3A_993 : i32 to index
      %swap3A_1011 = tpu.vector_load %arg9[%swap3A_1010] {strides = array<i32>} : memref<800xi32, #tpu.memory_space<vmem>>, vector<16xi32>,
      %swap3A_1012 = vector.shape_cast %swap3A_1011 : vector<16xi32> to vector<16xi32>
      %swap3A_1013 = vector.shape_cast %add3A_1009 : vector<16xi32> to vector<16xi32>
      tpu.vector_store %arg9[%swap3A_1010], %swap3A_1013 {strides = array<i32>} : memref<800xi32, #tpu.memory_space<vmem>>, vector<16xi32>,
      %and3A_1014 = arith.constant 15 : i32
      %and3A_1015 = vector.broadcast %and3A_1014 : i32 to vector<16xi32>
      %and3A_1016 = arith.andi %get3A_996, %and3A_1015 : vector<16xi32>
      %add3A_1017 = arith.addi %mul3A_1002, %and3A_1016 : vector<16xi32>
      %swap3A_1018 = arith.index_cast %mul3A_993 : i32 to index
      %swap3A_1019 = tpu.vector_load %arg12[%swap3A_1018] {strides = array<i32>} : memref<800xi32, #tpu.memory_space<vmem>>, vector<16xi32>,
      %swap3A_1020 = vector.shape_cast %swap3A_1019 : vector<16xi32> to vector<16xi32>
      %swap3A_1021 = vector.shape_cast %add3A_1017 : vector<16xi32> to vector<16xi32>
      tpu.vector_store %arg12[%swap3A_1018], %swap3A_1021 {strides = array<i32>} : memref<800xi32, #tpu.memory_space<vmem>>, vector<16xi32>,
      %scan3A_1022 = arith.constant 0 : i32
      scf.yield %scan3A_1022 : i32
    }
    %scan3A_418 = arith.constant 48 : i32
    %scan3A_419 = arith.addi %scan3A_413, %scan3A_418 : i32
    %mul3A_420 = arith.constant 16 : i32
    %mul3A_421 = arith.muli %scan3A_419, %mul3A_420 : i32
    %get3A_422 = arith.index_cast %mul3A_421 : i32 to index
    %get3A_423 = tpu.vector_load %arg6[%get3A_422] {strides = array<i32>} : memref<800xi32, #tpu.memory_space<vmem>>, vector<16xi32>,
    %get3A_424 = vector.shape_cast %get3A_423 : vector<16xi32> to vector<16xi32>
    %shift_right_logical3A_425 = arith.constant 8 : i32
    %shift_right_logical3A_426 = vector.broadcast %shift_right_logical3A_425 : i32 to vector<16xi32>
    %shift_right_logical3A_427 = arith.shrui %get3A_424, %shift_right_logical3A_426 : vector<16xi32>
    %mul3A_428 = arith.constant 10 : i32
    %mul3A_429 = vector.broadcast %mul3A_428 : i32 to vector<16xi32>
    %mul3A_430 = arith.muli %shift_right_logical3A_427, %mul3A_429 : vector<16xi32>
    %shift_right_logical3A_431 = arith.constant 4 : i32
    %shift_right_logical3A_432 = vector.broadcast %shift_right_logical3A_431 : i32 to vector<16xi32>
    %shift_right_logical3A_433 = arith.shrui %get3A_424, %shift_right_logical3A_432 : vector<16xi32>
    %and3A_434 = arith.constant 15 : i32
    %and3A_435 = vector.broadcast %and3A_434 : i32 to vector<16xi32>
    %and3A_436 = arith.andi %shift_right_logical3A_433, %and3A_435 : vector<16xi32>
    %add3A_437 = arith.addi %mul3A_430, %and3A_436 : vector<16xi32>
    %swap3A_438 = arith.index_cast %mul3A_421 : i32 to index
    %swap3A_439 = tpu.vector_load %arg9[%swap3A_438] {strides = array<i32>} : memref<800xi32, #tpu.memory_space<vmem>>, vector<16xi32>,
    %swap3A_440 = vector.shape_cast %swap3A_439 : vector<16xi32> to vector<16xi32>
    %swap3A_441 = vector.shape_cast %add3A_437 : vector<16xi32> to vector<16xi32>
    tpu.vector_store %arg9[%swap3A_438], %swap3A_441 {strides = array<i32>} : memref<800xi32, #tpu.memory_space<vmem>>, vector<16xi32>,
    %and3A_442 = arith.constant 15 : i32
    %and3A_443 = vector.broadcast %and3A_442 : i32 to vector<16xi32>
    %and3A_444 = arith.andi %get3A_424, %and3A_443 : vector<16xi32>
    %add3A_445 = arith.addi %mul3A_430, %and3A_444 : vector<16xi32>
    %swap3A_446 = arith.index_cast %mul3A_421 : i32 to index
    %swap3A_447 = tpu.vector_load %arg12[%swap3A_446] {strides = array<i32>} : memref<800xi32, #tpu.memory_space<vmem>>, vector<16xi32>,
    %swap3A_448 = vector.shape_cast %swap3A_447 : vector<16xi32> to vector<16xi32>
    %swap3A_449 = vector.shape_cast %add3A_445 : vector<16xi32> to vector<16xi32>
    tpu.vector_store %arg12[%swap3A_446], %swap3A_449 {strides = array<i32>} : memref<800xi32, #tpu.memory_space<vmem>>, vector<16xi32>,
    %scan3A_450 = arith.constant 0 : i32
    %scan3A_451 = arith.constant 49 : i32
    %scan3A_452 = arith.addi %scan3A_413, %scan3A_451 : i32
    %mul3A_453 = arith.constant 16 : i32
    %mul3A_454 = arith.muli %scan3A_452, %mul3A_453 : i32
    %get3A_455 = arith.index_cast %mul3A_454 : i32 to index
    %get3A_456 = tpu.vector_load %arg6[%get3A_455] {strides = array<i32>} : memref<800xi32, #tpu.memory_space<vmem>>, vector<16xi32>,
    %get3A_457 = vector.shape_cast %get3A_456 : vector<16xi32> to vector<16xi32>
    %shift_right_logical3A_458 = arith.constant 8 : i32
    %shift_right_logical3A_459 = vector.broadcast %shift_right_logical3A_458 : i32 to vector<16xi32>
    %shift_right_logical3A_460 = arith.shrui %get3A_457, %shift_right_logical3A_459 : vector<16xi32>
    %mul3A_461 = arith.constant 10 : i32
    %mul3A_462 = vector.broadcast %mul3A_461 : i32 to vector<16xi32>
    %mul3A_463 = arith.muli %shift_right_logical3A_460, %mul3A_462 : vector<16xi32>
    %shift_right_logical3A_464 = arith.constant 4 : i32
    %shift_right_logical3A_465 = vector.broadcast %shift_right_logical3A_464 : i32 to vector<16xi32>
    %shift_right_logical3A_466 = arith.shrui %get3A_457, %shift_right_logical3A_465 : vector<16xi32>
    %and3A_467 = arith.constant 15 : i32
    %and3A_468 = vector.broadcast %and3A_467 : i32 to vector<16xi32>
    %and3A_469 = arith.andi %shift_right_logical3A_466, %and3A_468 : vector<16xi32>
    %add3A_470 = arith.addi %mul3A_463, %and3A_469 : vector<16xi32>
    %swap3A_471 = arith.index_cast %mul3A_454 : i32 to index
    %swap3A_472 = tpu.vector_load %arg9[%swap3A_471] {strides = array<i32>} : memref<800xi32, #tpu.memory_space<vmem>>, vector<16xi32>,
    %swap3A_473 = vector.shape_cast %swap3A_472 : vector<16xi32> to vector<16xi32>
    %swap3A_474 = vector.shape_cast %add3A_470 : vector<16xi32> to vector<16xi32>
    tpu.vector_store %arg9[%swap3A_471], %swap3A_474 {strides = array<i32>} : memref<800xi32, #tpu.memory_space<vmem>>, vector<16xi32>,
    %and3A_475 = arith.constant 15 : i32
    %and3A_476 = vector.broadcast %and3A_475 : i32 to vector<16xi32>
    %and3A_477 = arith.andi %get3A_457, %and3A_476 : vector<16xi32>
    %add3A_478 = arith.addi %mul3A_463, %and3A_477 : vector<16xi32>
    %swap3A_479 = arith.index_cast %mul3A_454 : i32 to index
    %swap3A_480 = tpu.vector_load %arg12[%swap3A_479] {strides = array<i32>} : memref<800xi32, #tpu.memory_space<vmem>>, vector<16xi32>,
    %swap3A_481 = vector.shape_cast %swap3A_480 : vector<16xi32> to vector<16xi32>
    %swap3A_482 = vector.shape_cast %add3A_478 : vector<16xi32> to vector<16xi32>
    tpu.vector_store %arg12[%swap3A_479], %swap3A_482 {strides = array<i32>} : memref<800xi32, #tpu.memory_space<vmem>>, vector<16xi32>,
    %scan3A_483 = arith.constant 0 : i32
    %scan3A_484 = arith.constant 50 : i32
    %add3A_485 = arith.constant 24800 : i32
    %add3A_486 = arith.addi %mul3A_2, %add3A_485 : i32
    %dma_start3A_487 = tpu.memref_slice %arg2[%add3A_486] : memref<819200xi32, #tpu.memory_space<hbm>> -> memref<800xi32, #tpu.memory_space<hbm>>
    %dma_start3A_488 = tpu.memref_slice %arg2[%add3A_486] : memref<819200xi32, #tpu.memory_space<hbm>> -> memref<800xi32, #tpu.memory_space<hbm>>
    tpu.enqueue_dma source(%dma_start3A_488 : memref<800xi32, #tpu.memory_space<hbm>>) target(%arg6 : memref<800xi32, #tpu.memory_space<vmem>>) target_semaphore(%arg18 : memref<!tpu.dma_semaphore, #tpu.memory_space<semaphore_mem>>)
    %dma_wait3A_489 = arith.constant 0 : i32
    %dma_wait3A_490 = arith.constant 0 : i32
    %dma_wait3A_491 = tpu.memref_slice %arg3[%dma_wait3A_489, %dma_wait3A_490] : memref<1000000x32xf32, #tpu.memory_space<hbm>> -> memref<800x32xf32, #tpu.memory_space<hbm>>
    %dma_wait3A_492 = arith.constant 0 : i32
    %dma_wait3A_493 = arith.constant 0 : i32
    %dma_wait3A_494 = tpu.memref_slice %arg3[%dma_wait3A_492, %dma_wait3A_493] : memref<1000000x32xf32, #tpu.memory_space<hbm>> -> memref<800x32xf32, #tpu.memory_space<hbm>>
    tpu.wait_dma2 semaphore(%arg20 : memref<!tpu.dma_semaphore, #tpu.memory_space<semaphore_mem>>) src(%dma_wait3A_494 : memref<800x32xf32, #tpu.memory_space<hbm>>) dst(%arg14 : memref<800x32xf32, #tpu.memory_space<vmem>>)
    %dma_start3A_495 = arith.constant 0 : i32
    %dma_start3A_496 = arith.constant 0 : i32
    %dma_start3A_497 = tpu.memref_slice %arg3[%dma_start3A_495, %dma_start3A_496] : memref<1000000x32xf32, #tpu.memory_space<hbm>> -> memref<1000000x32xf32, #tpu.memory_space<hbm>>
    tpu.enqueue_indirect_dma source(%dma_start3A_497 : memref<1000000x32xf32, #tpu.memory_space<hbm>>) target(%arg14 : memref<800x32xf32, #tpu.memory_space<vmem>>) offsets(%arg11 : memref<800xi32, #tpu.memory_space<vmem>>) semaphore(%arg23 : memref<!tpu.dma_semaphore, #tpu.memory_space<semaphore_mem>>) {add = true}
    %dma_wait3A_498 = arith.constant 0 : i32
    %dma_wait3A_499 = arith.constant 0 : i32
    %dma_wait3A_500 = tpu.memref_slice %arg3[%dma_wait3A_498, %dma_wait3A_499] : memref<1000000x32xf32, #tpu.memory_space<hbm>> -> memref<800x32xf32, #tpu.memory_space<hbm>>
    %dma_wait3A_501 = arith.constant 0 : i32
    %dma_wait3A_502 = arith.constant 0 : i32
    %dma_wait3A_503 = tpu.memref_slice %arg3[%dma_wait3A_501, %dma_wait3A_502] : memref<1000000x32xf32, #tpu.memory_space<hbm>> -> memref<800x32xf32, #tpu.memory_space<hbm>>
    tpu.wait_dma2 semaphore(%arg25 : memref<!tpu.dma_semaphore, #tpu.memory_space<semaphore_mem>>) src(%dma_wait3A_503 : memref<800x32xf32, #tpu.memory_space<hbm>>) dst(%arg16 : memref<800x32xf32, #tpu.memory_space<vmem>>)
    %add3A_504 = arith.constant 20800 : i32
    %add3A_505 = arith.addi %mul3A_2, %add3A_504 : i32
    %dma_start3A_506 = arith.constant 0 : i32
    %dma_start3A_507 = tpu.memref_slice %arg4[%add3A_505, %dma_start3A_506] : memref<819200x32xf32, #tpu.memory_space<hbm>> -> memref<800x32xf32, #tpu.memory_space<hbm>>
    %dma_start3A_508 = arith.constant 0 : i32
    %dma_start3A_509 = tpu.memref_slice %arg4[%add3A_505, %dma_start3A_508] : memref<819200x32xf32, #tpu.memory_space<hbm>> -> memref<800x32xf32, #tpu.memory_space<hbm>>
    tpu.enqueue_dma source(%arg16 : memref<800x32xf32, #tpu.memory_space<vmem>>) target(%dma_start3A_509 : memref<800x32xf32, #tpu.memory_space<hbm>>) target_semaphore(%arg28 : memref<!tpu.dma_semaphore, #tpu.memory_space<semaphore_mem>>)
    %dma_wait3A_510 = arith.constant 0 : i32
    %dma_wait3A_511 = arith.constant 0 : i32
    %dma_wait3A_512 = tpu.memref_slice %arg4[%dma_wait3A_510, %dma_wait3A_511] : memref<819200x32xf32, #tpu.memory_space<hbm>> -> memref<800x32xf32, #tpu.memory_space<hbm>>
    %dma_wait3A_513 = arith.constant 0 : i32
    %dma_wait3A_514 = arith.constant 0 : i32
    %dma_wait3A_515 = tpu.memref_slice %arg4[%dma_wait3A_513, %dma_wait3A_514] : memref<819200x32xf32, #tpu.memory_space<hbm>> -> memref<800x32xf32, #tpu.memory_space<hbm>>
    tpu.wait_dma2 semaphore(%arg27 : memref<!tpu.dma_semaphore, #tpu.memory_space<semaphore_mem>>) src(%arg15 : memref<800x32xf32, #tpu.memory_space<vmem>>) dst(%dma_wait3A_515 : memref<800x32xf32, #tpu.memory_space<hbm>>)
    %dma_start3A_516 = arith.constant 0 : i32
    %dma_start3A_517 = arith.constant 0 : i32
    %dma_start3A_518 = tpu.memref_slice %arg3[%dma_start3A_516, %dma_start3A_517] : memref<1000000x32xf32, #tpu.memory_space<hbm>> -> memref<1000000x32xf32, #tpu.memory_space<hbm>>
    tpu.enqueue_indirect_dma source(%dma_start3A_518 : memref<1000000x32xf32, #tpu.memory_space<hbm>>) target(%arg15 : memref<800x32xf32, #tpu.memory_space<vmem>>) offsets(%arg9 : memref<800xi32, #tpu.memory_space<vmem>>) semaphore(%arg21 : memref<!tpu.dma_semaphore, #tpu.memory_space<semaphore_mem>>)
    %dma_wait3A_519 = arith.constant 0 : i32
    %dma_wait3A_520 = tpu.memref_slice %arg2[%dma_wait3A_519] : memref<819200xi32, #tpu.memory_space<hbm>> -> memref<800xi32, #tpu.memory_space<hbm>>
    %dma_wait3A_521 = arith.constant 0 : i32
    %dma_wait3A_522 = tpu.memref_slice %arg2[%dma_wait3A_521] : memref<819200xi32, #tpu.memory_space<hbm>> -> memref<800xi32, #tpu.memory_space<hbm>>
    tpu.wait_dma2 semaphore(%arg19 : memref<!tpu.dma_semaphore, #tpu.memory_space<semaphore_mem>>) src(%dma_wait3A_522 : memref<800xi32, #tpu.memory_space<hbm>>) dst(%arg7 : memref<800xi32, #tpu.memory_space<vmem>>)
    %scan3A_523 = arith.constant 0 : i32
    %scan3A_524 = arith.constant 0 : i32
    %scan3A_525 = arith.constant 48 : i32
    %scan3A_526 = arith.addi %scan3A_524, %scan3A_525 : i32
    %scan3A_527 = arith.constant 4 : i32
    %scan3A_528 = scf.for %scan3A_891 = %scan3A_524 to %scan3A_526 step %scan3A_527 iter_args(%scan3A_892 = %scan3A_523) -> (i32)  : i32 {
      %mul3A_893 = arith.constant 16 : i32
      %mul3A_894 = arith.muli %scan3A_891, %mul3A_893 : i32
      %get3A_895 = arith.index_cast %mul3A_894 : i32 to index
      %get3A_896 = tpu.vector_load %arg7[%get3A_895] {strides = array<i32>} : memref<800xi32, #tpu.memory_space<vmem>>, vector<16xi32>,
      %get3A_897 = vector.shape_cast %get3A_896 : vector<16xi32> to vector<16xi32>
      %shift_right_logical3A_898 = arith.constant 8 : i32
      %shift_right_logical3A_899 = vector.broadcast %shift_right_logical3A_898 : i32 to vector<16xi32>
      %shift_right_logical3A_900 = arith.shrui %get3A_897, %shift_right_logical3A_899 : vector<16xi32>
      %mul3A_901 = arith.constant 10 : i32
      %mul3A_902 = vector.broadcast %mul3A_901 : i32 to vector<16xi32>
      %mul3A_903 = arith.muli %shift_right_logical3A_900, %mul3A_902 : vector<16xi32>
      %shift_right_logical3A_904 = arith.constant 4 : i32
      %shift_right_logical3A_905 = vector.broadcast %shift_right_logical3A_904 : i32 to vector<16xi32>
      %shift_right_logical3A_906 = arith.shrui %get3A_897, %shift_right_logical3A_905 : vector<16xi32>
      %and3A_907 = arith.constant 15 : i32
      %and3A_908 = vector.broadcast %and3A_907 : i32 to vector<16xi32>
      %and3A_909 = arith.andi %shift_right_logical3A_906, %and3A_908 : vector<16xi32>
      %add3A_910 = arith.addi %mul3A_903, %and3A_909 : vector<16xi32>
      %swap3A_911 = arith.index_cast %mul3A_894 : i32 to index
      %swap3A_912 = tpu.vector_load %arg10[%swap3A_911] {strides = array<i32>} : memref<800xi32, #tpu.memory_space<vmem>>, vector<16xi32>,
      %swap3A_913 = vector.shape_cast %swap3A_912 : vector<16xi32> to vector<16xi32>
      %swap3A_914 = vector.shape_cast %add3A_910 : vector<16xi32> to vector<16xi32>
      tpu.vector_store %arg10[%swap3A_911], %swap3A_914 {strides = array<i32>} : memref<800xi32, #tpu.memory_space<vmem>>, vector<16xi32>,
      %and3A_915 = arith.constant 15 : i32
      %and3A_916 = vector.broadcast %and3A_915 : i32 to vector<16xi32>
      %and3A_917 = arith.andi %get3A_897, %and3A_916 : vector<16xi32>
      %add3A_918 = arith.addi %mul3A_903, %and3A_917 : vector<16xi32>
      %swap3A_919 = arith.index_cast %mul3A_894 : i32 to index
      %swap3A_920 = tpu.vector_load %arg13[%swap3A_919] {strides = array<i32>} : memref<800xi32, #tpu.memory_space<vmem>>, vector<16xi32>,
      %swap3A_921 = vector.shape_cast %swap3A_920 : vector<16xi32> to vector<16xi32>
      %swap3A_922 = vector.shape_cast %add3A_918 : vector<16xi32> to vector<16xi32>
      tpu.vector_store %arg13[%swap3A_919], %swap3A_922 {strides = array<i32>} : memref<800xi32, #tpu.memory_space<vmem>>, vector<16xi32>,
      %scan3A_923 = arith.constant 0 : i32
      %scan3A_924 = arith.constant 1 : i32
      %scan3A_925 = arith.addi %scan3A_891, %scan3A_924 : i32
      %mul3A_926 = arith.constant 16 : i32
      %mul3A_927 = arith.muli %scan3A_925, %mul3A_926 : i32
      %get3A_928 = arith.index_cast %mul3A_927 : i32 to index
      %get3A_929 = tpu.vector_load %arg7[%get3A_928] {strides = array<i32>} : memref<800xi32, #tpu.memory_space<vmem>>, vector<16xi32>,
      %get3A_930 = vector.shape_cast %get3A_929 : vector<16xi32> to vector<16xi32>
      %shift_right_logical3A_931 = arith.constant 8 : i32
      %shift_right_logical3A_932 = vector.broadcast %shift_right_logical3A_931 : i32 to vector<16xi32>
      %shift_right_logical3A_933 = arith.shrui %get3A_930, %shift_right_logical3A_932 : vector<16xi32>
      %mul3A_934 = arith.constant 10 : i32
      %mul3A_935 = vector.broadcast %mul3A_934 : i32 to vector<16xi32>
      %mul3A_936 = arith.muli %shift_right_logical3A_933, %mul3A_935 : vector<16xi32>
      %shift_right_logical3A_937 = arith.constant 4 : i32
      %shift_right_logical3A_938 = vector.broadcast %shift_right_logical3A_937 : i32 to vector<16xi32>
      %shift_right_logical3A_939 = arith.shrui %get3A_930, %shift_right_logical3A_938 : vector<16xi32>
      %and3A_940 = arith.constant 15 : i32
      %and3A_941 = vector.broadcast %and3A_940 : i32 to vector<16xi32>
      %and3A_942 = arith.andi %shift_right_logical3A_939, %and3A_941 : vector<16xi32>
      %add3A_943 = arith.addi %mul3A_936, %and3A_942 : vector<16xi32>
      %swap3A_944 = arith.index_cast %mul3A_927 : i32 to index
      %swap3A_945 = tpu.vector_load %arg10[%swap3A_944] {strides = array<i32>} : memref<800xi32, #tpu.memory_space<vmem>>, vector<16xi32>,
      %swap3A_946 = vector.shape_cast %swap3A_945 : vector<16xi32> to vector<16xi32>
      %swap3A_947 = vector.shape_cast %add3A_943 : vector<16xi32> to vector<16xi32>
      tpu.vector_store %arg10[%swap3A_944], %swap3A_947 {strides = array<i32>} : memref<800xi32, #tpu.memory_space<vmem>>, vector<16xi32>,
      %and3A_948 = arith.constant 15 : i32
      %and3A_949 = vector.broadcast %and3A_948 : i32 to vector<16xi32>
      %and3A_950 = arith.andi %get3A_930, %and3A_949 : vector<16xi32>
      %add3A_951 = arith.addi %mul3A_936, %and3A_950 : vector<16xi32>
      %swap3A_952 = arith.index_cast %mul3A_927 : i32 to index
      %swap3A_953 = tpu.vector_load %arg13[%swap3A_952] {strides = array<i32>} : memref<800xi32, #tpu.memory_space<vmem>>, vector<16xi32>,
      %swap3A_954 = vector.shape_cast %swap3A_953 : vector<16xi32> to vector<16xi32>
      %swap3A_955 = vector.shape_cast %add3A_951 : vector<16xi32> to vector<16xi32>
      tpu.vector_store %arg13[%swap3A_952], %swap3A_955 {strides = array<i32>} : memref<800xi32, #tpu.memory_space<vmem>>, vector<16xi32>,
      %scan3A_956 = arith.constant 0 : i32
      %scan3A_957 = arith.constant 2 : i32
      %scan3A_958 = arith.addi %scan3A_891, %scan3A_957 : i32
      %mul3A_959 = arith.constant 16 : i32
      %mul3A_960 = arith.muli %scan3A_958, %mul3A_959 : i32
      %get3A_961 = arith.index_cast %mul3A_960 : i32 to index
      %get3A_962 = tpu.vector_load %arg7[%get3A_961] {strides = array<i32>} : memref<800xi32, #tpu.memory_space<vmem>>, vector<16xi32>,
      %get3A_963 = vector.shape_cast %get3A_962 : vector<16xi32> to vector<16xi32>
      %shift_right_logical3A_964 = arith.constant 8 : i32
      %shift_right_logical3A_965 = vector.broadcast %shift_right_logical3A_964 : i32 to vector<16xi32>
      %shift_right_logical3A_966 = arith.shrui %get3A_963, %shift_right_logical3A_965 : vector<16xi32>
      %mul3A_967 = arith.constant 10 : i32
      %mul3A_968 = vector.broadcast %mul3A_967 : i32 to vector<16xi32>
      %mul3A_969 = arith.muli %shift_right_logical3A_966, %mul3A_968 : vector<16xi32>
      %shift_right_logical3A_970 = arith.constant 4 : i32
      %shift_right_logical3A_971 = vector.broadcast %shift_right_logical3A_970 : i32 to vector<16xi32>
      %shift_right_logical3A_972 = arith.shrui %get3A_963, %shift_right_logical3A_971 : vector<16xi32>
      %and3A_973 = arith.constant 15 : i32
      %and3A_974 = vector.broadcast %and3A_973 : i32 to vector<16xi32>
      %and3A_975 = arith.andi %shift_right_logical3A_972, %and3A_974 : vector<16xi32>
      %add3A_976 = arith.addi %mul3A_969, %and3A_975 : vector<16xi32>
      %swap3A_977 = arith.index_cast %mul3A_960 : i32 to index
      %swap3A_978 = tpu.vector_load %arg10[%swap3A_977] {strides = array<i32>} : memref<800xi32, #tpu.memory_space<vmem>>, vector<16xi32>,
      %swap3A_979 = vector.shape_cast %swap3A_978 : vector<16xi32> to vector<16xi32>
      %swap3A_980 = vector.shape_cast %add3A_976 : vector<16xi32> to vector<16xi32>
      tpu.vector_store %arg10[%swap3A_977], %swap3A_980 {strides = array<i32>} : memref<800xi32, #tpu.memory_space<vmem>>, vector<16xi32>,
      %and3A_981 = arith.constant 15 : i32
      %and3A_982 = vector.broadcast %and3A_981 : i32 to vector<16xi32>
      %and3A_983 = arith.andi %get3A_963, %and3A_982 : vector<16xi32>
      %add3A_984 = arith.addi %mul3A_969, %and3A_983 : vector<16xi32>
      %swap3A_985 = arith.index_cast %mul3A_960 : i32 to index
      %swap3A_986 = tpu.vector_load %arg13[%swap3A_985] {strides = array<i32>} : memref<800xi32, #tpu.memory_space<vmem>>, vector<16xi32>,
      %swap3A_987 = vector.shape_cast %swap3A_986 : vector<16xi32> to vector<16xi32>
      %swap3A_988 = vector.shape_cast %add3A_984 : vector<16xi32> to vector<16xi32>
      tpu.vector_store %arg13[%swap3A_985], %swap3A_988 {strides = array<i32>} : memref<800xi32, #tpu.memory_space<vmem>>, vector<16xi32>,
      %scan3A_989 = arith.constant 0 : i32
      %scan3A_990 = arith.constant 3 : i32
      %scan3A_991 = arith.addi %scan3A_891, %scan3A_990 : i32
      %mul3A_992 = arith.constant 16 : i32
      %mul3A_993 = arith.muli %scan3A_991, %mul3A_992 : i32
      %get3A_994 = arith.index_cast %mul3A_993 : i32 to index
      %get3A_995 = tpu.vector_load %arg7[%get3A_994] {strides = array<i32>} : memref<800xi32, #tpu.memory_space<vmem>>, vector<16xi32>,
      %get3A_996 = vector.shape_cast %get3A_995 : vector<16xi32> to vector<16xi32>
      %shift_right_logical3A_997 = arith.constant 8 : i32
      %shift_right_logical3A_998 = vector.broadcast %shift_right_logical3A_997 : i32 to vector<16xi32>
      %shift_right_logical3A_999 = arith.shrui %get3A_996, %shift_right_logical3A_998 : vector<16xi32>
      %mul3A_1000 = arith.constant 10 : i32
      %mul3A_1001 = vector.broadcast %mul3A_1000 : i32 to vector<16xi32>
      %mul3A_1002 = arith.muli %shift_right_logical3A_999, %mul3A_1001 : vector<16xi32>
      %shift_right_logical3A_1003 = arith.constant 4 : i32
      %shift_right_logical3A_1004 = vector.broadcast %shift_right_logical3A_1003 : i32 to vector<16xi32>
      %shift_right_logical3A_1005 = arith.shrui %get3A_996, %shift_right_logical3A_1004 : vector<16xi32>
      %and3A_1006 = arith.constant 15 : i32
      %and3A_1007 = vector.broadcast %and3A_1006 : i32 to vector<16xi32>
      %and3A_1008 = arith.andi %shift_right_logical3A_1005, %and3A_1007 : vector<16xi32>
      %add3A_1009 = arith.addi %mul3A_1002, %and3A_1008 : vector<16xi32>
      %swap3A_1010 = arith.index_cast %mul3A_993 : i32 to index
      %swap3A_1011 = tpu.vector_load %arg10[%swap3A_1010] {strides = array<i32>} : memref<800xi32, #tpu.memory_space<vmem>>, vector<16xi32>,
      %swap3A_1012 = vector.shape_cast %swap3A_1011 : vector<16xi32> to vector<16xi32>
      %swap3A_1013 = vector.shape_cast %add3A_1009 : vector<16xi32> to vector<16xi32>
      tpu.vector_store %arg10[%swap3A_1010], %swap3A_1013 {strides = array<i32>} : memref<800xi32, #tpu.memory_space<vmem>>, vector<16xi32>,
      %and3A_1014 = arith.constant 15 : i32
      %and3A_1015 = vector.broadcast %and3A_1014 : i32 to vector<16xi32>
      %and3A_1016 = arith.andi %get3A_996, %and3A_1015 : vector<16xi32>
      %add3A_1017 = arith.addi %mul3A_1002, %and3A_1016 : vector<16xi32>
      %swap3A_1018 = arith.index_cast %mul3A_993 : i32 to index
      %swap3A_1019 = tpu.vector_load %arg13[%swap3A_1018] {strides = array<i32>} : memref<800xi32, #tpu.memory_space<vmem>>, vector<16xi32>,
      %swap3A_1020 = vector.shape_cast %swap3A_1019 : vector<16xi32> to vector<16xi32>
      %swap3A_1021 = vector.shape_cast %add3A_1017 : vector<16xi32> to vector<16xi32>
      tpu.vector_store %arg13[%swap3A_1018], %swap3A_1021 {strides = array<i32>} : memref<800xi32, #tpu.memory_space<vmem>>, vector<16xi32>,
      %scan3A_1022 = arith.constant 0 : i32
      scf.yield %scan3A_1022 : i32
    }
    %scan3A_529 = arith.constant 48 : i32
    %scan3A_530 = arith.addi %scan3A_524, %scan3A_529 : i32
    %mul3A_531 = arith.constant 16 : i32
    %mul3A_532 = arith.muli %scan3A_530, %mul3A_531 : i32
    %get3A_533 = arith.index_cast %mul3A_532 : i32 to index
    %get3A_534 = tpu.vector_load %arg7[%get3A_533] {strides = array<i32>} : memref<800xi32, #tpu.memory_space<vmem>>, vector<16xi32>,
    %get3A_535 = vector.shape_cast %get3A_534 : vector<16xi32> to vector<16xi32>
    %shift_right_logical3A_536 = arith.constant 8 : i32
    %shift_right_logical3A_537 = vector.broadcast %shift_right_logical3A_536 : i32 to vector<16xi32>
    %shift_right_logical3A_538 = arith.shrui %get3A_535, %shift_right_logical3A_537 : vector<16xi32>
    %mul3A_539 = arith.constant 10 : i32
    %mul3A_540 = vector.broadcast %mul3A_539 : i32 to vector<16xi32>
    %mul3A_541 = arith.muli %shift_right_logical3A_538, %mul3A_540 : vector<16xi32>
    %shift_right_logical3A_542 = arith.constant 4 : i32
    %shift_right_logical3A_543 = vector.broadcast %shift_right_logical3A_542 : i32 to vector<16xi32>
    %shift_right_logical3A_544 = arith.shrui %get3A_535, %shift_right_logical3A_543 : vector<16xi32>
    %and3A_545 = arith.constant 15 : i32
    %and3A_546 = vector.broadcast %and3A_545 : i32 to vector<16xi32>
    %and3A_547 = arith.andi %shift_right_logical3A_544, %and3A_546 : vector<16xi32>
    %add3A_548 = arith.addi %mul3A_541, %and3A_547 : vector<16xi32>
    %swap3A_549 = arith.index_cast %mul3A_532 : i32 to index
    %swap3A_550 = tpu.vector_load %arg10[%swap3A_549] {strides = array<i32>} : memref<800xi32, #tpu.memory_space<vmem>>, vector<16xi32>,
    %swap3A_551 = vector.shape_cast %swap3A_550 : vector<16xi32> to vector<16xi32>
    %swap3A_552 = vector.shape_cast %add3A_548 : vector<16xi32> to vector<16xi32>
    tpu.vector_store %arg10[%swap3A_549], %swap3A_552 {strides = array<i32>} : memref<800xi32, #tpu.memory_space<vmem>>, vector<16xi32>,
    %and3A_553 = arith.constant 15 : i32
    %and3A_554 = vector.broadcast %and3A_553 : i32 to vector<16xi32>
    %and3A_555 = arith.andi %get3A_535, %and3A_554 : vector<16xi32>
    %add3A_556 = arith.addi %mul3A_541, %and3A_555 : vector<16xi32>
    %swap3A_557 = arith.index_cast %mul3A_532 : i32 to index
    %swap3A_558 = tpu.vector_load %arg13[%swap3A_557] {strides = array<i32>} : memref<800xi32, #tpu.memory_space<vmem>>, vector<16xi32>,
    %swap3A_559 = vector.shape_cast %swap3A_558 : vector<16xi32> to vector<16xi32>
    %swap3A_560 = vector.shape_cast %add3A_556 : vector<16xi32> to vector<16xi32>
    tpu.vector_store %arg13[%swap3A_557], %swap3A_560 {strides = array<i32>} : memref<800xi32, #tpu.memory_space<vmem>>, vector<16xi32>,
    %scan3A_561 = arith.constant 0 : i32
    %scan3A_562 = arith.constant 49 : i32
    %scan3A_563 = arith.addi %scan3A_524, %scan3A_562 : i32
    %mul3A_564 = arith.constant 16 : i32
    %mul3A_565 = arith.muli %scan3A_563, %mul3A_564 : i32
    %get3A_566 = arith.index_cast %mul3A_565 : i32 to index
    %get3A_567 = tpu.vector_load %arg7[%get3A_566] {strides = array<i32>} : memref<800xi32, #tpu.memory_space<vmem>>, vector<16xi32>,
    %get3A_568 = vector.shape_cast %get3A_567 : vector<16xi32> to vector<16xi32>
    %shift_right_logical3A_569 = arith.constant 8 : i32
    %shift_right_logical3A_570 = vector.broadcast %shift_right_logical3A_569 : i32 to vector<16xi32>
    %shift_right_logical3A_571 = arith.shrui %get3A_568, %shift_right_logical3A_570 : vector<16xi32>
    %mul3A_572 = arith.constant 10 : i32
    %mul3A_573 = vector.broadcast %mul3A_572 : i32 to vector<16xi32>
    %mul3A_574 = arith.muli %shift_right_logical3A_571, %mul3A_573 : vector<16xi32>
    %shift_right_logical3A_575 = arith.constant 4 : i32
    %shift_right_logical3A_576 = vector.broadcast %shift_right_logical3A_575 : i32 to vector<16xi32>
    %shift_right_logical3A_577 = arith.shrui %get3A_568, %shift_right_logical3A_576 : vector<16xi32>
    %and3A_578 = arith.constant 15 : i32
    %and3A_579 = vector.broadcast %and3A_578 : i32 to vector<16xi32>
    %and3A_580 = arith.andi %shift_right_logical3A_577, %and3A_579 : vector<16xi32>
    %add3A_581 = arith.addi %mul3A_574, %and3A_580 : vector<16xi32>
    %swap3A_582 = arith.index_cast %mul3A_565 : i32 to index
    %swap3A_583 = tpu.vector_load %arg10[%swap3A_582] {strides = array<i32>} : memref<800xi32, #tpu.memory_space<vmem>>, vector<16xi32>,
    %swap3A_584 = vector.shape_cast %swap3A_583 : vector<16xi32> to vector<16xi32>
    %swap3A_585 = vector.shape_cast %add3A_581 : vector<16xi32> to vector<16xi32>
    tpu.vector_store %arg10[%swap3A_582], %swap3A_585 {strides = array<i32>} : memref<800xi32, #tpu.memory_space<vmem>>, vector<16xi32>,
    %and3A_586 = arith.constant 15 : i32
    %and3A_587 = vector.broadcast %and3A_586 : i32 to vector<16xi32>
    %and3A_588 = arith.andi %get3A_568, %and3A_587 : vector<16xi32>
    %add3A_589 = arith.addi %mul3A_574, %and3A_588 : vector<16xi32>
    %swap3A_590 = arith.index_cast %mul3A_565 : i32 to index
    %swap3A_591 = tpu.vector_load %arg13[%swap3A_590] {strides = array<i32>} : memref<800xi32, #tpu.memory_space<vmem>>, vector<16xi32>,
    %swap3A_592 = vector.shape_cast %swap3A_591 : vector<16xi32> to vector<16xi32>
    %swap3A_593 = vector.shape_cast %add3A_589 : vector<16xi32> to vector<16xi32>
    tpu.vector_store %arg13[%swap3A_590], %swap3A_593 {strides = array<i32>} : memref<800xi32, #tpu.memory_space<vmem>>, vector<16xi32>,
    %scan3A_594 = arith.constant 0 : i32
    %scan3A_595 = arith.constant 50 : i32
    %dma_wait3A_596 = arith.constant 0 : i32
    %dma_wait3A_597 = arith.constant 0 : i32
    %dma_wait3A_598 = tpu.memref_slice %arg3[%dma_wait3A_596, %dma_wait3A_597] : memref<1000000x32xf32, #tpu.memory_space<hbm>> -> memref<800x32xf32, #tpu.memory_space<hbm>>
    %dma_wait3A_599 = arith.constant 0 : i32
    %dma_wait3A_600 = arith.constant 0 : i32
    %dma_wait3A_601 = tpu.memref_slice %arg3[%dma_wait3A_599, %dma_wait3A_600] : memref<1000000x32xf32, #tpu.memory_space<hbm>> -> memref<800x32xf32, #tpu.memory_space<hbm>>
    tpu.wait_dma2 semaphore(%arg21 : memref<!tpu.dma_semaphore, #tpu.memory_space<semaphore_mem>>) src(%dma_wait3A_601 : memref<800x32xf32, #tpu.memory_space<hbm>>) dst(%arg15 : memref<800x32xf32, #tpu.memory_space<vmem>>)
    %dma_start3A_602 = arith.constant 0 : i32
    %dma_start3A_603 = arith.constant 0 : i32
    %dma_start3A_604 = tpu.memref_slice %arg3[%dma_start3A_602, %dma_start3A_603] : memref<1000000x32xf32, #tpu.memory_space<hbm>> -> memref<1000000x32xf32, #tpu.memory_space<hbm>>
    tpu.enqueue_indirect_dma source(%dma_start3A_604 : memref<1000000x32xf32, #tpu.memory_space<hbm>>) target(%arg15 : memref<800x32xf32, #tpu.memory_space<vmem>>) offsets(%arg12 : memref<800xi32, #tpu.memory_space<vmem>>) semaphore(%arg24 : memref<!tpu.dma_semaphore, #tpu.memory_space<semaphore_mem>>) {add = true}
    %dma_wait3A_605 = arith.constant 0 : i32
    %dma_wait3A_606 = arith.constant 0 : i32
    %dma_wait3A_607 = tpu.memref_slice %arg3[%dma_wait3A_605, %dma_wait3A_606] : memref<1000000x32xf32, #tpu.memory_space<hbm>> -> memref<800x32xf32, #tpu.memory_space<hbm>>
    %dma_wait3A_608 = arith.constant 0 : i32
    %dma_wait3A_609 = arith.constant 0 : i32
    %dma_wait3A_610 = tpu.memref_slice %arg3[%dma_wait3A_608, %dma_wait3A_609] : memref<1000000x32xf32, #tpu.memory_space<hbm>> -> memref<800x32xf32, #tpu.memory_space<hbm>>
    tpu.wait_dma2 semaphore(%arg23 : memref<!tpu.dma_semaphore, #tpu.memory_space<semaphore_mem>>) src(%dma_wait3A_610 : memref<800x32xf32, #tpu.memory_space<hbm>>) dst(%arg14 : memref<800x32xf32, #tpu.memory_space<vmem>>)
    %add3A_611 = arith.constant 21600 : i32
    %add3A_612 = arith.addi %mul3A_2, %add3A_611 : i32
    %dma_start3A_613 = arith.constant 0 : i32
    %dma_start3A_614 = tpu.memref_slice %arg4[%add3A_612, %dma_start3A_613] : memref<819200x32xf32, #tpu.memory_space<hbm>> -> memref<800x32xf32, #tpu.memory_space<hbm>>
    %dma_start3A_615 = arith.constant 0 : i32
    %dma_start3A_616 = tpu.memref_slice %arg4[%add3A_612, %dma_start3A_615] : memref<819200x32xf32, #tpu.memory_space<hbm>> -> memref<800x32xf32, #tpu.memory_space<hbm>>
    tpu.enqueue_dma source(%arg14 : memref<800x32xf32, #tpu.memory_space<vmem>>) target(%dma_start3A_616 : memref<800x32xf32, #tpu.memory_space<hbm>>) target_semaphore(%arg26 : memref<!tpu.dma_semaphore, #tpu.memory_space<semaphore_mem>>)
    %dma_wait3A_617 = arith.constant 0 : i32
    %dma_wait3A_618 = arith.constant 0 : i32
    %dma_wait3A_619 = tpu.memref_slice %arg4[%dma_wait3A_617, %dma_wait3A_618] : memref<819200x32xf32, #tpu.memory_space<hbm>> -> memref<800x32xf32, #tpu.memory_space<hbm>>
    %dma_wait3A_620 = arith.constant 0 : i32
    %dma_wait3A_621 = arith.constant 0 : i32
    %dma_wait3A_622 = tpu.memref_slice %arg4[%dma_wait3A_620, %dma_wait3A_621] : memref<819200x32xf32, #tpu.memory_space<hbm>> -> memref<800x32xf32, #tpu.memory_space<hbm>>
    tpu.wait_dma2 semaphore(%arg28 : memref<!tpu.dma_semaphore, #tpu.memory_space<semaphore_mem>>) src(%arg16 : memref<800x32xf32, #tpu.memory_space<vmem>>) dst(%dma_wait3A_622 : memref<800x32xf32, #tpu.memory_space<hbm>>)
    %dma_start3A_623 = arith.constant 0 : i32
    %dma_start3A_624 = arith.constant 0 : i32
    %dma_start3A_625 = tpu.memref_slice %arg3[%dma_start3A_623, %dma_start3A_624] : memref<1000000x32xf32, #tpu.memory_space<hbm>> -> memref<1000000x32xf32, #tpu.memory_space<hbm>>
    tpu.enqueue_indirect_dma source(%dma_start3A_625 : memref<1000000x32xf32, #tpu.memory_space<hbm>>) target(%arg16 : memref<800x32xf32, #tpu.memory_space<vmem>>) offsets(%arg10 : memref<800xi32, #tpu.memory_space<vmem>>) semaphore(%arg22 : memref<!tpu.dma_semaphore, #tpu.memory_space<semaphore_mem>>)
    %dma_wait3A_626 = arith.constant 0 : i32
    %dma_wait3A_627 = tpu.memref_slice %arg2[%dma_wait3A_626] : memref<819200xi32, #tpu.memory_space<hbm>> -> memref<800xi32, #tpu.memory_space<hbm>>
    %dma_wait3A_628 = arith.constant 0 : i32
    %dma_wait3A_629 = tpu.memref_slice %arg2[%dma_wait3A_628] : memref<819200xi32, #tpu.memory_space<hbm>> -> memref<800xi32, #tpu.memory_space<hbm>>
    tpu.wait_dma2 semaphore(%arg17 : memref<!tpu.dma_semaphore, #tpu.memory_space<semaphore_mem>>) src(%dma_wait3A_629 : memref<800xi32, #tpu.memory_space<hbm>>) dst(%arg5 : memref<800xi32, #tpu.memory_space<vmem>>)
    %scan3A_630 = arith.constant 0 : i32
    %scan3A_631 = arith.constant 0 : i32
    %scan3A_632 = arith.constant 48 : i32
    %scan3A_633 = arith.addi %scan3A_631, %scan3A_632 : i32
    %scan3A_634 = arith.constant 4 : i32
    %scan3A_635 = scf.for %scan3A_891 = %scan3A_631 to %scan3A_633 step %scan3A_634 iter_args(%scan3A_892 = %scan3A_630) -> (i32)  : i32 {
      %mul3A_893 = arith.constant 16 : i32
      %mul3A_894 = arith.muli %scan3A_891, %mul3A_893 : i32
      %get3A_895 = arith.index_cast %mul3A_894 : i32 to index
      %get3A_896 = tpu.vector_load %arg5[%get3A_895] {strides = array<i32>} : memref<800xi32, #tpu.memory_space<vmem>>, vector<16xi32>,
      %get3A_897 = vector.shape_cast %get3A_896 : vector<16xi32> to vector<16xi32>
      %shift_right_logical3A_898 = arith.constant 8 : i32
      %shift_right_logical3A_899 = vector.broadcast %shift_right_logical3A_898 : i32 to vector<16xi32>
      %shift_right_logical3A_900 = arith.shrui %get3A_897, %shift_right_logical3A_899 : vector<16xi32>
      %mul3A_901 = arith.constant 10 : i32
      %mul3A_902 = vector.broadcast %mul3A_901 : i32 to vector<16xi32>
      %mul3A_903 = arith.muli %shift_right_logical3A_900, %mul3A_902 : vector<16xi32>
      %shift_right_logical3A_904 = arith.constant 4 : i32
      %shift_right_logical3A_905 = vector.broadcast %shift_right_logical3A_904 : i32 to vector<16xi32>
      %shift_right_logical3A_906 = arith.shrui %get3A_897, %shift_right_logical3A_905 : vector<16xi32>
      %and3A_907 = arith.constant 15 : i32
      %and3A_908 = vector.broadcast %and3A_907 : i32 to vector<16xi32>
      %and3A_909 = arith.andi %shift_right_logical3A_906, %and3A_908 : vector<16xi32>
      %add3A_910 = arith.addi %mul3A_903, %and3A_909 : vector<16xi32>
      %swap3A_911 = arith.index_cast %mul3A_894 : i32 to index
      %swap3A_912 = tpu.vector_load %arg8[%swap3A_911] {strides = array<i32>} : memref<800xi32, #tpu.memory_space<vmem>>, vector<16xi32>,
      %swap3A_913 = vector.shape_cast %swap3A_912 : vector<16xi32> to vector<16xi32>
      %swap3A_914 = vector.shape_cast %add3A_910 : vector<16xi32> to vector<16xi32>
      tpu.vector_store %arg8[%swap3A_911], %swap3A_914 {strides = array<i32>} : memref<800xi32, #tpu.memory_space<vmem>>, vector<16xi32>,
      %and3A_915 = arith.constant 15 : i32
      %and3A_916 = vector.broadcast %and3A_915 : i32 to vector<16xi32>
      %and3A_917 = arith.andi %get3A_897, %and3A_916 : vector<16xi32>
      %add3A_918 = arith.addi %mul3A_903, %and3A_917 : vector<16xi32>
      %swap3A_919 = arith.index_cast %mul3A_894 : i32 to index
      %swap3A_920 = tpu.vector_load %arg11[%swap3A_919] {strides = array<i32>} : memref<800xi32, #tpu.memory_space<vmem>>, vector<16xi32>,
      %swap3A_921 = vector.shape_cast %swap3A_920 : vector<16xi32> to vector<16xi32>
      %swap3A_922 = vector.shape_cast %add3A_918 : vector<16xi32> to vector<16xi32>
      tpu.vector_store %arg11[%swap3A_919], %swap3A_922 {strides = array<i32>} : memref<800xi32, #tpu.memory_space<vmem>>, vector<16xi32>,
      %scan3A_923 = arith.constant 0 : i32
      %scan3A_924 = arith.constant 1 : i32
      %scan3A_925 = arith.addi %scan3A_891, %scan3A_924 : i32
      %mul3A_926 = arith.constant 16 : i32
      %mul3A_927 = arith.muli %scan3A_925, %mul3A_926 : i32
      %get3A_928 = arith.index_cast %mul3A_927 : i32 to index
      %get3A_929 = tpu.vector_load %arg5[%get3A_928] {strides = array<i32>} : memref<800xi32, #tpu.memory_space<vmem>>, vector<16xi32>,
      %get3A_930 = vector.shape_cast %get3A_929 : vector<16xi32> to vector<16xi32>
      %shift_right_logical3A_931 = arith.constant 8 : i32
      %shift_right_logical3A_932 = vector.broadcast %shift_right_logical3A_931 : i32 to vector<16xi32>
      %shift_right_logical3A_933 = arith.shrui %get3A_930, %shift_right_logical3A_932 : vector<16xi32>
      %mul3A_934 = arith.constant 10 : i32
      %mul3A_935 = vector.broadcast %mul3A_934 : i32 to vector<16xi32>
      %mul3A_936 = arith.muli %shift_right_logical3A_933, %mul3A_935 : vector<16xi32>
      %shift_right_logical3A_937 = arith.constant 4 : i32
      %shift_right_logical3A_938 = vector.broadcast %shift_right_logical3A_937 : i32 to vector<16xi32>
      %shift_right_logical3A_939 = arith.shrui %get3A_930, %shift_right_logical3A_938 : vector<16xi32>
      %and3A_940 = arith.constant 15 : i32
      %and3A_941 = vector.broadcast %and3A_940 : i32 to vector<16xi32>
      %and3A_942 = arith.andi %shift_right_logical3A_939, %and3A_941 : vector<16xi32>
      %add3A_943 = arith.addi %mul3A_936, %and3A_942 : vector<16xi32>
      %swap3A_944 = arith.index_cast %mul3A_927 : i32 to index
      %swap3A_945 = tpu.vector_load %arg8[%swap3A_944] {strides = array<i32>} : memref<800xi32, #tpu.memory_space<vmem>>, vector<16xi32>,
      %swap3A_946 = vector.shape_cast %swap3A_945 : vector<16xi32> to vector<16xi32>
      %swap3A_947 = vector.shape_cast %add3A_943 : vector<16xi32> to vector<16xi32>
      tpu.vector_store %arg8[%swap3A_944], %swap3A_947 {strides = array<i32>} : memref<800xi32, #tpu.memory_space<vmem>>, vector<16xi32>,
      %and3A_948 = arith.constant 15 : i32
      %and3A_949 = vector.broadcast %and3A_948 : i32 to vector<16xi32>
      %and3A_950 = arith.andi %get3A_930, %and3A_949 : vector<16xi32>
      %add3A_951 = arith.addi %mul3A_936, %and3A_950 : vector<16xi32>
      %swap3A_952 = arith.index_cast %mul3A_927 : i32 to index
      %swap3A_953 = tpu.vector_load %arg11[%swap3A_952] {strides = array<i32>} : memref<800xi32, #tpu.memory_space<vmem>>, vector<16xi32>,
      %swap3A_954 = vector.shape_cast %swap3A_953 : vector<16xi32> to vector<16xi32>
      %swap3A_955 = vector.shape_cast %add3A_951 : vector<16xi32> to vector<16xi32>
      tpu.vector_store %arg11[%swap3A_952], %swap3A_955 {strides = array<i32>} : memref<800xi32, #tpu.memory_space<vmem>>, vector<16xi32>,
      %scan3A_956 = arith.constant 0 : i32
      %scan3A_957 = arith.constant 2 : i32
      %scan3A_958 = arith.addi %scan3A_891, %scan3A_957 : i32
      %mul3A_959 = arith.constant 16 : i32
      %mul3A_960 = arith.muli %scan3A_958, %mul3A_959 : i32
      %get3A_961 = arith.index_cast %mul3A_960 : i32 to index
      %get3A_962 = tpu.vector_load %arg5[%get3A_961] {strides = array<i32>} : memref<800xi32, #tpu.memory_space<vmem>>, vector<16xi32>,
      %get3A_963 = vector.shape_cast %get3A_962 : vector<16xi32> to vector<16xi32>
      %shift_right_logical3A_964 = arith.constant 8 : i32
      %shift_right_logical3A_965 = vector.broadcast %shift_right_logical3A_964 : i32 to vector<16xi32>
      %shift_right_logical3A_966 = arith.shrui %get3A_963, %shift_right_logical3A_965 : vector<16xi32>
      %mul3A_967 = arith.constant 10 : i32
      %mul3A_968 = vector.broadcast %mul3A_967 : i32 to vector<16xi32>
      %mul3A_969 = arith.muli %shift_right_logical3A_966, %mul3A_968 : vector<16xi32>
      %shift_right_logical3A_970 = arith.constant 4 : i32
      %shift_right_logical3A_971 = vector.broadcast %shift_right_logical3A_970 : i32 to vector<16xi32>
      %shift_right_logical3A_972 = arith.shrui %get3A_963, %shift_right_logical3A_971 : vector<16xi32>
      %and3A_973 = arith.constant 15 : i32
      %and3A_974 = vector.broadcast %and3A_973 : i32 to vector<16xi32>
      %and3A_975 = arith.andi %shift_right_logical3A_972, %and3A_974 : vector<16xi32>
      %add3A_976 = arith.addi %mul3A_969, %and3A_975 : vector<16xi32>
      %swap3A_977 = arith.index_cast %mul3A_960 : i32 to index
      %swap3A_978 = tpu.vector_load %arg8[%swap3A_977] {strides = array<i32>} : memref<800xi32, #tpu.memory_space<vmem>>, vector<16xi32>,
      %swap3A_979 = vector.shape_cast %swap3A_978 : vector<16xi32> to vector<16xi32>
      %swap3A_980 = vector.shape_cast %add3A_976 : vector<16xi32> to vector<16xi32>
      tpu.vector_store %arg8[%swap3A_977], %swap3A_980 {strides = array<i32>} : memref<800xi32, #tpu.memory_space<vmem>>, vector<16xi32>,
      %and3A_981 = arith.constant 15 : i32
      %and3A_982 = vector.broadcast %and3A_981 : i32 to vector<16xi32>
      %and3A_983 = arith.andi %get3A_963, %and3A_982 : vector<16xi32>
      %add3A_984 = arith.addi %mul3A_969, %and3A_983 : vector<16xi32>
      %swap3A_985 = arith.index_cast %mul3A_960 : i32 to index
      %swap3A_986 = tpu.vector_load %arg11[%swap3A_985] {strides = array<i32>} : memref<800xi32, #tpu.memory_space<vmem>>, vector<16xi32>,
      %swap3A_987 = vector.shape_cast %swap3A_986 : vector<16xi32> to vector<16xi32>
      %swap3A_988 = vector.shape_cast %add3A_984 : vector<16xi32> to vector<16xi32>
      tpu.vector_store %arg11[%swap3A_985], %swap3A_988 {strides = array<i32>} : memref<800xi32, #tpu.memory_space<vmem>>, vector<16xi32>,
      %scan3A_989 = arith.constant 0 : i32
      %scan3A_990 = arith.constant 3 : i32
      %scan3A_991 = arith.addi %scan3A_891, %scan3A_990 : i32
      %mul3A_992 = arith.constant 16 : i32
      %mul3A_993 = arith.muli %scan3A_991, %mul3A_992 : i32
      %get3A_994 = arith.index_cast %mul3A_993 : i32 to index
      %get3A_995 = tpu.vector_load %arg5[%get3A_994] {strides = array<i32>} : memref<800xi32, #tpu.memory_space<vmem>>, vector<16xi32>,
      %get3A_996 = vector.shape_cast %get3A_995 : vector<16xi32> to vector<16xi32>
      %shift_right_logical3A_997 = arith.constant 8 : i32
      %shift_right_logical3A_998 = vector.broadcast %shift_right_logical3A_997 : i32 to vector<16xi32>
      %shift_right_logical3A_999 = arith.shrui %get3A_996, %shift_right_logical3A_998 : vector<16xi32>
      %mul3A_1000 = arith.constant 10 : i32
      %mul3A_1001 = vector.broadcast %mul3A_1000 : i32 to vector<16xi32>
      %mul3A_1002 = arith.muli %shift_right_logical3A_999, %mul3A_1001 : vector<16xi32>
      %shift_right_logical3A_1003 = arith.constant 4 : i32
      %shift_right_logical3A_1004 = vector.broadcast %shift_right_logical3A_1003 : i32 to vector<16xi32>
      %shift_right_logical3A_1005 = arith.shrui %get3A_996, %shift_right_logical3A_1004 : vector<16xi32>
      %and3A_1006 = arith.constant 15 : i32
      %and3A_1007 = vector.broadcast %and3A_1006 : i32 to vector<16xi32>
      %and3A_1008 = arith.andi %shift_right_logical3A_1005, %and3A_1007 : vector<16xi32>
      %add3A_1009 = arith.addi %mul3A_1002, %and3A_1008 : vector<16xi32>
      %swap3A_1010 = arith.index_cast %mul3A_993 : i32 to index
      %swap3A_1011 = tpu.vector_load %arg8[%swap3A_1010] {strides = array<i32>} : memref<800xi32, #tpu.memory_space<vmem>>, vector<16xi32>,
      %swap3A_1012 = vector.shape_cast %swap3A_1011 : vector<16xi32> to vector<16xi32>
      %swap3A_1013 = vector.shape_cast %add3A_1009 : vector<16xi32> to vector<16xi32>
      tpu.vector_store %arg8[%swap3A_1010], %swap3A_1013 {strides = array<i32>} : memref<800xi32, #tpu.memory_space<vmem>>, vector<16xi32>,
      %and3A_1014 = arith.constant 15 : i32
      %and3A_1015 = vector.broadcast %and3A_1014 : i32 to vector<16xi32>
      %and3A_1016 = arith.andi %get3A_996, %and3A_1015 : vector<16xi32>
      %add3A_1017 = arith.addi %mul3A_1002, %and3A_1016 : vector<16xi32>
      %swap3A_1018 = arith.index_cast %mul3A_993 : i32 to index
      %swap3A_1019 = tpu.vector_load %arg11[%swap3A_1018] {strides = array<i32>} : memref<800xi32, #tpu.memory_space<vmem>>, vector<16xi32>,
      %swap3A_1020 = vector.shape_cast %swap3A_1019 : vector<16xi32> to vector<16xi32>
      %swap3A_1021 = vector.shape_cast %add3A_1017 : vector<16xi32> to vector<16xi32>
      tpu.vector_store %arg11[%swap3A_1018], %swap3A_1021 {strides = array<i32>} : memref<800xi32, #tpu.memory_space<vmem>>, vector<16xi32>,
      %scan3A_1022 = arith.constant 0 : i32
      scf.yield %scan3A_1022 : i32
    }
    %scan3A_636 = arith.constant 48 : i32
    %scan3A_637 = arith.addi %scan3A_631, %scan3A_636 : i32
    %mul3A_638 = arith.constant 16 : i32
    %mul3A_639 = arith.muli %scan3A_637, %mul3A_638 : i32
    %get3A_640 = arith.index_cast %mul3A_639 : i32 to index
    %get3A_641 = tpu.vector_load %arg5[%get3A_640] {strides = array<i32>} : memref<800xi32, #tpu.memory_space<vmem>>, vector<16xi32>,
    %get3A_642 = vector.shape_cast %get3A_641 : vector<16xi32> to vector<16xi32>
    %shift_right_logical3A_643 = arith.constant 8 : i32
    %shift_right_logical3A_644 = vector.broadcast %shift_right_logical3A_643 : i32 to vector<16xi32>
    %shift_right_logical3A_645 = arith.shrui %get3A_642, %shift_right_logical3A_644 : vector<16xi32>
    %mul3A_646 = arith.constant 10 : i32
    %mul3A_647 = vector.broadcast %mul3A_646 : i32 to vector<16xi32>
    %mul3A_648 = arith.muli %shift_right_logical3A_645, %mul3A_647 : vector<16xi32>
    %shift_right_logical3A_649 = arith.constant 4 : i32
    %shift_right_logical3A_650 = vector.broadcast %shift_right_logical3A_649 : i32 to vector<16xi32>
    %shift_right_logical3A_651 = arith.shrui %get3A_642, %shift_right_logical3A_650 : vector<16xi32>
    %and3A_652 = arith.constant 15 : i32
    %and3A_653 = vector.broadcast %and3A_652 : i32 to vector<16xi32>
    %and3A_654 = arith.andi %shift_right_logical3A_651, %and3A_653 : vector<16xi32>
    %add3A_655 = arith.addi %mul3A_648, %and3A_654 : vector<16xi32>
    %swap3A_656 = arith.index_cast %mul3A_639 : i32 to index
    %swap3A_657 = tpu.vector_load %arg8[%swap3A_656] {strides = array<i32>} : memref<800xi32, #tpu.memory_space<vmem>>, vector<16xi32>,
    %swap3A_658 = vector.shape_cast %swap3A_657 : vector<16xi32> to vector<16xi32>
    %swap3A_659 = vector.shape_cast %add3A_655 : vector<16xi32> to vector<16xi32>
    tpu.vector_store %arg8[%swap3A_656], %swap3A_659 {strides = array<i32>} : memref<800xi32, #tpu.memory_space<vmem>>, vector<16xi32>,
    %and3A_660 = arith.constant 15 : i32
    %and3A_661 = vector.broadcast %and3A_660 : i32 to vector<16xi32>
    %and3A_662 = arith.andi %get3A_642, %and3A_661 : vector<16xi32>
    %add3A_663 = arith.addi %mul3A_648, %and3A_662 : vector<16xi32>
    %swap3A_664 = arith.index_cast %mul3A_639 : i32 to index
    %swap3A_665 = tpu.vector_load %arg11[%swap3A_664] {strides = array<i32>} : memref<800xi32, #tpu.memory_space<vmem>>, vector<16xi32>,
    %swap3A_666 = vector.shape_cast %swap3A_665 : vector<16xi32> to vector<16xi32>
    %swap3A_667 = vector.shape_cast %add3A_663 : vector<16xi32> to vector<16xi32>
    tpu.vector_store %arg11[%swap3A_664], %swap3A_667 {strides = array<i32>} : memref<800xi32, #tpu.memory_space<vmem>>, vector<16xi32>,
    %scan3A_668 = arith.constant 0 : i32
    %scan3A_669 = arith.constant 49 : i32
    %scan3A_670 = arith.addi %scan3A_631, %scan3A_669 : i32
    %mul3A_671 = arith.constant 16 : i32
    %mul3A_672 = arith.muli %scan3A_670, %mul3A_671 : i32
    %get3A_673 = arith.index_cast %mul3A_672 : i32 to index
    %get3A_674 = tpu.vector_load %arg5[%get3A_673] {strides = array<i32>} : memref<800xi32, #tpu.memory_space<vmem>>, vector<16xi32>,
    %get3A_675 = vector.shape_cast %get3A_674 : vector<16xi32> to vector<16xi32>
    %shift_right_logical3A_676 = arith.constant 8 : i32
    %shift_right_logical3A_677 = vector.broadcast %shift_right_logical3A_676 : i32 to vector<16xi32>
    %shift_right_logical3A_678 = arith.shrui %get3A_675, %shift_right_logical3A_677 : vector<16xi32>
    %mul3A_679 = arith.constant 10 : i32
    %mul3A_680 = vector.broadcast %mul3A_679 : i32 to vector<16xi32>
    %mul3A_681 = arith.muli %shift_right_logical3A_678, %mul3A_680 : vector<16xi32>
    %shift_right_logical3A_682 = arith.constant 4 : i32
    %shift_right_logical3A_683 = vector.broadcast %shift_right_logical3A_682 : i32 to vector<16xi32>
    %shift_right_logical3A_684 = arith.shrui %get3A_675, %shift_right_logical3A_683 : vector<16xi32>
    %and3A_685 = arith.constant 15 : i32
    %and3A_686 = vector.broadcast %and3A_685 : i32 to vector<16xi32>
    %and3A_687 = arith.andi %shift_right_logical3A_684, %and3A_686 : vector<16xi32>
    %add3A_688 = arith.addi %mul3A_681, %and3A_687 : vector<16xi32>
    %swap3A_689 = arith.index_cast %mul3A_672 : i32 to index
    %swap3A_690 = tpu.vector_load %arg8[%swap3A_689] {strides = array<i32>} : memref<800xi32, #tpu.memory_space<vmem>>, vector<16xi32>,
    %swap3A_691 = vector.shape_cast %swap3A_690 : vector<16xi32> to vector<16xi32>
    %swap3A_692 = vector.shape_cast %add3A_688 : vector<16xi32> to vector<16xi32>
    tpu.vector_store %arg8[%swap3A_689], %swap3A_692 {strides = array<i32>} : memref<800xi32, #tpu.memory_space<vmem>>, vector<16xi32>,
    %and3A_693 = arith.constant 15 : i32
    %and3A_694 = vector.broadcast %and3A_693 : i32 to vector<16xi32>
    %and3A_695 = arith.andi %get3A_675, %and3A_694 : vector<16xi32>
    %add3A_696 = arith.addi %mul3A_681, %and3A_695 : vector<16xi32>
    %swap3A_697 = arith.index_cast %mul3A_672 : i32 to index
    %swap3A_698 = tpu.vector_load %arg11[%swap3A_697] {strides = array<i32>} : memref<800xi32, #tpu.memory_space<vmem>>, vector<16xi32>,
    %swap3A_699 = vector.shape_cast %swap3A_698 : vector<16xi32> to vector<16xi32>
    %swap3A_700 = vector.shape_cast %add3A_696 : vector<16xi32> to vector<16xi32>
    tpu.vector_store %arg11[%swap3A_697], %swap3A_700 {strides = array<i32>} : memref<800xi32, #tpu.memory_space<vmem>>, vector<16xi32>,
    %scan3A_701 = arith.constant 0 : i32
    %scan3A_702 = arith.constant 50 : i32
    %dma_wait3A_703 = arith.constant 0 : i32
    %dma_wait3A_704 = arith.constant 0 : i32
    %dma_wait3A_705 = tpu.memref_slice %arg3[%dma_wait3A_703, %dma_wait3A_704] : memref<1000000x32xf32, #tpu.memory_space<hbm>> -> memref<800x32xf32, #tpu.memory_space<hbm>>
    %dma_wait3A_706 = arith.constant 0 : i32
    %dma_wait3A_707 = arith.constant 0 : i32
    %dma_wait3A_708 = tpu.memref_slice %arg3[%dma_wait3A_706, %dma_wait3A_707] : memref<1000000x32xf32, #tpu.memory_space<hbm>> -> memref<800x32xf32, #tpu.memory_space<hbm>>
    tpu.wait_dma2 semaphore(%arg22 : memref<!tpu.dma_semaphore, #tpu.memory_space<semaphore_mem>>) src(%dma_wait3A_708 : memref<800x32xf32, #tpu.memory_space<hbm>>) dst(%arg16 : memref<800x32xf32, #tpu.memory_space<vmem>>)
    %dma_start3A_709 = arith.constant 0 : i32
    %dma_start3A_710 = arith.constant 0 : i32
    %dma_start3A_711 = tpu.memref_slice %arg3[%dma_start3A_709, %dma_start3A_710] : memref<1000000x32xf32, #tpu.memory_space<hbm>> -> memref<1000000x32xf32, #tpu.memory_space<hbm>>
    tpu.enqueue_indirect_dma source(%dma_start3A_711 : memref<1000000x32xf32, #tpu.memory_space<hbm>>) target(%arg16 : memref<800x32xf32, #tpu.memory_space<vmem>>) offsets(%arg13 : memref<800xi32, #tpu.memory_space<vmem>>) semaphore(%arg25 : memref<!tpu.dma_semaphore, #tpu.memory_space<semaphore_mem>>) {add = true}
    %dma_wait3A_712 = arith.constant 0 : i32
    %dma_wait3A_713 = arith.constant 0 : i32
    %dma_wait3A_714 = tpu.memref_slice %arg3[%dma_wait3A_712, %dma_wait3A_713] : memref<1000000x32xf32, #tpu.memory_space<hbm>> -> memref<800x32xf32, #tpu.memory_space<hbm>>
    %dma_wait3A_715 = arith.constant 0 : i32
    %dma_wait3A_716 = arith.constant 0 : i32
    %dma_wait3A_717 = tpu.memref_slice %arg3[%dma_wait3A_715, %dma_wait3A_716] : memref<1000000x32xf32, #tpu.memory_space<hbm>> -> memref<800x32xf32, #tpu.memory_space<hbm>>
    tpu.wait_dma2 semaphore(%arg24 : memref<!tpu.dma_semaphore, #tpu.memory_space<semaphore_mem>>) src(%dma_wait3A_717 : memref<800x32xf32, #tpu.memory_space<hbm>>) dst(%arg15 : memref<800x32xf32, #tpu.memory_space<vmem>>)
    %add3A_718 = arith.constant 22400 : i32
    %add3A_719 = arith.addi %mul3A_2, %add3A_718 : i32
    %dma_start3A_720 = arith.constant 0 : i32
    %dma_start3A_721 = tpu.memref_slice %arg4[%add3A_719, %dma_start3A_720] : memref<819200x32xf32, #tpu.memory_space<hbm>> -> memref<800x32xf32, #tpu.memory_space<hbm>>
    %dma_start3A_722 = arith.constant 0 : i32
    %dma_start3A_723 = tpu.memref_slice %arg4[%add3A_719, %dma_start3A_722] : memref<819200x32xf32, #tpu.memory_space<hbm>> -> memref<800x32xf32, #tpu.memory_space<hbm>>
    tpu.enqueue_dma source(%arg15 : memref<800x32xf32, #tpu.memory_space<vmem>>) target(%dma_start3A_723 : memref<800x32xf32, #tpu.memory_space<hbm>>) target_semaphore(%arg27 : memref<!tpu.dma_semaphore, #tpu.memory_space<semaphore_mem>>)
    %dma_wait3A_724 = arith.constant 0 : i32
    %dma_wait3A_725 = arith.constant 0 : i32
    %dma_wait3A_726 = tpu.memref_slice %arg4[%dma_wait3A_724, %dma_wait3A_725] : memref<819200x32xf32, #tpu.memory_space<hbm>> -> memref<800x32xf32, #tpu.memory_space<hbm>>
    %dma_wait3A_727 = arith.constant 0 : i32
    %dma_wait3A_728 = arith.constant 0 : i32
    %dma_wait3A_729 = tpu.memref_slice %arg4[%dma_wait3A_727, %dma_wait3A_728] : memref<819200x32xf32, #tpu.memory_space<hbm>> -> memref<800x32xf32, #tpu.memory_space<hbm>>
    tpu.wait_dma2 semaphore(%arg26 : memref<!tpu.dma_semaphore, #tpu.memory_space<semaphore_mem>>) src(%arg14 : memref<800x32xf32, #tpu.memory_space<vmem>>) dst(%dma_wait3A_729 : memref<800x32xf32, #tpu.memory_space<hbm>>)
    %dma_start3A_730 = arith.constant 0 : i32
    %dma_start3A_731 = arith.constant 0 : i32
    %dma_start3A_732 = tpu.memref_slice %arg3[%dma_start3A_730, %dma_start3A_731] : memref<1000000x32xf32, #tpu.memory_space<hbm>> -> memref<1000000x32xf32, #tpu.memory_space<hbm>>
    tpu.enqueue_indirect_dma source(%dma_start3A_732 : memref<1000000x32xf32, #tpu.memory_space<hbm>>) target(%arg14 : memref<800x32xf32, #tpu.memory_space<vmem>>) offsets(%arg8 : memref<800xi32, #tpu.memory_space<vmem>>) semaphore(%arg20 : memref<!tpu.dma_semaphore, #tpu.memory_space<semaphore_mem>>)
    %dma_wait3A_733 = arith.constant 0 : i32
    %dma_wait3A_734 = tpu.memref_slice %arg2[%dma_wait3A_733] : memref<819200xi32, #tpu.memory_space<hbm>> -> memref<800xi32, #tpu.memory_space<hbm>>
    %dma_wait3A_735 = arith.constant 0 : i32
    %dma_wait3A_736 = tpu.memref_slice %arg2[%dma_wait3A_735] : memref<819200xi32, #tpu.memory_space<hbm>> -> memref<800xi32, #tpu.memory_space<hbm>>
    tpu.wait_dma2 semaphore(%arg18 : memref<!tpu.dma_semaphore, #tpu.memory_space<semaphore_mem>>) src(%dma_wait3A_736 : memref<800xi32, #tpu.memory_space<hbm>>) dst(%arg6 : memref<800xi32, #tpu.memory_space<vmem>>)
    %scan3A_737 = arith.constant 0 : i32
    %scan3A_738 = arith.constant 0 : i32
    %scan3A_739 = arith.constant 48 : i32
    %scan3A_740 = arith.addi %scan3A_738, %scan3A_739 : i32
    %scan3A_741 = arith.constant 4 : i32
    %scan3A_742 = scf.for %scan3A_891 = %scan3A_738 to %scan3A_740 step %scan3A_741 iter_args(%scan3A_892 = %scan3A_737) -> (i32)  : i32 {
      %mul3A_893 = arith.constant 16 : i32
      %mul3A_894 = arith.muli %scan3A_891, %mul3A_893 : i32
      %get3A_895 = arith.index_cast %mul3A_894 : i32 to index
      %get3A_896 = tpu.vector_load %arg6[%get3A_895] {strides = array<i32>} : memref<800xi32, #tpu.memory_space<vmem>>, vector<16xi32>,
      %get3A_897 = vector.shape_cast %get3A_896 : vector<16xi32> to vector<16xi32>
      %shift_right_logical3A_898 = arith.constant 8 : i32
      %shift_right_logical3A_899 = vector.broadcast %shift_right_logical3A_898 : i32 to vector<16xi32>
      %shift_right_logical3A_900 = arith.shrui %get3A_897, %shift_right_logical3A_899 : vector<16xi32>
      %mul3A_901 = arith.constant 10 : i32
      %mul3A_902 = vector.broadcast %mul3A_901 : i32 to vector<16xi32>
      %mul3A_903 = arith.muli %shift_right_logical3A_900, %mul3A_902 : vector<16xi32>
      %shift_right_logical3A_904 = arith.constant 4 : i32
      %shift_right_logical3A_905 = vector.broadcast %shift_right_logical3A_904 : i32 to vector<16xi32>
      %shift_right_logical3A_906 = arith.shrui %get3A_897, %shift_right_logical3A_905 : vector<16xi32>
      %and3A_907 = arith.constant 15 : i32
      %and3A_908 = vector.broadcast %and3A_907 : i32 to vector<16xi32>
      %and3A_909 = arith.andi %shift_right_logical3A_906, %and3A_908 : vector<16xi32>
      %add3A_910 = arith.addi %mul3A_903, %and3A_909 : vector<16xi32>
      %swap3A_911 = arith.index_cast %mul3A_894 : i32 to index
      %swap3A_912 = tpu.vector_load %arg9[%swap3A_911] {strides = array<i32>} : memref<800xi32, #tpu.memory_space<vmem>>, vector<16xi32>,
      %swap3A_913 = vector.shape_cast %swap3A_912 : vector<16xi32> to vector<16xi32>
      %swap3A_914 = vector.shape_cast %add3A_910 : vector<16xi32> to vector<16xi32>
      tpu.vector_store %arg9[%swap3A_911], %swap3A_914 {strides = array<i32>} : memref<800xi32, #tpu.memory_space<vmem>>, vector<16xi32>,
      %and3A_915 = arith.constant 15 : i32
      %and3A_916 = vector.broadcast %and3A_915 : i32 to vector<16xi32>
      %and3A_917 = arith.andi %get3A_897, %and3A_916 : vector<16xi32>
      %add3A_918 = arith.addi %mul3A_903, %and3A_917 : vector<16xi32>
      %swap3A_919 = arith.index_cast %mul3A_894 : i32 to index
      %swap3A_920 = tpu.vector_load %arg12[%swap3A_919] {strides = array<i32>} : memref<800xi32, #tpu.memory_space<vmem>>, vector<16xi32>,
      %swap3A_921 = vector.shape_cast %swap3A_920 : vector<16xi32> to vector<16xi32>
      %swap3A_922 = vector.shape_cast %add3A_918 : vector<16xi32> to vector<16xi32>
      tpu.vector_store %arg12[%swap3A_919], %swap3A_922 {strides = array<i32>} : memref<800xi32, #tpu.memory_space<vmem>>, vector<16xi32>,
      %scan3A_923 = arith.constant 0 : i32
      %scan3A_924 = arith.constant 1 : i32
      %scan3A_925 = arith.addi %scan3A_891, %scan3A_924 : i32
      %mul3A_926 = arith.constant 16 : i32
      %mul3A_927 = arith.muli %scan3A_925, %mul3A_926 : i32
      %get3A_928 = arith.index_cast %mul3A_927 : i32 to index
      %get3A_929 = tpu.vector_load %arg6[%get3A_928] {strides = array<i32>} : memref<800xi32, #tpu.memory_space<vmem>>, vector<16xi32>,
      %get3A_930 = vector.shape_cast %get3A_929 : vector<16xi32> to vector<16xi32>
      %shift_right_logical3A_931 = arith.constant 8 : i32
      %shift_right_logical3A_932 = vector.broadcast %shift_right_logical3A_931 : i32 to vector<16xi32>
      %shift_right_logical3A_933 = arith.shrui %get3A_930, %shift_right_logical3A_932 : vector<16xi32>
      %mul3A_934 = arith.constant 10 : i32
      %mul3A_935 = vector.broadcast %mul3A_934 : i32 to vector<16xi32>
      %mul3A_936 = arith.muli %shift_right_logical3A_933, %mul3A_935 : vector<16xi32>
      %shift_right_logical3A_937 = arith.constant 4 : i32
      %shift_right_logical3A_938 = vector.broadcast %shift_right_logical3A_937 : i32 to vector<16xi32>
      %shift_right_logical3A_939 = arith.shrui %get3A_930, %shift_right_logical3A_938 : vector<16xi32>
      %and3A_940 = arith.constant 15 : i32
      %and3A_941 = vector.broadcast %and3A_940 : i32 to vector<16xi32>
      %and3A_942 = arith.andi %shift_right_logical3A_939, %and3A_941 : vector<16xi32>
      %add3A_943 = arith.addi %mul3A_936, %and3A_942 : vector<16xi32>
      %swap3A_944 = arith.index_cast %mul3A_927 : i32 to index
      %swap3A_945 = tpu.vector_load %arg9[%swap3A_944] {strides = array<i32>} : memref<800xi32, #tpu.memory_space<vmem>>, vector<16xi32>,
      %swap3A_946 = vector.shape_cast %swap3A_945 : vector<16xi32> to vector<16xi32>
      %swap3A_947 = vector.shape_cast %add3A_943 : vector<16xi32> to vector<16xi32>
      tpu.vector_store %arg9[%swap3A_944], %swap3A_947 {strides = array<i32>} : memref<800xi32, #tpu.memory_space<vmem>>, vector<16xi32>,
      %and3A_948 = arith.constant 15 : i32
      %and3A_949 = vector.broadcast %and3A_948 : i32 to vector<16xi32>
      %and3A_950 = arith.andi %get3A_930, %and3A_949 : vector<16xi32>
      %add3A_951 = arith.addi %mul3A_936, %and3A_950 : vector<16xi32>
      %swap3A_952 = arith.index_cast %mul3A_927 : i32 to index
      %swap3A_953 = tpu.vector_load %arg12[%swap3A_952] {strides = array<i32>} : memref<800xi32, #tpu.memory_space<vmem>>, vector<16xi32>,
      %swap3A_954 = vector.shape_cast %swap3A_953 : vector<16xi32> to vector<16xi32>
      %swap3A_955 = vector.shape_cast %add3A_951 : vector<16xi32> to vector<16xi32>
      tpu.vector_store %arg12[%swap3A_952], %swap3A_955 {strides = array<i32>} : memref<800xi32, #tpu.memory_space<vmem>>, vector<16xi32>,
      %scan3A_956 = arith.constant 0 : i32
      %scan3A_957 = arith.constant 2 : i32
      %scan3A_958 = arith.addi %scan3A_891, %scan3A_957 : i32
      %mul3A_959 = arith.constant 16 : i32
      %mul3A_960 = arith.muli %scan3A_958, %mul3A_959 : i32
      %get3A_961 = arith.index_cast %mul3A_960 : i32 to index
      %get3A_962 = tpu.vector_load %arg6[%get3A_961] {strides = array<i32>} : memref<800xi32, #tpu.memory_space<vmem>>, vector<16xi32>,
      %get3A_963 = vector.shape_cast %get3A_962 : vector<16xi32> to vector<16xi32>
      %shift_right_logical3A_964 = arith.constant 8 : i32
      %shift_right_logical3A_965 = vector.broadcast %shift_right_logical3A_964 : i32 to vector<16xi32>
      %shift_right_logical3A_966 = arith.shrui %get3A_963, %shift_right_logical3A_965 : vector<16xi32>
      %mul3A_967 = arith.constant 10 : i32
      %mul3A_968 = vector.broadcast %mul3A_967 : i32 to vector<16xi32>
      %mul3A_969 = arith.muli %shift_right_logical3A_966, %mul3A_968 : vector<16xi32>
      %shift_right_logical3A_970 = arith.constant 4 : i32
      %shift_right_logical3A_971 = vector.broadcast %shift_right_logical3A_970 : i32 to vector<16xi32>
      %shift_right_logical3A_972 = arith.shrui %get3A_963, %shift_right_logical3A_971 : vector<16xi32>
      %and3A_973 = arith.constant 15 : i32
      %and3A_974 = vector.broadcast %and3A_973 : i32 to vector<16xi32>
      %and3A_975 = arith.andi %shift_right_logical3A_972, %and3A_974 : vector<16xi32>
      %add3A_976 = arith.addi %mul3A_969, %and3A_975 : vector<16xi32>
      %swap3A_977 = arith.index_cast %mul3A_960 : i32 to index
      %swap3A_978 = tpu.vector_load %arg9[%swap3A_977] {strides = array<i32>} : memref<800xi32, #tpu.memory_space<vmem>>, vector<16xi32>,
      %swap3A_979 = vector.shape_cast %swap3A_978 : vector<16xi32> to vector<16xi32>
      %swap3A_980 = vector.shape_cast %add3A_976 : vector<16xi32> to vector<16xi32>
      tpu.vector_store %arg9[%swap3A_977], %swap3A_980 {strides = array<i32>} : memref<800xi32, #tpu.memory_space<vmem>>, vector<16xi32>,
      %and3A_981 = arith.constant 15 : i32
      %and3A_982 = vector.broadcast %and3A_981 : i32 to vector<16xi32>
      %and3A_983 = arith.andi %get3A_963, %and3A_982 : vector<16xi32>
      %add3A_984 = arith.addi %mul3A_969, %and3A_983 : vector<16xi32>
      %swap3A_985 = arith.index_cast %mul3A_960 : i32 to index
      %swap3A_986 = tpu.vector_load %arg12[%swap3A_985] {strides = array<i32>} : memref<800xi32, #tpu.memory_space<vmem>>, vector<16xi32>,
      %swap3A_987 = vector.shape_cast %swap3A_986 : vector<16xi32> to vector<16xi32>
      %swap3A_988 = vector.shape_cast %add3A_984 : vector<16xi32> to vector<16xi32>
      tpu.vector_store %arg12[%swap3A_985], %swap3A_988 {strides = array<i32>} : memref<800xi32, #tpu.memory_space<vmem>>, vector<16xi32>,
      %scan3A_989 = arith.constant 0 : i32
      %scan3A_990 = arith.constant 3 : i32
      %scan3A_991 = arith.addi %scan3A_891, %scan3A_990 : i32
      %mul3A_992 = arith.constant 16 : i32
      %mul3A_993 = arith.muli %scan3A_991, %mul3A_992 : i32
      %get3A_994 = arith.index_cast %mul3A_993 : i32 to index
      %get3A_995 = tpu.vector_load %arg6[%get3A_994] {strides = array<i32>} : memref<800xi32, #tpu.memory_space<vmem>>, vector<16xi32>,
      %get3A_996 = vector.shape_cast %get3A_995 : vector<16xi32> to vector<16xi32>
      %shift_right_logical3A_997 = arith.constant 8 : i32
      %shift_right_logical3A_998 = vector.broadcast %shift_right_logical3A_997 : i32 to vector<16xi32>
      %shift_right_logical3A_999 = arith.shrui %get3A_996, %shift_right_logical3A_998 : vector<16xi32>
      %mul3A_1000 = arith.constant 10 : i32
      %mul3A_1001 = vector.broadcast %mul3A_1000 : i32 to vector<16xi32>
      %mul3A_1002 = arith.muli %shift_right_logical3A_999, %mul3A_1001 : vector<16xi32>
      %shift_right_logical3A_1003 = arith.constant 4 : i32
      %shift_right_logical3A_1004 = vector.broadcast %shift_right_logical3A_1003 : i32 to vector<16xi32>
      %shift_right_logical3A_1005 = arith.shrui %get3A_996, %shift_right_logical3A_1004 : vector<16xi32>
      %and3A_1006 = arith.constant 15 : i32
      %and3A_1007 = vector.broadcast %and3A_1006 : i32 to vector<16xi32>
      %and3A_1008 = arith.andi %shift_right_logical3A_1005, %and3A_1007 : vector<16xi32>
      %add3A_1009 = arith.addi %mul3A_1002, %and3A_1008 : vector<16xi32>
      %swap3A_1010 = arith.index_cast %mul3A_993 : i32 to index
      %swap3A_1011 = tpu.vector_load %arg9[%swap3A_1010] {strides = array<i32>} : memref<800xi32, #tpu.memory_space<vmem>>, vector<16xi32>,
      %swap3A_1012 = vector.shape_cast %swap3A_1011 : vector<16xi32> to vector<16xi32>
      %swap3A_1013 = vector.shape_cast %add3A_1009 : vector<16xi32> to vector<16xi32>
      tpu.vector_store %arg9[%swap3A_1010], %swap3A_1013 {strides = array<i32>} : memref<800xi32, #tpu.memory_space<vmem>>, vector<16xi32>,
      %and3A_1014 = arith.constant 15 : i32
      %and3A_1015 = vector.broadcast %and3A_1014 : i32 to vector<16xi32>
      %and3A_1016 = arith.andi %get3A_996, %and3A_1015 : vector<16xi32>
      %add3A_1017 = arith.addi %mul3A_1002, %and3A_1016 : vector<16xi32>
      %swap3A_1018 = arith.index_cast %mul3A_993 : i32 to index
      %swap3A_1019 = tpu.vector_load %arg12[%swap3A_1018] {strides = array<i32>} : memref<800xi32, #tpu.memory_space<vmem>>, vector<16xi32>,
      %swap3A_1020 = vector.shape_cast %swap3A_1019 : vector<16xi32> to vector<16xi32>
      %swap3A_1021 = vector.shape_cast %add3A_1017 : vector<16xi32> to vector<16xi32>
      tpu.vector_store %arg12[%swap3A_1018], %swap3A_1021 {strides = array<i32>} : memref<800xi32, #tpu.memory_space<vmem>>, vector<16xi32>,
      %scan3A_1022 = arith.constant 0 : i32
      scf.yield %scan3A_1022 : i32
    }
    %scan3A_743 = arith.constant 48 : i32
    %scan3A_744 = arith.addi %scan3A_738, %scan3A_743 : i32
    %mul3A_745 = arith.constant 16 : i32
    %mul3A_746 = arith.muli %scan3A_744, %mul3A_745 : i32
    %get3A_747 = arith.index_cast %mul3A_746 : i32 to index
    %get3A_748 = tpu.vector_load %arg6[%get3A_747] {strides = array<i32>} : memref<800xi32, #tpu.memory_space<vmem>>, vector<16xi32>,
    %get3A_749 = vector.shape_cast %get3A_748 : vector<16xi32> to vector<16xi32>
    %shift_right_logical3A_750 = arith.constant 8 : i32
    %shift_right_logical3A_751 = vector.broadcast %shift_right_logical3A_750 : i32 to vector<16xi32>
    %shift_right_logical3A_752 = arith.shrui %get3A_749, %shift_right_logical3A_751 : vector<16xi32>
    %mul3A_753 = arith.constant 10 : i32
    %mul3A_754 = vector.broadcast %mul3A_753 : i32 to vector<16xi32>
    %mul3A_755 = arith.muli %shift_right_logical3A_752, %mul3A_754 : vector<16xi32>
    %shift_right_logical3A_756 = arith.constant 4 : i32
    %shift_right_logical3A_757 = vector.broadcast %shift_right_logical3A_756 : i32 to vector<16xi32>
    %shift_right_logical3A_758 = arith.shrui %get3A_749, %shift_right_logical3A_757 : vector<16xi32>
    %and3A_759 = arith.constant 15 : i32
    %and3A_760 = vector.broadcast %and3A_759 : i32 to vector<16xi32>
    %and3A_761 = arith.andi %shift_right_logical3A_758, %and3A_760 : vector<16xi32>
    %add3A_762 = arith.addi %mul3A_755, %and3A_761 : vector<16xi32>
    %swap3A_763 = arith.index_cast %mul3A_746 : i32 to index
    %swap3A_764 = tpu.vector_load %arg9[%swap3A_763] {strides = array<i32>} : memref<800xi32, #tpu.memory_space<vmem>>, vector<16xi32>,
    %swap3A_765 = vector.shape_cast %swap3A_764 : vector<16xi32> to vector<16xi32>
    %swap3A_766 = vector.shape_cast %add3A_762 : vector<16xi32> to vector<16xi32>
    tpu.vector_store %arg9[%swap3A_763], %swap3A_766 {strides = array<i32>} : memref<800xi32, #tpu.memory_space<vmem>>, vector<16xi32>,
    %and3A_767 = arith.constant 15 : i32
    %and3A_768 = vector.broadcast %and3A_767 : i32 to vector<16xi32>
    %and3A_769 = arith.andi %get3A_749, %and3A_768 : vector<16xi32>
    %add3A_770 = arith.addi %mul3A_755, %and3A_769 : vector<16xi32>
    %swap3A_771 = arith.index_cast %mul3A_746 : i32 to index
    %swap3A_772 = tpu.vector_load %arg12[%swap3A_771] {strides = array<i32>} : memref<800xi32, #tpu.memory_space<vmem>>, vector<16xi32>,
    %swap3A_773 = vector.shape_cast %swap3A_772 : vector<16xi32> to vector<16xi32>
    %swap3A_774 = vector.shape_cast %add3A_770 : vector<16xi32> to vector<16xi32>
    tpu.vector_store %arg12[%swap3A_771], %swap3A_774 {strides = array<i32>} : memref<800xi32, #tpu.memory_space<vmem>>, vector<16xi32>,
    %scan3A_775 = arith.constant 0 : i32
    %scan3A_776 = arith.constant 49 : i32
    %scan3A_777 = arith.addi %scan3A_738, %scan3A_776 : i32
    %mul3A_778 = arith.constant 16 : i32
    %mul3A_779 = arith.muli %scan3A_777, %mul3A_778 : i32
    %get3A_780 = arith.index_cast %mul3A_779 : i32 to index
    %get3A_781 = tpu.vector_load %arg6[%get3A_780] {strides = array<i32>} : memref<800xi32, #tpu.memory_space<vmem>>, vector<16xi32>,
    %get3A_782 = vector.shape_cast %get3A_781 : vector<16xi32> to vector<16xi32>
    %shift_right_logical3A_783 = arith.constant 8 : i32
    %shift_right_logical3A_784 = vector.broadcast %shift_right_logical3A_783 : i32 to vector<16xi32>
    %shift_right_logical3A_785 = arith.shrui %get3A_782, %shift_right_logical3A_784 : vector<16xi32>
    %mul3A_786 = arith.constant 10 : i32
    %mul3A_787 = vector.broadcast %mul3A_786 : i32 to vector<16xi32>
    %mul3A_788 = arith.muli %shift_right_logical3A_785, %mul3A_787 : vector<16xi32>
    %shift_right_logical3A_789 = arith.constant 4 : i32
    %shift_right_logical3A_790 = vector.broadcast %shift_right_logical3A_789 : i32 to vector<16xi32>
    %shift_right_logical3A_791 = arith.shrui %get3A_782, %shift_right_logical3A_790 : vector<16xi32>
    %and3A_792 = arith.constant 15 : i32
    %and3A_793 = vector.broadcast %and3A_792 : i32 to vector<16xi32>
    %and3A_794 = arith.andi %shift_right_logical3A_791, %and3A_793 : vector<16xi32>
    %add3A_795 = arith.addi %mul3A_788, %and3A_794 : vector<16xi32>
    %swap3A_796 = arith.index_cast %mul3A_779 : i32 to index
    %swap3A_797 = tpu.vector_load %arg9[%swap3A_796] {strides = array<i32>} : memref<800xi32, #tpu.memory_space<vmem>>, vector<16xi32>,
    %swap3A_798 = vector.shape_cast %swap3A_797 : vector<16xi32> to vector<16xi32>
    %swap3A_799 = vector.shape_cast %add3A_795 : vector<16xi32> to vector<16xi32>
    tpu.vector_store %arg9[%swap3A_796], %swap3A_799 {strides = array<i32>} : memref<800xi32, #tpu.memory_space<vmem>>, vector<16xi32>,
    %and3A_800 = arith.constant 15 : i32
    %and3A_801 = vector.broadcast %and3A_800 : i32 to vector<16xi32>
    %and3A_802 = arith.andi %get3A_782, %and3A_801 : vector<16xi32>
    %add3A_803 = arith.addi %mul3A_788, %and3A_802 : vector<16xi32>
    %swap3A_804 = arith.index_cast %mul3A_779 : i32 to index
    %swap3A_805 = tpu.vector_load %arg12[%swap3A_804] {strides = array<i32>} : memref<800xi32, #tpu.memory_space<vmem>>, vector<16xi32>,
    %swap3A_806 = vector.shape_cast %swap3A_805 : vector<16xi32> to vector<16xi32>
    %swap3A_807 = vector.shape_cast %add3A_803 : vector<16xi32> to vector<16xi32>
    tpu.vector_store %arg12[%swap3A_804], %swap3A_807 {strides = array<i32>} : memref<800xi32, #tpu.memory_space<vmem>>, vector<16xi32>,
    %scan3A_808 = arith.constant 0 : i32
    %scan3A_809 = arith.constant 50 : i32
    %dma_wait3A_810 = arith.constant 0 : i32
    %dma_wait3A_811 = arith.constant 0 : i32
    %dma_wait3A_812 = tpu.memref_slice %arg3[%dma_wait3A_810, %dma_wait3A_811] : memref<1000000x32xf32, #tpu.memory_space<hbm>> -> memref<800x32xf32, #tpu.memory_space<hbm>>
    %dma_wait3A_813 = arith.constant 0 : i32
    %dma_wait3A_814 = arith.constant 0 : i32
    %dma_wait3A_815 = tpu.memref_slice %arg3[%dma_wait3A_813, %dma_wait3A_814] : memref<1000000x32xf32, #tpu.memory_space<hbm>> -> memref<800x32xf32, #tpu.memory_space<hbm>>
    tpu.wait_dma2 semaphore(%arg20 : memref<!tpu.dma_semaphore, #tpu.memory_space<semaphore_mem>>) src(%dma_wait3A_815 : memref<800x32xf32, #tpu.memory_space<hbm>>) dst(%arg14 : memref<800x32xf32, #tpu.memory_space<vmem>>)
    %dma_start3A_816 = arith.constant 0 : i32
    %dma_start3A_817 = arith.constant 0 : i32
    %dma_start3A_818 = tpu.memref_slice %arg3[%dma_start3A_816, %dma_start3A_817] : memref<1000000x32xf32, #tpu.memory_space<hbm>> -> memref<1000000x32xf32, #tpu.memory_space<hbm>>
    tpu.enqueue_indirect_dma source(%dma_start3A_818 : memref<1000000x32xf32, #tpu.memory_space<hbm>>) target(%arg14 : memref<800x32xf32, #tpu.memory_space<vmem>>) offsets(%arg11 : memref<800xi32, #tpu.memory_space<vmem>>) semaphore(%arg23 : memref<!tpu.dma_semaphore, #tpu.memory_space<semaphore_mem>>) {add = true}
    %dma_wait3A_819 = arith.constant 0 : i32
    %dma_wait3A_820 = arith.constant 0 : i32
    %dma_wait3A_821 = tpu.memref_slice %arg3[%dma_wait3A_819, %dma_wait3A_820] : memref<1000000x32xf32, #tpu.memory_space<hbm>> -> memref<800x32xf32, #tpu.memory_space<hbm>>
    %dma_wait3A_822 = arith.constant 0 : i32
    %dma_wait3A_823 = arith.constant 0 : i32
    %dma_wait3A_824 = tpu.memref_slice %arg3[%dma_wait3A_822, %dma_wait3A_823] : memref<1000000x32xf32, #tpu.memory_space<hbm>> -> memref<800x32xf32, #tpu.memory_space<hbm>>
    tpu.wait_dma2 semaphore(%arg25 : memref<!tpu.dma_semaphore, #tpu.memory_space<semaphore_mem>>) src(%dma_wait3A_824 : memref<800x32xf32, #tpu.memory_space<hbm>>) dst(%arg16 : memref<800x32xf32, #tpu.memory_space<vmem>>)
    %add3A_825 = arith.constant 23200 : i32
    %add3A_826 = arith.addi %mul3A_2, %add3A_825 : i32
    %dma_start3A_827 = arith.constant 0 : i32
    %dma_start3A_828 = tpu.memref_slice %arg4[%add3A_826, %dma_start3A_827] : memref<819200x32xf32, #tpu.memory_space<hbm>> -> memref<800x32xf32, #tpu.memory_space<hbm>>
    %dma_start3A_829 = arith.constant 0 : i32
    %dma_start3A_830 = tpu.memref_slice %arg4[%add3A_826, %dma_start3A_829] : memref<819200x32xf32, #tpu.memory_space<hbm>> -> memref<800x32xf32, #tpu.memory_space<hbm>>
    tpu.enqueue_dma source(%arg16 : memref<800x32xf32, #tpu.memory_space<vmem>>) target(%dma_start3A_830 : memref<800x32xf32, #tpu.memory_space<hbm>>) target_semaphore(%arg28 : memref<!tpu.dma_semaphore, #tpu.memory_space<semaphore_mem>>)
    %dma_wait3A_831 = arith.constant 0 : i32
    %dma_wait3A_832 = arith.constant 0 : i32
    %dma_wait3A_833 = tpu.memref_slice %arg4[%dma_wait3A_831, %dma_wait3A_832] : memref<819200x32xf32, #tpu.memory_space<hbm>> -> memref<800x32xf32, #tpu.memory_space<hbm>>
    %dma_wait3A_834 = arith.constant 0 : i32
    %dma_wait3A_835 = arith.constant 0 : i32
    %dma_wait3A_836 = tpu.memref_slice %arg4[%dma_wait3A_834, %dma_wait3A_835] : memref<819200x32xf32, #tpu.memory_space<hbm>> -> memref<800x32xf32, #tpu.memory_space<hbm>>
    tpu.wait_dma2 semaphore(%arg27 : memref<!tpu.dma_semaphore, #tpu.memory_space<semaphore_mem>>) src(%arg15 : memref<800x32xf32, #tpu.memory_space<vmem>>) dst(%dma_wait3A_836 : memref<800x32xf32, #tpu.memory_space<hbm>>)
    %dma_start3A_837 = arith.constant 0 : i32
    %dma_start3A_838 = arith.constant 0 : i32
    %dma_start3A_839 = tpu.memref_slice %arg3[%dma_start3A_837, %dma_start3A_838] : memref<1000000x32xf32, #tpu.memory_space<hbm>> -> memref<1000000x32xf32, #tpu.memory_space<hbm>>
    tpu.enqueue_indirect_dma source(%dma_start3A_839 : memref<1000000x32xf32, #tpu.memory_space<hbm>>) target(%arg15 : memref<800x32xf32, #tpu.memory_space<vmem>>) offsets(%arg9 : memref<800xi32, #tpu.memory_space<vmem>>) semaphore(%arg21 : memref<!tpu.dma_semaphore, #tpu.memory_space<semaphore_mem>>)
    %dma_wait3A_840 = arith.constant 0 : i32
    %dma_wait3A_841 = arith.constant 0 : i32
    %dma_wait3A_842 = tpu.memref_slice %arg3[%dma_wait3A_840, %dma_wait3A_841] : memref<1000000x32xf32, #tpu.memory_space<hbm>> -> memref<800x32xf32, #tpu.memory_space<hbm>>
    %dma_wait3A_843 = arith.constant 0 : i32
    %dma_wait3A_844 = arith.constant 0 : i32
    %dma_wait3A_845 = tpu.memref_slice %arg3[%dma_wait3A_843, %dma_wait3A_844] : memref<1000000x32xf32, #tpu.memory_space<hbm>> -> memref<800x32xf32, #tpu.memory_space<hbm>>
    tpu.wait_dma2 semaphore(%arg21 : memref<!tpu.dma_semaphore, #tpu.memory_space<semaphore_mem>>) src(%dma_wait3A_845 : memref<800x32xf32, #tpu.memory_space<hbm>>) dst(%arg15 : memref<800x32xf32, #tpu.memory_space<vmem>>)
    %dma_start3A_846 = arith.constant 0 : i32
    %dma_start3A_847 = arith.constant 0 : i32
    %dma_start3A_848 = tpu.memref_slice %arg3[%dma_start3A_846, %dma_start3A_847] : memref<1000000x32xf32, #tpu.memory_space<hbm>> -> memref<1000000x32xf32, #tpu.memory_space<hbm>>
    tpu.enqueue_indirect_dma source(%dma_start3A_848 : memref<1000000x32xf32, #tpu.memory_space<hbm>>) target(%arg15 : memref<800x32xf32, #tpu.memory_space<vmem>>) offsets(%arg12 : memref<800xi32, #tpu.memory_space<vmem>>) semaphore(%arg24 : memref<!tpu.dma_semaphore, #tpu.memory_space<semaphore_mem>>) {add = true}
    %dma_wait3A_849 = arith.constant 0 : i32
    %dma_wait3A_850 = arith.constant 0 : i32
    %dma_wait3A_851 = tpu.memref_slice %arg3[%dma_wait3A_849, %dma_wait3A_850] : memref<1000000x32xf32, #tpu.memory_space<hbm>> -> memref<800x32xf32, #tpu.memory_space<hbm>>
    %dma_wait3A_852 = arith.constant 0 : i32
    %dma_wait3A_853 = arith.constant 0 : i32
    %dma_wait3A_854 = tpu.memref_slice %arg3[%dma_wait3A_852, %dma_wait3A_853] : memref<1000000x32xf32, #tpu.memory_space<hbm>> -> memref<800x32xf32, #tpu.memory_space<hbm>>
    tpu.wait_dma2 semaphore(%arg23 : memref<!tpu.dma_semaphore, #tpu.memory_space<semaphore_mem>>) src(%dma_wait3A_854 : memref<800x32xf32, #tpu.memory_space<hbm>>) dst(%arg14 : memref<800x32xf32, #tpu.memory_space<vmem>>)
    %add3A_855 = arith.constant 24000 : i32
    %add3A_856 = arith.addi %mul3A_2, %add3A_855 : i32
    %dma_start3A_857 = arith.constant 0 : i32
    %dma_start3A_858 = tpu.memref_slice %arg4[%add3A_856, %dma_start3A_857] : memref<819200x32xf32, #tpu.memory_space<hbm>> -> memref<800x32xf32, #tpu.memory_space<hbm>>
    %dma_start3A_859 = arith.constant 0 : i32
    %dma_start3A_860 = tpu.memref_slice %arg4[%add3A_856, %dma_start3A_859] : memref<819200x32xf32, #tpu.memory_space<hbm>> -> memref<800x32xf32, #tpu.memory_space<hbm>>
    tpu.enqueue_dma source(%arg14 : memref<800x32xf32, #tpu.memory_space<vmem>>) target(%dma_start3A_860 : memref<800x32xf32, #tpu.memory_space<hbm>>) target_semaphore(%arg26 : memref<!tpu.dma_semaphore, #tpu.memory_space<semaphore_mem>>)
    %dma_wait3A_861 = arith.constant 0 : i32
    %dma_wait3A_862 = arith.constant 0 : i32
    %dma_wait3A_863 = tpu.memref_slice %arg3[%dma_wait3A_861, %dma_wait3A_862] : memref<1000000x32xf32, #tpu.memory_space<hbm>> -> memref<800x32xf32, #tpu.memory_space<hbm>>
    %dma_wait3A_864 = arith.constant 0 : i32
    %dma_wait3A_865 = arith.constant 0 : i32
    %dma_wait3A_866 = tpu.memref_slice %arg3[%dma_wait3A_864, %dma_wait3A_865] : memref<1000000x32xf32, #tpu.memory_space<hbm>> -> memref<800x32xf32, #tpu.memory_space<hbm>>
    tpu.wait_dma2 semaphore(%arg24 : memref<!tpu.dma_semaphore, #tpu.memory_space<semaphore_mem>>) src(%dma_wait3A_866 : memref<800x32xf32, #tpu.memory_space<hbm>>) dst(%arg15 : memref<800x32xf32, #tpu.memory_space<vmem>>)
    %add3A_867 = arith.constant 24800 : i32
    %add3A_868 = arith.addi %mul3A_2, %add3A_867 : i32
    %dma_start3A_869 = arith.constant 0 : i32
    %dma_start3A_870 = tpu.memref_slice %arg4[%add3A_868, %dma_start3A_869] : memref<819200x32xf32, #tpu.memory_space<hbm>> -> memref<800x32xf32, #tpu.memory_space<hbm>>
    %dma_start3A_871 = arith.constant 0 : i32
    %dma_start3A_872 = tpu.memref_slice %arg4[%add3A_868, %dma_start3A_871] : memref<819200x32xf32, #tpu.memory_space<hbm>> -> memref<800x32xf32, #tpu.memory_space<hbm>>
    tpu.enqueue_dma source(%arg15 : memref<800x32xf32, #tpu.memory_space<vmem>>) target(%dma_start3A_872 : memref<800x32xf32, #tpu.memory_space<hbm>>) target_semaphore(%arg27 : memref<!tpu.dma_semaphore, #tpu.memory_space<semaphore_mem>>)
    %dma_wait3A_873 = arith.constant 0 : i32
    %dma_wait3A_874 = arith.constant 0 : i32
    %dma_wait3A_875 = tpu.memref_slice %arg4[%dma_wait3A_873, %dma_wait3A_874] : memref<819200x32xf32, #tpu.memory_space<hbm>> -> memref<800x32xf32, #tpu.memory_space<hbm>>
    %dma_wait3A_876 = arith.constant 0 : i32
    %dma_wait3A_877 = arith.constant 0 : i32
    %dma_wait3A_878 = tpu.memref_slice %arg4[%dma_wait3A_876, %dma_wait3A_877] : memref<819200x32xf32, #tpu.memory_space<hbm>> -> memref<800x32xf32, #tpu.memory_space<hbm>>
    tpu.wait_dma2 semaphore(%arg28 : memref<!tpu.dma_semaphore, #tpu.memory_space<semaphore_mem>>) src(%arg16 : memref<800x32xf32, #tpu.memory_space<vmem>>) dst(%dma_wait3A_878 : memref<800x32xf32, #tpu.memory_space<hbm>>)
    %dma_wait3A_879 = arith.constant 0 : i32
    %dma_wait3A_880 = arith.constant 0 : i32
    %dma_wait3A_881 = tpu.memref_slice %arg4[%dma_wait3A_879, %dma_wait3A_880] : memref<819200x32xf32, #tpu.memory_space<hbm>> -> memref<800x32xf32, #tpu.memory_space<hbm>>
    %dma_wait3A_882 = arith.constant 0 : i32
    %dma_wait3A_883 = arith.constant 0 : i32
    %dma_wait3A_884 = tpu.memref_slice %arg4[%dma_wait3A_882, %dma_wait3A_883] : memref<819200x32xf32, #tpu.memory_space<hbm>> -> memref<800x32xf32, #tpu.memory_space<hbm>>
    tpu.wait_dma2 semaphore(%arg26 : memref<!tpu.dma_semaphore, #tpu.memory_space<semaphore_mem>>) src(%arg14 : memref<800x32xf32, #tpu.memory_space<vmem>>) dst(%dma_wait3A_884 : memref<800x32xf32, #tpu.memory_space<hbm>>)
    %dma_wait3A_885 = arith.constant 0 : i32
    %dma_wait3A_886 = arith.constant 0 : i32
    %dma_wait3A_887 = tpu.memref_slice %arg4[%dma_wait3A_885, %dma_wait3A_886] : memref<819200x32xf32, #tpu.memory_space<hbm>> -> memref<800x32xf32, #tpu.memory_space<hbm>>
    %dma_wait3A_888 = arith.constant 0 : i32
    %dma_wait3A_889 = arith.constant 0 : i32
    %dma_wait3A_890 = tpu.memref_slice %arg4[%dma_wait3A_888, %dma_wait3A_889] : memref<819200x32xf32, #tpu.memory_space<hbm>> -> memref<800x32xf32, #tpu.memory_space<hbm>>
    tpu.wait_dma2 semaphore(%arg27 : memref<!tpu.dma_semaphore, #tpu.memory_space<semaphore_mem>>) src(%arg15 : memref<800x32xf32, #tpu.memory_space<vmem>>) dst(%dma_wait3A_890 : memref<800x32xf32, #tpu.memory_space<hbm>>)
    return
  }
}

</mosaic_0001>

<sc_bundles>
// kernel: kernel.3.cloned.1.call-start
scs
__scs_entry_jumppad:
0x0: {  	(pc) =	sbr.rel $0x88, $3  }
0x1: {  	(tag) =	ssettag $0x0;
	lr =	simm.s32 $0x1  }
0x2: {  	[smem:$0x3F9E] =	sst lr;
	_ =	strace $0xD0000000  }
0x3: {  	_ = 	snop  }
0x4: {  	_ = 	snop  }
0x5: {  	_ = 	snop  }
0x6: {  	_ = 	snop  }
0x7: {  	_ = 	snop  }
__scs_overlays_trampoline_lowered:
0x8: {  	[smem:$0x3FAD] =	sst s0  }
0x9: {  	[smem:$0x3FAE] =	sst s1  }
0xa: {  	[smem:$0x3FAF] =	sst s2  }
0xb: {  	[smem:$0x3FB0] =	sst s3  }
0xc: {  	[smem:$0x3FB1] =	sst s4  }
0xd: {  	[smem:$0x3FB2] =	sst s5  }
0xe: {  	[smem:$0x3FB3] =	sst s6  }
0xf: {  	[smem:$0x3FB4] =	sst s7  }
0x10: {  	[smem:$0x3FB5] =	sst s8  }
0x11: {  	[smem:$0x3FB6] =	sst s9;
	s0 =	simm.s32 @!p0 $0x0  }
0x12: {  	s1 =	sld [smem:$0x3F9C];
	s0 =	simm.s32 @p0 $0x1  }
0x13: {  	[smem:$0x3FB7] =	sst s0;
	s0 =	simm.s32 @!p1 $0x0  }
0x14: {  	s2 =	sld [smem:$0x3F9B];
	s0 =	simm.s32 @p1 $0x1  }
0x15: {  	[smem:$0x3FB8] =	sst s0;
	s0 =	simm.s32 @!p2 $0x0  }
0x16: {  	s3 =	sld [smem:$0x3FDB];
	s0 =	simm.s32 @p2 $0x1  }
0x17: {  	s4 =	simm.s32 $0x1BF5;
	[smem:$0x3FBA] =	sst s0  }
0x18: {  	s0 =	sld [smem:$0x3F9D];
	_ =	swait.ge [sflag:s4], $0x0  }
0x19: {  	s7 =	sld [smem:$0x3F9E]  }
0x1a: {  	s8 =	sadd.s32 $0xFFFFE003, lr  }
0x1b: {  	s9 =	sadd.s32 $0xFFFFFEF7, lr;
	s5 =	simm.s32 $0xFFFFFFFF;
	p2 =	slt.u32 s8, $0xFFFFF086  }
0x1c: {  	p1 =	slt.u32 s9, $0xF7A;
	s5 =	simm.s32 @!p2 $0x0  }
0x1d: {  	s5 =	simm.s32 @p1 $0x1;
	p0 =	seq.s32 s7, s2  }
0x1e: {  	s7 =	smul.u32 @!p0 $0xF7A, s2;
	p2 =	seq.s32 @!p0 s5, $0x0  }
0x1f: {  	s9 =	smul.u32 $0xF7A, s1;
	s8 =	simm.s32 @!p0 $0x1BF5;
	p2 =	por !p2, p0  }
0x20: {  	[sflag:s8] =	ssyncset.s32 @!p0 $0xFFFFF086;
	s6 =	sadd.s32 @!p0 s3, s7;
	s7 =	simm.s32 @!p0 $0x108  }
0x21: {  	s3 =	sadd.s32 s3, s9;
	s6 =	sadd.s32 @!p0 $0x88, s6;
	s7 =	simm.s32 @p2 $0x1082  }
0x22: {  	[simem:s7], [sflag:s8] =	dma.local @!p0 [hbm:s6], $0xF7A  }
0x23: {  	s9 =	sor.u32 $0xD0000000, s2;
	s6 =	simm.s32 $0x108;
	_ =	swait.ge @!p0 [sflag:s8], $0x0  }
0x24: {  	s3 =	sadd.s32 $0x88, s3;
	s6 =	simm.s32 @!p1 $0x1082;
	[sflag:s4] =	ssyncset.s32 $0xFFFFF086  }
0x25: {  	[simem:s6], [sflag:s4] =	dma.local [hbm:s3], $0xF7A  }
0x26: {  	[smem:$0x3F9E] =	sst s1;
	(tag) =	ssettag s2;
	_ =	strace s9  }
0x27: {  	s1 =	sld [smem:$0x3FAE]  }
0x28: {  	s2 =	sld [smem:$0x3FAF]  }
0x29: {  	s4 =	sld [smem:$0x3FB1]  }
0x2a: {  	p0 =	seq.s32 s5, $0x0;
	s5 =	sld [smem:$0x3FB2]  }
0x2b: {  	s6 =	sld [smem:$0x3FB3]  }
0x2c: {  	s7 =	sld [smem:$0x3FB4]  }
0x2d: {  	s3 =	simm.s32 $0x108;
	s8 =	sld [smem:$0x3FB5]  }
0x2e: {  	s3 =	simm.s32 @!p0 $0x1082;
	s9 =	sld [smem:$0x3FB6]  }
0x2f: {  	lr =	sadd.s32 s0, s3;
	s0 =	sld [smem:$0x3FAD]  }
0x30: {  	s3 =	sld [smem:$0x3FB0]  }
0x31: {  	[smem:$0x3FB9] =	sst s10  }
0x32: {  	s10 =	sld [smem:$0x3FB7];
	_ =	sdelay $0x3  }
0x33: {  	p0 =	seq.s32 s10, $0x1;
	s10 =	sld [smem:$0x3FB9];
	_ =	sdelay $0x3  }
0x34: {  	[smem:$0x3FB9] =	sst s10  }
0x35: {  	s10 =	sld [smem:$0x3FB8];
	_ =	sdelay $0x3  }
0x36: {  	p1 =	seq.s32 s10, $0x1;
	s10 =	sld [smem:$0x3FB9];
	_ =	sdelay $0x3  }
0x37: {  	[smem:$0x3FB9] =	sst s10  }
0x38: {  	s10 =	sld [smem:$0x3FBA]  }
0x39: {  	_ = 	snop;
	(pc) =	sbr.ind lr, $3  }
0x3a: {  	_ = 	snop  }
0x3b: {  	_ = 	snop  }
0x3c: {  	p2 =	seq.s32 s10, $0x1;
	s10 =	sld [smem:$0x3FB9]  }
0x3d: {  	_ =	shalt  }
0x3e: {  	_ =	shalt  }
0x3f: {  	_ =	shalt  }
0x40: {  	_ =	shalt  }
0x41: {  	_ =	shalt  }
0x42: {  	_ =	shalt  }
0x43: {  	_ =	shalt  }
0x44: {  	_ =	shalt  }
0x45: {  	_ =	shalt  }
0x46: {  	_ =	shalt  }
0x47: {  	_ =	shalt  }
0x48: {  	_ =	shalt  }
0x49: {  	_ =	shalt  }
0x4a: {  	_ =	shalt  }
0x4b: {  	_ =	shalt  }
0x4c: {  	_ =	shalt  }
0x4d: {  	_ =	shalt  }
0x4e: {  	_ =	shalt  }
0x4f: {  	_ =	shalt  }
0x50: {  	_ =	shalt  }
0x51: {  	_ =	shalt  }
0x52: {  	_ =	shalt  }
0x53: {  	_ =	shalt  }
0x54: {  	_ =	shalt  }
0x55: {  	_ =	shalt  }
0x56: {  	_ =	shalt  }
0x57: {  	_ =	shalt  }
0x58: {  	_ =	shalt  }
0x59: {  	_ =	shalt  }
0x5a: {  	_ =	shalt  }
0x5b: {  	_ =	shalt  }
0x5c: {  	_ =	shalt  }
0x5d: {  	_ =	shalt  }
0x5e: {  	_ =	shalt  }
0x5f: {  	_ =	shalt  }
0x60: {  	_ =	shalt  }
0x61: {  	_ =	shalt  }
0x62: {  	_ =	shalt  }
0x63: {  	_ =	shalt  }
0x64: {  	_ =	shalt  }
0x65: {  	_ =	shalt  }
0x66: {  	_ =	shalt  }
0x67: {  	_ =	shalt  }
0x68: {  	_ =	shalt  }
0x69: {  	_ =	shalt  }
0x6a: {  	_ =	shalt  }
0x6b: {  	_ =	shalt  }
0x6c: {  	_ =	shalt  }
0x6d: {  	_ =	shalt  }
0x6e: {  	_ =	shalt  }
0x6f: {  	_ =	shalt  }
0x70: {  	_ =	shalt  }
0x71: {  	_ =	shalt  }
0x72: {  	_ =	shalt  }
0x73: {  	_ =	shalt  }
0x74: {  	_ =	shalt  }
0x75: {  	_ =	shalt  }
0x76: {  	_ =	shalt  }
0x77: {  	_ =	shalt  }
0x78: {  	_ =	shalt  }
0x79: {  	_ =	shalt  }
0x7a: {  	_ =	shalt  }
0x7b: {  	_ =	shalt  }
0x7c: {  	_ =	shalt  }
0x7d: {  	_ =	shalt  }
0x7e: {  	_ =	shalt  }
0x7f: {  	_ =	shalt  }
0x80: {  	_ =	shalt  }
0x81: {  	_ =	shalt  }
0x82: {  	_ =	shalt  }
0x83: {  	_ =	shalt  }
0x84: {  	_ =	shalt  }
0x85: {  	_ =	shalt  }
0x86: {  	_ =	shalt  }
0x87: {  	_ =	shalt  }
.Lfunc_end0:
.L_simem_size_0:
called_computation.1_lowered:
.L_overlay_start_0:
0x88: {  	s2 =	sld [smem:$0x3FD9]  }
0x89: {  	s3 =	sld [smem:$0x3FFE];
	_ =	sdelay $0x1  }
0x8a: {  	s1 =	srdreg.scid  }
0x8b: {  	s0 =	sand.u32 $0x1, s1  }
0x8c: {  	s17 =	sshll.u32 s0, $0xA;
	s2 =	sadd.s32 s3, s2  }
0x8d: {  	s2 =	sadd.s32 s2, s17  }
0x8e: {  	[smem:$0x3FC5] =	sst s2  }
0x8f: {  	_ = 	snop  }
0x90: {  	s2 =	sld [smem:$0x3FD0];
	(tm) =	ssettm $0x1  }
0x91: {  	s18 =	sld [smem:$0x3FFB];
	_ =	sdelay $0x3  }
0x92: {  	_ =	strace s18  }
0x93: {  	s3 =	sld [smem:$0x3FFC];
	_ =	sdelay $0x3  }
0x94: {  	_ =	strace s3  }
0x95: {  	s3 =	sld [smem:$0x3FFD];
	_ =	sdelay $0x3  }
0x96: {  	_ =	strace s3  }
0x97: {  	_ =	strace $0x8FFFFFFF  }
0x98: {  	s19 =	sld [smem:$0x3FDB];
	_ =	sdelay $0x1  }
0x99: {  	s4 =	simm.s32 $_scs_section_size  }
0x9a: {  	s5 =	simm.s32 $_size__tile_overlayer_lowered;
	s6 =	simm.s32 $_tile_overlayer_lowered  }
0x9b: {  	s22 =	simm.s32 $0x1BFF;
	s21 =	sshll.u32 s6, $0x1;
	s3 =	sadd.s32 s4, s19  }
0x9c: {  	s7 =	simm.s32 $0x0;
	s20 =	sshll.u32 s5, $0x1;
	s5 =	sadd.s32 s21, s3  }
0x9d: {  	[timem:s7], [sflag:s22] =	dma.local [hbm:s5], s20  }
0x9e: {  	_ =	swait.ge [sflag:s22], s20  }
0x9f: {  	s4 =	ssub.s32 $0x0, s20;
	[sflag:s22] =	ssyncset.done $0x0  }
0xa0: {  	[sflag:s22] =	ssyncadd.s32 s4;
	_ =	sdelay $0x1  }
0xa1: {  	s23 =	simm.s32 $0x1B8B  }
0xa2: {  	_ =	swait.ge [sflag:s23], $0x1  }
0xa3: {  	[sflag:s23] =	ssyncset.done $0x0  }
0xa4: {  	s25 =	simm.s32 $0x1B8E;
	s24 =	sld [smem:$0x3FFE];
	[sflag:s23] =	ssyncadd.s32 $0xFFFFFFFF  }
0xa5: {  	s26 =	simm.s32 $execute0_lowered;
	[smem:$0x3FD2] =	sst s25  }
0xa6: {  	s5 =	sshll.u32 s26, $0x1;
	_ =	strace $0x80000046;
	[dreg:$0x1] =	wrdreg $0xFFFFFFFF  }
0xa7: {  	s28 =	simm.s32 $_size_execute0_lowered;
	s3 =	sadd.s32 s3, s5;
	[dreg:$0x0] =	wrdreg $0x0  }
0xa8: {  	s5 =	sshll.u32 s28, $0x1;
	[dreg:$0x2] =	wrdreg s3  }
0xa9: {  	[dreg:$0x3] =	wrdreg s5  }
0xaa: {  	[dreg:$0x4] =	wrdreg $0xC0  }
0xab: {  	_ =	task [dreg:s7], $0x5FFFF  }
0xac: {  	[dreg:$0x1] =	wrdreg $0xFFFFFFFF  }
0xad: {  	[dreg:$0x0] =	wrdreg $0x60  }
0xae: {  	[dreg:$0x2] =	wrdreg s24  }
0xaf: {  	[dreg:$0x3] =	wrdreg s2  }
0xb0: {  	[dreg:$0x4] =	wrdreg $0x9  }
0xb1: {  	_ =	task.clear_ibuf [dreg:s7], $0x5FFFF;
	_ =	strace $0x90000046  }
0xb2: {  	s29 =	simm.s32 $0x9;
	_ =	strace $0x80000048  }
0xb3: {  	_ =	swait.ge [sflag:s29], $0x1  }
0xb4: {  	[sflag:s29] =	ssyncadd.s32 $0xFFFFFFFF  }
0xb5: {  	_ =	strace $0x90000048  }
0xb6: {  	_ =	sfence  }
0xb7: {  	s30 =	sld [smem:$0x0];
	_ =	sdelay $0x2  }
0xb8: {  	s31 =	sshll.u32 s1, $0xD;
	s1 =	sshrl.u32 s1, $0x2  }
0xb9: {  	s3 =	sand.u32 $0x4000, s31;
	s1 =	sadd.s32 s1, s30  }
0xba: {  	s0 =	sor.u32 s3, s0;
	s1 =	sshll.u32 s1, $0x11  }
0xbb: {  	s0 =	sor.u32 s1, s0  }
0xbc: {  	s0 =	sadd.s32 $0x8F2B, s0  }
0xbd: {  	[sflag:s0] =	ssyncadd.remote.s32 $0x1  }
0xbe: {  	_ =	sfence.sel $0xFFFF  }
0xbf: {  	[dreg:$0x0] =	wrdreg $0xFFFFFFFF;
	(pc) =	sbr.abs _section_cstart, $3  }
0xc0: {  	[dreg:$0x1] =	wrdreg $0xFFFFFFFF  }
0xc1: {  	_ =	task.clear_ibuf [dreg:s7], $0x2FFFF;
	_ =	strace $0x9FFFFFFF  }
0xc2: {  	(tm) =	ssettm $0x7FFFFFFF  }
0xc3: {  	_ =	shalt  }
tec
execute0_lowered:
.L_overlay_start_1:
0x0: {  	(tag) =	ssettag $0x1  }
0x1: {  	s0 =	rddreg [dreg:$0x0]  }
0x2: {  	s1 =	srdreg.scid;
	s3 =	stileid.u32  }
0x3: {  	s2 =	rddreg [dreg:$0x1];
	s30 =	simm.s32 $0x320;
	s31 =	simm.s32 $0xB  }
0x4: {  	s1 =	sand.u32 $0x1, s1;
	s4 =	sshll.u32 s3, $0x1;
	s3 =	simm.s32 $0x0  }
0x5: {  	s5 =	sadd.s32 $0xC00, s0;
	s6 =	sadd.s32 $0xF5C000, s0;
	s7 =	sor.u32 s1, s4  }
0x6: {  	[smem:$0x7FF] =	sst s3;
	s25 =	ssub.s32 $0x2, s1;
	s11 =	smul.u32 $0x6400, s7  }
0x7: {  	_ =	strace $0x80000047;
	s8 =	sshrl.u32 s25, $0x1;
	s14 =	smul.u32 $0x19000, s7  }
0x8: {  	s7 =	smul.u32 $0xC8000, s7;
	s0 =	ssub.s32 s25, s8;
	s26 =	sshrl.u32 s11, $0x3  }
0x9: {  	s9 =	sadd.s32 $0x960, s11;
	s10 =	sadd.s32 $0xC80, s11;
	s13 =	sadd.s32 $0xFA0, s11  }
0xa: {  	s16 =	sadd.s32 $0x5DC0, s11;
	s7 =	sshrl.u32 s7, $0x3;
	[dreg:$0x6] =	wrdreg s9  }
0xb: {  	s17 =	sadd.s32 $0x60E0, s11;
	s0 =	smax.u32 s0, $0x1;
	[dreg:$0x7] =	wrdreg s10  }
0xc: {  	s28 =	sadd.s32 $0x7FFF9C0, s11;
	s12 =	sadd.s32 s5, s26;
	[dreg:$0x15] =	wrdreg s0  }
0xd: {  	s4 =	sshrl.u32 s9, $0x3;
	s9 =	sadd.s32 $0x64, s12;
	[dreg:$0x3] =	wrdreg s12  }
0xe: {  	s8 =	sshrl.u32 s10, $0x3;
	s1 =	sadd.s32 s5, s4;
	[dreg:$0x4] =	wrdreg s9  }
0xf: {  	s7 =	sadd.s32 s2, s7;
	s8 =	sadd.s32 s5, s8;
	[dreg:$0x5] =	wrdreg s1  }
0x10: {  	s10 =	sshrl.u32 s17, $0x3;
	s19 =	sadd.s32 $0x13880, s7;
	[dreg:$0x8] =	wrdreg s8  }
0x11: {  	s29 =	sadd.s32 $0x7FFFCE0, s11;
	s20 =	sadd.s32 s5, s10;
	[dreg:$0xc] =	wrdreg s19  }
0x12: {  	s18 =	sshrl.u32 s16, $0x3;
	s21 =	sadd.s32 $0x14500, s7;
	[dreg:$0xd] =	wrdreg s20  }
0x13: {  	s24 =	sshll.u32 s17, $0x2;
	s22 =	sadd.s32 $0x15180, s7;
	[dreg:$0xe] =	wrdreg s21  }
0x14: {  	s17 =	simm.s32 $0x3;
	s23 =	sadd.s32 $0x15E00, s7;
	[dreg:$0xf] =	wrdreg s22  }
0x15: {  	s4 =	smov.u32 s13;
	s7 =	sadd.s32 $0x16A80, s7;
	[dreg:$0x10] =	wrdreg s23  }
0x16: {  	s25 =	sadd.s32 s2, s24;
	s26 =	sadd.s32 $0xC8, s12;
	[dreg:$0x11] =	wrdreg s7  }
0x17: {  	s12 =	smov.u32 s11;
	s10 =	simm.s32 $0x2;
	[dreg:$0x13] =	wrdreg s25  }
0x18: {  	s9 =	sshrl.u32 s13, $0x3;
	s1 =	sadd.s32 s2, s14;
	[dreg:$0x14] =	wrdreg s26  }
0x19: {  	s13 =	simm.s32 $0x4;
	s20 =	simm.s32 $0x7;
	s22 =	simm.s32 $0xE420  }
0x1a: {  	s23 =	simm.s32 $0x6;
	s25 =	simm.s32 $0x8;
	s26 =	simm.s32 $0xA  }
0x1b: {  	s8 =	simm.s32 $0x9;
	s21 =	simm.s32 $0xC;
	s7 =	simm.s32 $0x0  }
0x1c: {  	s15 =	sadd.s32 s5, s9;
	[dreg:$0xa] =	wrdreg s1;
	s9 =	sadd.s32 s5, s18  }
0x1d: {  	s1 =	sshll.u32 s16, $0x2;
	s16 =	simm.s32 $0x8020;
	[dreg:$0x9] =	wrdreg s15  }
0x1e: {  	s18 =	simm.s32 $0x5;
	[dreg:$0xb] =	wrdreg s9;
	s1 =	sadd.s32 s2, s1  }
0x1f: {  	s9 =	simm.s32 $0x1C20;
	[dreg:$0x12] =	wrdreg s1;
	s1 =	simm.s32 $0x1  }
.LBB2_1:
0x20: {  	[dreg:$0x16] =	wrdreg s7  }
0x21: {  	s0 =	rddreg [dreg:$0x3]  }
0x22: {  	[tilespmem:s3], [sflag:$0x1] =	stream.linear.gather [hbm4b:s0+s3], $0x320, $0x38;
	[tilespmem:$0x14820] =	vst v63  }
0x23: {  	s15 =	rddreg [dreg:$0x4]  }
0x24: {  	[tilespmem:s30], [sflag:$0x2] =	stream.linear.gather [hbm4b:s15+s3], $0x320, $0x38;
	[tilespmem:$0x14820] =	vst v63  }
0x25: {  	s19 =	rddreg [dreg:$0x14];
	s24 =	simm.s32 $0x640  }
0x26: {  	[tilespmem:s24], [sflag:$0x3] =	stream.linear.gather [hbm4b:s19+s3], $0x320, $0x38;
	[tilespmem:$0x14820] =	vst v63  }
0x27: {  	_ =	swait.ge [sflag:s1], $0x320  }
0x28: {  	[sflag:s1] =	ssyncset.done $0x0  }
0x29: {  	s0 =	simm.s32 $0x20;
	[sflag:s1] =	ssyncadd.s32 $0xFFFFFCE0  }
0x2a: {  	v0 =	vld [tilespmem:s0+$0xFFFFFFE0];
	_ =	sdelay $0x4  }
0x2b: {  	v1 =	vshrl.u32 v0, $0x8  }
0x2c: {  	v2 =	vshrl.u32 v0, $0x4;
	v1 =	vmul.u32 $0xA, v1  }
0x2d: {  	v2 =	vand.u32 $0xF, v2  }
0x2e: {  	s14 =	simm.s32 $0x980;
	v0 =	vand.u32 $0xF, v0;
	v2 =	vadd.s32 v2, v1  }
0x2f: {  	s15 =	simm.s32 $0x12E0;
	v0 =	vadd.s32 v0, v1;
	[tilespmem:s14+$0xFFFFFFE0] =	vst v2  }
0x30: {  	[tilespmem:s15+$0xFFFFFFE0] =	vst v0  }
0x31: {  	v0 =	vld [tilespmem:s0+$0xFFFFFFF0];
	_ =	sdelay $0x4  }
0x32: {  	v1 =	vshrl.u32 v0, $0x8  }
0x33: {  	v2 =	vshrl.u32 v0, $0x4;
	v1 =	vmul.u32 $0xA, v1  }
0x34: {  	v2 =	vand.u32 $0xF, v2  }
0x35: {  	v0 =	vand.u32 $0xF, v0;
	v2 =	vadd.s32 v2, v1  }
0x36: {  	v0 =	vadd.s32 v0, v1;
	[tilespmem:s14+$0xFFFFFFF0] =	vst v2  }
0x37: {  	[tilespmem:s15+$0xFFFFFFF0] =	vst v0  }
0x38: {  	v0 =	vld [tilespmem:s0+$0x0];
	_ =	sdelay $0x4  }
0x39: {  	v1 =	vshrl.u32 v0, $0x8  }
0x3a: {  	v2 =	vshrl.u32 v0, $0x4;
	v1 =	vmul.u32 $0xA, v1  }
0x3b: {  	v2 =	vand.u32 $0xF, v2  }
0x3c: {  	v0 =	vand.u32 $0xF, v0;
	v2 =	vadd.s32 v2, v1  }
0x3d: {  	v0 =	vadd.s32 v0, v1;
	[tilespmem:s14+$0x0] =	vst v2  }
0x3e: {  	[tilespmem:s15+$0x0] =	vst v0  }
0x3f: {  	v0 =	vld [tilespmem:s0+$0x10];
	_ =	sdelay $0x4  }
0x40: {  	v1 =	vshrl.u32 v0, $0x8  }
0x41: {  	v2 =	vshrl.u32 v0, $0x4;
	v1 =	vmul.u32 $0xA, v1  }
0x42: {  	v2 =	vand.u32 $0xF, v2  }
0x43: {  	v0 =	vand.u32 $0xF, v0;
	v2 =	vadd.s32 v2, v1  }
0x44: {  	s7 =	simm.s32 $0x1320;
	s19 =	simm.s32 $0x0;
	v0 =	vadd.s32 v0, v1;
	[tilespmem:s14+$0x10] =	vst v2  }
.LBB2_2:
0x45: {  	s19 =	sadd.s32 $0x4, s19;
	[tilespmem:s15+$0x10] =	vst v0;
	s0 =	sadd.s32 $0x40, s0;
	s14 =	sadd.s32 $0x40, s14  }
0x46: {  	s15 =	smov.u32 s7;
	v0 =	vld [tilespmem:s0+$0xFFFFFFE0];
	p0 =	slt.u32 s19, $0x2C;
	_ =	sdelay $0x4  }
0x47: {  	v1 =	vshrl.u32 v0, $0x8;
	v2 =	vshrl.u32 v0, $0x4  }
0x48: {  	v1 =	vmul.u32 $0xA, v1  }
0x49: {  	v2 =	vand.u32 $0xF, v2  }
0x4a: {  	v0 =	vand.u32 $0xF, v0;
	v2 =	vadd.s32 v2, v1  }
0x4b: {  	v0 =	vadd.s32 v0, v1;
	[tilespmem:s14+$0xFFFFFFE0] =	vst v2  }
0x4c: {  	[tilespmem:s7+$0xFFFFFFE0] =	vst v0  }
0x4d: {  	v0 =	vld [tilespmem:s0+$0xFFFFFFF0];
	_ =	sdelay $0x4  }
0x4e: {  	v1 =	vshrl.u32 v0, $0x8;
	v2 =	vshrl.u32 v0, $0x4  }
0x4f: {  	v1 =	vmul.u32 $0xA, v1  }
0x50: {  	v2 =	vand.u32 $0xF, v2  }
0x51: {  	v0 =	vand.u32 $0xF, v0;
	v2 =	vadd.s32 v2, v1  }
0x52: {  	v0 =	vadd.s32 v0, v1;
	[tilespmem:s14+$0xFFFFFFF0] =	vst v2  }
0x53: {  	[tilespmem:s7+$0xFFFFFFF0] =	vst v0  }
0x54: {  	v0 =	vld [tilespmem:s0+$0x0];
	_ =	sdelay $0x4  }
0x55: {  	v1 =	vshrl.u32 v0, $0x8;
	v2 =	vshrl.u32 v0, $0x4  }
0x56: {  	v1 =	vmul.u32 $0xA, v1  }
0x57: {  	v2 =	vand.u32 $0xF, v2  }
0x58: {  	v0 =	vand.u32 $0xF, v0;
	v2 =	vadd.s32 v2, v1  }
0x59: {  	v0 =	vadd.s32 v0, v1;
	[tilespmem:s14+$0x0] =	vst v2  }
0x5a: {  	[tilespmem:s7+$0x0] =	vst v0  }
0x5b: {  	v0 =	vld [tilespmem:s0+$0x10];
	_ =	sdelay $0x4  }
.Ltmp0:
0x5c: {  	v1 =	vshrl.u32 v0, $0x8;
	v2 =	vshrl.u32 v0, $0x4;
	(pc) =	sbr.rel @p0 .LBB2_2-.Ltmp0, $4  }
0x5d: {  	v1 =	vmul.u32 $0xA, v1  }
0x5e: {  	v2 =	vand.u32 $0xF, v2  }
0x5f: {  	v0 =	vand.u32 $0xF, v0;
	v2 =	vadd.s32 v2, v1  }
0x60: {  	s7 =	sadd.s32 $0x40, s7;
	v0 =	vadd.s32 v0, v1;
	[tilespmem:s14+$0x10] =	vst v2  }
0x61: {  	[tilespmem:s15+$0x10] =	vst v0  }
0x62: {  	v0 =	vld [tilespmem:$0x300];
	_ =	sdelay $0x1  }
0x63: {  	v1 =	vld [tilespmem:$0x310];
	_ =	sdelay $0x2  }
0x64: {  	v2 =	vshrl.u32 v0, $0x8  }
0x65: {  	v3 =	vshrl.u32 v0, $0x4;
	v2 =	vmul.u32 $0xA, v2  }
0x66: {  	v4 =	vshrl.u32 v1, $0x8;
	v0 =	vand.u32 $0xF, v0;
	v3 =	vand.u32 $0xF, v3  }
0x67: {  	v5 =	vshrl.u32 v1, $0x4;
	v4 =	vmul.u32 $0xA, v4;
	v3 =	vadd.s32 v3, v2  }
0x68: {  	v0 =	vadd.s32 v0, v2;
	v2 =	vand.u32 $0xF, v5;
	[tilespmem:$0xC60] =	vst v3  }
0x69: {  	v1 =	vand.u32 $0xF, v1;
	[tilespmem:$0x15C0] =	vst v0;
	v0 =	vadd.s32 v2, v4  }
0x6a: {  	[tilespmem:$0xC70] =	vst v0;
	v0 =	vadd.s32 v1, v4  }
0x6b: {  	s0 =	rddreg [dreg:$0x5];
	[tilespmem:$0x15D0] =	vst v0  }
0x6c: {  	[tilespmem:s3], [sflag:$0x1] =	stream.linear.gather [hbm4b:s0+s3], $0x320, $0x38;
	[tilespmem:$0x14820] =	vst v63  }
0x6d: {  	s24 =	simm.s32 $0x960  }
0x6e: {  	[tilespmem:s9], [sflag:$0x4] =	stream.indirect.gather [hbm4b:s6+s30], $0x20, s24, s30, $0xb8;
	[tilespmem:$0x14820] =	vst v63  }
0x6f: {  	_ =	swait.ge [sflag:s10], $0x320  }
0x70: {  	[sflag:s10] =	ssyncset.done $0x0  }
0x71: {  	s0 =	simm.s32 $0x340;
	[sflag:s10] =	ssyncadd.s32 $0xFFFFFCE0  }
0x72: {  	v0 =	vld [tilespmem:s0+$0xFFFFFFE0];
	_ =	sdelay $0x4  }
0x73: {  	v1 =	vshrl.u32 v0, $0x8  }
0x74: {  	v2 =	vshrl.u32 v0, $0x4;
	v1 =	vmul.u32 $0xA, v1  }
0x75: {  	v2 =	vand.u32 $0xF, v2  }
0x76: {  	s14 =	simm.s32 $0xCA0;
	v0 =	vand.u32 $0xF, v0;
	v2 =	vadd.s32 v2, v1  }
0x77: {  	s15 =	simm.s32 $0x1600;
	v0 =	vadd.s32 v0, v1;
	[tilespmem:s14+$0xFFFFFFE0] =	vst v2  }
0x78: {  	[tilespmem:s15+$0xFFFFFFE0] =	vst v0  }
0x79: {  	v0 =	vld [tilespmem:s0+$0xFFFFFFF0];
	_ =	sdelay $0x4  }
0x7a: {  	v1 =	vshrl.u32 v0, $0x8  }
0x7b: {  	v2 =	vshrl.u32 v0, $0x4;
	v1 =	vmul.u32 $0xA, v1  }
0x7c: {  	v2 =	vand.u32 $0xF, v2  }
0x7d: {  	v0 =	vand.u32 $0xF, v0;
	v2 =	vadd.s32 v2, v1  }
0x7e: {  	v0 =	vadd.s32 v0, v1;
	[tilespmem:s14+$0xFFFFFFF0] =	vst v2  }
0x7f: {  	[tilespmem:s15+$0xFFFFFFF0] =	vst v0  }
0x80: {  	v0 =	vld [tilespmem:s0+$0x0];
	_ =	sdelay $0x4  }
0x81: {  	v1 =	vshrl.u32 v0, $0x8  }
0x82: {  	v2 =	vshrl.u32 v0, $0x4;
	v1 =	vmul.u32 $0xA, v1  }
0x83: {  	v2 =	vand.u32 $0xF, v2  }
0x84: {  	v0 =	vand.u32 $0xF, v0;
	v2 =	vadd.s32 v2, v1  }
0x85: {  	v0 =	vadd.s32 v0, v1;
	[tilespmem:s14+$0x0] =	vst v2  }
0x86: {  	[tilespmem:s15+$0x0] =	vst v0  }
0x87: {  	v0 =	vld [tilespmem:s0+$0x10];
	_ =	sdelay $0x4  }
0x88: {  	v1 =	vshrl.u32 v0, $0x8  }
0x89: {  	v2 =	vshrl.u32 v0, $0x4;
	v1 =	vmul.u32 $0xA, v1  }
0x8a: {  	v2 =	vand.u32 $0xF, v2  }
0x8b: {  	v0 =	vand.u32 $0xF, v0;
	v2 =	vadd.s32 v2, v1  }
0x8c: {  	s19 =	simm.s32 $0x0;
	s7 =	simm.s32 $0x1640;
	v0 =	vadd.s32 v0, v1;
	[tilespmem:s14+$0x10] =	vst v2  }
.LBB2_4:
0x8d: {  	s19 =	sadd.s32 $0x4, s19;
	[tilespmem:s15+$0x10] =	vst v0;
	s0 =	sadd.s32 $0x40, s0;
	s14 =	sadd.s32 $0x40, s14  }
0x8e: {  	s15 =	smov.u32 s7;
	v0 =	vld [tilespmem:s0+$0xFFFFFFE0];
	p0 =	slt.u32 s19, $0x2C;
	_ =	sdelay $0x4  }
0x8f: {  	v1 =	vshrl.u32 v0, $0x8;
	v2 =	vshrl.u32 v0, $0x4  }
0x90: {  	v1 =	vmul.u32 $0xA, v1  }
0x91: {  	v2 =	vand.u32 $0xF, v2  }
0x92: {  	v0 =	vand.u32 $0xF, v0;
	v2 =	vadd.s32 v2, v1  }
0x93: {  	v0 =	vadd.s32 v0, v1;
	[tilespmem:s14+$0xFFFFFFE0] =	vst v2  }
0x94: {  	[tilespmem:s7+$0xFFFFFFE0] =	vst v0  }
0x95: {  	v0 =	vld [tilespmem:s0+$0xFFFFFFF0];
	_ =	sdelay $0x4  }
0x96: {  	v1 =	vshrl.u32 v0, $0x8;
	v2 =	vshrl.u32 v0, $0x4  }
0x97: {  	v1 =	vmul.u32 $0xA, v1  }
0x98: {  	v2 =	vand.u32 $0xF, v2  }
0x99: {  	v0 =	vand.u32 $0xF, v0;
	v2 =	vadd.s32 v2, v1  }
0x9a: {  	v0 =	vadd.s32 v0, v1;
	[tilespmem:s14+$0xFFFFFFF0] =	vst v2  }
0x9b: {  	[tilespmem:s7+$0xFFFFFFF0] =	vst v0  }
0x9c: {  	v0 =	vld [tilespmem:s0+$0x0];
	_ =	sdelay $0x4  }
0x9d: {  	v1 =	vshrl.u32 v0, $0x8;
	v2 =	vshrl.u32 v0, $0x4  }
0x9e: {  	v1 =	vmul.u32 $0xA, v1  }
0x9f: {  	v2 =	vand.u32 $0xF, v2  }
0xa0: {  	v0 =	vand.u32 $0xF, v0;
	v2 =	vadd.s32 v2, v1  }
0xa1: {  	v0 =	vadd.s32 v0, v1;
	[tilespmem:s14+$0x0] =	vst v2  }
0xa2: {  	[tilespmem:s7+$0x0] =	vst v0  }
0xa3: {  	v0 =	vld [tilespmem:s0+$0x10];
	_ =	sdelay $0x4  }
.Ltmp1:
0xa4: {  	v1 =	vshrl.u32 v0, $0x8;
	v2 =	vshrl.u32 v0, $0x4;
	(pc) =	sbr.rel @p0 .LBB2_4-.Ltmp1, $4  }
0xa5: {  	v1 =	vmul.u32 $0xA, v1  }
0xa6: {  	v2 =	vand.u32 $0xF, v2  }
0xa7: {  	v0 =	vand.u32 $0xF, v0;
	v2 =	vadd.s32 v2, v1  }
0xa8: {  	s7 =	sadd.s32 $0x40, s7;
	v0 =	vadd.s32 v0, v1;
	[tilespmem:s14+$0x10] =	vst v2  }
0xa9: {  	[tilespmem:s15+$0x10] =	vst v0  }
0xaa: {  	v0 =	vld [tilespmem:$0x620];
	_ =	sdelay $0x1  }
0xab: {  	v1 =	vld [tilespmem:$0x630];
	_ =	sdelay $0x2  }
0xac: {  	v2 =	vshrl.u32 v0, $0x8  }
0xad: {  	v3 =	vshrl.u32 v0, $0x4;
	v2 =	vmul.u32 $0xA, v2  }
0xae: {  	v4 =	vshrl.u32 v1, $0x8;
	v0 =	vand.u32 $0xF, v0;
	v3 =	vand.u32 $0xF, v3  }
0xaf: {  	v5 =	vshrl.u32 v1, $0x4;
	v4 =	vmul.u32 $0xA, v4;
	v3 =	vadd.s32 v3, v2  }
0xb0: {  	v0 =	vadd.s32 v0, v2;
	v2 =	vand.u32 $0xF, v5;
	[tilespmem:$0xF80] =	vst v3  }
0xb1: {  	v1 =	vand.u32 $0xF, v1;
	[tilespmem:$0x18E0] =	vst v0;
	v0 =	vadd.s32 v2, v4  }
0xb2: {  	[tilespmem:$0xF90] =	vst v0;
	v0 =	vadd.s32 v1, v4  }
0xb3: {  	s0 =	rddreg [dreg:$0x8];
	[tilespmem:$0x18F0] =	vst v0  }
0xb4: {  	[tilespmem:s30], [sflag:$0x2] =	stream.linear.gather [hbm4b:s0+s3], $0x320, $0x38;
	[tilespmem:$0x14820] =	vst v63  }
0xb5: {  	_ =	swait.ge [sflag:s13], $0x6400  }
0xb6: {  	[sflag:s13] =	ssyncset.done $0x0  }
0xb7: {  	s19 =	simm.s32 $0x12C0;
	[sflag:s13] =	ssyncadd.s32 $0xFFFF9C00  }
0xb8: {  	[tilespmem:s9], [sflag:$0x7] =	stream.indirect.gather.add.f32 [hbm:s6], $0x20, s19, s30, $0xb8;
	[tilespmem:$0x14820] =	vst v63  }
0xb9: {  	s24 =	simm.s32 $0xC80  }
0xba: {  	[tilespmem:s16], [sflag:$0x5] =	stream.indirect.gather [hbm4b:s6+s30], $0x20, s24, s30, $0xb8;
	[tilespmem:$0x14820] =	vst v63  }
0xbb: {  	_ =	swait.ge [sflag:s17], $0x320  }
0xbc: {  	[sflag:s17] =	ssyncset.done $0x0  }
0xbd: {  	s0 =	simm.s32 $0x660;
	[sflag:s17] =	ssyncadd.s32 $0xFFFFFCE0  }
0xbe: {  	v0 =	vld [tilespmem:s0+$0xFFFFFFE0];
	_ =	sdelay $0x4  }
0xbf: {  	v1 =	vshrl.u32 v0, $0x8  }
0xc0: {  	v2 =	vshrl.u32 v0, $0x4;
	v1 =	vmul.u32 $0xA, v1  }
0xc1: {  	v2 =	vand.u32 $0xF, v2  }
0xc2: {  	s14 =	simm.s32 $0xFC0;
	v0 =	vand.u32 $0xF, v0;
	v2 =	vadd.s32 v2, v1  }
0xc3: {  	s15 =	simm.s32 $0x1920;
	v0 =	vadd.s32 v0, v1;
	[tilespmem:s14+$0xFFFFFFE0] =	vst v2  }
0xc4: {  	[tilespmem:s15+$0xFFFFFFE0] =	vst v0  }
0xc5: {  	v0 =	vld [tilespmem:s0+$0xFFFFFFF0];
	_ =	sdelay $0x4  }
0xc6: {  	v1 =	vshrl.u32 v0, $0x8  }
0xc7: {  	v2 =	vshrl.u32 v0, $0x4;
	v1 =	vmul.u32 $0xA, v1  }
0xc8: {  	v2 =	vand.u32 $0xF, v2  }
0xc9: {  	v0 =	vand.u32 $0xF, v0;
	v2 =	vadd.s32 v2, v1  }
0xca: {  	v0 =	vadd.s32 v0, v1;
	[tilespmem:s14+$0xFFFFFFF0] =	vst v2  }
0xcb: {  	[tilespmem:s15+$0xFFFFFFF0] =	vst v0  }
0xcc: {  	v0 =	vld [tilespmem:s0+$0x0];
	_ =	sdelay $0x4  }
0xcd: {  	v1 =	vshrl.u32 v0, $0x8  }
0xce: {  	v2 =	vshrl.u32 v0, $0x4;
	v1 =	vmul.u32 $0xA, v1  }
0xcf: {  	v2 =	vand.u32 $0xF, v2  }
0xd0: {  	v0 =	vand.u32 $0xF, v0;
	v2 =	vadd.s32 v2, v1  }
0xd1: {  	v0 =	vadd.s32 v0, v1;
	[tilespmem:s14+$0x0] =	vst v2  }
0xd2: {  	[tilespmem:s15+$0x0] =	vst v0  }
0xd3: {  	v0 =	vld [tilespmem:s0+$0x10];
	_ =	sdelay $0x4  }
0xd4: {  	v1 =	vshrl.u32 v0, $0x8  }
0xd5: {  	v2 =	vshrl.u32 v0, $0x4;
	v1 =	vmul.u32 $0xA, v1  }
0xd6: {  	v2 =	vand.u32 $0xF, v2  }
0xd7: {  	v0 =	vand.u32 $0xF, v0;
	v2 =	vadd.s32 v2, v1  }
0xd8: {  	s7 =	simm.s32 $0x1960;
	s19 =	simm.s32 $0x0;
	v0 =	vadd.s32 v0, v1;
	[tilespmem:s14+$0x10] =	vst v2  }
.LBB2_6:
0xd9: {  	s19 =	sadd.s32 $0x4, s19;
	[tilespmem:s15+$0x10] =	vst v0;
	s0 =	sadd.s32 $0x40, s0;
	s14 =	sadd.s32 $0x40, s14  }
0xda: {  	s15 =	smov.u32 s7;
	v0 =	vld [tilespmem:s0+$0xFFFFFFE0];
	p0 =	slt.u32 s19, $0x2C;
	_ =	sdelay $0x4  }
0xdb: {  	v1 =	vshrl.u32 v0, $0x8;
	v2 =	vshrl.u32 v0, $0x4  }
0xdc: {  	v1 =	vmul.u32 $0xA, v1  }
0xdd: {  	v2 =	vand.u32 $0xF, v2  }
0xde: {  	v0 =	vand.u32 $0xF, v0;
	v2 =	vadd.s32 v2, v1  }
0xdf: {  	v0 =	vadd.s32 v0, v1;
	[tilespmem:s14+$0xFFFFFFE0] =	vst v2  }
0xe0: {  	[tilespmem:s7+$0xFFFFFFE0] =	vst v0  }
0xe1: {  	v0 =	vld [tilespmem:s0+$0xFFFFFFF0];
	_ =	sdelay $0x4  }
0xe2: {  	v1 =	vshrl.u32 v0, $0x8;
	v2 =	vshrl.u32 v0, $0x4  }
0xe3: {  	v1 =	vmul.u32 $0xA, v1  }
0xe4: {  	v2 =	vand.u32 $0xF, v2  }
0xe5: {  	v0 =	vand.u32 $0xF, v0;
	v2 =	vadd.s32 v2, v1  }
0xe6: {  	v0 =	vadd.s32 v0, v1;
	[tilespmem:s14+$0xFFFFFFF0] =	vst v2  }
0xe7: {  	[tilespmem:s7+$0xFFFFFFF0] =	vst v0  }
0xe8: {  	v0 =	vld [tilespmem:s0+$0x0];
	_ =	sdelay $0x4  }
0xe9: {  	v1 =	vshrl.u32 v0, $0x8;
	v2 =	vshrl.u32 v0, $0x4  }
0xea: {  	v1 =	vmul.u32 $0xA, v1  }
0xeb: {  	v2 =	vand.u32 $0xF, v2  }
0xec: {  	v0 =	vand.u32 $0xF, v0;
	v2 =	vadd.s32 v2, v1  }
0xed: {  	v0 =	vadd.s32 v0, v1;
	[tilespmem:s14+$0x0] =	vst v2  }
0xee: {  	[tilespmem:s7+$0x0] =	vst v0  }
0xef: {  	v0 =	vld [tilespmem:s0+$0x10];
	_ =	sdelay $0x4  }
.Ltmp2:
0xf0: {  	v1 =	vshrl.u32 v0, $0x8;
	v2 =	vshrl.u32 v0, $0x4;
	(pc) =	sbr.rel @p0 .LBB2_6-.Ltmp2, $4  }
0xf1: {  	v1 =	vmul.u32 $0xA, v1  }
0xf2: {  	v2 =	vand.u32 $0xF, v2  }
0xf3: {  	v0 =	vand.u32 $0xF, v0;
	v2 =	vadd.s32 v2, v1  }
0xf4: {  	s7 =	sadd.s32 $0x40, s7;
	v0 =	vadd.s32 v0, v1;
	[tilespmem:s14+$0x10] =	vst v2  }
0xf5: {  	[tilespmem:s15+$0x10] =	vst v0  }
0xf6: {  	v0 =	vld [tilespmem:$0x940];
	_ =	sdelay $0x1  }
0xf7: {  	v1 =	vld [tilespmem:$0x950];
	_ =	sdelay $0x2  }
0xf8: {  	v2 =	vshrl.u32 v0, $0x8  }
0xf9: {  	v3 =	vshrl.u32 v0, $0x4;
	v2 =	vmul.u32 $0xA, v2  }
0xfa: {  	v4 =	vshrl.u32 v1, $0x8;
	v0 =	vand.u32 $0xF, v0;
	v3 =	vand.u32 $0xF, v3  }
0xfb: {  	v5 =	vshrl.u32 v1, $0x4;
	v4 =	vmul.u32 $0xA, v4;
	v3 =	vadd.s32 v3, v2  }
0xfc: {  	v61 =	vand.u32 $0xF, v5;
	v0 =	vadd.s32 v0, v2;
	[tilespmem:$0x12A0] =	vst v3  }
0xfd: {  	v1 =	vand.u32 $0xF, v1;
	v62 =	vadd.s32 v61, v4;
	[tilespmem:$0x1C00] =	vst v0  }
0xfe: {  	v63 =	vadd.s32 v1, v4;
	[tilespmem:$0x12B0] =	vst v62  }
0xff: {  	s0 =	rddreg [dreg:$0x9];
	s7 =	simm.s32 $0x640;
	[tilespmem:$0x1C10] =	vst v63  }
0x100: {  	[tilespmem:s7], [sflag:$0x3] =	stream.linear.gather [hbm4b:s0+s3], $0x320, $0x38;
	[tilespmem:$0x14820] =	vst v63  }
0x101: {  	_ =	swait.ge [sflag:s18], $0x6400  }
0x102: {  	[sflag:s18] =	ssyncset.done $0x0  }
0x103: {  	s15 =	simm.s32 $0x15E0;
	[sflag:s18] =	ssyncadd.s32 $0xFFFF9C00  }
0x104: {  	[tilespmem:s16], [sflag:$0x8] =	stream.indirect.gather.add.f32 [hbm:s6], $0x20, s15, s30, $0xb8;
	[tilespmem:$0x14820] =	vst v63  }
0x105: {  	_ =	swait.ge [sflag:s20], $0x6400  }
0x106: {  	[sflag:s20] =	ssyncset.done $0x0  }
0x107: {  	s19 =	rddreg [dreg:$0xa];
	[sflag:s20] =	ssyncadd.s32 $0xFFFF9C00  }
0x108: {  	[hbm4b:s19+s3] =	stream.linear.scatter [tilespmem:s9], [sflag:$0xA], $0x6400, $0x38;
	[tilespmem:$0x14820] =	vst v63  }
0x109: {  	s24 =	simm.s32 $0xFA0  }
0x10a: {  	[tilespmem:s22], [sflag:$0x6] =	stream.indirect.gather [hbm4b:s6+s30], $0x20, s24, s30, $0xb8;
	[tilespmem:$0x14820] =	vst v63  }
0x10b: {  	s24 =	simm.s32 $0x1  }
.LBB2_8:
0x10c: {  	_ =	swait.ge [sflag:s1], $0x320  }
0x10d: {  	[sflag:s1] =	ssyncset.done $0x0  }
0x10e: {  	s0 =	simm.s32 $0x20;
	[sflag:s1] =	ssyncadd.s32 $0xFFFFFCE0  }
0x10f: {  	v0 =	vld [tilespmem:s0+$0xFFFFFFE0];
	_ =	sdelay $0x4  }
0x110: {  	v1 =	vshrl.u32 v0, $0x8  }
0x111: {  	v2 =	vshrl.u32 v0, $0x4;
	v1 =	vmul.u32 $0xA, v1  }
0x112: {  	v2 =	vand.u32 $0xF, v2  }
0x113: {  	s14 =	simm.s32 $0x980;
	v0 =	vand.u32 $0xF, v0;
	v2 =	vadd.s32 v2, v1  }
0x114: {  	s15 =	simm.s32 $0x12E0;
	v0 =	vadd.s32 v0, v1;
	[tilespmem:s14+$0xFFFFFFE0] =	vst v2  }
0x115: {  	[tilespmem:s15+$0xFFFFFFE0] =	vst v0  }
0x116: {  	v0 =	vld [tilespmem:s0+$0xFFFFFFF0];
	_ =	sdelay $0x4  }
0x117: {  	v1 =	vshrl.u32 v0, $0x8  }
0x118: {  	v2 =	vshrl.u32 v0, $0x4;
	v1 =	vmul.u32 $0xA, v1  }
0x119: {  	v2 =	vand.u32 $0xF, v2  }
0x11a: {  	v0 =	vand.u32 $0xF, v0;
	v2 =	vadd.s32 v2, v1  }
0x11b: {  	v0 =	vadd.s32 v0, v1;
	[tilespmem:s14+$0xFFFFFFF0] =	vst v2  }
0x11c: {  	[tilespmem:s15+$0xFFFFFFF0] =	vst v0  }
0x11d: {  	v0 =	vld [tilespmem:s0+$0x0];
	_ =	sdelay $0x4  }
0x11e: {  	v1 =	vshrl.u32 v0, $0x8  }
0x11f: {  	v2 =	vshrl.u32 v0, $0x4;
	v1 =	vmul.u32 $0xA, v1  }
0x120: {  	v2 =	vand.u32 $0xF, v2  }
0x121: {  	v0 =	vand.u32 $0xF, v0;
	v2 =	vadd.s32 v2, v1  }
0x122: {  	v0 =	vadd.s32 v0, v1;
	[tilespmem:s14+$0x0] =	vst v2  }
0x123: {  	[tilespmem:s15+$0x0] =	vst v0  }
0x124: {  	v0 =	vld [tilespmem:s0+$0x10];
	_ =	sdelay $0x4  }
0x125: {  	v1 =	vshrl.u32 v0, $0x8  }
0x126: {  	v2 =	vshrl.u32 v0, $0x4;
	v1 =	vmul.u32 $0xA, v1  }
0x127: {  	v2 =	vand.u32 $0xF, v2  }
0x128: {  	v0 =	vand.u32 $0xF, v0;
	v2 =	vadd.s32 v2, v1  }
0x129: {  	s19 =	simm.s32 $0x0;
	s7 =	simm.s32 $0x1320;
	v0 =	vadd.s32 v0, v1;
	[tilespmem:s14+$0x10] =	vst v2  }
.LBB2_9:
0x12a: {  	s19 =	sadd.s32 $0x4, s19;
	[tilespmem:s15+$0x10] =	vst v0;
	s0 =	sadd.s32 $0x40, s0;
	s14 =	sadd.s32 $0x40, s14  }
0x12b: {  	s15 =	smov.u32 s7;
	v0 =	vld [tilespmem:s0+$0xFFFFFFE0];
	p0 =	slt.u32 s19, $0x2C;
	_ =	sdelay $0x4  }
0x12c: {  	v1 =	vshrl.u32 v0, $0x8;
	v2 =	vshrl.u32 v0, $0x4  }
0x12d: {  	v1 =	vmul.u32 $0xA, v1  }
0x12e: {  	v2 =	vand.u32 $0xF, v2  }
0x12f: {  	v0 =	vand.u32 $0xF, v0;
	v2 =	vadd.s32 v2, v1  }
0x130: {  	v0 =	vadd.s32 v0, v1;
	[tilespmem:s14+$0xFFFFFFE0] =	vst v2  }
0x131: {  	[tilespmem:s7+$0xFFFFFFE0] =	vst v0  }
0x132: {  	v0 =	vld [tilespmem:s0+$0xFFFFFFF0];
	_ =	sdelay $0x4  }
0x133: {  	v1 =	vshrl.u32 v0, $0x8;
	v2 =	vshrl.u32 v0, $0x4  }
0x134: {  	v1 =	vmul.u32 $0xA, v1  }
0x135: {  	v2 =	vand.u32 $0xF, v2  }
0x136: {  	v0 =	vand.u32 $0xF, v0;
	v2 =	vadd.s32 v2, v1  }
0x137: {  	v0 =	vadd.s32 v0, v1;
	[tilespmem:s14+$0xFFFFFFF0] =	vst v2  }
0x138: {  	[tilespmem:s7+$0xFFFFFFF0] =	vst v0  }
0x139: {  	v0 =	vld [tilespmem:s0+$0x0];
	_ =	sdelay $0x4  }
0x13a: {  	v1 =	vshrl.u32 v0, $0x8;
	v2 =	vshrl.u32 v0, $0x4  }
0x13b: {  	v1 =	vmul.u32 $0xA, v1  }
0x13c: {  	v2 =	vand.u32 $0xF, v2  }
0x13d: {  	v0 =	vand.u32 $0xF, v0;
	v2 =	vadd.s32 v2, v1  }
0x13e: {  	v0 =	vadd.s32 v0, v1;
	[tilespmem:s14+$0x0] =	vst v2  }
0x13f: {  	[tilespmem:s7+$0x0] =	vst v0  }
0x140: {  	v0 =	vld [tilespmem:s0+$0x10];
	_ =	sdelay $0x4  }
.Ltmp3:
0x141: {  	v1 =	vshrl.u32 v0, $0x8;
	v2 =	vshrl.u32 v0, $0x4;
	(pc) =	sbr.rel @p0 .LBB2_9-.Ltmp3, $4  }
0x142: {  	v1 =	vmul.u32 $0xA, v1  }
0x143: {  	v2 =	vand.u32 $0xF, v2  }
0x144: {  	v0 =	vand.u32 $0xF, v0;
	v2 =	vadd.s32 v2, v1  }
0x145: {  	s7 =	sadd.s32 $0x40, s7;
	v0 =	vadd.s32 v0, v1;
	[tilespmem:s14+$0x10] =	vst v2  }
0x146: {  	[tilespmem:s15+$0x10] =	vst v0  }
0x147: {  	v0 =	vld [tilespmem:$0x300];
	_ =	sdelay $0x1  }
0x148: {  	v1 =	vld [tilespmem:$0x310];
	_ =	sdelay $0x2  }
0x149: {  	v2 =	vshrl.u32 v0, $0x8  }
0x14a: {  	v3 =	vshrl.u32 v0, $0x4;
	v2 =	vmul.u32 $0xA, v2  }
0x14b: {  	v4 =	vshrl.u32 v1, $0x8;
	v0 =	vand.u32 $0xF, v0;
	v3 =	vand.u32 $0xF, v3  }
0x14c: {  	s0 =	smul.u32 $0x960, s24;
	v5 =	vshrl.u32 v1, $0x4;
	v4 =	vmul.u32 $0xA, v4;
	v3 =	vadd.s32 v3, v2  }
0x14d: {  	s7 =	rddreg [dreg:$0x6];
	v0 =	vadd.s32 v0, v2;
	v2 =	vand.u32 $0xF, v5;
	[tilespmem:$0xC60] =	vst v3  }
0x14e: {  	s7 =	sadd.s32 s0, s7;
	v1 =	vand.u32 $0xF, v1;
	[tilespmem:$0x15C0] =	vst v0;
	v0 =	vadd.s32 v2, v4  }
0x14f: {  	s7 =	sshrl.u32 s7, $0x3;
	[tilespmem:$0xC70] =	vst v0;
	v0 =	vadd.s32 v1, v4  }
0x150: {  	s7 =	sadd.s32 s5, s7;
	[tilespmem:$0x15D0] =	vst v0  }
0x151: {  	[tilespmem:s3], [sflag:$0x1] =	stream.linear.gather [hbm4b:s7+s3], $0x320, $0x38;
	[tilespmem:$0x14820] =	vst v63  }
0x152: {  	_ =	swait.ge [sflag:s23], $0x6400  }
0x153: {  	[sflag:s23] =	ssyncset.done $0x0  }
0x154: {  	s14 =	simm.s32 $0x1900;
	s15 =	sadd.s32 s0, s28;
	[sflag:s23] =	ssyncadd.s32 $0xFFFF9C00  }
0x155: {  	[tilespmem:s22], [sflag:$0x9] =	stream.indirect.gather.add.f32 [hbm:s6], $0x20, s14, s30, $0xb8;
	[tilespmem:$0x14820] =	vst v63  }
0x156: {  	s7 =	sshll.u32 s15, $0x2;
	_ =	swait.ge [sflag:s25], $0x6400  }
0x157: {  	s7 =	sand.u32 $0x1FFFFF80, s7;
	[sflag:s25] =	ssyncset.done $0x0  }
0x158: {  	s7 =	sadd.s32 s2, s7;
	[sflag:s25] =	ssyncadd.s32 $0xFFFF9C00  }
0x159: {  	[hbm4b:s7+s3] =	stream.linear.scatter [tilespmem:s16], [sflag:$0xB], $0x6400, $0x38;
	[tilespmem:$0x14820] =	vst v63  }
0x15a: {  	_ =	swait.ge [sflag:s26], $0x6400  }
0x15b: {  	[sflag:s26] =	ssyncset.done $0x0  }
0x15c: {  	s19 =	simm.s32 $0x960;
	[sflag:s26] =	ssyncadd.s32 $0xFFFF9C00  }
0x15d: {  	[tilespmem:s9], [sflag:$0x4] =	stream.indirect.gather [hbm4b:s6+s30], $0x20, s19, s30, $0xb8;
	[tilespmem:$0x14820] =	vst v63  }
0x15e: {  	_ =	swait.ge [sflag:s10], $0x320  }
0x15f: {  	[sflag:s10] =	ssyncset.done $0x0  }
0x160: {  	s14 =	simm.s32 $0x340;
	[sflag:s10] =	ssyncadd.s32 $0xFFFFFCE0  }
0x161: {  	v0 =	vld [tilespmem:s14+$0xFFFFFFE0];
	_ =	sdelay $0x4  }
0x162: {  	v1 =	vshrl.u32 v0, $0x8  }
0x163: {  	v2 =	vshrl.u32 v0, $0x4;
	v1 =	vmul.u32 $0xA, v1  }
0x164: {  	v2 =	vand.u32 $0xF, v2  }
0x165: {  	s15 =	simm.s32 $0xCA0;
	v0 =	vand.u32 $0xF, v0;
	v2 =	vadd.s32 v2, v1  }
0x166: {  	s19 =	simm.s32 $0x1600;
	v0 =	vadd.s32 v0, v1;
	[tilespmem:s15+$0xFFFFFFE0] =	vst v2  }
0x167: {  	[tilespmem:s19+$0xFFFFFFE0] =	vst v0  }
0x168: {  	v0 =	vld [tilespmem:s14+$0xFFFFFFF0];
	_ =	sdelay $0x4  }
0x169: {  	v1 =	vshrl.u32 v0, $0x8  }
0x16a: {  	v2 =	vshrl.u32 v0, $0x4;
	v1 =	vmul.u32 $0xA, v1  }
0x16b: {  	v2 =	vand.u32 $0xF, v2  }
0x16c: {  	v0 =	vand.u32 $0xF, v0;
	v2 =	vadd.s32 v2, v1  }
0x16d: {  	v0 =	vadd.s32 v0, v1;
	[tilespmem:s15+$0xFFFFFFF0] =	vst v2  }
0x16e: {  	[tilespmem:s19+$0xFFFFFFF0] =	vst v0  }
0x16f: {  	v0 =	vld [tilespmem:s14+$0x0];
	_ =	sdelay $0x4  }
0x170: {  	v1 =	vshrl.u32 v0, $0x8  }
0x171: {  	v2 =	vshrl.u32 v0, $0x4;
	v1 =	vmul.u32 $0xA, v1  }
0x172: {  	v2 =	vand.u32 $0xF, v2  }
0x173: {  	v0 =	vand.u32 $0xF, v0;
	v2 =	vadd.s32 v2, v1  }
0x174: {  	v0 =	vadd.s32 v0, v1;
	[tilespmem:s15+$0x0] =	vst v2  }
0x175: {  	[tilespmem:s19+$0x0] =	vst v0  }
0x176: {  	v0 =	vld [tilespmem:s14+$0x10];
	_ =	sdelay $0x4  }
0x177: {  	v1 =	vshrl.u32 v0, $0x8  }
0x178: {  	v2 =	vshrl.u32 v0, $0x4;
	v1 =	vmul.u32 $0xA, v1  }
0x179: {  	v2 =	vand.u32 $0xF, v2  }
0x17a: {  	v0 =	vand.u32 $0xF, v0;
	v2 =	vadd.s32 v2, v1  }
0x17b: {  	s11 =	simm.s32 $0x1640;
	s7 =	simm.s32 $0x0;
	v0 =	vadd.s32 v0, v1;
	[tilespmem:s15+$0x10] =	vst v2  }
.LBB2_11:
0x17c: {  	s7 =	sadd.s32 $0x4, s7;
	[tilespmem:s19+$0x10] =	vst v0;
	s14 =	sadd.s32 $0x40, s14;
	s15 =	sadd.s32 $0x40, s15  }
0x17d: {  	s19 =	smov.u32 s11;
	v0 =	vld [tilespmem:s14+$0xFFFFFFE0];
	p0 =	slt.u32 s7, $0x2C;
	_ =	sdelay $0x4  }
0x17e: {  	v1 =	vshrl.u32 v0, $0x8;
	v2 =	vshrl.u32 v0, $0x4  }
0x17f: {  	v1 =	vmul.u32 $0xA, v1  }
0x180: {  	v2 =	vand.u32 $0xF, v2  }
0x181: {  	v0 =	vand.u32 $0xF, v0;
	v2 =	vadd.s32 v2, v1  }
0x182: {  	v0 =	vadd.s32 v0, v1;
	[tilespmem:s15+$0xFFFFFFE0] =	vst v2  }
0x183: {  	[tilespmem:s11+$0xFFFFFFE0] =	vst v0  }
0x184: {  	v0 =	vld [tilespmem:s14+$0xFFFFFFF0];
	_ =	sdelay $0x4  }
0x185: {  	v1 =	vshrl.u32 v0, $0x8;
	v2 =	vshrl.u32 v0, $0x4  }
0x186: {  	v1 =	vmul.u32 $0xA, v1  }
0x187: {  	v2 =	vand.u32 $0xF, v2  }
0x188: {  	v0 =	vand.u32 $0xF, v0;
	v2 =	vadd.s32 v2, v1  }
0x189: {  	v0 =	vadd.s32 v0, v1;
	[tilespmem:s15+$0xFFFFFFF0] =	vst v2  }
0x18a: {  	[tilespmem:s11+$0xFFFFFFF0] =	vst v0  }
0x18b: {  	v0 =	vld [tilespmem:s14+$0x0];
	_ =	sdelay $0x4  }
0x18c: {  	v1 =	vshrl.u32 v0, $0x8;
	v2 =	vshrl.u32 v0, $0x4  }
0x18d: {  	v1 =	vmul.u32 $0xA, v1  }
0x18e: {  	v2 =	vand.u32 $0xF, v2  }
0x18f: {  	v0 =	vand.u32 $0xF, v0;
	v2 =	vadd.s32 v2, v1  }
0x190: {  	v0 =	vadd.s32 v0, v1;
	[tilespmem:s15+$0x0] =	vst v2  }
0x191: {  	[tilespmem:s11+$0x0] =	vst v0  }
0x192: {  	v0 =	vld [tilespmem:s14+$0x10];
	_ =	sdelay $0x4  }
.Ltmp4:
0x193: {  	v1 =	vshrl.u32 v0, $0x8;
	v2 =	vshrl.u32 v0, $0x4;
	(pc) =	sbr.rel @p0 .LBB2_11-.Ltmp4, $4  }
0x194: {  	v1 =	vmul.u32 $0xA, v1  }
0x195: {  	v2 =	vand.u32 $0xF, v2  }
0x196: {  	v0 =	vand.u32 $0xF, v0;
	v2 =	vadd.s32 v2, v1  }
0x197: {  	s11 =	sadd.s32 $0x40, s11;
	v0 =	vadd.s32 v0, v1;
	[tilespmem:s15+$0x10] =	vst v2  }
0x198: {  	[tilespmem:s19+$0x10] =	vst v0  }
0x199: {  	v0 =	vld [tilespmem:$0x620];
	_ =	sdelay $0x1  }
0x19a: {  	v1 =	vld [tilespmem:$0x630];
	_ =	sdelay $0x2  }
0x19b: {  	v2 =	vshrl.u32 v0, $0x8  }
0x19c: {  	v3 =	vshrl.u32 v0, $0x4;
	v2 =	vmul.u32 $0xA, v2  }
0x19d: {  	v4 =	vshrl.u32 v1, $0x8;
	v0 =	vand.u32 $0xF, v0;
	v3 =	vand.u32 $0xF, v3  }
0x19e: {  	v5 =	vshrl.u32 v1, $0x4;
	v4 =	vmul.u32 $0xA, v4;
	v3 =	vadd.s32 v3, v2  }
0x19f: {  	s7 =	rddreg [dreg:$0x7];
	v0 =	vadd.s32 v0, v2;
	v2 =	vand.u32 $0xF, v5;
	[tilespmem:$0xF80] =	vst v3  }
0x1a0: {  	s7 =	sadd.s32 s0, s7;
	v1 =	vand.u32 $0xF, v1;
	[tilespmem:$0x18E0] =	vst v0;
	v0 =	vadd.s32 v2, v4  }
0x1a1: {  	s7 =	sshrl.u32 s7, $0x3;
	[tilespmem:$0xF90] =	vst v0;
	v0 =	vadd.s32 v1, v4  }
0x1a2: {  	s7 =	sadd.s32 s5, s7;
	[tilespmem:$0x18F0] =	vst v0  }
0x1a3: {  	[tilespmem:s30], [sflag:$0x2] =	stream.linear.gather [hbm4b:s7+s3], $0x320, $0x38;
	[tilespmem:$0x14820] =	vst v63  }
0x1a4: {  	_ =	swait.ge [sflag:s13], $0x6400  }
0x1a5: {  	[sflag:s13] =	ssyncset.done $0x0  }
0x1a6: {  	s14 =	simm.s32 $0x12C0;
	s15 =	sadd.s32 s0, s29;
	[sflag:s13] =	ssyncadd.s32 $0xFFFF9C00  }
0x1a7: {  	[tilespmem:s9], [sflag:$0x7] =	stream.indirect.gather.add.f32 [hbm:s6], $0x20, s14, s30, $0xb8;
	[tilespmem:$0x14820] =	vst v63  }
0x1a8: {  	s7 =	sshll.u32 s15, $0x2;
	_ =	swait.ge [sflag:s8], $0x6400  }
0x1a9: {  	s7 =	sand.u32 $0x1FFFFF80, s7;
	[sflag:s8] =	ssyncset.done $0x0  }
0x1aa: {  	s7 =	sadd.s32 s2, s7;
	[sflag:s8] =	ssyncadd.s32 $0xFFFF9C00  }
0x1ab: {  	[hbm4b:s7+s3] =	stream.linear.scatter [tilespmem:s22], [sflag:$0xC], $0x6400, $0x38;
	[tilespmem:$0x14820] =	vst v63  }
0x1ac: {  	_ =	swait.ge [sflag:s31], $0x6400  }
0x1ad: {  	[sflag:s31] =	ssyncset.done $0x0  }
0x1ae: {  	s19 =	simm.s32 $0xC80;
	[sflag:s31] =	ssyncadd.s32 $0xFFFF9C00  }
0x1af: {  	[tilespmem:s16], [sflag:$0x5] =	stream.indirect.gather [hbm4b:s6+s30], $0x20, s19, s30, $0xb8;
	[tilespmem:$0x14820] =	vst v63  }
0x1b0: {  	_ =	swait.ge [sflag:s17], $0x320  }
0x1b1: {  	[sflag:s17] =	ssyncset.done $0x0  }
0x1b2: {  	s14 =	simm.s32 $0x660;
	[sflag:s17] =	ssyncadd.s32 $0xFFFFFCE0  }
0x1b3: {  	v0 =	vld [tilespmem:s14+$0xFFFFFFE0];
	_ =	sdelay $0x4  }
0x1b4: {  	v1 =	vshrl.u32 v0, $0x8  }
0x1b5: {  	v2 =	vshrl.u32 v0, $0x4;
	v1 =	vmul.u32 $0xA, v1  }
0x1b6: {  	v2 =	vand.u32 $0xF, v2  }
0x1b7: {  	s15 =	simm.s32 $0xFC0;
	v0 =	vand.u32 $0xF, v0;
	v2 =	vadd.s32 v2, v1  }
0x1b8: {  	s19 =	simm.s32 $0x1920;
	v0 =	vadd.s32 v0, v1;
	[tilespmem:s15+$0xFFFFFFE0] =	vst v2  }
0x1b9: {  	[tilespmem:s19+$0xFFFFFFE0] =	vst v0  }
0x1ba: {  	v0 =	vld [tilespmem:s14+$0xFFFFFFF0];
	_ =	sdelay $0x4  }
0x1bb: {  	v1 =	vshrl.u32 v0, $0x8  }
0x1bc: {  	v2 =	vshrl.u32 v0, $0x4;
	v1 =	vmul.u32 $0xA, v1  }
0x1bd: {  	v2 =	vand.u32 $0xF, v2  }
0x1be: {  	v0 =	vand.u32 $0xF, v0;
	v2 =	vadd.s32 v2, v1  }
0x1bf: {  	v0 =	vadd.s32 v0, v1;
	[tilespmem:s15+$0xFFFFFFF0] =	vst v2  }
0x1c0: {  	[tilespmem:s19+$0xFFFFFFF0] =	vst v0  }
0x1c1: {  	v0 =	vld [tilespmem:s14+$0x0];
	_ =	sdelay $0x4  }
0x1c2: {  	v1 =	vshrl.u32 v0, $0x8  }
0x1c3: {  	v2 =	vshrl.u32 v0, $0x4;
	v1 =	vmul.u32 $0xA, v1  }
0x1c4: {  	v2 =	vand.u32 $0xF, v2  }
0x1c5: {  	v0 =	vand.u32 $0xF, v0;
	v2 =	vadd.s32 v2, v1  }
0x1c6: {  	v0 =	vadd.s32 v0, v1;
	[tilespmem:s15+$0x0] =	vst v2  }
0x1c7: {  	[tilespmem:s19+$0x0] =	vst v0  }
0x1c8: {  	v0 =	vld [tilespmem:s14+$0x10];
	_ =	sdelay $0x4  }
0x1c9: {  	v1 =	vshrl.u32 v0, $0x8  }
0x1ca: {  	v2 =	vshrl.u32 v0, $0x4;
	v1 =	vmul.u32 $0xA, v1  }
0x1cb: {  	v2 =	vand.u32 $0xF, v2  }
0x1cc: {  	v0 =	vand.u32 $0xF, v0;
	v2 =	vadd.s32 v2, v1  }
0x1cd: {  	s11 =	simm.s32 $0x1960;
	s7 =	simm.s32 $0x0;
	v0 =	vadd.s32 v0, v1;
	[tilespmem:s15+$0x10] =	vst v2  }
.LBB2_13:
0x1ce: {  	s7 =	sadd.s32 $0x4, s7;
	[tilespmem:s19+$0x10] =	vst v0;
	s14 =	sadd.s32 $0x40, s14;
	s15 =	sadd.s32 $0x40, s15  }
0x1cf: {  	s19 =	smov.u32 s11;
	v0 =	vld [tilespmem:s14+$0xFFFFFFE0];
	p0 =	slt.u32 s7, $0x2C;
	_ =	sdelay $0x4  }
0x1d0: {  	v1 =	vshrl.u32 v0, $0x8;
	v2 =	vshrl.u32 v0, $0x4  }
0x1d1: {  	v1 =	vmul.u32 $0xA, v1  }
0x1d2: {  	v2 =	vand.u32 $0xF, v2  }
0x1d3: {  	v0 =	vand.u32 $0xF, v0;
	v2 =	vadd.s32 v2, v1  }
0x1d4: {  	v0 =	vadd.s32 v0, v1;
	[tilespmem:s15+$0xFFFFFFE0] =	vst v2  }
0x1d5: {  	[tilespmem:s11+$0xFFFFFFE0] =	vst v0  }
0x1d6: {  	v0 =	vld [tilespmem:s14+$0xFFFFFFF0];
	_ =	sdelay $0x4  }
0x1d7: {  	v1 =	vshrl.u32 v0, $0x8;
	v2 =	vshrl.u32 v0, $0x4  }
0x1d8: {  	v1 =	vmul.u32 $0xA, v1  }
0x1d9: {  	v2 =	vand.u32 $0xF, v2  }
0x1da: {  	v0 =	vand.u32 $0xF, v0;
	v2 =	vadd.s32 v2, v1  }
0x1db: {  	v0 =	vadd.s32 v0, v1;
	[tilespmem:s15+$0xFFFFFFF0] =	vst v2  }
0x1dc: {  	[tilespmem:s11+$0xFFFFFFF0] =	vst v0  }
0x1dd: {  	v0 =	vld [tilespmem:s14+$0x0];
	_ =	sdelay $0x4  }
0x1de: {  	v1 =	vshrl.u32 v0, $0x8;
	v2 =	vshrl.u32 v0, $0x4  }
0x1df: {  	v1 =	vmul.u32 $0xA, v1  }
0x1e0: {  	v2 =	vand.u32 $0xF, v2  }
0x1e1: {  	v0 =	vand.u32 $0xF, v0;
	v2 =	vadd.s32 v2, v1  }
0x1e2: {  	v0 =	vadd.s32 v0, v1;
	[tilespmem:s15+$0x0] =	vst v2  }
0x1e3: {  	[tilespmem:s11+$0x0] =	vst v0  }
0x1e4: {  	v0 =	vld [tilespmem:s14+$0x10];
	_ =	sdelay $0x4  }
.Ltmp5:
0x1e5: {  	v1 =	vshrl.u32 v0, $0x8;
	v2 =	vshrl.u32 v0, $0x4;
	(pc) =	sbr.rel @p0 .LBB2_13-.Ltmp5, $4  }
0x1e6: {  	v1 =	vmul.u32 $0xA, v1  }
0x1e7: {  	v2 =	vand.u32 $0xF, v2  }
0x1e8: {  	v0 =	vand.u32 $0xF, v0;
	v2 =	vadd.s32 v2, v1  }
0x1e9: {  	s11 =	sadd.s32 $0x40, s11;
	v0 =	vadd.s32 v0, v1;
	[tilespmem:s15+$0x10] =	vst v2  }
0x1ea: {  	[tilespmem:s19+$0x10] =	vst v0  }
0x1eb: {  	v0 =	vld [tilespmem:$0x940];
	_ =	sdelay $0x1  }
0x1ec: {  	v1 =	vld [tilespmem:$0x950];
	_ =	sdelay $0x2  }
0x1ed: {  	v2 =	vshrl.u32 v0, $0x8  }
0x1ee: {  	v3 =	vshrl.u32 v0, $0x4;
	v2 =	vmul.u32 $0xA, v2  }
0x1ef: {  	v4 =	vshrl.u32 v1, $0x8;
	v0 =	vand.u32 $0xF, v0;
	v3 =	vand.u32 $0xF, v3  }
0x1f0: {  	v5 =	vshrl.u32 v1, $0x4;
	v4 =	vmul.u32 $0xA, v4;
	v3 =	vadd.s32 v3, v2  }
0x1f1: {  	v61 =	vand.u32 $0xF, v5;
	v0 =	vadd.s32 v0, v2;
	[tilespmem:$0x12A0] =	vst v3  }
0x1f2: {  	s7 =	sadd.s32 s0, s4;
	v1 =	vand.u32 $0xF, v1;
	v62 =	vadd.s32 v61, v4;
	[tilespmem:$0x1C00] =	vst v0  }
0x1f3: {  	s7 =	sshrl.u32 s7, $0x3;
	v63 =	vadd.s32 v1, v4;
	[tilespmem:$0x12B0] =	vst v62  }
0x1f4: {  	s11 =	simm.s32 $0x640;
	s7 =	sadd.s32 s5, s7;
	[tilespmem:$0x1C10] =	vst v63  }
0x1f5: {  	[tilespmem:s11], [sflag:$0x3] =	stream.linear.gather [hbm4b:s7+s3], $0x320, $0x38;
	[tilespmem:$0x14820] =	vst v63  }
0x1f6: {  	_ =	swait.ge [sflag:s18], $0x6400  }
0x1f7: {  	[sflag:s18] =	ssyncset.done $0x0  }
0x1f8: {  	s14 =	simm.s32 $0x15E0;
	s15 =	sadd.s32 s12, s0;
	[sflag:s18] =	ssyncadd.s32 $0xFFFF9C00  }
0x1f9: {  	[tilespmem:s16], [sflag:$0x8] =	stream.indirect.gather.add.f32 [hbm:s6], $0x20, s14, s30, $0xb8;
	[tilespmem:$0x14820] =	vst v63  }
0x1fa: {  	s0 =	sshll.u32 s15, $0x2;
	_ =	swait.ge [sflag:s20], $0x6400  }
0x1fb: {  	s24 =	sadd.s32 $0x1, s24;
	s0 =	sand.u32 $0x1FFFFF80, s0;
	[sflag:s20] =	ssyncset.done $0x0  }
0x1fc: {  	p0 =	sne.s32 s24, $0x9;
	s0 =	sadd.s32 s2, s0;
	[sflag:s20] =	ssyncadd.s32 $0xFFFF9C00  }
0x1fd: {  	[hbm4b:s0+s3] =	stream.linear.scatter [tilespmem:s9], [sflag:$0xA], $0x6400, $0x38;
	[tilespmem:$0x14820] =	vst v63  }
.Ltmp6:
0x1fe: {  	_ = 	snop;
	(pc) =	sbr.rel @p0 .LBB2_8-.Ltmp6, $4  }
0x1ff: {  	_ =	swait.ge [sflag:s21], $0x6400  }
0x200: {  	[sflag:s21] =	ssyncset.done $0x0  }
0x201: {  	s19 =	simm.s32 $0xFA0;
	[sflag:s21] =	ssyncadd.s32 $0xFFFF9C00  }
0x202: {  	[tilespmem:s22], [sflag:$0x6] =	stream.indirect.gather [hbm4b:s6+s30], $0x20, s19, s30, $0xb8;
	[tilespmem:$0x14820] =	vst v63  }
0x203: {  	_ =	swait.ge [sflag:s1], $0x320  }
0x204: {  	[sflag:s1] =	ssyncset.done $0x0  }
0x205: {  	s0 =	simm.s32 $0x20;
	[sflag:s1] =	ssyncadd.s32 $0xFFFFFCE0  }
0x206: {  	v0 =	vld [tilespmem:s0+$0xFFFFFFE0];
	_ =	sdelay $0x4  }
0x207: {  	v1 =	vshrl.u32 v0, $0x8  }
0x208: {  	v2 =	vshrl.u32 v0, $0x4;
	v1 =	vmul.u32 $0xA, v1  }
0x209: {  	v2 =	vand.u32 $0xF, v2  }
0x20a: {  	s14 =	simm.s32 $0x980;
	v0 =	vand.u32 $0xF, v0;
	v2 =	vadd.s32 v2, v1  }
0x20b: {  	s15 =	simm.s32 $0x12E0;
	v0 =	vadd.s32 v0, v1;
	[tilespmem:s14+$0xFFFFFFE0] =	vst v2  }
0x20c: {  	[tilespmem:s15+$0xFFFFFFE0] =	vst v0  }
0x20d: {  	v0 =	vld [tilespmem:s0+$0xFFFFFFF0];
	_ =	sdelay $0x4  }
0x20e: {  	v1 =	vshrl.u32 v0, $0x8  }
0x20f: {  	v2 =	vshrl.u32 v0, $0x4;
	v1 =	vmul.u32 $0xA, v1  }
0x210: {  	v2 =	vand.u32 $0xF, v2  }
0x211: {  	v0 =	vand.u32 $0xF, v0;
	v2 =	vadd.s32 v2, v1  }
0x212: {  	v0 =	vadd.s32 v0, v1;
	[tilespmem:s14+$0xFFFFFFF0] =	vst v2  }
0x213: {  	[tilespmem:s15+$0xFFFFFFF0] =	vst v0  }
0x214: {  	v0 =	vld [tilespmem:s0+$0x0];
	_ =	sdelay $0x4  }
0x215: {  	v1 =	vshrl.u32 v0, $0x8  }
0x216: {  	v2 =	vshrl.u32 v0, $0x4;
	v1 =	vmul.u32 $0xA, v1  }
0x217: {  	v2 =	vand.u32 $0xF, v2  }
0x218: {  	v0 =	vand.u32 $0xF, v0;
	v2 =	vadd.s32 v2, v1  }
0x219: {  	v0 =	vadd.s32 v0, v1;
	[tilespmem:s14+$0x0] =	vst v2  }
0x21a: {  	[tilespmem:s15+$0x0] =	vst v0  }
0x21b: {  	v0 =	vld [tilespmem:s0+$0x10];
	_ =	sdelay $0x4  }
0x21c: {  	v1 =	vshrl.u32 v0, $0x8  }
0x21d: {  	v2 =	vshrl.u32 v0, $0x4;
	v1 =	vmul.u32 $0xA, v1  }
0x21e: {  	v2 =	vand.u32 $0xF, v2  }
0x21f: {  	v0 =	vand.u32 $0xF, v0;
	v2 =	vadd.s32 v2, v1  }
0x220: {  	s7 =	simm.s32 $0x0;
	s11 =	simm.s32 $0x1320;
	v0 =	vadd.s32 v0, v1;
	[tilespmem:s14+$0x10] =	vst v2  }
.LBB2_16:
0x221: {  	s7 =	sadd.s32 $0x4, s7;
	[tilespmem:s15+$0x10] =	vst v0;
	s0 =	sadd.s32 $0x40, s0;
	s14 =	sadd.s32 $0x40, s14  }
0x222: {  	s15 =	smov.u32 s11;
	v0 =	vld [tilespmem:s0+$0xFFFFFFE0];
	p0 =	slt.u32 s7, $0x2C;
	_ =	sdelay $0x4  }
0x223: {  	v1 =	vshrl.u32 v0, $0x8;
	v2 =	vshrl.u32 v0, $0x4  }
0x224: {  	v1 =	vmul.u32 $0xA, v1  }
0x225: {  	v2 =	vand.u32 $0xF, v2  }
0x226: {  	v0 =	vand.u32 $0xF, v0;
	v2 =	vadd.s32 v2, v1  }
0x227: {  	v0 =	vadd.s32 v0, v1;
	[tilespmem:s14+$0xFFFFFFE0] =	vst v2  }
0x228: {  	[tilespmem:s11+$0xFFFFFFE0] =	vst v0  }
0x229: {  	v0 =	vld [tilespmem:s0+$0xFFFFFFF0];
	_ =	sdelay $0x4  }
0x22a: {  	v1 =	vshrl.u32 v0, $0x8;
	v2 =	vshrl.u32 v0, $0x4  }
0x22b: {  	v1 =	vmul.u32 $0xA, v1  }
0x22c: {  	v2 =	vand.u32 $0xF, v2  }
0x22d: {  	v0 =	vand.u32 $0xF, v0;
	v2 =	vadd.s32 v2, v1  }
0x22e: {  	v0 =	vadd.s32 v0, v1;
	[tilespmem:s14+$0xFFFFFFF0] =	vst v2  }
0x22f: {  	[tilespmem:s11+$0xFFFFFFF0] =	vst v0  }
0x230: {  	v0 =	vld [tilespmem:s0+$0x0];
	_ =	sdelay $0x4  }
0x231: {  	v1 =	vshrl.u32 v0, $0x8;
	v2 =	vshrl.u32 v0, $0x4  }
0x232: {  	v1 =	vmul.u32 $0xA, v1  }
0x233: {  	v2 =	vand.u32 $0xF, v2  }
0x234: {  	v0 =	vand.u32 $0xF, v0;
	v2 =	vadd.s32 v2, v1  }
0x235: {  	v0 =	vadd.s32 v0, v1;
	[tilespmem:s14+$0x0] =	vst v2  }
0x236: {  	[tilespmem:s11+$0x0] =	vst v0  }
0x237: {  	v0 =	vld [tilespmem:s0+$0x10];
	_ =	sdelay $0x4  }
.Ltmp7:
0x238: {  	v1 =	vshrl.u32 v0, $0x8;
	v2 =	vshrl.u32 v0, $0x4;
	(pc) =	sbr.rel @p0 .LBB2_16-.Ltmp7, $4  }
0x239: {  	v1 =	vmul.u32 $0xA, v1  }
0x23a: {  	v2 =	vand.u32 $0xF, v2  }
0x23b: {  	v0 =	vand.u32 $0xF, v0;
	v2 =	vadd.s32 v2, v1  }
0x23c: {  	s11 =	sadd.s32 $0x40, s11;
	v0 =	vadd.s32 v0, v1;
	[tilespmem:s14+$0x10] =	vst v2  }
0x23d: {  	[tilespmem:s15+$0x10] =	vst v0  }
0x23e: {  	v0 =	vld [tilespmem:$0x300];
	_ =	sdelay $0x1  }
0x23f: {  	v1 =	vld [tilespmem:$0x310];
	_ =	sdelay $0x2  }
0x240: {  	v2 =	vshrl.u32 v0, $0x8  }
0x241: {  	v3 =	vshrl.u32 v0, $0x4;
	v2 =	vmul.u32 $0xA, v2  }
0x242: {  	v4 =	vshrl.u32 v1, $0x8;
	v0 =	vand.u32 $0xF, v0;
	v3 =	vand.u32 $0xF, v3  }
0x243: {  	v5 =	vshrl.u32 v1, $0x4;
	v4 =	vmul.u32 $0xA, v4;
	v3 =	vadd.s32 v3, v2  }
0x244: {  	v0 =	vadd.s32 v0, v2;
	v2 =	vand.u32 $0xF, v5;
	[tilespmem:$0xC60] =	vst v3  }
0x245: {  	v1 =	vand.u32 $0xF, v1;
	[tilespmem:$0x15C0] =	vst v0;
	v0 =	vadd.s32 v2, v4  }
0x246: {  	[tilespmem:$0xC70] =	vst v0;
	v0 =	vadd.s32 v1, v4  }
0x247: {  	s0 =	rddreg [dreg:$0xb];
	[tilespmem:$0x15D0] =	vst v0  }
0x248: {  	[tilespmem:s3], [sflag:$0x1] =	stream.linear.gather [hbm4b:s0+s3], $0x320, $0x38;
	[tilespmem:$0x14820] =	vst v63  }
0x249: {  	_ =	swait.ge [sflag:s23], $0x6400  }
0x24a: {  	[sflag:s23] =	ssyncset.done $0x0  }
0x24b: {  	s15 =	simm.s32 $0x1900;
	[sflag:s23] =	ssyncadd.s32 $0xFFFF9C00  }
0x24c: {  	[tilespmem:s22], [sflag:$0x9] =	stream.indirect.gather.add.f32 [hbm:s6], $0x20, s15, s30, $0xb8;
	[tilespmem:$0x14820] =	vst v63  }
0x24d: {  	_ =	swait.ge [sflag:s25], $0x6400  }
0x24e: {  	[sflag:s25] =	ssyncset.done $0x0  }
0x24f: {  	s19 =	rddreg [dreg:$0xc];
	[sflag:s25] =	ssyncadd.s32 $0xFFFF9C00  }
0x250: {  	[hbm4b:s19+s3] =	stream.linear.scatter [tilespmem:s16], [sflag:$0xB], $0x6400, $0x38;
	[tilespmem:$0x14820] =	vst v63  }
0x251: {  	_ =	swait.ge [sflag:s26], $0x6400  }
0x252: {  	[sflag:s26] =	ssyncset.done $0x0  }
0x253: {  	s24 =	simm.s32 $0x960;
	[sflag:s26] =	ssyncadd.s32 $0xFFFF9C00  }
0x254: {  	[tilespmem:s9], [sflag:$0x4] =	stream.indirect.gather [hbm4b:s6+s30], $0x20, s24, s30, $0xb8;
	[tilespmem:$0x14820] =	vst v63  }
0x255: {  	_ =	swait.ge [sflag:s10], $0x320  }
0x256: {  	[sflag:s10] =	ssyncset.done $0x0  }
0x257: {  	s0 =	simm.s32 $0x340;
	[sflag:s10] =	ssyncadd.s32 $0xFFFFFCE0  }
0x258: {  	v0 =	vld [tilespmem:s0+$0xFFFFFFE0];
	_ =	sdelay $0x4  }
0x259: {  	v1 =	vshrl.u32 v0, $0x8  }
0x25a: {  	v2 =	vshrl.u32 v0, $0x4;
	v1 =	vmul.u32 $0xA, v1  }
0x25b: {  	v2 =	vand.u32 $0xF, v2  }
0x25c: {  	s14 =	simm.s32 $0xCA0;
	v0 =	vand.u32 $0xF, v0;
	v2 =	vadd.s32 v2, v1  }
0x25d: {  	s15 =	simm.s32 $0x1600;
	v0 =	vadd.s32 v0, v1;
	[tilespmem:s14+$0xFFFFFFE0] =	vst v2  }
0x25e: {  	[tilespmem:s15+$0xFFFFFFE0] =	vst v0  }
0x25f: {  	v0 =	vld [tilespmem:s0+$0xFFFFFFF0];
	_ =	sdelay $0x4  }
0x260: {  	v1 =	vshrl.u32 v0, $0x8  }
0x261: {  	v2 =	vshrl.u32 v0, $0x4;
	v1 =	vmul.u32 $0xA, v1  }
0x262: {  	v2 =	vand.u32 $0xF, v2  }
0x263: {  	v0 =	vand.u32 $0xF, v0;
	v2 =	vadd.s32 v2, v1  }
0x264: {  	v0 =	vadd.s32 v0, v1;
	[tilespmem:s14+$0xFFFFFFF0] =	vst v2  }
0x265: {  	[tilespmem:s15+$0xFFFFFFF0] =	vst v0  }
0x266: {  	v0 =	vld [tilespmem:s0+$0x0];
	_ =	sdelay $0x4  }
0x267: {  	v1 =	vshrl.u32 v0, $0x8  }
0x268: {  	v2 =	vshrl.u32 v0, $0x4;
	v1 =	vmul.u32 $0xA, v1  }
0x269: {  	v2 =	vand.u32 $0xF, v2  }
0x26a: {  	v0 =	vand.u32 $0xF, v0;
	v2 =	vadd.s32 v2, v1  }
0x26b: {  	v0 =	vadd.s32 v0, v1;
	[tilespmem:s14+$0x0] =	vst v2  }
0x26c: {  	[tilespmem:s15+$0x0] =	vst v0  }
0x26d: {  	v0 =	vld [tilespmem:s0+$0x10];
	_ =	sdelay $0x4  }
0x26e: {  	v1 =	vshrl.u32 v0, $0x8  }
0x26f: {  	v2 =	vshrl.u32 v0, $0x4;
	v1 =	vmul.u32 $0xA, v1  }
0x270: {  	v2 =	vand.u32 $0xF, v2  }
0x271: {  	v0 =	vand.u32 $0xF, v0;
	v2 =	vadd.s32 v2, v1  }
0x272: {  	s7 =	simm.s32 $0x0;
	s11 =	simm.s32 $0x1640;
	v0 =	vadd.s32 v0, v1;
	[tilespmem:s14+$0x10] =	vst v2  }
.LBB2_18:
0x273: {  	s7 =	sadd.s32 $0x4, s7;
	[tilespmem:s15+$0x10] =	vst v0;
	s0 =	sadd.s32 $0x40, s0;
	s14 =	sadd.s32 $0x40, s14  }
0x274: {  	s15 =	smov.u32 s11;
	v0 =	vld [tilespmem:s0+$0xFFFFFFE0];
	p0 =	slt.u32 s7, $0x2C;
	_ =	sdelay $0x4  }
0x275: {  	v1 =	vshrl.u32 v0, $0x8;
	v2 =	vshrl.u32 v0, $0x4  }
0x276: {  	v1 =	vmul.u32 $0xA, v1  }
0x277: {  	v2 =	vand.u32 $0xF, v2  }
0x278: {  	v0 =	vand.u32 $0xF, v0;
	v2 =	vadd.s32 v2, v1  }
0x279: {  	v0 =	vadd.s32 v0, v1;
	[tilespmem:s14+$0xFFFFFFE0] =	vst v2  }
0x27a: {  	[tilespmem:s11+$0xFFFFFFE0] =	vst v0  }
0x27b: {  	v0 =	vld [tilespmem:s0+$0xFFFFFFF0];
	_ =	sdelay $0x4  }
0x27c: {  	v1 =	vshrl.u32 v0, $0x8;
	v2 =	vshrl.u32 v0, $0x4  }
0x27d: {  	v1 =	vmul.u32 $0xA, v1  }
0x27e: {  	v2 =	vand.u32 $0xF, v2  }
0x27f: {  	v0 =	vand.u32 $0xF, v0;
	v2 =	vadd.s32 v2, v1  }
0x280: {  	v0 =	vadd.s32 v0, v1;
	[tilespmem:s14+$0xFFFFFFF0] =	vst v2  }
0x281: {  	[tilespmem:s11+$0xFFFFFFF0] =	vst v0  }
0x282: {  	v0 =	vld [tilespmem:s0+$0x0];
	_ =	sdelay $0x4  }
0x283: {  	v1 =	vshrl.u32 v0, $0x8;
	v2 =	vshrl.u32 v0, $0x4  }
0x284: {  	v1 =	vmul.u32 $0xA, v1  }
0x285: {  	v2 =	vand.u32 $0xF, v2  }
0x286: {  	v0 =	vand.u32 $0xF, v0;
	v2 =	vadd.s32 v2, v1  }
0x287: {  	v0 =	vadd.s32 v0, v1;
	[tilespmem:s14+$0x0] =	vst v2  }
0x288: {  	[tilespmem:s11+$0x0] =	vst v0  }
0x289: {  	v0 =	vld [tilespmem:s0+$0x10];
	_ =	sdelay $0x4  }
.Ltmp8:
0x28a: {  	v1 =	vshrl.u32 v0, $0x8;
	v2 =	vshrl.u32 v0, $0x4;
	(pc) =	sbr.rel @p0 .LBB2_18-.Ltmp8, $4  }
0x28b: {  	v1 =	vmul.u32 $0xA, v1  }
0x28c: {  	v2 =	vand.u32 $0xF, v2  }
0x28d: {  	v0 =	vand.u32 $0xF, v0;
	v2 =	vadd.s32 v2, v1  }
0x28e: {  	s11 =	sadd.s32 $0x40, s11;
	v0 =	vadd.s32 v0, v1;
	[tilespmem:s14+$0x10] =	vst v2  }
0x28f: {  	[tilespmem:s15+$0x10] =	vst v0  }
0x290: {  	v0 =	vld [tilespmem:$0x620];
	_ =	sdelay $0x1  }
0x291: {  	v1 =	vld [tilespmem:$0x630];
	_ =	sdelay $0x2  }
0x292: {  	v2 =	vshrl.u32 v0, $0x8  }
0x293: {  	v3 =	vshrl.u32 v0, $0x4;
	v2 =	vmul.u32 $0xA, v2  }
0x294: {  	v4 =	vshrl.u32 v1, $0x8;
	v0 =	vand.u32 $0xF, v0;
	v3 =	vand.u32 $0xF, v3  }
0x295: {  	v5 =	vshrl.u32 v1, $0x4;
	v4 =	vmul.u32 $0xA, v4;
	v3 =	vadd.s32 v3, v2  }
0x296: {  	v0 =	vadd.s32 v0, v2;
	v2 =	vand.u32 $0xF, v5;
	[tilespmem:$0xF80] =	vst v3  }
0x297: {  	v1 =	vand.u32 $0xF, v1;
	[tilespmem:$0x18E0] =	vst v0;
	v0 =	vadd.s32 v2, v4  }
0x298: {  	[tilespmem:$0xF90] =	vst v0;
	v0 =	vadd.s32 v1, v4  }
0x299: {  	s0 =	rddreg [dreg:$0xd];
	[tilespmem:$0x18F0] =	vst v0  }
0x29a: {  	[tilespmem:s30], [sflag:$0x2] =	stream.linear.gather [hbm4b:s0+s3], $0x320, $0x38;
	[tilespmem:$0x14820] =	vst v63  }
0x29b: {  	_ =	swait.ge [sflag:s13], $0x6400  }
0x29c: {  	[sflag:s13] =	ssyncset.done $0x0  }
0x29d: {  	s15 =	simm.s32 $0x12C0;
	[sflag:s13] =	ssyncadd.s32 $0xFFFF9C00  }
0x29e: {  	[tilespmem:s9], [sflag:$0x7] =	stream.indirect.gather.add.f32 [hbm:s6], $0x20, s15, s30, $0xb8;
	[tilespmem:$0x14820] =	vst v63  }
0x29f: {  	_ =	swait.ge [sflag:s8], $0x6400  }
0x2a0: {  	[sflag:s8] =	ssyncset.done $0x0  }
0x2a1: {  	s19 =	rddreg [dreg:$0xe];
	[sflag:s8] =	ssyncadd.s32 $0xFFFF9C00  }
0x2a2: {  	[hbm4b:s19+s3] =	stream.linear.scatter [tilespmem:s22], [sflag:$0xC], $0x6400, $0x38;
	[tilespmem:$0x14820] =	vst v63  }
0x2a3: {  	_ =	swait.ge [sflag:s31], $0x6400  }
0x2a4: {  	[sflag:s31] =	ssyncset.done $0x0  }
0x2a5: {  	s24 =	simm.s32 $0xC80;
	[sflag:s31] =	ssyncadd.s32 $0xFFFF9C00  }
0x2a6: {  	[tilespmem:s16], [sflag:$0x5] =	stream.indirect.gather [hbm4b:s6+s30], $0x20, s24, s30, $0xb8;
	[tilespmem:$0x14820] =	vst v63  }
0x2a7: {  	_ =	swait.ge [sflag:s17], $0x320  }
0x2a8: {  	[sflag:s17] =	ssyncset.done $0x0  }
0x2a9: {  	s0 =	simm.s32 $0x660;
	[sflag:s17] =	ssyncadd.s32 $0xFFFFFCE0  }
0x2aa: {  	v0 =	vld [tilespmem:s0+$0xFFFFFFE0];
	_ =	sdelay $0x4  }
0x2ab: {  	v1 =	vshrl.u32 v0, $0x8  }
0x2ac: {  	v2 =	vshrl.u32 v0, $0x4;
	v1 =	vmul.u32 $0xA, v1  }
0x2ad: {  	v2 =	vand.u32 $0xF, v2  }
0x2ae: {  	s14 =	simm.s32 $0xFC0;
	v0 =	vand.u32 $0xF, v0;
	v2 =	vadd.s32 v2, v1  }
0x2af: {  	s15 =	simm.s32 $0x1920;
	v0 =	vadd.s32 v0, v1;
	[tilespmem:s14+$0xFFFFFFE0] =	vst v2  }
0x2b0: {  	[tilespmem:s15+$0xFFFFFFE0] =	vst v0  }
0x2b1: {  	v0 =	vld [tilespmem:s0+$0xFFFFFFF0];
	_ =	sdelay $0x4  }
0x2b2: {  	v1 =	vshrl.u32 v0, $0x8  }
0x2b3: {  	v2 =	vshrl.u32 v0, $0x4;
	v1 =	vmul.u32 $0xA, v1  }
0x2b4: {  	v2 =	vand.u32 $0xF, v2  }
0x2b5: {  	v0 =	vand.u32 $0xF, v0;
	v2 =	vadd.s32 v2, v1  }
0x2b6: {  	v0 =	vadd.s32 v0, v1;
	[tilespmem:s14+$0xFFFFFFF0] =	vst v2  }
0x2b7: {  	[tilespmem:s15+$0xFFFFFFF0] =	vst v0  }
0x2b8: {  	v0 =	vld [tilespmem:s0+$0x0];
	_ =	sdelay $0x4  }
0x2b9: {  	v1 =	vshrl.u32 v0, $0x8  }
0x2ba: {  	v2 =	vshrl.u32 v0, $0x4;
	v1 =	vmul.u32 $0xA, v1  }
0x2bb: {  	v2 =	vand.u32 $0xF, v2  }
0x2bc: {  	v0 =	vand.u32 $0xF, v0;
	v2 =	vadd.s32 v2, v1  }
0x2bd: {  	v0 =	vadd.s32 v0, v1;
	[tilespmem:s14+$0x0] =	vst v2  }
0x2be: {  	[tilespmem:s15+$0x0] =	vst v0  }
0x2bf: {  	v0 =	vld [tilespmem:s0+$0x10];
	_ =	sdelay $0x4  }
0x2c0: {  	v1 =	vshrl.u32 v0, $0x8  }
0x2c1: {  	v2 =	vshrl.u32 v0, $0x4;
	v1 =	vmul.u32 $0xA, v1  }
0x2c2: {  	v2 =	vand.u32 $0xF, v2  }
0x2c3: {  	v0 =	vand.u32 $0xF, v0;
	v2 =	vadd.s32 v2, v1  }
0x2c4: {  	s7 =	simm.s32 $0x0;
	s11 =	simm.s32 $0x1960;
	v0 =	vadd.s32 v0, v1;
	[tilespmem:s14+$0x10] =	vst v2  }
.LBB2_20:
0x2c5: {  	s7 =	sadd.s32 $0x4, s7;
	[tilespmem:s15+$0x10] =	vst v0;
	s0 =	sadd.s32 $0x40, s0;
	s14 =	sadd.s32 $0x40, s14  }
0x2c6: {  	s15 =	smov.u32 s11;
	v0 =	vld [tilespmem:s0+$0xFFFFFFE0];
	p0 =	slt.u32 s7, $0x2C;
	_ =	sdelay $0x4  }
0x2c7: {  	v1 =	vshrl.u32 v0, $0x8;
	v2 =	vshrl.u32 v0, $0x4  }
0x2c8: {  	v1 =	vmul.u32 $0xA, v1  }
0x2c9: {  	v2 =	vand.u32 $0xF, v2  }
0x2ca: {  	v0 =	vand.u32 $0xF, v0;
	v2 =	vadd.s32 v2, v1  }
0x2cb: {  	v0 =	vadd.s32 v0, v1;
	[tilespmem:s14+$0xFFFFFFE0] =	vst v2  }
0x2cc: {  	[tilespmem:s11+$0xFFFFFFE0] =	vst v0  }
0x2cd: {  	v0 =	vld [tilespmem:s0+$0xFFFFFFF0];
	_ =	sdelay $0x4  }
0x2ce: {  	v1 =	vshrl.u32 v0, $0x8;
	v2 =	vshrl.u32 v0, $0x4  }
0x2cf: {  	v1 =	vmul.u32 $0xA, v1  }
0x2d0: {  	v2 =	vand.u32 $0xF, v2  }
0x2d1: {  	v0 =	vand.u32 $0xF, v0;
	v2 =	vadd.s32 v2, v1  }
0x2d2: {  	v0 =	vadd.s32 v0, v1;
	[tilespmem:s14+$0xFFFFFFF0] =	vst v2  }
0x2d3: {  	[tilespmem:s11+$0xFFFFFFF0] =	vst v0  }
0x2d4: {  	v0 =	vld [tilespmem:s0+$0x0];
	_ =	sdelay $0x4  }
0x2d5: {  	v1 =	vshrl.u32 v0, $0x8;
	v2 =	vshrl.u32 v0, $0x4  }
0x2d6: {  	v1 =	vmul.u32 $0xA, v1  }
0x2d7: {  	v2 =	vand.u32 $0xF, v2  }
0x2d8: {  	v0 =	vand.u32 $0xF, v0;
	v2 =	vadd.s32 v2, v1  }
0x2d9: {  	v0 =	vadd.s32 v0, v1;
	[tilespmem:s14+$0x0] =	vst v2  }
0x2da: {  	[tilespmem:s11+$0x0] =	vst v0  }
0x2db: {  	v0 =	vld [tilespmem:s0+$0x10];
	_ =	sdelay $0x4  }
.Ltmp9:
0x2dc: {  	v1 =	vshrl.u32 v0, $0x8;
	v2 =	vshrl.u32 v0, $0x4;
	(pc) =	sbr.rel @p0 .LBB2_20-.Ltmp9, $4  }
0x2dd: {  	v1 =	vmul.u32 $0xA, v1  }
0x2de: {  	v2 =	vand.u32 $0xF, v2  }
0x2df: {  	v0 =	vand.u32 $0xF, v0;
	v2 =	vadd.s32 v2, v1  }
0x2e0: {  	s11 =	sadd.s32 $0x40, s11;
	v0 =	vadd.s32 v0, v1;
	[tilespmem:s14+$0x10] =	vst v2  }
0x2e1: {  	[tilespmem:s15+$0x10] =	vst v0  }
0x2e2: {  	v0 =	vld [tilespmem:$0x940];
	_ =	sdelay $0x1  }
0x2e3: {  	v1 =	vld [tilespmem:$0x950];
	_ =	sdelay $0x2  }
0x2e4: {  	v2 =	vshrl.u32 v0, $0x8  }
0x2e5: {  	v3 =	vshrl.u32 v0, $0x4;
	v2 =	vmul.u32 $0xA, v2  }
0x2e6: {  	v4 =	vshrl.u32 v1, $0x8;
	v0 =	vand.u32 $0xF, v0;
	v3 =	vand.u32 $0xF, v3  }
0x2e7: {  	v5 =	vshrl.u32 v1, $0x4;
	v4 =	vmul.u32 $0xA, v4;
	v3 =	vadd.s32 v3, v2  }
0x2e8: {  	v0 =	vadd.s32 v0, v2;
	v2 =	vand.u32 $0xF, v5;
	[tilespmem:$0x12A0] =	vst v3  }
0x2e9: {  	v1 =	vand.u32 $0xF, v1;
	[tilespmem:$0x1C00] =	vst v0;
	v0 =	vadd.s32 v2, v4  }
0x2ea: {  	[tilespmem:$0x12B0] =	vst v0;
	v0 =	vadd.s32 v1, v4  }
0x2eb: {  	[tilespmem:$0x1C10] =	vst v0  }
0x2ec: {  	_ =	swait.ge [sflag:s18], $0x6400  }
0x2ed: {  	[sflag:s18] =	ssyncset.done $0x0  }
0x2ee: {  	s0 =	simm.s32 $0x15E0;
	[sflag:s18] =	ssyncadd.s32 $0xFFFF9C00  }
0x2ef: {  	[tilespmem:s16], [sflag:$0x8] =	stream.indirect.gather.add.f32 [hbm:s6], $0x20, s0, s30, $0xb8;
	[tilespmem:$0x14820] =	vst v63  }
0x2f0: {  	_ =	swait.ge [sflag:s20], $0x6400  }
0x2f1: {  	[sflag:s20] =	ssyncset.done $0x0  }
0x2f2: {  	s19 =	rddreg [dreg:$0xf];
	[sflag:s20] =	ssyncadd.s32 $0xFFFF9C00  }
0x2f3: {  	[hbm4b:s19+s3] =	stream.linear.scatter [tilespmem:s9], [sflag:$0xA], $0x6400, $0x38;
	[tilespmem:$0x14820] =	vst v63  }
0x2f4: {  	_ =	swait.ge [sflag:s21], $0x6400  }
0x2f5: {  	[sflag:s21] =	ssyncset.done $0x0  }
0x2f6: {  	s24 =	simm.s32 $0xFA0;
	[sflag:s21] =	ssyncadd.s32 $0xFFFF9C00  }
0x2f7: {  	[tilespmem:s22], [sflag:$0x6] =	stream.indirect.gather [hbm4b:s6+s30], $0x20, s24, s30, $0xb8;
	[tilespmem:$0x14820] =	vst v63  }
0x2f8: {  	_ =	swait.ge [sflag:s1], $0x320  }
0x2f9: {  	[sflag:s1] =	ssyncset.done $0x0  }
0x2fa: {  	s0 =	simm.s32 $0x20;
	[sflag:s1] =	ssyncadd.s32 $0xFFFFFCE0  }
0x2fb: {  	v0 =	vld [tilespmem:s0+$0xFFFFFFE0];
	_ =	sdelay $0x4  }
0x2fc: {  	v1 =	vshrl.u32 v0, $0x8  }
0x2fd: {  	v2 =	vshrl.u32 v0, $0x4;
	v1 =	vmul.u32 $0xA, v1  }
0x2fe: {  	v2 =	vand.u32 $0xF, v2  }
0x2ff: {  	s14 =	simm.s32 $0x980;
	v0 =	vand.u32 $0xF, v0;
	v2 =	vadd.s32 v2, v1  }
0x300: {  	s15 =	simm.s32 $0x12E0;
	v0 =	vadd.s32 v0, v1;
	[tilespmem:s14+$0xFFFFFFE0] =	vst v2  }
0x301: {  	[tilespmem:s15+$0xFFFFFFE0] =	vst v0  }
0x302: {  	v0 =	vld [tilespmem:s0+$0xFFFFFFF0];
	_ =	sdelay $0x4  }
0x303: {  	v1 =	vshrl.u32 v0, $0x8  }
0x304: {  	v2 =	vshrl.u32 v0, $0x4;
	v1 =	vmul.u32 $0xA, v1  }
0x305: {  	v2 =	vand.u32 $0xF, v2  }
0x306: {  	v0 =	vand.u32 $0xF, v0;
	v2 =	vadd.s32 v2, v1  }
0x307: {  	v0 =	vadd.s32 v0, v1;
	[tilespmem:s14+$0xFFFFFFF0] =	vst v2  }
0x308: {  	[tilespmem:s15+$0xFFFFFFF0] =	vst v0  }
0x309: {  	v0 =	vld [tilespmem:s0+$0x0];
	_ =	sdelay $0x4  }
0x30a: {  	v1 =	vshrl.u32 v0, $0x8  }
0x30b: {  	v2 =	vshrl.u32 v0, $0x4;
	v1 =	vmul.u32 $0xA, v1  }
0x30c: {  	v2 =	vand.u32 $0xF, v2  }
0x30d: {  	v0 =	vand.u32 $0xF, v0;
	v2 =	vadd.s32 v2, v1  }
0x30e: {  	v0 =	vadd.s32 v0, v1;
	[tilespmem:s14+$0x0] =	vst v2  }
0x30f: {  	[tilespmem:s15+$0x0] =	vst v0  }
0x310: {  	v0 =	vld [tilespmem:s0+$0x10];
	_ =	sdelay $0x4  }
0x311: {  	v1 =	vshrl.u32 v0, $0x8  }
0x312: {  	v2 =	vshrl.u32 v0, $0x4;
	v1 =	vmul.u32 $0xA, v1  }
0x313: {  	v2 =	vand.u32 $0xF, v2  }
0x314: {  	v0 =	vand.u32 $0xF, v0;
	v2 =	vadd.s32 v2, v1  }
0x315: {  	s7 =	simm.s32 $0x0;
	s11 =	simm.s32 $0x1320;
	v0 =	vadd.s32 v0, v1;
	[tilespmem:s14+$0x10] =	vst v2  }
.LBB2_22:
0x316: {  	s7 =	sadd.s32 $0x4, s7;
	[tilespmem:s15+$0x10] =	vst v0;
	s0 =	sadd.s32 $0x40, s0;
	s14 =	sadd.s32 $0x40, s14  }
0x317: {  	s15 =	smov.u32 s11;
	v0 =	vld [tilespmem:s0+$0xFFFFFFE0];
	p0 =	slt.u32 s7, $0x2C;
	_ =	sdelay $0x4  }
0x318: {  	v1 =	vshrl.u32 v0, $0x8;
	v2 =	vshrl.u32 v0, $0x4  }
0x319: {  	v1 =	vmul.u32 $0xA, v1  }
0x31a: {  	v2 =	vand.u32 $0xF, v2  }
0x31b: {  	v0 =	vand.u32 $0xF, v0;
	v2 =	vadd.s32 v2, v1  }
0x31c: {  	v0 =	vadd.s32 v0, v1;
	[tilespmem:s14+$0xFFFFFFE0] =	vst v2  }
0x31d: {  	[tilespmem:s11+$0xFFFFFFE0] =	vst v0  }
0x31e: {  	v0 =	vld [tilespmem:s0+$0xFFFFFFF0];
	_ =	sdelay $0x4  }
0x31f: {  	v1 =	vshrl.u32 v0, $0x8;
	v2 =	vshrl.u32 v0, $0x4  }
0x320: {  	v1 =	vmul.u32 $0xA, v1  }
0x321: {  	v2 =	vand.u32 $0xF, v2  }
0x322: {  	v0 =	vand.u32 $0xF, v0;
	v2 =	vadd.s32 v2, v1  }
0x323: {  	v0 =	vadd.s32 v0, v1;
	[tilespmem:s14+$0xFFFFFFF0] =	vst v2  }
0x324: {  	[tilespmem:s11+$0xFFFFFFF0] =	vst v0  }
0x325: {  	v0 =	vld [tilespmem:s0+$0x0];
	_ =	sdelay $0x4  }
0x326: {  	v1 =	vshrl.u32 v0, $0x8;
	v2 =	vshrl.u32 v0, $0x4  }
0x327: {  	v1 =	vmul.u32 $0xA, v1  }
0x328: {  	v2 =	vand.u32 $0xF, v2  }
0x329: {  	v0 =	vand.u32 $0xF, v0;
	v2 =	vadd.s32 v2, v1  }
0x32a: {  	v0 =	vadd.s32 v0, v1;
	[tilespmem:s14+$0x0] =	vst v2  }
0x32b: {  	[tilespmem:s11+$0x0] =	vst v0  }
0x32c: {  	v0 =	vld [tilespmem:s0+$0x10];
	_ =	sdelay $0x4  }
.Ltmp10:
0x32d: {  	v1 =	vshrl.u32 v0, $0x8;
	v2 =	vshrl.u32 v0, $0x4;
	(pc) =	sbr.rel @p0 .LBB2_22-.Ltmp10, $4  }
0x32e: {  	v1 =	vmul.u32 $0xA, v1  }
0x32f: {  	v2 =	vand.u32 $0xF, v2  }
0x330: {  	v0 =	vand.u32 $0xF, v0;
	v2 =	vadd.s32 v2, v1  }
0x331: {  	s11 =	sadd.s32 $0x40, s11;
	v0 =	vadd.s32 v0, v1;
	[tilespmem:s14+$0x10] =	vst v2  }
0x332: {  	[tilespmem:s15+$0x10] =	vst v0  }
0x333: {  	v0 =	vld [tilespmem:$0x300];
	_ =	sdelay $0x1  }
0x334: {  	v1 =	vld [tilespmem:$0x310];
	_ =	sdelay $0x2  }
0x335: {  	v2 =	vshrl.u32 v0, $0x8  }
0x336: {  	v3 =	vshrl.u32 v0, $0x4;
	v2 =	vmul.u32 $0xA, v2  }
0x337: {  	v4 =	vshrl.u32 v1, $0x8;
	v0 =	vand.u32 $0xF, v0;
	v3 =	vand.u32 $0xF, v3  }
0x338: {  	v5 =	vshrl.u32 v1, $0x4;
	v4 =	vmul.u32 $0xA, v4;
	v3 =	vadd.s32 v3, v2  }
0x339: {  	v0 =	vadd.s32 v0, v2;
	v2 =	vand.u32 $0xF, v5;
	[tilespmem:$0xC60] =	vst v3  }
0x33a: {  	v1 =	vand.u32 $0xF, v1;
	[tilespmem:$0x15C0] =	vst v0;
	v0 =	vadd.s32 v2, v4  }
0x33b: {  	[tilespmem:$0xC70] =	vst v0;
	v0 =	vadd.s32 v1, v4  }
0x33c: {  	[tilespmem:$0x15D0] =	vst v0  }
0x33d: {  	_ =	swait.ge [sflag:s23], $0x6400  }
0x33e: {  	[sflag:s23] =	ssyncset.done $0x0  }
0x33f: {  	s0 =	simm.s32 $0x1900;
	[sflag:s23] =	ssyncadd.s32 $0xFFFF9C00  }
0x340: {  	[tilespmem:s22], [sflag:$0x9] =	stream.indirect.gather.add.f32 [hbm:s6], $0x20, s0, s30, $0xb8;
	[tilespmem:$0x14820] =	vst v63  }
0x341: {  	_ =	swait.ge [sflag:s25], $0x6400  }
0x342: {  	[sflag:s25] =	ssyncset.done $0x0  }
0x343: {  	s19 =	rddreg [dreg:$0x10];
	[sflag:s25] =	ssyncadd.s32 $0xFFFF9C00  }
0x344: {  	[hbm4b:s19+s3] =	stream.linear.scatter [tilespmem:s16], [sflag:$0xB], $0x6400, $0x38;
	[tilespmem:$0x14820] =	vst v63  }
0x345: {  	_ =	swait.ge [sflag:s26], $0x6400  }
0x346: {  	[sflag:s26] =	ssyncset.done $0x0  }
0x347: {  	s24 =	simm.s32 $0x960;
	[sflag:s26] =	ssyncadd.s32 $0xFFFF9C00  }
0x348: {  	[tilespmem:s9], [sflag:$0x4] =	stream.indirect.gather [hbm4b:s6+s30], $0x20, s24, s30, $0xb8;
	[tilespmem:$0x14820] =	vst v63  }
0x349: {  	_ =	swait.ge [sflag:s10], $0x320  }
0x34a: {  	[sflag:s10] =	ssyncset.done $0x0  }
0x34b: {  	s0 =	simm.s32 $0x340;
	[sflag:s10] =	ssyncadd.s32 $0xFFFFFCE0  }
0x34c: {  	v0 =	vld [tilespmem:s0+$0xFFFFFFE0];
	_ =	sdelay $0x4  }
0x34d: {  	v1 =	vshrl.u32 v0, $0x8  }
0x34e: {  	v2 =	vshrl.u32 v0, $0x4;
	v1 =	vmul.u32 $0xA, v1  }
0x34f: {  	v2 =	vand.u32 $0xF, v2  }
0x350: {  	s14 =	simm.s32 $0xCA0;
	v0 =	vand.u32 $0xF, v0;
	v2 =	vadd.s32 v2, v1  }
0x351: {  	s15 =	simm.s32 $0x1600;
	v0 =	vadd.s32 v0, v1;
	[tilespmem:s14+$0xFFFFFFE0] =	vst v2  }
0x352: {  	[tilespmem:s15+$0xFFFFFFE0] =	vst v0  }
0x353: {  	v0 =	vld [tilespmem:s0+$0xFFFFFFF0];
	_ =	sdelay $0x4  }
0x354: {  	v1 =	vshrl.u32 v0, $0x8  }
0x355: {  	v2 =	vshrl.u32 v0, $0x4;
	v1 =	vmul.u32 $0xA, v1  }
0x356: {  	v2 =	vand.u32 $0xF, v2  }
0x357: {  	v0 =	vand.u32 $0xF, v0;
	v2 =	vadd.s32 v2, v1  }
0x358: {  	v0 =	vadd.s32 v0, v1;
	[tilespmem:s14+$0xFFFFFFF0] =	vst v2  }
0x359: {  	[tilespmem:s15+$0xFFFFFFF0] =	vst v0  }
0x35a: {  	v0 =	vld [tilespmem:s0+$0x0];
	_ =	sdelay $0x4  }
0x35b: {  	v1 =	vshrl.u32 v0, $0x8  }
0x35c: {  	v2 =	vshrl.u32 v0, $0x4;
	v1 =	vmul.u32 $0xA, v1  }
0x35d: {  	v2 =	vand.u32 $0xF, v2  }
0x35e: {  	v0 =	vand.u32 $0xF, v0;
	v2 =	vadd.s32 v2, v1  }
0x35f: {  	v0 =	vadd.s32 v0, v1;
	[tilespmem:s14+$0x0] =	vst v2  }
0x360: {  	[tilespmem:s15+$0x0] =	vst v0  }
0x361: {  	v0 =	vld [tilespmem:s0+$0x10];
	_ =	sdelay $0x4  }
0x362: {  	v1 =	vshrl.u32 v0, $0x8  }
0x363: {  	v2 =	vshrl.u32 v0, $0x4;
	v1 =	vmul.u32 $0xA, v1  }
0x364: {  	v2 =	vand.u32 $0xF, v2  }
0x365: {  	v0 =	vand.u32 $0xF, v0;
	v2 =	vadd.s32 v2, v1  }
0x366: {  	s7 =	simm.s32 $0x0;
	s11 =	simm.s32 $0x1640;
	v0 =	vadd.s32 v0, v1;
	[tilespmem:s14+$0x10] =	vst v2  }
.LBB2_24:
0x367: {  	s7 =	sadd.s32 $0x4, s7;
	[tilespmem:s15+$0x10] =	vst v0;
	s0 =	sadd.s32 $0x40, s0;
	s14 =	sadd.s32 $0x40, s14  }
0x368: {  	s15 =	smov.u32 s11;
	v0 =	vld [tilespmem:s0+$0xFFFFFFE0];
	p0 =	slt.u32 s7, $0x2C;
	_ =	sdelay $0x4  }
0x369: {  	v1 =	vshrl.u32 v0, $0x8;
	v2 =	vshrl.u32 v0, $0x4  }
0x36a: {  	v1 =	vmul.u32 $0xA, v1  }
0x36b: {  	v2 =	vand.u32 $0xF, v2  }
0x36c: {  	v0 =	vand.u32 $0xF, v0;
	v2 =	vadd.s32 v2, v1  }
0x36d: {  	v0 =	vadd.s32 v0, v1;
	[tilespmem:s14+$0xFFFFFFE0] =	vst v2  }
0x36e: {  	[tilespmem:s11+$0xFFFFFFE0] =	vst v0  }
0x36f: {  	v0 =	vld [tilespmem:s0+$0xFFFFFFF0];
	_ =	sdelay $0x4  }
0x370: {  	v1 =	vshrl.u32 v0, $0x8;
	v2 =	vshrl.u32 v0, $0x4  }
0x371: {  	v1 =	vmul.u32 $0xA, v1  }
0x372: {  	v2 =	vand.u32 $0xF, v2  }
0x373: {  	v0 =	vand.u32 $0xF, v0;
	v2 =	vadd.s32 v2, v1  }
0x374: {  	v0 =	vadd.s32 v0, v1;
	[tilespmem:s14+$0xFFFFFFF0] =	vst v2  }
0x375: {  	[tilespmem:s11+$0xFFFFFFF0] =	vst v0  }
0x376: {  	v0 =	vld [tilespmem:s0+$0x0];
	_ =	sdelay $0x4  }
0x377: {  	v1 =	vshrl.u32 v0, $0x8;
	v2 =	vshrl.u32 v0, $0x4  }
0x378: {  	v1 =	vmul.u32 $0xA, v1  }
0x379: {  	v2 =	vand.u32 $0xF, v2  }
0x37a: {  	v0 =	vand.u32 $0xF, v0;
	v2 =	vadd.s32 v2, v1  }
0x37b: {  	v0 =	vadd.s32 v0, v1;
	[tilespmem:s14+$0x0] =	vst v2  }
0x37c: {  	[tilespmem:s11+$0x0] =	vst v0  }
0x37d: {  	v0 =	vld [tilespmem:s0+$0x10];
	_ =	sdelay $0x4  }
.Ltmp11:
0x37e: {  	v1 =	vshrl.u32 v0, $0x8;
	v2 =	vshrl.u32 v0, $0x4;
	(pc) =	sbr.rel @p0 .LBB2_24-.Ltmp11, $4  }
0x37f: {  	v1 =	vmul.u32 $0xA, v1  }
0x380: {  	v2 =	vand.u32 $0xF, v2  }
0x381: {  	v0 =	vand.u32 $0xF, v0;
	v2 =	vadd.s32 v2, v1  }
0x382: {  	s11 =	sadd.s32 $0x40, s11;
	v0 =	vadd.s32 v0, v1;
	[tilespmem:s14+$0x10] =	vst v2  }
0x383: {  	[tilespmem:s15+$0x10] =	vst v0  }
0x384: {  	v0 =	vld [tilespmem:$0x620];
	_ =	sdelay $0x1  }
0x385: {  	v1 =	vld [tilespmem:$0x630];
	_ =	sdelay $0x2  }
0x386: {  	v2 =	vshrl.u32 v0, $0x8  }
0x387: {  	v3 =	vshrl.u32 v0, $0x4;
	v2 =	vmul.u32 $0xA, v2  }
0x388: {  	v4 =	vshrl.u32 v1, $0x8;
	v0 =	vand.u32 $0xF, v0;
	v3 =	vand.u32 $0xF, v3  }
0x389: {  	v5 =	vshrl.u32 v1, $0x4;
	v4 =	vmul.u32 $0xA, v4;
	v3 =	vadd.s32 v3, v2  }
0x38a: {  	v61 =	vand.u32 $0xF, v5;
	v0 =	vadd.s32 v0, v2;
	[tilespmem:$0xF80] =	vst v3  }
0x38b: {  	v1 =	vand.u32 $0xF, v1;
	v62 =	vadd.s32 v61, v4;
	[tilespmem:$0x18E0] =	vst v0  }
0x38c: {  	v63 =	vadd.s32 v1, v4;
	[tilespmem:$0xF90] =	vst v62  }
0x38d: {  	[tilespmem:$0x18F0] =	vst v63  }
0x38e: {  	_ =	swait.ge [sflag:s13], $0x6400  }
0x38f: {  	[sflag:s13] =	ssyncset.done $0x0  }
0x390: {  	s0 =	simm.s32 $0x12C0;
	[sflag:s13] =	ssyncadd.s32 $0xFFFF9C00  }
0x391: {  	[tilespmem:s9], [sflag:$0x7] =	stream.indirect.gather.add.f32 [hbm:s6], $0x20, s0, s30, $0xb8;
	[tilespmem:$0x14820] =	vst v63  }
0x392: {  	_ =	swait.ge [sflag:s8], $0x6400  }
0x393: {  	[sflag:s8] =	ssyncset.done $0x0  }
0x394: {  	s7 =	rddreg [dreg:$0x11];
	[sflag:s8] =	ssyncadd.s32 $0xFFFF9C00  }
0x395: {  	[hbm4b:s7+s3] =	stream.linear.scatter [tilespmem:s22], [sflag:$0xC], $0x6400, $0x38;
	[tilespmem:$0x14820] =	vst v63  }
0x396: {  	_ =	swait.ge [sflag:s31], $0x6400  }
0x397: {  	[sflag:s31] =	ssyncset.done $0x0  }
0x398: {  	s11 =	simm.s32 $0xC80;
	[sflag:s31] =	ssyncadd.s32 $0xFFFF9C00  }
0x399: {  	[tilespmem:s16], [sflag:$0x5] =	stream.indirect.gather [hbm4b:s6+s30], $0x20, s11, s30, $0xb8;
	[tilespmem:$0x14820] =	vst v63  }
0x39a: {  	_ =	swait.ge [sflag:s18], $0x6400  }
0x39b: {  	[sflag:s18] =	ssyncset.done $0x0  }
0x39c: {  	s14 =	simm.s32 $0x15E0;
	[sflag:s18] =	ssyncadd.s32 $0xFFFF9C00  }
0x39d: {  	[tilespmem:s16], [sflag:$0x8] =	stream.indirect.gather.add.f32 [hbm:s6], $0x20, s14, s30, $0xb8;
	[tilespmem:$0x14820] =	vst v63  }
0x39e: {  	_ =	swait.ge [sflag:s20], $0x6400  }
0x39f: {  	[sflag:s20] =	ssyncset.done $0x0  }
0x3a0: {  	s15 =	rddreg [dreg:$0x12];
	[sflag:s20] =	ssyncadd.s32 $0xFFFF9C00  }
0x3a1: {  	[hbm4b:s15+s3] =	stream.linear.scatter [tilespmem:s9], [sflag:$0xA], $0x6400, $0x38;
	[tilespmem:$0x14820] =	vst v63  }
0x3a2: {  	_ =	swait.ge [sflag:s25], $0x6400  }
0x3a3: {  	[sflag:s25] =	ssyncset.done $0x0  }
0x3a4: {  	s19 =	rddreg [dreg:$0x13];
	[sflag:s25] =	ssyncadd.s32 $0xFFFF9C00  }
0x3a5: {  	[hbm4b:s19+s3] =	stream.linear.scatter [tilespmem:s16], [sflag:$0xB], $0x6400, $0x38;
	[tilespmem:$0x14820] =	vst v63  }
0x3a6: {  	_ =	swait.ge [sflag:s21], $0x6400  }
0x3a7: {  	[sflag:s21] =	ssyncset.done $0x0  }
0x3a8: {  	[sflag:s21] =	ssyncadd.s32 $0xFFFF9C00  }
0x3a9: {  	_ =	swait.ge [sflag:s26], $0x6400  }
0x3aa: {  	[sflag:s26] =	ssyncset.done $0x0  }
0x3ab: {  	[sflag:s26] =	ssyncadd.s32 $0xFFFF9C00  }
0x3ac: {  	_ =	swait.ge [sflag:s31], $0x6400  }
0x3ad: {  	s7 =	rddreg [dreg:$0x16]  }
0x3ae: {  	s24 =	rddreg [dreg:$0x15];
	s7 =	sadd.s32 $0x1, s7  }
0x3af: {  	p0 =	sne.s32 s7, s24  }
.Ltmp12:
0x3b0: {  	_ = 	snop;
	(pc) =	sbr.rel @p0 .LBB2_1-.Ltmp12, $3  }
0x3b1: {  	_ =	sdelay $0x1  }
0x3b2: {  	[sflag:s31] =	ssyncset.done $0x0  }
0x3b3: {  	[sflag:s31] =	ssyncadd.s32 $0xFFFF9C00  }
0x3b4: {  	_ =	sfence.sel $0x180000  }
0x3b5: {  	[bflag:$0x0] =	sbarrier.arrive $0xFFFF  }
0x3b6: {  	_ =	strace $0x90000047  }
0x3b7: {  	s0 =	stileid.u32;
	[bflag:$0x2] =	sbarrier.arrive $0xFFFF  }
0x3b8: {  	p0 =	sne.s32 s0, $0x0;
	s0 =	rddreg [dreg:$0x2]  }
0x3b9: {  	s0 =	sadd.s32 @!p0 $0x100000, s0  }
0x3ba: {  	[sflag:s0] =	ssyncadd.tile.s32 @!p0 $0x1;
	_ =	shalt  }
.Lfunc_end2:
_tile_overlayer_lowered:
.L_overlay_start_2:
0x3bb: {  	(tag) =	ssettag $0x2  }
0x3bc: {  	s0 =	rddreg [dreg:$0x0];
	s2 =	stileid.u32  }
0x3bd: {  	s1 =	rddreg [dreg:$0x1];
	p0 =	sne.s32 s2, $0x0  }
0x3be: {  	s3 =	rddreg [dreg:$0x2];
	[bflag:$0x3] =	sbarrier.arrive $0xFFFF;
	s2 =	simm.s32 @!p0 $0x1C0D  }
0x3bf: {  	[timem:s3], [sflag:s2] =	dma.local @!p0 [hbm:s0], s1  }
0x3c0: {  	s0 =	simm.s32 @!p0 $0xD  }
0x3c1: {  	_ =	swait.ge @!p0 [sflag:s0], s1  }
0x3c2: {  	s1 =	ssub.s32 @!p0 $0x0, s1;
	[sflag:s0] =	ssyncset.done @!p0 $0x0  }
0x3c3: {  	[sflag:s0] =	ssyncadd.s32 @!p0 s1  }
0x3c4: {  	[bflag:$0x3] =	sbarrier.arrive $0xFFFF  }
0x3c5: {  	_ =	shalt  }

// kernel: sparse-core-data-format-call.cloned.1.call-start
scs
called_computation_lowered:
.L_overlay_start_0:
0x0: {  	s2 =	sld [smem:$0x3FD9]  }
0x1: {  	s3 =	sld [smem:$0x3FFE];
	_ =	sdelay $0x1  }
0x2: {  	s1 =	srdreg.scid  }
0x3: {  	s0 =	sand.u32 $0x1, s1  }
0x4: {  	s18 =	sshll.u32 s0, $0xA;
	s2 =	sadd.s32 s3, s2  }
0x5: {  	s2 =	sadd.s32 s2, s18  }
0x6: {  	[smem:$0x3FC5] =	sst s2  }
0x7: {  	_ = 	snop  }
0x8: {  	s2 =	sld [smem:$0x3FD0];
	(tm) =	ssettm $0x1  }
0x9: {  	s19 =	sld [smem:$0x3FFB];
	_ =	sdelay $0x3  }
0xa: {  	_ =	strace s19  }
0xb: {  	s3 =	sld [smem:$0x3FFC];
	_ =	sdelay $0x3  }
0xc: {  	_ =	strace s3  }
0xd: {  	s3 =	sld [smem:$0x3FFD];
	_ =	sdelay $0x3  }
0xe: {  	_ =	strace s3  }
0xf: {  	_ =	strace $0x8FFFFFFF  }
0x10: {  	s20 =	sld [smem:$0x3FDB];
	_ =	sdelay $0x1  }
0x11: {  	s4 =	simm.s32 $_scs_section_size  }
0x12: {  	s5 =	simm.s32 $_size__tile_overlayer_lowered;
	s6 =	simm.s32 $_tile_overlayer_lowered  }
0x13: {  	s23 =	simm.s32 $0x1BFF;
	s22 =	sshll.u32 s6, $0x1;
	s3 =	sadd.s32 s4, s20  }
0x14: {  	s7 =	simm.s32 $0x0;
	s21 =	sshll.u32 s5, $0x1;
	s5 =	sadd.s32 s22, s3  }
0x15: {  	[timem:s7], [sflag:s23] =	dma.local [hbm:s5], s21  }
0x16: {  	_ =	swait.ge [sflag:s23], s21  }
0x17: {  	s4 =	ssub.s32 $0x0, s21;
	[sflag:s23] =	ssyncset.done $0x0  }
0x18: {  	[sflag:s23] =	ssyncadd.s32 s4;
	_ =	sdelay $0x1  }
0x19: {  	s24 =	simm.s32 $0x1B8B  }
0x1a: {  	_ =	swait.ge [sflag:s24], $0x1  }
0x1b: {  	[sflag:s24] =	ssyncset.done $0x0  }
0x1c: {  	s26 =	simm.s32 $0x1B8E;
	s25 =	sld [smem:$0x3FFE];
	[sflag:s24] =	ssyncadd.s32 $0xFFFFFFFF  }
0x1d: {  	s27 =	simm.s32 $execute0_lowered;
	[smem:$0x3FD2] =	sst s26  }
0x1e: {  	s5 =	sshll.u32 s27, $0x1;
	_ =	strace $0x80000049;
	[dreg:$0x1] =	wrdreg $0xFFFFFFFF  }
0x1f: {  	s28 =	simm.s32 $_size_execute0_lowered;
	s3 =	sadd.s32 s3, s5;
	[dreg:$0x0] =	wrdreg $0x0  }
0x20: {  	s5 =	sshll.u32 s28, $0x1;
	[dreg:$0x2] =	wrdreg s3  }
0x21: {  	[dreg:$0x3] =	wrdreg s5  }
0x22: {  	[dreg:$0x4] =	wrdreg $0xC0  }
0x23: {  	_ =	task [dreg:s7], $0x5FFFF  }
0x24: {  	[dreg:$0x1] =	wrdreg $0xFFFFFFFF  }
0x25: {  	[dreg:$0x0] =	wrdreg $0x60  }
0x26: {  	[dreg:$0x2] =	wrdreg s25  }
0x27: {  	[dreg:$0x3] =	wrdreg s2  }
0x28: {  	[dreg:$0x4] =	wrdreg $0x9  }
0x29: {  	_ =	task.clear_ibuf [dreg:s7], $0x5FFFF;
	_ =	strace $0x90000049  }
0x2a: {  	s29 =	simm.s32 $0x9;
	_ =	strace $0x8000004B  }
0x2b: {  	_ =	swait.ge [sflag:s29], $0x1  }
0x2c: {  	[sflag:s29] =	ssyncadd.s32 $0xFFFFFFFF  }
0x2d: {  	_ =	strace $0x9000004B  }
0x2e: {  	_ =	sfence  }
0x2f: {  	s30 =	sld [smem:$0x0];
	_ =	sdelay $0x2  }
0x30: {  	s31 =	sshll.u32 s1, $0xD;
	s1 =	sshrl.u32 s1, $0x2  }
0x31: {  	s3 =	sand.u32 $0x4000, s31;
	s1 =	sadd.s32 s1, s30  }
0x32: {  	s0 =	sor.u32 s3, s0;
	s1 =	sshll.u32 s1, $0x11  }
0x33: {  	s0 =	sor.u32 s1, s0  }
0x34: {  	s0 =	sadd.s32 $0x8F2B, s0  }
0x35: {  	[sflag:s0] =	ssyncadd.remote.s32 $0x1  }
0x36: {  	_ =	sfence.sel $0xFFFF  }
0x37: {  	[dreg:$0x0] =	wrdreg $0xFFFFFFFF;
	(pc) =	sbr.abs _section_cstart, $3  }
0x38: {  	[dreg:$0x1] =	wrdreg $0xFFFFFFFF  }
0x39: {  	_ =	task.clear_ibuf [dreg:s7], $0x2FFFF;
	_ =	strace $0x9FFFFFFF  }
0x3a: {  	(tm) =	ssettm $0x7FFFFFFF  }
0x3b: {  	_ =	shalt  }
tec
execute0_lowered:
.L_overlay_start_1:
0x0: {  	(tag) =	ssettag $0x1  }
0x1: {  	s0 =	srdreg.scid  }
0x2: {  	s1 =	sshll.u32 s0, $0x4  }
0x3: {  	s0 =	stileid.u32;
	s1 =	sand.u32 $0x10, s1  }
0x4: {  	s1 =	sor.u32 s0, s1  }
0x5: {  	s6 =	rddreg [dreg:$0x0];
	s4 =	simm.s32 $0x1;
	s2 =	sshll.u32 s1, $0x7  }
0x6: {  	s7 =	simm.s32 $0x2;
	s12 =	simm.s32 $0x0;
	s1 =	ssub.s32 $0x1000, s2  }
0x7: {  	s8 =	simm.s32 $0x8000;
	s13 =	simm.s32 $0x0;
	s3 =	sand.u32 $0xF80, s1  }
0x8: {  	s9 =	simm.s32 $0x0;
	s5 =	sshrl.u32 s1, $0xC;
	p0 =	sne.s32 s3, $0x0  }
.Ltmp0:
0x9: {  	s1 =	rddreg [dreg:$0x2];
	s4 =	simm.s32 @!p0 $0x0;
	(pc) =	sbr.rel .LBB1_1-.Ltmp0, $4  }
0xa: {  	s11 =	simm.s32 $0x0;
	s3 =	rddreg [dreg:$0x1];
	s5 =	sadd.s32 s4, s5  }
0xb: {  	_ =	strace $0x8000004A;
	s4 =	simm.s32 $0x1;
	s5 =	smul.u32 $0xC8, s5  }
0xc: {  	s6 =	sadd.s32 $0xC00, s6;
	s10 =	smov.u32 s2;
	[sflag:s4] =	ssyncpa.u1 $0x0  }
0xd: {  	p0 =	por $0x0, $0x0;
	[sflag:s7] =	ssyncpa.u1 $0x0;
	s7 =	sor.u32 $0x1, s5  }
.LBB1_4:
0xe: {  	s16 =	sshll.u32 s13, $0x3;
	s17 =	sand.u32 $0x78, s13  }
0xf: {  	s30 =	sand.u32 $0x3E00, s13;
	s12 =	sshll.u32 s12, $0xE;
	s16 =	sand.u32 $0xC00, s16  }
0x10: {  	s31 =	sand.u32 $0x7, s13;
	s16 =	sor.u32 s17, s16;
	s17 =	sadd.s32 s3, s30  }
0x11: {  	s13 =	sshll.u32 s31, $0x12;
	s16 =	sshrl.u32 s16, $0x3;
	s12 =	sadd.s32 s12, s17  }
0x12: {  	[tilespmem:s15+$0x0 ss:$0x81] =	vst.msk $0xffff, v0;
	s13 =	sor.u32 $0x400, s13;
	s12 =	sadd.s32 s16, s12  }
0x13: {  	[hbm4b:s12+s13] =	stream.strided.scatter [tilespmem:s14], [sflag:$0x2], $0x1000, s8, s13, $0x20;
	[tilespmem:$0x4040] =	vst v63  }
.LBB1_5:
0x14: {  	s14 =	sadd.s32 $0x1, s9  }
0x15: {  	s12 =	sadd.s32 $0x1000, s10;
	s16 =	smov.u32 s10;
	p2 =	sgt.s32 s14, $0xC7  }
0x16: {  	s16 =	smov.u32 @p2 s12  }
0x17: {  	s14 =	simm.s32 @p2 $0x0;
	p2 =	sgt.s32 s16, $0xFFF  }
0x18: {  	s16 =	smov.u32 @p2 s2;
	p2 =	sne.s32 s11, s7  }
.Ltmp1:
0x19: {  	p1 =	slt.u32 s11, $0x2;
	(pc) =	sbr.rel @!p2 .LBB1_6-.Ltmp1, $4  }
0x1a: {  	s15 =	simm.s32 @!p1 $0x2  }
0x1b: {  	s13 =	smov.u32 s10;
	p0 =	por !p0, !p0;
	_ =	swait.ge @!p1 [sflag:s15], $0x1000  }
0x1c: {  	s12 =	smov.u32 s9;
	[sflag:s15] =	ssyncset.done @!p1 $0x0;
	s9 =	smov.u32 s14  }
0x1d: {  	s11 =	sadd.s32 $0x1, s11;
	[sflag:s15] =	ssyncadd.s32 @!p1 $0xFFFFF000;
	s10 =	smov.u32 s16  }
.LBB1_1:
0x1e: {  	p1 =	sge.u32 s11, s5  }
0x1f: {  	s14 =	sand.u32 @!p1 $0x1FFFFFF, s9  }
0x20: {  	s15 =	smulhi.u32 @!p1 $0x147AE15, s14;
	_ =	sdelay $0x1  }
0x21: {  	s15 =	smul.u32 @!p1 $0xC8, s15  }
0x22: {  	s16 =	sxor.u32 @!p1 $0xFFFFFFFF, s11;
	s17 =	smul.u32 @!p1 $0xC80, s10  }
0x23: {  	s31 =	sadd.s32 $0xFFFFFFFF, s11;
	s16 =	sshll.u32 @!p1 s16, $0xC;
	s14 =	ssub.s32 @!p1 s14, s15  }
0x24: {  	s15 =	sand.u32 @!p1 $0x1000, s16;
	s16 =	sadd.s32 @!p1 s6, s17;
	s14 =	sshll.u32 @!p1 s14, $0x4  }
0x25: {  	s17 =	simm.s32 @!p1 $0x6400;
	s14 =	sadd.s32 @!p1 s14, s16;
	s16 =	simm.s32 @!p1 $0x20  }
0x26: {  	[tilespmem:s15], [sflag:$0x1] =	stream.strided.gather @!p1 [hbm4b:s14+s16], $0x1000, s17, s16, $0x38;
	[tilespmem:$0x4040] =	vst v63  }
0x27: {  	p1 =	sge.u32 s31, s5  }
.Ltmp2:
0x28: {  	_ = 	snop;
	(pc) =	sbr.rel @p1 .LBB1_5-.Ltmp2, $1  }
0x29: {  	_ =	sdelay $0x3  }
0x2a: {  	s14 =	simm.s32 $0x1  }
0x2b: {  	_ =	swait.ge [sflag:s4], $0x1000;
	s14 =	simm.s32 @!p0 $0x0  }
0x2c: {  	[sflag:s4] =	ssyncset.done $0x0;
	s15 =	sshll.u32 s14, $0xC  }
0x2d: {  	[sflag:s4] =	ssyncadd.s32 $0xFFFFF000;
	s18 =	sor.u32 $0x10, s15  }
0x2e: {  	s14 =	smul.u32 $0x4080, s14;
	v1 =	vld [tilespmem:s18+$0x0]  }
0x2f: {  	s30 =	sand.u32 $0x1, s11;
	v0 =	vld [tilespmem:s18+$0xFFFFFFF0]  }
0x30: {  	s15 =	smul.u32 $0x4080, s30;
	s14 =	sshrl.u32 s14, $0x2  }
0x31: {  	s16 =	sor.u32 $0x2000, s14  }
0x32: {  	s31 =	sshrl.u32 s15, $0x2;
	s15 =	sadd.s32 $0x0, s16  }
0x33: {  	s17 =	simm.s32 $0x4;
	s18 =	sadd.s32 $0x20, s18;
	s14 =	sor.u32 $0x2000, s31;
	[tilespmem:s15+$0x810 ss:$0x81] =	vst.msk $0xffff, v1  }
.LBB1_3:
0x34: {  	v1 =	vld [tilespmem:s18+$0x0];
	p1 =	sne.s32 s17, $0x1FC;
	[tilespmem:s15+$0x0 ss:$0x81] =	vst.msk $0xffff, v0;
	s15 =	smov.u32 s17;
	s17 =	sadd.s32 $0x4, s17  }
.Ltmp3:
0x35: {  	v0 =	vld [tilespmem:s18+$0xFFFFFFF0];
	(pc) =	sbr.rel @p1 .LBB1_3-.Ltmp3, $4  }
0x36: {  	_ = 	snop  }
0x37: {  	s15 =	sshra.s32 s15, $0x2  }
0x38: {  	s15 =	sadd.s32 s15, s16  }
0x39: {  	s18 =	sadd.s32 $0x20, s18;
	[tilespmem:s15+$0x810 ss:$0x81] =	vst.msk $0xffff, v1  }
.Ltmp4:
0x3a: {  	_ = 	snop;
	(pc) =	sbr.rel .LBB1_4-.Ltmp4, $1  }
0x3b: {  	_ =	sdelay $0x3  }
.LBB1_6:
0x3c: {  	_ =	sfence.sel $0x180000  }
0x3d: {  	s2 =	simm.s32 $0x1;
	[bflag:$0x0] =	sbarrier.arrive $0xFFFF  }
0x3e: {  	s31 =	simm.s32 $0x2;
	[sflag:s2] =	ssyncpa.u1 $0x1  }
0x3f: {  	[sflag:s31] =	ssyncpa.u1 $0x1  }
0x40: {  	p0 =	sne.s32 s0, $0x0;
	_ =	strace $0x9000004A  }
0x41: {  	s0 =	sadd.s32 @!p0 $0x100000, s1;
	[bflag:$0x2] =	sbarrier.arrive $0xFFFF  }
0x42: {  	[sflag:s0] =	ssyncadd.tile.s32 @!p0 $0x1;
	_ =	shalt  }
.Lfunc_end1:
_tile_overlayer_lowered:
.L_overlay_start_2:
0x43: {  	(tag) =	ssettag $0x2  }
0x44: {  	s0 =	rddreg [dreg:$0x0];
	s2 =	stileid.u32  }
0x45: {  	s1 =	rddreg [dreg:$0x1];
	p0 =	sne.s32 s2, $0x0  }
0x46: {  	s3 =	rddreg [dreg:$0x2];
	[bflag:$0x3] =	sbarrier.arrive $0xFFFF;
	s2 =	simm.s32 @!p0 $0x1C01  }
0x47: {  	[timem:s3], [sflag:s2] =	dma.local @!p0 [hbm:s0], s1  }
0x48: {  	s0 =	simm.s32 @!p0 $0x1  }
0x49: {  	_ =	swait.ge @!p0 [sflag:s0], s1  }
0x4a: {  	s1 =	ssub.s32 @!p0 $0x0, s1;
	[sflag:s0] =	ssyncset.done @!p0 $0x0  }
0x4b: {  	[sflag:s0] =	ssyncadd.s32 @!p0 s1  }
0x4c: {  	[bflag:$0x3] =	sbarrier.arrive $0xFFFF  }
0x4d: {  	_ =	shalt  }

</sc_bundles>
